<compile_context>
chip_gen: v7x
topology: tpu7x:2x2x1
jax: 0.10.2.dev20260603
libtpu: 0.0.44.dev20260713+nightly
codegen_flags: <defaults>
</compile_context>

<pallas_src>
import jax
import jax.numpy as jnp
from jax import lax
from jax.experimental import pallas as pl
from jax.experimental.pallas import tpu as pltpu
from jax.experimental.pallas import tpu_sc as plsc

_EPS = 1e-5
_N, _V, _D = 16384, 100000, 128
_NC, _NS, _L = 2, 16, 16
_NW = _NC * _NS
_CHUNK = _N // _NW
_SLICE = _N // _NS
_CB = _CHUNK + _L
_NB = _CB // _L
_TOT = _CHUNK + 2 * _L


def _sc_body(values_hbm, numbers_hbm, table_hbm, gamma_hbm, beta_hbm, out_hbm,
             vals_v, nums_v, rows_v, cidx, cposa, cposp, cx,
             aidx2, aposa2, aposp2, gb_v, pack_v, all_v, shared,
             gsem, osem, ssem):
    cid = lax.axis_index("c")
    sid = lax.axis_index("s")
    wid = sid * _NC + cid
    base = wid * _CHUNK

    with jax.named_scope("stage"):
        vals_cp = pltpu.async_copy(values_hbm.at[pl.ds(base, _CHUNK)],
                                   vals_v, ssem.at[0])
        num_cp = pltpu.async_copy(numbers_hbm.at[pl.ds(sid * _SLICE, _SLICE)],
                                  nums_v, ssem.at[1])
        g_cp = pltpu.async_copy(gamma_hbm, gb_v.at[pl.ds(0, 1)], ssem.at[1])
        b_cp = pltpu.async_copy(beta_hbm, gb_v.at[pl.ds(8, 1)], ssem.at[1])
        num_cp.wait()
        g_cp.wait()
        b_cp.wait()

    lane = lax.iota(jnp.int32, _L)

    def allsum(x):
        for k in (1, 2, 4, 8):
            x = x + x.at[lane ^ k].get(mode="promise_in_bounds")
        return x

    def stats_step(i, carry):
        s, ss, cnt = carry
        for u in range(8):
            x = nums_v[pl.ds(i * 8 * _L + u * _L, _L)]
            pres = x == x
            xs = jnp.where(pres, x, 0.0)
            s = s + xs
            ss = ss + xs * xs
            cnt = cnt + jnp.where(pres, 1.0, 0.0)
        return s, ss, cnt

    coff = cid * _CHUNK
    with jax.named_scope("compact"):
        vals_cp.wait()
        one_i = jnp.full((_L,), 1, jnp.int32)
        zero_i = jnp.full((_L,), 0, jnp.int32)

        def cstep(g, carry):
            ac, pc = carry
            x = nums_v[pl.ds(coff + g * _L, _L)]
            pres = x == x
            absn = jnp.logical_not(pres)
            v16 = vals_v[pl.ds(g * _L, _L)]
            pos = jnp.full((_L,), base + g * _L, jnp.int32) + lane
            m = jnp.where(absn, one_i, zero_i)
            p = m
            for k in (1, 2, 4, 8):
                sh = p.at[jnp.maximum(lane - k, 0)].get(
                    mode="promise_in_bounds")
                p = p + jnp.where(lane >= k, sh, zero_i)
            excl_a = p - m
            excl_p = lane - p + m
            slots_a = excl_a + ac
            slots_p = excl_p + pc
            plsc.store_scatter(cidx, [slots_a], v16, mask=absn)
            plsc.store_scatter(cposa, [slots_a], pos, mask=absn)
            plsc.store_scatter(cx, [slots_p], x, mask=pres)
            plsc.store_scatter(cposp, [slots_p], pos, mask=pres)
            na = p[_L - 1]
            ac = ac + na
            pc = pc + (_L - na)
            return ac, pc

        ac, pc = lax.fori_loop(0, _CHUNK // _L, cstep,
                               (jnp.int32(0), jnp.int32(0)))

        a0 = cidx[pl.ds(0, _L)]
        ap0 = cposa[pl.ds(0, _L)]
        px0 = cx[pl.ds(0, _L)]
        pp0 = cposp[pl.ds(0, _L)]
        cidx[pl.ds(ac, _L)] = jnp.full((_L,), a0[0])
        cposa[pl.ds(ac, _L)] = jnp.full((_L,), ap0[0])
        cx[pl.ds(pc, _L)] = jnp.full((_L,), px0[0])
        cposp[pl.ds(pc, _L)] = jnp.full((_L,), pp0[0])
        nba = (ac + _L - 1) // _L
        nbp = (pc + _L - 1) // _L

        for b in range(_NB):
            aidx2[b, pl.ds(0, _L)] = cidx[pl.ds(b * _L, _L)]

    with jax.named_scope("gfire"):
        def gfire_step(b, _):
            pltpu.async_copy(table_hbm.at[aidx2.at[b]],
                             rows_v.at[pl.ds(b * _L, _L)], gsem)
            return 0

        lax.fori_loop(0, nba, gfire_step, 0)

    with jax.named_scope("stats"):
        zero = jnp.zeros((_L,), jnp.float32)
        s, ss, cnt = lax.fori_loop(0, _SLICE // (8 * _L), stats_step,
                                   (zero, zero, zero))

    with jax.named_scope("xchg"):
        pack = jnp.where(lane == 0, allsum(s),
                         jnp.where(lane == 1, allsum(ss), allsum(cnt)))
        pack_v[pl.ds(0, _L)] = pack
        pltpu.sync_copy(pack_v, shared.at[pl.ds(sid * _L, _L)])
        plsc.subcore_barrier()
        pltpu.sync_copy(shared, all_v)
        tot = all_v[pl.ds(0, _L)]
        for j in range(1, _NS):
            tot = tot + all_v[pl.ds(j * _L, _L)]

    n = jnp.maximum(jnp.full((_L,), tot[2]), 1.0)
    mean_v = jnp.full((_L,), tot[0]) / n
    var_v = jnp.maximum(jnp.full((_L,), tot[1]) / n - mean_v * mean_v,
                        0.0) + _EPS
    bits = lax.bitcast_convert_type(var_v, jnp.int32)
    y = lax.bitcast_convert_type(0x5F3759DF - (bits >> 1), jnp.float32)
    for _ in range(4):
        y = y * (1.5 - 0.5 * var_v * y * y)
    gbv = gb_v[pl.ds(0, _L)]
    scale_v = y * jnp.full((_L,), gbv[0])
    beta_v = jnp.full((_L,), gbv[8])

    with jax.named_scope("poscopy"):
        for b in range(_NB):
            aposa2[b, pl.ds(0, _L)] = cposa[pl.ds(b * _L, _L)]
            aposp2[b, pl.ds(0, _L)] = cposp[pl.ds(b * _L, _L)]

    with jax.named_scope("pfill"):
        top = _TOT - nbp * _L

        def pfill(gg, _):
            xv = cx[pl.ds(gg * _L, _L)]
            nv = (xv - mean_v) * scale_v + beta_v
            rb = top + gg * _L
            for l in range(_L):
                sp = jnp.full((_L,), nv[l])
                for c in range(_D // _L):
                    rows_v[rb + l, pl.ds(c * _L, _L)] = sp
            pltpu.async_copy(rows_v.at[pl.ds(rb, _L)],
                             out_hbm.at[aposp2.at[gg]], osem)
            return 0

        lax.fori_loop(0, nbp, pfill, 0)

    with jax.named_scope("ascat"):
        def gdrain(b, _):
            pltpu.make_async_copy(table_hbm.at[aidx2.at[b]],
                                  rows_v.at[pl.ds(b * _L, _L)], gsem).wait()
            return 0

        lax.fori_loop(0, nba, gdrain, 0)

        def ascat(b, _):
            pltpu.async_copy(rows_v.at[pl.ds(b * _L, _L)],
                             out_hbm.at[aposa2.at[b]], osem)
            return 0

        lax.fori_loop(0, nba, ascat, 0)

    with jax.named_scope("odrain"):
        def odrain(b, _):
            pltpu.make_async_copy(rows_v.at[pl.ds(0, _L)],
                                  out_hbm.at[aposa2.at[0]], osem).wait()
            return 0

        lax.fori_loop(0, nba + nbp, odrain, 0)


@jax.jit
def _run(values, numbers, emb_table, gamma, beta):
    mesh = plsc.VectorSubcoreMesh(core_axis_name="c", subcore_axis_name="s",
                                  num_cores=_NC, num_subcores=_NS)
    return pl.kernel(
        _sc_body,
        out_type=jax.ShapeDtypeStruct((_N, _D), jnp.float32),
        mesh=mesh,
        compiler_params=pltpu.CompilerParams(needs_layout_passes=False),
        scratch_types=[
            pltpu.VMEM((_CHUNK,), jnp.int32),
            pltpu.VMEM((_SLICE,), jnp.float32),
            pltpu.VMEM((_TOT, _D), jnp.float32),
            pltpu.VMEM((_CB,), jnp.int32),
            pltpu.VMEM((_CB,), jnp.int32),
            pltpu.VMEM((_CB,), jnp.int32),
            pltpu.VMEM((_CB,), jnp.float32),
            pltpu.VMEM((_NB, _L), jnp.int32),
            pltpu.VMEM((_NB, _L), jnp.int32),
            pltpu.VMEM((_NB, _L), jnp.int32),
            pltpu.VMEM((_L,), jnp.float32),
            pltpu.VMEM((_L,), jnp.float32),
            pltpu.VMEM((_NS * _L,), jnp.float32),
            pltpu.VMEM_SHARED((_NS * _L,), jnp.float32),
            pltpu.SemaphoreType.DMA,
            pltpu.SemaphoreType.DMA,
            pltpu.SemaphoreType.DMA((2,)),
        ],
    )(values, numbers, emb_table, gamma, beta)


def kernel(values, numbers, emb_table, gamma, beta):
    return _run(values.astype(jnp.int32), numbers.astype(jnp.float32),
                emb_table, gamma.astype(jnp.float32),
                beta.astype(jnp.float32))

# --- scband reference (transcript-rebuilt; emitter-appended) ---
"""Pipeline reference for scband-value-embedding-20701742366986 (READ-ONLY COPY).

The authoritative reference and input builder live on the scoring server;
editing this copy changes nothing except your own understanding.
"""

import jax, jax.numpy as jnp
import numpy as np

EPS = 1e-5
N, V, D = 16384, 100000, 128

def setup_inputs(seed: int = 0) -> dict:
    key = jax.random.key(seed)
    k1, k2, k3, k4 = jax.random.split(key, 4)
    values = jax.random.randint(k1, (N,), 0, V)
    numbers = jax.random.normal(k2, (N,), dtype=jnp.float32)
    # Roughly half the nodes have no numeric value -> NaN (matches the torch module's
    # isnan-based masking of g.ndata[NUMBER])
    nan_mask = jax.random.bernoulli(k3, 0.5, (N,))
    numbers = jnp.where(nan_mask, jnp.nan, numbers)
    emb_table = jax.random.normal(k4, (V, D), dtype=jnp.float32)
    gamma = jnp.ones((1,), dtype=jnp.float32)   # BatchNorm1d(1) weight
    beta = jnp.zeros((1,), dtype=jnp.float32)   # BatchNorm1d(1) bias
    return {"values": values, "numbers": numbers, "emb_table": emb_table, "gamma": gamma, "beta": beta}

def reference(values, numbers, emb_table, gamma, beta):
    # output = self.embedding(g.ndata[VALUE])
    out = jnp.take(emb_table, values, axis=0)                  # [N, D] gather
    # mask = ~isnan(NUMBER); masked_fill(output, mask, 0)
    mask = jnp.logical_not(jnp.isnan(numbers))                 # True where a number is present
    out = jnp.where(mask[:, None], 0.0, out)
    # BatchNorm1d(1) in training mode over the masked numbers (biased batch stats)
    nums_safe = jnp.where(mask, numbers, 0.0)
    n = jnp.maximum(jnp.sum(mask.astype(jnp.float32)), 1.0)
    mean = jnp.sum(nums_safe) / n
    diff = jnp.where(mask, nums_safe - mean, 0.0)
    var = jnp.sum(diff * diff) / n
    norm = (nums_safe - mean) / jnp.sqrt(var + EPS) * gamma[0] + beta[0]
    # output[mask] += number_norm(...) ; broadcast [n_true,1] over D columns
    out = out + jnp.where(mask, norm, 0.0)[:, None]
    return out

if __name__ == "__main__":
    import jax
    _d = setup_inputs()
    print(jax.jit(kernel)(*tuple(_d.values())))

</pallas_src>

<mosaic_0001>
#map = affine_map<(d0, d1) -> (0)>
#map1 = affine_map<(d0, d1) -> (0, 0)>
module attributes {stable_mosaic.version = 14 : i64} {
  func.func @_sc_body(%arg0: i32, %arg1: i32, %arg2: memref<16384xi32, #tpu.memory_space<hbm>>, %arg3: memref<16384xf32, #tpu.memory_space<hbm>>, %arg4: memref<100000x128xf32, #tpu.memory_space<hbm>>, %arg5: memref<1xf32, #tpu.memory_space<hbm>>, %arg6: memref<1xf32, #tpu.memory_space<hbm>>, %arg7: memref<16384x128xf32, #tpu.memory_space<hbm>>, %arg8: memref<512xi32, #tpu.memory_space<vmem>>, %arg9: memref<1024xf32, #tpu.memory_space<vmem>>, %arg10: memref<544x128xf32, #tpu.memory_space<vmem>>, %arg11: memref<528xi32, #tpu.memory_space<vmem>>, %arg12: memref<528xi32, #tpu.memory_space<vmem>>, %arg13: memref<528xi32, #tpu.memory_space<vmem>>, %arg14: memref<528xf32, #tpu.memory_space<vmem>>, %arg15: memref<33x16xi32, #tpu.memory_space<vmem>>, %arg16: memref<33x16xi32, #tpu.memory_space<vmem>>, %arg17: memref<33x16xi32, #tpu.memory_space<vmem>>, %arg18: memref<16xf32, #tpu.memory_space<vmem>>, %arg19: memref<16xf32, #tpu.memory_space<vmem>>, %arg20: memref<256xf32, #tpu.memory_space<vmem>>, %arg21: memref<256xf32, #tpu.memory_space<vmem_shared>>, %arg22: memref<!tpu.dma_semaphore, #tpu.memory_space<semaphore_mem>>, %arg23: memref<!tpu.dma_semaphore, #tpu.memory_space<semaphore_mem>>, %arg24: memref<2x!tpu.dma_semaphore, #tpu.memory_space<semaphore_mem>>) attributes {dimension_semantics = [#tpu.dimension_semantics<core_parallel>, #tpu.dimension_semantics<subcore_parallel>], iteration_bounds = array<i64: 2, 16>, scalar_prefetch = 0 : i64, scratch_operands = 17 : i64, tpu.core_type = #tpu.core_type<sc_vector_subcore>, window_params = [{transform_indices = #map}, {transform_indices = #map}, {transform_indices = #map1}, {transform_indices = #map}, {transform_indices = #map}, {transform_indices = #map1}]} {
    %mul3A = arith.constant 2 : i32
    %mul3A_0 = arith.muli %arg1, %mul3A : i32
    %add3A = arith.addi %mul3A_0, %arg0 : i32
    %mul3A_1 = arith.constant 512 : i32
    %mul3A_2 = arith.muli %add3A, %mul3A_1 : i32
    %dma_start3A = arith.constant 0 : i32
    "tpu.trace_start"() <{level = 10 : i32, message = "stage"}> : () -> ()
    %dma_start3A_3 = tpu.memref_slice %arg2[%mul3A_2] : memref<16384xi32, #tpu.memory_space<hbm>> -> memref<512xi32, #tpu.memory_space<hbm>>
    %dma_start3A_4 = tpu.memref_slice %arg24[%dma_start3A] : memref<2x!tpu.dma_semaphore, #tpu.memory_space<semaphore_mem>> -> memref<1x!tpu.dma_semaphore, #tpu.memory_space<semaphore_mem>>
    %dma_start3A_5 = tpu.memref_squeeze %dma_start3A_4 : memref<1x!tpu.dma_semaphore, #tpu.memory_space<semaphore_mem>> -> memref<!tpu.dma_semaphore, #tpu.memory_space<semaphore_mem>>
    %dma_start3A_6 = tpu.memref_slice %arg2[%mul3A_2] : memref<16384xi32, #tpu.memory_space<hbm>> -> memref<512xi32, #tpu.memory_space<hbm>>
    tpu.enqueue_dma source(%dma_start3A_6 : memref<512xi32, #tpu.memory_space<hbm>>) target(%arg8 : memref<512xi32, #tpu.memory_space<vmem>>) target_semaphore(%dma_start3A_5 : memref<!tpu.dma_semaphore, #tpu.memory_space<semaphore_mem>>)
    %mul3A_7 = arith.constant 1024 : i32
    %mul3A_8 = arith.muli %arg1, %mul3A_7 : i32
    %dma_start3A_9 = arith.constant 1 : i32
    %dma_start3A_10 = tpu.memref_slice %arg3[%mul3A_8] : memref<16384xf32, #tpu.memory_space<hbm>> -> memref<1024xf32, #tpu.memory_space<hbm>>
    %dma_start3A_11 = tpu.memref_slice %arg24[%dma_start3A_9] : memref<2x!tpu.dma_semaphore, #tpu.memory_space<semaphore_mem>> -> memref<1x!tpu.dma_semaphore, #tpu.memory_space<semaphore_mem>>
    %dma_start3A_12 = tpu.memref_squeeze %dma_start3A_11 : memref<1x!tpu.dma_semaphore, #tpu.memory_space<semaphore_mem>> -> memref<!tpu.dma_semaphore, #tpu.memory_space<semaphore_mem>>
    %dma_start3A_13 = tpu.memref_slice %arg3[%mul3A_8] : memref<16384xf32, #tpu.memory_space<hbm>> -> memref<1024xf32, #tpu.memory_space<hbm>>
    tpu.enqueue_dma source(%dma_start3A_13 : memref<1024xf32, #tpu.memory_space<hbm>>) target(%arg9 : memref<1024xf32, #tpu.memory_space<vmem>>) target_semaphore(%dma_start3A_12 : memref<!tpu.dma_semaphore, #tpu.memory_space<semaphore_mem>>)
    %dma_start3A_14 = arith.constant 1 : i32
    %dma_start3A_15 = arith.constant 0 : i32
    %dma_start3A_16 = tpu.memref_slice %arg18[%dma_start3A_15] : memref<16xf32, #tpu.memory_space<vmem>> -> memref<1xf32, #tpu.memory_space<vmem>>
    %dma_start3A_17 = tpu.memref_slice %arg24[%dma_start3A_14] : memref<2x!tpu.dma_semaphore, #tpu.memory_space<semaphore_mem>> -> memref<1x!tpu.dma_semaphore, #tpu.memory_space<semaphore_mem>>
    %dma_start3A_18 = tpu.memref_squeeze %dma_start3A_17 : memref<1x!tpu.dma_semaphore, #tpu.memory_space<semaphore_mem>> -> memref<!tpu.dma_semaphore, #tpu.memory_space<semaphore_mem>>
    %dma_start3A_19 = arith.constant 0 : i32
    %dma_start3A_20 = tpu.memref_slice %arg18[%dma_start3A_19] : memref<16xf32, #tpu.memory_space<vmem>> -> memref<1xf32, #tpu.memory_space<vmem>>
    tpu.enqueue_dma source(%arg5 : memref<1xf32, #tpu.memory_space<hbm>>) target(%dma_start3A_20 : memref<1xf32, #tpu.memory_space<vmem>>) target_semaphore(%dma_start3A_18 : memref<!tpu.dma_semaphore, #tpu.memory_space<semaphore_mem>>)
    %dma_start3A_21 = arith.constant 1 : i32
    %dma_start3A_22 = arith.constant 8 : i32
    %dma_start3A_23 = tpu.memref_slice %arg18[%dma_start3A_22] : memref<16xf32, #tpu.memory_space<vmem>> -> memref<1xf32, #tpu.memory_space<vmem>>
    %dma_start3A_24 = tpu.memref_slice %arg24[%dma_start3A_21] : memref<2x!tpu.dma_semaphore, #tpu.memory_space<semaphore_mem>> -> memref<1x!tpu.dma_semaphore, #tpu.memory_space<semaphore_mem>>
    %dma_start3A_25 = tpu.memref_squeeze %dma_start3A_24 : memref<1x!tpu.dma_semaphore, #tpu.memory_space<semaphore_mem>> -> memref<!tpu.dma_semaphore, #tpu.memory_space<semaphore_mem>>
    %dma_start3A_26 = arith.constant 8 : i32
    %dma_start3A_27 = tpu.memref_slice %arg18[%dma_start3A_26] : memref<16xf32, #tpu.memory_space<vmem>> -> memref<1xf32, #tpu.memory_space<vmem>>
    tpu.enqueue_dma source(%arg6 : memref<1xf32, #tpu.memory_space<hbm>>) target(%dma_start3A_27 : memref<1xf32, #tpu.memory_space<vmem>>) target_semaphore(%dma_start3A_25 : memref<!tpu.dma_semaphore, #tpu.memory_space<semaphore_mem>>)
    %dma_wait3A = arith.constant 1 : i32
    %dma_wait3A_28 = tpu.memref_slice %arg3[%mul3A_8] : memref<16384xf32, #tpu.memory_space<hbm>> -> memref<1024xf32, #tpu.memory_space<hbm>>
    %dma_wait3A_29 = tpu.memref_slice %arg24[%dma_wait3A] : memref<2x!tpu.dma_semaphore, #tpu.memory_space<semaphore_mem>> -> memref<1x!tpu.dma_semaphore, #tpu.memory_space<semaphore_mem>>
    %dma_wait3A_30 = tpu.memref_squeeze %dma_wait3A_29 : memref<1x!tpu.dma_semaphore, #tpu.memory_space<semaphore_mem>> -> memref<!tpu.dma_semaphore, #tpu.memory_space<semaphore_mem>>
    %dma_wait3A_31 = tpu.memref_slice %arg3[%mul3A_8] : memref<16384xf32, #tpu.memory_space<hbm>> -> memref<1024xf32, #tpu.memory_space<hbm>>
    tpu.wait_dma2 semaphore(%dma_wait3A_30 : memref<!tpu.dma_semaphore, #tpu.memory_space<semaphore_mem>>) src(%dma_wait3A_31 : memref<1024xf32, #tpu.memory_space<hbm>>) dst(%arg9 : memref<1024xf32, #tpu.memory_space<vmem>>)
    %dma_wait3A_32 = arith.constant 1 : i32
    %dma_wait3A_33 = arith.constant 0 : i32
    %dma_wait3A_34 = tpu.memref_slice %arg18[%dma_wait3A_33] : memref<16xf32, #tpu.memory_space<vmem>> -> memref<1xf32, #tpu.memory_space<vmem>>
    %dma_wait3A_35 = tpu.memref_slice %arg24[%dma_wait3A_32] : memref<2x!tpu.dma_semaphore, #tpu.memory_space<semaphore_mem>> -> memref<1x!tpu.dma_semaphore, #tpu.memory_space<semaphore_mem>>
    %dma_wait3A_36 = tpu.memref_squeeze %dma_wait3A_35 : memref<1x!tpu.dma_semaphore, #tpu.memory_space<semaphore_mem>> -> memref<!tpu.dma_semaphore, #tpu.memory_space<semaphore_mem>>
    %dma_wait3A_37 = arith.constant 0 : i32
    %dma_wait3A_38 = tpu.memref_slice %arg18[%dma_wait3A_37] : memref<16xf32, #tpu.memory_space<vmem>> -> memref<1xf32, #tpu.memory_space<vmem>>
    tpu.wait_dma2 semaphore(%dma_wait3A_36 : memref<!tpu.dma_semaphore, #tpu.memory_space<semaphore_mem>>) src(%arg5 : memref<1xf32, #tpu.memory_space<hbm>>) dst(%dma_wait3A_38 : memref<1xf32, #tpu.memory_space<vmem>>)
    %dma_wait3A_39 = arith.constant 1 : i32
    %dma_wait3A_40 = arith.constant 8 : i32
    %dma_wait3A_41 = tpu.memref_slice %arg18[%dma_wait3A_40] : memref<16xf32, #tpu.memory_space<vmem>> -> memref<1xf32, #tpu.memory_space<vmem>>
    %dma_wait3A_42 = tpu.memref_slice %arg24[%dma_wait3A_39] : memref<2x!tpu.dma_semaphore, #tpu.memory_space<semaphore_mem>> -> memref<1x!tpu.dma_semaphore, #tpu.memory_space<semaphore_mem>>
    %dma_wait3A_43 = tpu.memref_squeeze %dma_wait3A_42 : memref<1x!tpu.dma_semaphore, #tpu.memory_space<semaphore_mem>> -> memref<!tpu.dma_semaphore, #tpu.memory_space<semaphore_mem>>
    %dma_wait3A_44 = arith.constant 8 : i32
    %dma_wait3A_45 = tpu.memref_slice %arg18[%dma_wait3A_44] : memref<16xf32, #tpu.memory_space<vmem>> -> memref<1xf32, #tpu.memory_space<vmem>>
    tpu.wait_dma2 semaphore(%dma_wait3A_43 : memref<!tpu.dma_semaphore, #tpu.memory_space<semaphore_mem>>) src(%arg6 : memref<1xf32, #tpu.memory_space<hbm>>) dst(%dma_wait3A_45 : memref<1xf32, #tpu.memory_space<vmem>>)
    "tpu.trace_stop"() : () -> ()
    %iota3A = tpu.iota {dimensions = array<i32: 0>} : vector<16xi32>
    %mul3A_46 = arith.constant 512 : i32
    %mul3A_47 = arith.muli %arg0, %mul3A_46 : i32
    %dma_wait3A_48 = arith.constant 0 : i32
    "tpu.trace_start"() <{level = 10 : i32, message = "compact"}> : () -> ()
    %dma_wait3A_49 = tpu.memref_slice %arg2[%mul3A_2] : memref<16384xi32, #tpu.memory_space<hbm>> -> memref<512xi32, #tpu.memory_space<hbm>>
    %dma_wait3A_50 = tpu.memref_slice %arg24[%dma_wait3A_48] : memref<2x!tpu.dma_semaphore, #tpu.memory_space<semaphore_mem>> -> memref<1x!tpu.dma_semaphore, #tpu.memory_space<semaphore_mem>>
    %dma_wait3A_51 = tpu.memref_squeeze %dma_wait3A_50 : memref<1x!tpu.dma_semaphore, #tpu.memory_space<semaphore_mem>> -> memref<!tpu.dma_semaphore, #tpu.memory_space<semaphore_mem>>
    %dma_wait3A_52 = tpu.memref_slice %arg2[%mul3A_2] : memref<16384xi32, #tpu.memory_space<hbm>> -> memref<512xi32, #tpu.memory_space<hbm>>
    tpu.wait_dma2 semaphore(%dma_wait3A_51 : memref<!tpu.dma_semaphore, #tpu.memory_space<semaphore_mem>>) src(%dma_wait3A_52 : memref<512xi32, #tpu.memory_space<hbm>>) dst(%arg8 : memref<512xi32, #tpu.memory_space<vmem>>)
    %broadcast_in_dim3A = arith.constant 1 : i32
    %broadcast_in_dim3A_53 = vector.broadcast %broadcast_in_dim3A : i32 to vector<16xi32>
    %broadcast_in_dim3A_54 = arith.constant 0 : i32
    %broadcast_in_dim3A_55 = vector.broadcast %broadcast_in_dim3A_54 : i32 to vector<16xi32>
    %scan3A = arith.constant 0 : i32
    %scan3A_56 = arith.constant 0 : i32
    %scan3A_57 = arith.constant 0 : i32
    %scan3A_58 = arith.constant 32 : i32
    %scan3A_59 = arith.addi %scan3A_57, %scan3A_58 : i32
    %scan3A_60 = arith.constant 1 : i32
    %scan3A_61:2 = scf.for %scan3A_1096 = %scan3A_57 to %scan3A_59 step %scan3A_60 iter_args(%scan3A_1097 = %scan3A, %scan3A_1098 = %scan3A_56) -> (i32, i32)  : i32 {
      %mul3A_1099 = arith.constant 16 : i32
      %mul3A_1100 = arith.muli %scan3A_1096, %mul3A_1099 : i32
      %add3A_1101 = arith.addi %mul3A_47, %mul3A_1100 : i32
      %get3A_1102 = arith.index_cast %add3A_1101 : i32 to index
      %get3A_1103 = tpu.vector_load %arg9[%get3A_1102] {strides = array<i32>} : memref<1024xf32, #tpu.memory_space<vmem>>, vector<16xf32>,
      %eq3A_1104 = arith.cmpf oeq, %get3A_1103, %get3A_1103 : vector<16xf32>
      %not3A = arith.constant dense<true> : vector<16xi1>
      %not3A_1105 = arith.xori %eq3A_1104, %not3A : vector<16xi1>
      %mul3A_1106 = arith.constant 16 : i32
      %mul3A_1107 = arith.muli %scan3A_1096, %mul3A_1106 : i32
      %get3A_1108 = arith.index_cast %mul3A_1107 : i32 to index
      %get3A_1109 = tpu.vector_load %arg8[%get3A_1108] {strides = array<i32>} : memref<512xi32, #tpu.memory_space<vmem>>, vector<16xi32>,
      %mul3A_1110 = arith.constant 16 : i32
      %mul3A_1111 = arith.muli %scan3A_1096, %mul3A_1110 : i32
      %add3A_1112 = arith.addi %mul3A_2, %mul3A_1111 : i32
      %broadcast_in_dim3A_1113 = vector.broadcast %add3A_1112 : i32 to vector<16xi32>
      %add3A_1114 = arith.addi %broadcast_in_dim3A_1113, %iota3A : vector<16xi32>
      %select_n3A_1115 = arith.select %not3A_1105, %broadcast_in_dim3A_53, %broadcast_in_dim3A_55 : vector<16xi1>, vector<16xi32>
      %sub3A_1116 = arith.constant 1 : i32
      %sub3A_1117 = vector.broadcast %sub3A_1116 : i32 to vector<16xi32>
      %sub3A_1118 = arith.subi %iota3A, %sub3A_1117 : vector<16xi32>
      %max3A_1119 = arith.constant 0 : i32
      %max3A_1120 = vector.broadcast %max3A_1119 : i32 to vector<16xi32>
      %max3A_1121 = arith.maxsi %sub3A_1118, %max3A_1120 : vector<16xi32>
      %lt3A_1122 = arith.constant 0 : i32
      %lt3A_1123 = vector.broadcast %lt3A_1122 : i32 to vector<16xi32>
      %lt3A_1124 = arith.cmpi slt, %max3A_1121, %lt3A_1123 : vector<16xi32>
      %add3A_1125 = arith.constant 16 : i32
      %add3A_1126 = vector.broadcast %add3A_1125 : i32 to vector<16xi32>
      %add3A_1127 = arith.addi %max3A_1121, %add3A_1126 : vector<16xi32>
      %select_n3A_1128 = arith.select %lt3A_1124, %add3A_1127, %max3A_1121 : vector<16xi1>, vector<16xi32>
      %broadcast_in_dim3A_1129 = vector.shape_cast %select_n3A_1128 : vector<16xi32> to vector<16x1xi32>
      %gather3A_1130 = vector.shape_cast %broadcast_in_dim3A_1129 : vector<16x1xi32> to vector<16xi32>
      %gather3A_1131 = tpu.dynamic_gather %select_n3A_1115[%gather3A_1130] in [0] : vector<16xi32>, vector<16xi32> -> vector<16xi32>
      %ge3A = arith.constant 1 : i32
      %ge3A_1132 = vector.broadcast %ge3A : i32 to vector<16xi32>
      %ge3A_1133 = arith.cmpi sge, %iota3A, %ge3A_1132 : vector<16xi32>
      %select_n3A_1134 = arith.select %ge3A_1133, %gather3A_1131, %broadcast_in_dim3A_55 : vector<16xi1>, vector<16xi32>
      %add3A_1135 = arith.addi %select_n3A_1115, %select_n3A_1134 : vector<16xi32>
      %sub3A_1136 = arith.constant 2 : i32
      %sub3A_1137 = vector.broadcast %sub3A_1136 : i32 to vector<16xi32>
      %sub3A_1138 = arith.subi %iota3A, %sub3A_1137 : vector<16xi32>
      %max3A_1139 = arith.constant 0 : i32
      %max3A_1140 = vector.broadcast %max3A_1139 : i32 to vector<16xi32>
      %max3A_1141 = arith.maxsi %sub3A_1138, %max3A_1140 : vector<16xi32>
      %lt3A_1142 = arith.constant 0 : i32
      %lt3A_1143 = vector.broadcast %lt3A_1142 : i32 to vector<16xi32>
      %lt3A_1144 = arith.cmpi slt, %max3A_1141, %lt3A_1143 : vector<16xi32>
      %add3A_1145 = arith.constant 16 : i32
      %add3A_1146 = vector.broadcast %add3A_1145 : i32 to vector<16xi32>
      %add3A_1147 = arith.addi %max3A_1141, %add3A_1146 : vector<16xi32>
      %select_n3A_1148 = arith.select %lt3A_1144, %add3A_1147, %max3A_1141 : vector<16xi1>, vector<16xi32>
      %broadcast_in_dim3A_1149 = vector.shape_cast %select_n3A_1148 : vector<16xi32> to vector<16x1xi32>
      %gather3A_1150 = vector.shape_cast %broadcast_in_dim3A_1149 : vector<16x1xi32> to vector<16xi32>
      %gather3A_1151 = tpu.dynamic_gather %add3A_1135[%gather3A_1150] in [0] : vector<16xi32>, vector<16xi32> -> vector<16xi32>
      %ge3A_1152 = arith.constant 2 : i32
      %ge3A_1153 = vector.broadcast %ge3A_1152 : i32 to vector<16xi32>
      %ge3A_1154 = arith.cmpi sge, %iota3A, %ge3A_1153 : vector<16xi32>
      %select_n3A_1155 = arith.select %ge3A_1154, %gather3A_1151, %broadcast_in_dim3A_55 : vector<16xi1>, vector<16xi32>
      %add3A_1156 = arith.addi %add3A_1135, %select_n3A_1155 : vector<16xi32>
      %sub3A_1157 = arith.constant 4 : i32
      %sub3A_1158 = vector.broadcast %sub3A_1157 : i32 to vector<16xi32>
      %sub3A_1159 = arith.subi %iota3A, %sub3A_1158 : vector<16xi32>
      %max3A_1160 = arith.constant 0 : i32
      %max3A_1161 = vector.broadcast %max3A_1160 : i32 to vector<16xi32>
      %max3A_1162 = arith.maxsi %sub3A_1159, %max3A_1161 : vector<16xi32>
      %lt3A_1163 = arith.constant 0 : i32
      %lt3A_1164 = vector.broadcast %lt3A_1163 : i32 to vector<16xi32>
      %lt3A_1165 = arith.cmpi slt, %max3A_1162, %lt3A_1164 : vector<16xi32>
      %add3A_1166 = arith.constant 16 : i32
      %add3A_1167 = vector.broadcast %add3A_1166 : i32 to vector<16xi32>
      %add3A_1168 = arith.addi %max3A_1162, %add3A_1167 : vector<16xi32>
      %select_n3A_1169 = arith.select %lt3A_1165, %add3A_1168, %max3A_1162 : vector<16xi1>, vector<16xi32>
      %broadcast_in_dim3A_1170 = vector.shape_cast %select_n3A_1169 : vector<16xi32> to vector<16x1xi32>
      %gather3A_1171 = vector.shape_cast %broadcast_in_dim3A_1170 : vector<16x1xi32> to vector<16xi32>
      %gather3A_1172 = tpu.dynamic_gather %add3A_1156[%gather3A_1171] in [0] : vector<16xi32>, vector<16xi32> -> vector<16xi32>
      %ge3A_1173 = arith.constant 4 : i32
      %ge3A_1174 = vector.broadcast %ge3A_1173 : i32 to vector<16xi32>
      %ge3A_1175 = arith.cmpi sge, %iota3A, %ge3A_1174 : vector<16xi32>
      %select_n3A_1176 = arith.select %ge3A_1175, %gather3A_1172, %broadcast_in_dim3A_55 : vector<16xi1>, vector<16xi32>
      %add3A_1177 = arith.addi %add3A_1156, %select_n3A_1176 : vector<16xi32>
      %sub3A_1178 = arith.constant 8 : i32
      %sub3A_1179 = vector.broadcast %sub3A_1178 : i32 to vector<16xi32>
      %sub3A_1180 = arith.subi %iota3A, %sub3A_1179 : vector<16xi32>
      %max3A_1181 = arith.constant 0 : i32
      %max3A_1182 = vector.broadcast %max3A_1181 : i32 to vector<16xi32>
      %max3A_1183 = arith.maxsi %sub3A_1180, %max3A_1182 : vector<16xi32>
      %lt3A_1184 = arith.constant 0 : i32
      %lt3A_1185 = vector.broadcast %lt3A_1184 : i32 to vector<16xi32>
      %lt3A_1186 = arith.cmpi slt, %max3A_1183, %lt3A_1185 : vector<16xi32>
      %add3A_1187 = arith.constant 16 : i32
      %add3A_1188 = vector.broadcast %add3A_1187 : i32 to vector<16xi32>
      %add3A_1189 = arith.addi %max3A_1183, %add3A_1188 : vector<16xi32>
      %select_n3A_1190 = arith.select %lt3A_1186, %add3A_1189, %max3A_1183 : vector<16xi1>, vector<16xi32>
      %broadcast_in_dim3A_1191 = vector.shape_cast %select_n3A_1190 : vector<16xi32> to vector<16x1xi32>
      %gather3A_1192 = vector.shape_cast %broadcast_in_dim3A_1191 : vector<16x1xi32> to vector<16xi32>
      %gather3A_1193 = tpu.dynamic_gather %add3A_1177[%gather3A_1192] in [0] : vector<16xi32>, vector<16xi32> -> vector<16xi32>
      %ge3A_1194 = arith.constant 8 : i32
      %ge3A_1195 = vector.broadcast %ge3A_1194 : i32 to vector<16xi32>
      %ge3A_1196 = arith.cmpi sge, %iota3A, %ge3A_1195 : vector<16xi32>
      %select_n3A_1197 = arith.select %ge3A_1196, %gather3A_1193, %broadcast_in_dim3A_55 : vector<16xi1>, vector<16xi32>
      %add3A_1198 = arith.addi %add3A_1177, %select_n3A_1197 : vector<16xi32>
      %sub3A_1199 = arith.subi %add3A_1198, %select_n3A_1115 : vector<16xi32>
      %sub3A_1200 = arith.subi %iota3A, %add3A_1198 : vector<16xi32>
      %add3A_1201 = arith.addi %sub3A_1200, %select_n3A_1115 : vector<16xi32>
      %add3A_1202 = vector.broadcast %scan3A_1097 : i32 to vector<16xi32>
      %add3A_1203 = arith.addi %sub3A_1199, %add3A_1202 : vector<16xi32>
      %add3A_1204 = vector.broadcast %scan3A_1098 : i32 to vector<16xi32>
      %add3A_1205 = arith.addi %add3A_1201, %add3A_1204 : vector<16xi32>
      tpu.vector_store_idx %arg11[%add3A_1203], %get3A_1109 masked %not3A_1105 : memref<528xi32, #tpu.memory_space<vmem>>[vector<16xi32>], vector<16xi32>, vector<16xi1>
      tpu.vector_store_idx %arg12[%add3A_1203], %add3A_1114 masked %not3A_1105 : memref<528xi32, #tpu.memory_space<vmem>>[vector<16xi32>], vector<16xi32>, vector<16xi1>
      tpu.vector_store_idx %arg14[%add3A_1205], %get3A_1103 masked %eq3A_1104 : memref<528xf32, #tpu.memory_space<vmem>>[vector<16xi32>], vector<16xf32>, vector<16xi1>
      tpu.vector_store_idx %arg13[%add3A_1205], %add3A_1114 masked %eq3A_1104 : memref<528xi32, #tpu.memory_space<vmem>>[vector<16xi32>], vector<16xi32>, vector<16xi1>
      %slice3A_1206 = vector.extract_strided_slice %add3A_1198 {offsets = [15], sizes = [1], strides = [1]} : vector<16xi32> to vector<1xi32>
      %squeeze3A_1207 = vector.extract %slice3A_1206[0] : i32 from vector<1xi32>
      %add3A_1208 = arith.addi %scan3A_1097, %squeeze3A_1207 : i32
      %sub3A_1209 = arith.constant 16 : i32
      %sub3A_1210 = arith.subi %sub3A_1209, %squeeze3A_1207 : i32
      %add3A_1211 = arith.addi %scan3A_1098, %sub3A_1210 : i32
      scf.yield %add3A_1208, %add3A_1211 : i32, i32
    }
    %scan3A_62 = arith.constant 32 : i32
    %get3A = arith.constant 0 : index
    %get3A_63 = tpu.vector_load %arg11[%get3A] {strides = array<i32>} : memref<528xi32, #tpu.memory_space<vmem>>, vector<16xi32>,
    %get3A_64 = arith.constant 0 : index
    %get3A_65 = tpu.vector_load %arg12[%get3A_64] {strides = array<i32>} : memref<528xi32, #tpu.memory_space<vmem>>, vector<16xi32>,
    %get3A_66 = arith.constant 0 : index
    %get3A_67 = tpu.vector_load %arg14[%get3A_66] {strides = array<i32>} : memref<528xf32, #tpu.memory_space<vmem>>, vector<16xf32>,
    %get3A_68 = arith.constant 0 : index
    %get3A_69 = tpu.vector_load %arg13[%get3A_68] {strides = array<i32>} : memref<528xi32, #tpu.memory_space<vmem>>, vector<16xi32>,
    %slice3A = vector.extract_strided_slice %get3A_63 {offsets = [0], sizes = [1], strides = [1]} : vector<16xi32> to vector<1xi32>
    %squeeze3A = vector.extract %slice3A[0] : i32 from vector<1xi32>
    %broadcast_in_dim3A_70 = vector.broadcast %squeeze3A : i32 to vector<16xi32>
    %swap3A = arith.index_cast %scan3A_61#0 : i32 to index
    %swap3A_71 = tpu.vector_load %arg11[%swap3A] {strides = array<i32>} : memref<528xi32, #tpu.memory_space<vmem>>, vector<16xi32>,
    tpu.vector_store %arg11[%swap3A], %broadcast_in_dim3A_70 {strides = array<i32>} : memref<528xi32, #tpu.memory_space<vmem>>, vector<16xi32>,
    %slice3A_72 = vector.extract_strided_slice %get3A_65 {offsets = [0], sizes = [1], strides = [1]} : vector<16xi32> to vector<1xi32>
    %squeeze3A_73 = vector.extract %slice3A_72[0] : i32 from vector<1xi32>
    %broadcast_in_dim3A_74 = vector.broadcast %squeeze3A_73 : i32 to vector<16xi32>
    %swap3A_75 = arith.index_cast %scan3A_61#0 : i32 to index
    %swap3A_76 = tpu.vector_load %arg12[%swap3A_75] {strides = array<i32>} : memref<528xi32, #tpu.memory_space<vmem>>, vector<16xi32>,
    tpu.vector_store %arg12[%swap3A_75], %broadcast_in_dim3A_74 {strides = array<i32>} : memref<528xi32, #tpu.memory_space<vmem>>, vector<16xi32>,
    %slice3A_77 = vector.extract_strided_slice %get3A_67 {offsets = [0], sizes = [1], strides = [1]} : vector<16xf32> to vector<1xf32>
    %squeeze3A_78 = vector.extract %slice3A_77[0] : f32 from vector<1xf32>
    %broadcast_in_dim3A_79 = vector.broadcast %squeeze3A_78 : f32 to vector<16xf32>
    %swap3A_80 = arith.index_cast %scan3A_61#1 : i32 to index
    %swap3A_81 = tpu.vector_load %arg14[%swap3A_80] {strides = array<i32>} : memref<528xf32, #tpu.memory_space<vmem>>, vector<16xf32>,
    tpu.vector_store %arg14[%swap3A_80], %broadcast_in_dim3A_79 {strides = array<i32>} : memref<528xf32, #tpu.memory_space<vmem>>, vector<16xf32>,
    %slice3A_82 = vector.extract_strided_slice %get3A_69 {offsets = [0], sizes = [1], strides = [1]} : vector<16xi32> to vector<1xi32>
    %squeeze3A_83 = vector.extract %slice3A_82[0] : i32 from vector<1xi32>
    %broadcast_in_dim3A_84 = vector.broadcast %squeeze3A_83 : i32 to vector<16xi32>
    %swap3A_85 = arith.index_cast %scan3A_61#1 : i32 to index
    %swap3A_86 = tpu.vector_load %arg13[%swap3A_85] {strides = array<i32>} : memref<528xi32, #tpu.memory_space<vmem>>, vector<16xi32>,
    tpu.vector_store %arg13[%swap3A_85], %broadcast_in_dim3A_84 {strides = array<i32>} : memref<528xi32, #tpu.memory_space<vmem>>, vector<16xi32>,
    %add3A_87 = arith.constant 16 : i32
    %add3A_88 = arith.addi %scan3A_61#0, %add3A_87 : i32
    %sub3A = arith.constant 1 : i32
    %sub3A_89 = arith.subi %add3A_88, %sub3A : i32
    %jit3A = arith.constant 16 : i32
    %div3A = arith.divsi %sub3A_89, %jit3A : i32
    %sign3A = arith.constant 0 : i32
    %sign3A_90 = arith.cmpi sgt, %sub3A_89, %sign3A : i32
    %sign3A_91 = arith.extui %sign3A_90 : i1 to i32
    %sign3A_92 = arith.constant 0 : i32
    %sign3A_93 = arith.cmpi slt, %sub3A_89, %sign3A_92 : i32
    %sign3A_94 = arith.extui %sign3A_93 : i1 to i32
    %sign3A_95 = arith.subi %sign3A_91, %sign3A_94 : i32
    %sign3A_96 = arith.constant 0 : i32
    %sign3A_97 = arith.cmpi sgt, %jit3A, %sign3A_96 : i32
    %sign3A_98 = arith.extui %sign3A_97 : i1 to i32
    %sign3A_99 = arith.constant 0 : i32
    %sign3A_100 = arith.cmpi slt, %jit3A, %sign3A_99 : i32
    %sign3A_101 = arith.extui %sign3A_100 : i1 to i32
    %sign3A_102 = arith.subi %sign3A_98, %sign3A_101 : i32
    %ne3A = arith.cmpi ne, %sign3A_95, %sign3A_102 : i32
    %rem3A = arith.remsi %sub3A_89, %jit3A : i32
    %ne3A_103 = arith.constant 0 : i32
    %ne3A_104 = arith.cmpi ne, %rem3A, %ne3A_103 : i32
    %and3A = arith.andi %ne3A, %ne3A_104 : i1
    %sub3A_105 = arith.constant 1 : i32
    %sub3A_106 = arith.subi %div3A, %sub3A_105 : i32
    %select_n3A = arith.select %and3A, %sub3A_106, %div3A : i32
    %add3A_107 = arith.constant 16 : i32
    %add3A_108 = arith.addi %scan3A_61#1, %add3A_107 : i32
    %sub3A_109 = arith.constant 1 : i32
    %sub3A_110 = arith.subi %add3A_108, %sub3A_109 : i32
    %jit3A_111 = arith.constant 16 : i32
    %div3A_112 = arith.divsi %sub3A_110, %jit3A_111 : i32
    %sign3A_113 = arith.constant 0 : i32
    %sign3A_114 = arith.cmpi sgt, %sub3A_110, %sign3A_113 : i32
    %sign3A_115 = arith.extui %sign3A_114 : i1 to i32
    %sign3A_116 = arith.constant 0 : i32
    %sign3A_117 = arith.cmpi slt, %sub3A_110, %sign3A_116 : i32
    %sign3A_118 = arith.extui %sign3A_117 : i1 to i32
    %sign3A_119 = arith.subi %sign3A_115, %sign3A_118 : i32
    %sign3A_120 = arith.constant 0 : i32
    %sign3A_121 = arith.cmpi sgt, %jit3A_111, %sign3A_120 : i32
    %sign3A_122 = arith.extui %sign3A_121 : i1 to i32
    %sign3A_123 = arith.constant 0 : i32
    %sign3A_124 = arith.cmpi slt, %jit3A_111, %sign3A_123 : i32
    %sign3A_125 = arith.extui %sign3A_124 : i1 to i32
    %sign3A_126 = arith.subi %sign3A_122, %sign3A_125 : i32
    %ne3A_127 = arith.cmpi ne, %sign3A_119, %sign3A_126 : i32
    %rem3A_128 = arith.remsi %sub3A_110, %jit3A_111 : i32
    %ne3A_129 = arith.constant 0 : i32
    %ne3A_130 = arith.cmpi ne, %rem3A_128, %ne3A_129 : i32
    %and3A_131 = arith.andi %ne3A_127, %ne3A_130 : i1
    %sub3A_132 = arith.constant 1 : i32
    %sub3A_133 = arith.subi %div3A_112, %sub3A_132 : i32
    %select_n3A_134 = arith.select %and3A_131, %sub3A_133, %div3A_112 : i32
    %get3A_135 = arith.constant 0 : index
    %get3A_136 = tpu.vector_load %arg11[%get3A_135] {strides = array<i32>} : memref<528xi32, #tpu.memory_space<vmem>>, vector<16xi32>,
    %swap3A_137 = arith.constant 0 : i32
    %swap3A_138 = arith.index_cast %swap3A_137 : i32 to index
    %swap3A_139 = arith.constant 0 : index
    %swap3A_140 = tpu.vector_load %arg15[%swap3A_138, %swap3A_139] {strides = array<i32>} : memref<33x16xi32, #tpu.memory_space<vmem>>, vector<16xi32>,
    tpu.vector_store %arg15[%swap3A_138, %swap3A_139], %get3A_136 {strides = array<i32>} : memref<33x16xi32, #tpu.memory_space<vmem>>, vector<16xi32>,
    %get3A_141 = arith.constant 16 : index
    %get3A_142 = tpu.vector_load %arg11[%get3A_141] {strides = array<i32>} : memref<528xi32, #tpu.memory_space<vmem>>, vector<16xi32>,
    %swap3A_143 = arith.constant 1 : i32
    %swap3A_144 = arith.index_cast %swap3A_143 : i32 to index
    %swap3A_145 = arith.constant 0 : index
    %swap3A_146 = tpu.vector_load %arg15[%swap3A_144, %swap3A_145] {strides = array<i32>} : memref<33x16xi32, #tpu.memory_space<vmem>>, vector<16xi32>,
    tpu.vector_store %arg15[%swap3A_144, %swap3A_145], %get3A_142 {strides = array<i32>} : memref<33x16xi32, #tpu.memory_space<vmem>>, vector<16xi32>,
    %get3A_147 = arith.constant 32 : index
    %get3A_148 = tpu.vector_load %arg11[%get3A_147] {strides = array<i32>} : memref<528xi32, #tpu.memory_space<vmem>>, vector<16xi32>,
    %swap3A_149 = arith.constant 2 : i32
    %swap3A_150 = arith.index_cast %swap3A_149 : i32 to index
    %swap3A_151 = arith.constant 0 : index
    %swap3A_152 = tpu.vector_load %arg15[%swap3A_150, %swap3A_151] {strides = array<i32>} : memref<33x16xi32, #tpu.memory_space<vmem>>, vector<16xi32>,
    tpu.vector_store %arg15[%swap3A_150, %swap3A_151], %get3A_148 {strides = array<i32>} : memref<33x16xi32, #tpu.memory_space<vmem>>, vector<16xi32>,
    %get3A_153 = arith.constant 48 : index
    %get3A_154 = tpu.vector_load %arg11[%get3A_153] {strides = array<i32>} : memref<528xi32, #tpu.memory_space<vmem>>, vector<16xi32>,
    %swap3A_155 = arith.constant 3 : i32
    %swap3A_156 = arith.index_cast %swap3A_155 : i32 to index
    %swap3A_157 = arith.constant 0 : index
    %swap3A_158 = tpu.vector_load %arg15[%swap3A_156, %swap3A_157] {strides = array<i32>} : memref<33x16xi32, #tpu.memory_space<vmem>>, vector<16xi32>,
    tpu.vector_store %arg15[%swap3A_156, %swap3A_157], %get3A_154 {strides = array<i32>} : memref<33x16xi32, #tpu.memory_space<vmem>>, vector<16xi32>,
    %get3A_159 = arith.constant 64 : index
    %get3A_160 = tpu.vector_load %arg11[%get3A_159] {strides = array<i32>} : memref<528xi32, #tpu.memory_space<vmem>>, vector<16xi32>,
    %swap3A_161 = arith.constant 4 : i32
    %swap3A_162 = arith.index_cast %swap3A_161 : i32 to index
    %swap3A_163 = arith.constant 0 : index
    %swap3A_164 = tpu.vector_load %arg15[%swap3A_162, %swap3A_163] {strides = array<i32>} : memref<33x16xi32, #tpu.memory_space<vmem>>, vector<16xi32>,
    tpu.vector_store %arg15[%swap3A_162, %swap3A_163], %get3A_160 {strides = array<i32>} : memref<33x16xi32, #tpu.memory_space<vmem>>, vector<16xi32>,
    %get3A_165 = arith.constant 80 : index
    %get3A_166 = tpu.vector_load %arg11[%get3A_165] {strides = array<i32>} : memref<528xi32, #tpu.memory_space<vmem>>, vector<16xi32>,
    %swap3A_167 = arith.constant 5 : i32
    %swap3A_168 = arith.index_cast %swap3A_167 : i32 to index
    %swap3A_169 = arith.constant 0 : index
    %swap3A_170 = tpu.vector_load %arg15[%swap3A_168, %swap3A_169] {strides = array<i32>} : memref<33x16xi32, #tpu.memory_space<vmem>>, vector<16xi32>,
    tpu.vector_store %arg15[%swap3A_168, %swap3A_169], %get3A_166 {strides = array<i32>} : memref<33x16xi32, #tpu.memory_space<vmem>>, vector<16xi32>,
    %get3A_171 = arith.constant 96 : index
    %get3A_172 = tpu.vector_load %arg11[%get3A_171] {strides = array<i32>} : memref<528xi32, #tpu.memory_space<vmem>>, vector<16xi32>,
    %swap3A_173 = arith.constant 6 : i32
    %swap3A_174 = arith.index_cast %swap3A_173 : i32 to index
    %swap3A_175 = arith.constant 0 : index
    %swap3A_176 = tpu.vector_load %arg15[%swap3A_174, %swap3A_175] {strides = array<i32>} : memref<33x16xi32, #tpu.memory_space<vmem>>, vector<16xi32>,
    tpu.vector_store %arg15[%swap3A_174, %swap3A_175], %get3A_172 {strides = array<i32>} : memref<33x16xi32, #tpu.memory_space<vmem>>, vector<16xi32>,
    %get3A_177 = arith.constant 112 : index
    %get3A_178 = tpu.vector_load %arg11[%get3A_177] {strides = array<i32>} : memref<528xi32, #tpu.memory_space<vmem>>, vector<16xi32>,
    %swap3A_179 = arith.constant 7 : i32
    %swap3A_180 = arith.index_cast %swap3A_179 : i32 to index
    %swap3A_181 = arith.constant 0 : index
    %swap3A_182 = tpu.vector_load %arg15[%swap3A_180, %swap3A_181] {strides = array<i32>} : memref<33x16xi32, #tpu.memory_space<vmem>>, vector<16xi32>,
    tpu.vector_store %arg15[%swap3A_180, %swap3A_181], %get3A_178 {strides = array<i32>} : memref<33x16xi32, #tpu.memory_space<vmem>>, vector<16xi32>,
    %get3A_183 = arith.constant 128 : index
    %get3A_184 = tpu.vector_load %arg11[%get3A_183] {strides = array<i32>} : memref<528xi32, #tpu.memory_space<vmem>>, vector<16xi32>,
    %swap3A_185 = arith.constant 8 : i32
    %swap3A_186 = arith.index_cast %swap3A_185 : i32 to index
    %swap3A_187 = arith.constant 0 : index
    %swap3A_188 = tpu.vector_load %arg15[%swap3A_186, %swap3A_187] {strides = array<i32>} : memref<33x16xi32, #tpu.memory_space<vmem>>, vector<16xi32>,
    tpu.vector_store %arg15[%swap3A_186, %swap3A_187], %get3A_184 {strides = array<i32>} : memref<33x16xi32, #tpu.memory_space<vmem>>, vector<16xi32>,
    %get3A_189 = arith.constant 144 : index
    %get3A_190 = tpu.vector_load %arg11[%get3A_189] {strides = array<i32>} : memref<528xi32, #tpu.memory_space<vmem>>, vector<16xi32>,
    %swap3A_191 = arith.constant 9 : i32
    %swap3A_192 = arith.index_cast %swap3A_191 : i32 to index
    %swap3A_193 = arith.constant 0 : index
    %swap3A_194 = tpu.vector_load %arg15[%swap3A_192, %swap3A_193] {strides = array<i32>} : memref<33x16xi32, #tpu.memory_space<vmem>>, vector<16xi32>,
    tpu.vector_store %arg15[%swap3A_192, %swap3A_193], %get3A_190 {strides = array<i32>} : memref<33x16xi32, #tpu.memory_space<vmem>>, vector<16xi32>,
    %get3A_195 = arith.constant 160 : index
    %get3A_196 = tpu.vector_load %arg11[%get3A_195] {strides = array<i32>} : memref<528xi32, #tpu.memory_space<vmem>>, vector<16xi32>,
    %swap3A_197 = arith.constant 10 : i32
    %swap3A_198 = arith.index_cast %swap3A_197 : i32 to index
    %swap3A_199 = arith.constant 0 : index
    %swap3A_200 = tpu.vector_load %arg15[%swap3A_198, %swap3A_199] {strides = array<i32>} : memref<33x16xi32, #tpu.memory_space<vmem>>, vector<16xi32>,
    tpu.vector_store %arg15[%swap3A_198, %swap3A_199], %get3A_196 {strides = array<i32>} : memref<33x16xi32, #tpu.memory_space<vmem>>, vector<16xi32>,
    %get3A_201 = arith.constant 176 : index
    %get3A_202 = tpu.vector_load %arg11[%get3A_201] {strides = array<i32>} : memref<528xi32, #tpu.memory_space<vmem>>, vector<16xi32>,
    %swap3A_203 = arith.constant 11 : i32
    %swap3A_204 = arith.index_cast %swap3A_203 : i32 to index
    %swap3A_205 = arith.constant 0 : index
    %swap3A_206 = tpu.vector_load %arg15[%swap3A_204, %swap3A_205] {strides = array<i32>} : memref<33x16xi32, #tpu.memory_space<vmem>>, vector<16xi32>,
    tpu.vector_store %arg15[%swap3A_204, %swap3A_205], %get3A_202 {strides = array<i32>} : memref<33x16xi32, #tpu.memory_space<vmem>>, vector<16xi32>,
    %get3A_207 = arith.constant 192 : index
    %get3A_208 = tpu.vector_load %arg11[%get3A_207] {strides = array<i32>} : memref<528xi32, #tpu.memory_space<vmem>>, vector<16xi32>,
    %swap3A_209 = arith.constant 12 : i32
    %swap3A_210 = arith.index_cast %swap3A_209 : i32 to index
    %swap3A_211 = arith.constant 0 : index
    %swap3A_212 = tpu.vector_load %arg15[%swap3A_210, %swap3A_211] {strides = array<i32>} : memref<33x16xi32, #tpu.memory_space<vmem>>, vector<16xi32>,
    tpu.vector_store %arg15[%swap3A_210, %swap3A_211], %get3A_208 {strides = array<i32>} : memref<33x16xi32, #tpu.memory_space<vmem>>, vector<16xi32>,
    %get3A_213 = arith.constant 208 : index
    %get3A_214 = tpu.vector_load %arg11[%get3A_213] {strides = array<i32>} : memref<528xi32, #tpu.memory_space<vmem>>, vector<16xi32>,
    %swap3A_215 = arith.constant 13 : i32
    %swap3A_216 = arith.index_cast %swap3A_215 : i32 to index
    %swap3A_217 = arith.constant 0 : index
    %swap3A_218 = tpu.vector_load %arg15[%swap3A_216, %swap3A_217] {strides = array<i32>} : memref<33x16xi32, #tpu.memory_space<vmem>>, vector<16xi32>,
    tpu.vector_store %arg15[%swap3A_216, %swap3A_217], %get3A_214 {strides = array<i32>} : memref<33x16xi32, #tpu.memory_space<vmem>>, vector<16xi32>,
    %get3A_219 = arith.constant 224 : index
    %get3A_220 = tpu.vector_load %arg11[%get3A_219] {strides = array<i32>} : memref<528xi32, #tpu.memory_space<vmem>>, vector<16xi32>,
    %swap3A_221 = arith.constant 14 : i32
    %swap3A_222 = arith.index_cast %swap3A_221 : i32 to index
    %swap3A_223 = arith.constant 0 : index
    %swap3A_224 = tpu.vector_load %arg15[%swap3A_222, %swap3A_223] {strides = array<i32>} : memref<33x16xi32, #tpu.memory_space<vmem>>, vector<16xi32>,
    tpu.vector_store %arg15[%swap3A_222, %swap3A_223], %get3A_220 {strides = array<i32>} : memref<33x16xi32, #tpu.memory_space<vmem>>, vector<16xi32>,
    %get3A_225 = arith.constant 240 : index
    %get3A_226 = tpu.vector_load %arg11[%get3A_225] {strides = array<i32>} : memref<528xi32, #tpu.memory_space<vmem>>, vector<16xi32>,
    %swap3A_227 = arith.constant 15 : i32
    %swap3A_228 = arith.index_cast %swap3A_227 : i32 to index
    %swap3A_229 = arith.constant 0 : index
    %swap3A_230 = tpu.vector_load %arg15[%swap3A_228, %swap3A_229] {strides = array<i32>} : memref<33x16xi32, #tpu.memory_space<vmem>>, vector<16xi32>,
    tpu.vector_store %arg15[%swap3A_228, %swap3A_229], %get3A_226 {strides = array<i32>} : memref<33x16xi32, #tpu.memory_space<vmem>>, vector<16xi32>,
    %get3A_231 = arith.constant 256 : index
    %get3A_232 = tpu.vector_load %arg11[%get3A_231] {strides = array<i32>} : memref<528xi32, #tpu.memory_space<vmem>>, vector<16xi32>,
    %swap3A_233 = arith.constant 16 : i32
    %swap3A_234 = arith.index_cast %swap3A_233 : i32 to index
    %swap3A_235 = arith.constant 0 : index
    %swap3A_236 = tpu.vector_load %arg15[%swap3A_234, %swap3A_235] {strides = array<i32>} : memref<33x16xi32, #tpu.memory_space<vmem>>, vector<16xi32>,
    tpu.vector_store %arg15[%swap3A_234, %swap3A_235], %get3A_232 {strides = array<i32>} : memref<33x16xi32, #tpu.memory_space<vmem>>, vector<16xi32>,
    %get3A_237 = arith.constant 272 : index
    %get3A_238 = tpu.vector_load %arg11[%get3A_237] {strides = array<i32>} : memref<528xi32, #tpu.memory_space<vmem>>, vector<16xi32>,
    %swap3A_239 = arith.constant 17 : i32
    %swap3A_240 = arith.index_cast %swap3A_239 : i32 to index
    %swap3A_241 = arith.constant 0 : index
    %swap3A_242 = tpu.vector_load %arg15[%swap3A_240, %swap3A_241] {strides = array<i32>} : memref<33x16xi32, #tpu.memory_space<vmem>>, vector<16xi32>,
    tpu.vector_store %arg15[%swap3A_240, %swap3A_241], %get3A_238 {strides = array<i32>} : memref<33x16xi32, #tpu.memory_space<vmem>>, vector<16xi32>,
    %get3A_243 = arith.constant 288 : index
    %get3A_244 = tpu.vector_load %arg11[%get3A_243] {strides = array<i32>} : memref<528xi32, #tpu.memory_space<vmem>>, vector<16xi32>,
    %swap3A_245 = arith.constant 18 : i32
    %swap3A_246 = arith.index_cast %swap3A_245 : i32 to index
    %swap3A_247 = arith.constant 0 : index
    %swap3A_248 = tpu.vector_load %arg15[%swap3A_246, %swap3A_247] {strides = array<i32>} : memref<33x16xi32, #tpu.memory_space<vmem>>, vector<16xi32>,
    tpu.vector_store %arg15[%swap3A_246, %swap3A_247], %get3A_244 {strides = array<i32>} : memref<33x16xi32, #tpu.memory_space<vmem>>, vector<16xi32>,
    %get3A_249 = arith.constant 304 : index
    %get3A_250 = tpu.vector_load %arg11[%get3A_249] {strides = array<i32>} : memref<528xi32, #tpu.memory_space<vmem>>, vector<16xi32>,
    %swap3A_251 = arith.constant 19 : i32
    %swap3A_252 = arith.index_cast %swap3A_251 : i32 to index
    %swap3A_253 = arith.constant 0 : index
    %swap3A_254 = tpu.vector_load %arg15[%swap3A_252, %swap3A_253] {strides = array<i32>} : memref<33x16xi32, #tpu.memory_space<vmem>>, vector<16xi32>,
    tpu.vector_store %arg15[%swap3A_252, %swap3A_253], %get3A_250 {strides = array<i32>} : memref<33x16xi32, #tpu.memory_space<vmem>>, vector<16xi32>,
    %get3A_255 = arith.constant 320 : index
    %get3A_256 = tpu.vector_load %arg11[%get3A_255] {strides = array<i32>} : memref<528xi32, #tpu.memory_space<vmem>>, vector<16xi32>,
    %swap3A_257 = arith.constant 20 : i32
    %swap3A_258 = arith.index_cast %swap3A_257 : i32 to index
    %swap3A_259 = arith.constant 0 : index
    %swap3A_260 = tpu.vector_load %arg15[%swap3A_258, %swap3A_259] {strides = array<i32>} : memref<33x16xi32, #tpu.memory_space<vmem>>, vector<16xi32>,
    tpu.vector_store %arg15[%swap3A_258, %swap3A_259], %get3A_256 {strides = array<i32>} : memref<33x16xi32, #tpu.memory_space<vmem>>, vector<16xi32>,
    %get3A_261 = arith.constant 336 : index
    %get3A_262 = tpu.vector_load %arg11[%get3A_261] {strides = array<i32>} : memref<528xi32, #tpu.memory_space<vmem>>, vector<16xi32>,
    %swap3A_263 = arith.constant 21 : i32
    %swap3A_264 = arith.index_cast %swap3A_263 : i32 to index
    %swap3A_265 = arith.constant 0 : index
    %swap3A_266 = tpu.vector_load %arg15[%swap3A_264, %swap3A_265] {strides = array<i32>} : memref<33x16xi32, #tpu.memory_space<vmem>>, vector<16xi32>,
    tpu.vector_store %arg15[%swap3A_264, %swap3A_265], %get3A_262 {strides = array<i32>} : memref<33x16xi32, #tpu.memory_space<vmem>>, vector<16xi32>,
    %get3A_267 = arith.constant 352 : index
    %get3A_268 = tpu.vector_load %arg11[%get3A_267] {strides = array<i32>} : memref<528xi32, #tpu.memory_space<vmem>>, vector<16xi32>,
    %swap3A_269 = arith.constant 22 : i32
    %swap3A_270 = arith.index_cast %swap3A_269 : i32 to index
    %swap3A_271 = arith.constant 0 : index
    %swap3A_272 = tpu.vector_load %arg15[%swap3A_270, %swap3A_271] {strides = array<i32>} : memref<33x16xi32, #tpu.memory_space<vmem>>, vector<16xi32>,
    tpu.vector_store %arg15[%swap3A_270, %swap3A_271], %get3A_268 {strides = array<i32>} : memref<33x16xi32, #tpu.memory_space<vmem>>, vector<16xi32>,
    %get3A_273 = arith.constant 368 : index
    %get3A_274 = tpu.vector_load %arg11[%get3A_273] {strides = array<i32>} : memref<528xi32, #tpu.memory_space<vmem>>, vector<16xi32>,
    %swap3A_275 = arith.constant 23 : i32
    %swap3A_276 = arith.index_cast %swap3A_275 : i32 to index
    %swap3A_277 = arith.constant 0 : index
    %swap3A_278 = tpu.vector_load %arg15[%swap3A_276, %swap3A_277] {strides = array<i32>} : memref<33x16xi32, #tpu.memory_space<vmem>>, vector<16xi32>,
    tpu.vector_store %arg15[%swap3A_276, %swap3A_277], %get3A_274 {strides = array<i32>} : memref<33x16xi32, #tpu.memory_space<vmem>>, vector<16xi32>,
    %get3A_279 = arith.constant 384 : index
    %get3A_280 = tpu.vector_load %arg11[%get3A_279] {strides = array<i32>} : memref<528xi32, #tpu.memory_space<vmem>>, vector<16xi32>,
    %swap3A_281 = arith.constant 24 : i32
    %swap3A_282 = arith.index_cast %swap3A_281 : i32 to index
    %swap3A_283 = arith.constant 0 : index
    %swap3A_284 = tpu.vector_load %arg15[%swap3A_282, %swap3A_283] {strides = array<i32>} : memref<33x16xi32, #tpu.memory_space<vmem>>, vector<16xi32>,
    tpu.vector_store %arg15[%swap3A_282, %swap3A_283], %get3A_280 {strides = array<i32>} : memref<33x16xi32, #tpu.memory_space<vmem>>, vector<16xi32>,
    %get3A_285 = arith.constant 400 : index
    %get3A_286 = tpu.vector_load %arg11[%get3A_285] {strides = array<i32>} : memref<528xi32, #tpu.memory_space<vmem>>, vector<16xi32>,
    %swap3A_287 = arith.constant 25 : i32
    %swap3A_288 = arith.index_cast %swap3A_287 : i32 to index
    %swap3A_289 = arith.constant 0 : index
    %swap3A_290 = tpu.vector_load %arg15[%swap3A_288, %swap3A_289] {strides = array<i32>} : memref<33x16xi32, #tpu.memory_space<vmem>>, vector<16xi32>,
    tpu.vector_store %arg15[%swap3A_288, %swap3A_289], %get3A_286 {strides = array<i32>} : memref<33x16xi32, #tpu.memory_space<vmem>>, vector<16xi32>,
    %get3A_291 = arith.constant 416 : index
    %get3A_292 = tpu.vector_load %arg11[%get3A_291] {strides = array<i32>} : memref<528xi32, #tpu.memory_space<vmem>>, vector<16xi32>,
    %swap3A_293 = arith.constant 26 : i32
    %swap3A_294 = arith.index_cast %swap3A_293 : i32 to index
    %swap3A_295 = arith.constant 0 : index
    %swap3A_296 = tpu.vector_load %arg15[%swap3A_294, %swap3A_295] {strides = array<i32>} : memref<33x16xi32, #tpu.memory_space<vmem>>, vector<16xi32>,
    tpu.vector_store %arg15[%swap3A_294, %swap3A_295], %get3A_292 {strides = array<i32>} : memref<33x16xi32, #tpu.memory_space<vmem>>, vector<16xi32>,
    %get3A_297 = arith.constant 432 : index
    %get3A_298 = tpu.vector_load %arg11[%get3A_297] {strides = array<i32>} : memref<528xi32, #tpu.memory_space<vmem>>, vector<16xi32>,
    %swap3A_299 = arith.constant 27 : i32
    %swap3A_300 = arith.index_cast %swap3A_299 : i32 to index
    %swap3A_301 = arith.constant 0 : index
    %swap3A_302 = tpu.vector_load %arg15[%swap3A_300, %swap3A_301] {strides = array<i32>} : memref<33x16xi32, #tpu.memory_space<vmem>>, vector<16xi32>,
    tpu.vector_store %arg15[%swap3A_300, %swap3A_301], %get3A_298 {strides = array<i32>} : memref<33x16xi32, #tpu.memory_space<vmem>>, vector<16xi32>,
    %get3A_303 = arith.constant 448 : index
    %get3A_304 = tpu.vector_load %arg11[%get3A_303] {strides = array<i32>} : memref<528xi32, #tpu.memory_space<vmem>>, vector<16xi32>,
    %swap3A_305 = arith.constant 28 : i32
    %swap3A_306 = arith.index_cast %swap3A_305 : i32 to index
    %swap3A_307 = arith.constant 0 : index
    %swap3A_308 = tpu.vector_load %arg15[%swap3A_306, %swap3A_307] {strides = array<i32>} : memref<33x16xi32, #tpu.memory_space<vmem>>, vector<16xi32>,
    tpu.vector_store %arg15[%swap3A_306, %swap3A_307], %get3A_304 {strides = array<i32>} : memref<33x16xi32, #tpu.memory_space<vmem>>, vector<16xi32>,
    %get3A_309 = arith.constant 464 : index
    %get3A_310 = tpu.vector_load %arg11[%get3A_309] {strides = array<i32>} : memref<528xi32, #tpu.memory_space<vmem>>, vector<16xi32>,
    %swap3A_311 = arith.constant 29 : i32
    %swap3A_312 = arith.index_cast %swap3A_311 : i32 to index
    %swap3A_313 = arith.constant 0 : index
    %swap3A_314 = tpu.vector_load %arg15[%swap3A_312, %swap3A_313] {strides = array<i32>} : memref<33x16xi32, #tpu.memory_space<vmem>>, vector<16xi32>,
    tpu.vector_store %arg15[%swap3A_312, %swap3A_313], %get3A_310 {strides = array<i32>} : memref<33x16xi32, #tpu.memory_space<vmem>>, vector<16xi32>,
    %get3A_315 = arith.constant 480 : index
    %get3A_316 = tpu.vector_load %arg11[%get3A_315] {strides = array<i32>} : memref<528xi32, #tpu.memory_space<vmem>>, vector<16xi32>,
    %swap3A_317 = arith.constant 30 : i32
    %swap3A_318 = arith.index_cast %swap3A_317 : i32 to index
    %swap3A_319 = arith.constant 0 : index
    %swap3A_320 = tpu.vector_load %arg15[%swap3A_318, %swap3A_319] {strides = array<i32>} : memref<33x16xi32, #tpu.memory_space<vmem>>, vector<16xi32>,
    tpu.vector_store %arg15[%swap3A_318, %swap3A_319], %get3A_316 {strides = array<i32>} : memref<33x16xi32, #tpu.memory_space<vmem>>, vector<16xi32>,
    %get3A_321 = arith.constant 496 : index
    %get3A_322 = tpu.vector_load %arg11[%get3A_321] {strides = array<i32>} : memref<528xi32, #tpu.memory_space<vmem>>, vector<16xi32>,
    %swap3A_323 = arith.constant 31 : i32
    %swap3A_324 = arith.index_cast %swap3A_323 : i32 to index
    %swap3A_325 = arith.constant 0 : index
    %swap3A_326 = tpu.vector_load %arg15[%swap3A_324, %swap3A_325] {strides = array<i32>} : memref<33x16xi32, #tpu.memory_space<vmem>>, vector<16xi32>,
    tpu.vector_store %arg15[%swap3A_324, %swap3A_325], %get3A_322 {strides = array<i32>} : memref<33x16xi32, #tpu.memory_space<vmem>>, vector<16xi32>,
    %get3A_327 = arith.constant 512 : index
    %get3A_328 = tpu.vector_load %arg11[%get3A_327] {strides = array<i32>} : memref<528xi32, #tpu.memory_space<vmem>>, vector<16xi32>,
    %swap3A_329 = arith.constant 32 : i32
    %swap3A_330 = arith.index_cast %swap3A_329 : i32 to index
    %swap3A_331 = arith.constant 0 : index
    %swap3A_332 = tpu.vector_load %arg15[%swap3A_330, %swap3A_331] {strides = array<i32>} : memref<33x16xi32, #tpu.memory_space<vmem>>, vector<16xi32>,
    tpu.vector_store %arg15[%swap3A_330, %swap3A_331], %get3A_328 {strides = array<i32>} : memref<33x16xi32, #tpu.memory_space<vmem>>, vector<16xi32>,
    %while3A = arith.constant 0 : i32
    %while3A_333 = arith.constant 0 : i32
    "tpu.trace_stop"() : () -> ()
    "tpu.trace_start"() <{level = 10 : i32, message = "gfire"}> : () -> ()
    %while3A_334 = arith.subi %select_n3A, %while3A : i32
    %while3A_335 = arith.addi %while3A, %while3A_334 : i32
    %while3A_336 = arith.constant 1 : i32
    %while3A_337 = arith.divsi %while3A_334, %while3A_336 : i32
    %while3A_338 = arith.muli %while3A_337, %while3A_336 : i32
    %while3A_339 = arith.addi %while3A, %while3A_338 : i32
    %while3A_340 = arith.constant 1 : i32
    %while3A_341 = scf.for %while3A_1096 = %while3A to %while3A_339 step %while3A_340 iter_args(%while3A_1097 = %while3A_333) -> (i32)  : i32 {
      %mul3A_1098 = arith.constant 16 : i32
      %mul3A_1099 = arith.muli %while3A_1096, %mul3A_1098 : i32
      %dma_start3A_1100 = arith.constant 0 : i32
      %dma_start3A_1101 = tpu.memref_slice %arg10[%mul3A_1099, %dma_start3A_1100] : memref<544x128xf32, #tpu.memory_space<vmem>> -> memref<16x128xf32, #tpu.memory_space<vmem>>
      %dma_start3A_1102 = arith.constant 0 : i32
      %dma_start3A_1103 = tpu.memref_slice %arg15[%while3A_1096, %dma_start3A_1102] : memref<33x16xi32, #tpu.memory_space<vmem>> -> memref<1x16xi32, #tpu.memory_space<vmem>>
      %dma_start3A_1104 = tpu.memref_squeeze %dma_start3A_1103 : memref<1x16xi32, #tpu.memory_space<vmem>> -> memref<16xi32, #tpu.memory_space<vmem>>
      %dma_start3A_1105 = arith.constant 0 : i32
      %dma_start3A_1106 = arith.constant 0 : i32
      %dma_start3A_1107 = tpu.memref_slice %arg4[%dma_start3A_1105, %dma_start3A_1106] : memref<100000x128xf32, #tpu.memory_space<hbm>> -> memref<100000x128xf32, #tpu.memory_space<hbm>>
      tpu.enqueue_indirect_dma source(%dma_start3A_1107 : memref<100000x128xf32, #tpu.memory_space<hbm>>) target(%dma_start3A_1101 : memref<16x128xf32, #tpu.memory_space<vmem>>) offsets(%dma_start3A_1104 : memref<16xi32, #tpu.memory_space<vmem>>) semaphore(%arg22 : memref<!tpu.dma_semaphore, #tpu.memory_space<semaphore_mem>>)
      %while3A_1108 = arith.constant 0 : i32
      scf.yield %while3A_1108 : i32
    }
    %while3A_342 = arith.constant 1 : i32
    %while3A_343 = scf.for %while3A_1096 = %while3A_339 to %while3A_335 step %while3A_342 iter_args(%while3A_1097 = %while3A_341) -> (i32)  : i32 {
      %mul3A_1098 = arith.constant 16 : i32
      %mul3A_1099 = arith.muli %while3A_1096, %mul3A_1098 : i32
      %dma_start3A_1100 = arith.constant 0 : i32
      %dma_start3A_1101 = tpu.memref_slice %arg10[%mul3A_1099, %dma_start3A_1100] : memref<544x128xf32, #tpu.memory_space<vmem>> -> memref<16x128xf32, #tpu.memory_space<vmem>>
      %dma_start3A_1102 = arith.constant 0 : i32
      %dma_start3A_1103 = tpu.memref_slice %arg15[%while3A_1096, %dma_start3A_1102] : memref<33x16xi32, #tpu.memory_space<vmem>> -> memref<1x16xi32, #tpu.memory_space<vmem>>
      %dma_start3A_1104 = tpu.memref_squeeze %dma_start3A_1103 : memref<1x16xi32, #tpu.memory_space<vmem>> -> memref<16xi32, #tpu.memory_space<vmem>>
      %dma_start3A_1105 = arith.constant 0 : i32
      %dma_start3A_1106 = arith.constant 0 : i32
      %dma_start3A_1107 = tpu.memref_slice %arg4[%dma_start3A_1105, %dma_start3A_1106] : memref<100000x128xf32, #tpu.memory_space<hbm>> -> memref<100000x128xf32, #tpu.memory_space<hbm>>
      tpu.enqueue_indirect_dma source(%dma_start3A_1107 : memref<100000x128xf32, #tpu.memory_space<hbm>>) target(%dma_start3A_1101 : memref<16x128xf32, #tpu.memory_space<vmem>>) offsets(%dma_start3A_1104 : memref<16xi32, #tpu.memory_space<vmem>>) semaphore(%arg22 : memref<!tpu.dma_semaphore, #tpu.memory_space<semaphore_mem>>)
      %while3A_1108 = arith.constant 0 : i32
      scf.yield %while3A_1108 : i32
    }
    %broadcast_in_dim3A_344 = arith.constant 0.000000e+00 : f32
    "tpu.trace_stop"() : () -> ()
    "tpu.trace_start"() <{level = 10 : i32, message = "stats"}> : () -> ()
    %broadcast_in_dim3A_345 = vector.broadcast %broadcast_in_dim3A_344 : f32 to vector<16xf32>
    %scan3A_346 = arith.constant 0 : i32
    %scan3A_347 = arith.constant 8 : i32
    %scan3A_348 = arith.addi %scan3A_346, %scan3A_347 : i32
    %scan3A_349 = arith.constant 1 : i32
    %scan3A_350:3 = scf.for %scan3A_1096 = %scan3A_346 to %scan3A_348 step %scan3A_349 iter_args(%scan3A_1097 = %broadcast_in_dim3A_345, %scan3A_1098 = %broadcast_in_dim3A_345, %scan3A_1099 = %broadcast_in_dim3A_345) -> (vector<16xf32>, vector<16xf32>, vector<16xf32>)  : i32 {
      %mul3A_1100 = arith.constant 8 : i32
      %mul3A_1101 = arith.muli %scan3A_1096, %mul3A_1100 : i32
      %mul3A_1102 = arith.constant 16 : i32
      %mul3A_1103 = arith.muli %mul3A_1101, %mul3A_1102 : i32
      %add3A_1104 = arith.constant 0 : i32
      %add3A_1105 = arith.addi %mul3A_1103, %add3A_1104 : i32
      %get3A_1106 = arith.index_cast %add3A_1105 : i32 to index
      %get3A_1107 = tpu.vector_load %arg9[%get3A_1106] {strides = array<i32>} : memref<1024xf32, #tpu.memory_space<vmem>>, vector<16xf32>,
      %eq3A_1108 = arith.cmpf oeq, %get3A_1107, %get3A_1107 : vector<16xf32>
      %jit3A_1109 = arith.constant 0.000000e+00 : f32
      %broadcast_in_dim3A_1110 = vector.broadcast %jit3A_1109 : f32 to vector<16xf32>
      %select_n3A_1111 = arith.select %eq3A_1108, %get3A_1107, %broadcast_in_dim3A_1110 : vector<16xi1>, vector<16xf32>
      %add3A_1112 = arith.addf %scan3A_1097, %select_n3A_1111 : vector<16xf32>
      %mul3A_1113 = arith.mulf %select_n3A_1111, %select_n3A_1111 : vector<16xf32>
      %add3A_1114 = arith.addf %scan3A_1098, %mul3A_1113 : vector<16xf32>
      %jit3A_1115 = arith.constant 1.000000e+00 : f32
      %jit3A_1116 = arith.constant 0.000000e+00 : f32
      %broadcast_in_dim3A_1117 = vector.broadcast %jit3A_1115 : f32 to vector<16xf32>
      %broadcast_in_dim3A_1118 = vector.broadcast %jit3A_1116 : f32 to vector<16xf32>
      %select_n3A_1119 = arith.select %eq3A_1108, %broadcast_in_dim3A_1117, %broadcast_in_dim3A_1118 : vector<16xi1>, vector<16xf32>
      %add3A_1120 = arith.addf %scan3A_1099, %select_n3A_1119 : vector<16xf32>
      %mul3A_1121 = arith.constant 8 : i32
      %mul3A_1122 = arith.muli %scan3A_1096, %mul3A_1121 : i32
      %mul3A_1123 = arith.constant 16 : i32
      %mul3A_1124 = arith.muli %mul3A_1122, %mul3A_1123 : i32
      %add3A_1125 = arith.constant 16 : i32
      %add3A_1126 = arith.addi %mul3A_1124, %add3A_1125 : i32
      %get3A_1127 = arith.index_cast %add3A_1126 : i32 to index
      %get3A_1128 = tpu.vector_load %arg9[%get3A_1127] {strides = array<i32>} : memref<1024xf32, #tpu.memory_space<vmem>>, vector<16xf32>,
      %eq3A_1129 = arith.cmpf oeq, %get3A_1128, %get3A_1128 : vector<16xf32>
      %jit3A_1130 = arith.constant 0.000000e+00 : f32
      %broadcast_in_dim3A_1131 = vector.broadcast %jit3A_1130 : f32 to vector<16xf32>
      %select_n3A_1132 = arith.select %eq3A_1129, %get3A_1128, %broadcast_in_dim3A_1131 : vector<16xi1>, vector<16xf32>
      %add3A_1133 = arith.addf %add3A_1112, %select_n3A_1132 : vector<16xf32>
      %mul3A_1134 = arith.mulf %select_n3A_1132, %select_n3A_1132 : vector<16xf32>
      %add3A_1135 = arith.addf %add3A_1114, %mul3A_1134 : vector<16xf32>
      %jit3A_1136 = arith.constant 1.000000e+00 : f32
      %jit3A_1137 = arith.constant 0.000000e+00 : f32
      %broadcast_in_dim3A_1138 = vector.broadcast %jit3A_1136 : f32 to vector<16xf32>
      %broadcast_in_dim3A_1139 = vector.broadcast %jit3A_1137 : f32 to vector<16xf32>
      %select_n3A_1140 = arith.select %eq3A_1129, %broadcast_in_dim3A_1138, %broadcast_in_dim3A_1139 : vector<16xi1>, vector<16xf32>
      %add3A_1141 = arith.addf %add3A_1120, %select_n3A_1140 : vector<16xf32>
      %mul3A_1142 = arith.constant 8 : i32
      %mul3A_1143 = arith.muli %scan3A_1096, %mul3A_1142 : i32
      %mul3A_1144 = arith.constant 16 : i32
      %mul3A_1145 = arith.muli %mul3A_1143, %mul3A_1144 : i32
      %add3A_1146 = arith.constant 32 : i32
      %add3A_1147 = arith.addi %mul3A_1145, %add3A_1146 : i32
      %get3A_1148 = arith.index_cast %add3A_1147 : i32 to index
      %get3A_1149 = tpu.vector_load %arg9[%get3A_1148] {strides = array<i32>} : memref<1024xf32, #tpu.memory_space<vmem>>, vector<16xf32>,
      %eq3A_1150 = arith.cmpf oeq, %get3A_1149, %get3A_1149 : vector<16xf32>
      %jit3A_1151 = arith.constant 0.000000e+00 : f32
      %broadcast_in_dim3A_1152 = vector.broadcast %jit3A_1151 : f32 to vector<16xf32>
      %select_n3A_1153 = arith.select %eq3A_1150, %get3A_1149, %broadcast_in_dim3A_1152 : vector<16xi1>, vector<16xf32>
      %add3A_1154 = arith.addf %add3A_1133, %select_n3A_1153 : vector<16xf32>
      %mul3A_1155 = arith.mulf %select_n3A_1153, %select_n3A_1153 : vector<16xf32>
      %add3A_1156 = arith.addf %add3A_1135, %mul3A_1155 : vector<16xf32>
      %jit3A_1157 = arith.constant 1.000000e+00 : f32
      %jit3A_1158 = arith.constant 0.000000e+00 : f32
      %broadcast_in_dim3A_1159 = vector.broadcast %jit3A_1157 : f32 to vector<16xf32>
      %broadcast_in_dim3A_1160 = vector.broadcast %jit3A_1158 : f32 to vector<16xf32>
      %select_n3A_1161 = arith.select %eq3A_1150, %broadcast_in_dim3A_1159, %broadcast_in_dim3A_1160 : vector<16xi1>, vector<16xf32>
      %add3A_1162 = arith.addf %add3A_1141, %select_n3A_1161 : vector<16xf32>
      %mul3A_1163 = arith.constant 8 : i32
      %mul3A_1164 = arith.muli %scan3A_1096, %mul3A_1163 : i32
      %mul3A_1165 = arith.constant 16 : i32
      %mul3A_1166 = arith.muli %mul3A_1164, %mul3A_1165 : i32
      %add3A_1167 = arith.constant 48 : i32
      %add3A_1168 = arith.addi %mul3A_1166, %add3A_1167 : i32
      %get3A_1169 = arith.index_cast %add3A_1168 : i32 to index
      %get3A_1170 = tpu.vector_load %arg9[%get3A_1169] {strides = array<i32>} : memref<1024xf32, #tpu.memory_space<vmem>>, vector<16xf32>,
      %eq3A_1171 = arith.cmpf oeq, %get3A_1170, %get3A_1170 : vector<16xf32>
      %jit3A_1172 = arith.constant 0.000000e+00 : f32
      %broadcast_in_dim3A_1173 = vector.broadcast %jit3A_1172 : f32 to vector<16xf32>
      %select_n3A_1174 = arith.select %eq3A_1171, %get3A_1170, %broadcast_in_dim3A_1173 : vector<16xi1>, vector<16xf32>
      %add3A_1175 = arith.addf %add3A_1154, %select_n3A_1174 : vector<16xf32>
      %mul3A_1176 = arith.mulf %select_n3A_1174, %select_n3A_1174 : vector<16xf32>
      %add3A_1177 = arith.addf %add3A_1156, %mul3A_1176 : vector<16xf32>
      %jit3A_1178 = arith.constant 1.000000e+00 : f32
      %jit3A_1179 = arith.constant 0.000000e+00 : f32
      %broadcast_in_dim3A_1180 = vector.broadcast %jit3A_1178 : f32 to vector<16xf32>
      %broadcast_in_dim3A_1181 = vector.broadcast %jit3A_1179 : f32 to vector<16xf32>
      %select_n3A_1182 = arith.select %eq3A_1171, %broadcast_in_dim3A_1180, %broadcast_in_dim3A_1181 : vector<16xi1>, vector<16xf32>
      %add3A_1183 = arith.addf %add3A_1162, %select_n3A_1182 : vector<16xf32>
      %mul3A_1184 = arith.constant 8 : i32
      %mul3A_1185 = arith.muli %scan3A_1096, %mul3A_1184 : i32
      %mul3A_1186 = arith.constant 16 : i32
      %mul3A_1187 = arith.muli %mul3A_1185, %mul3A_1186 : i32
      %add3A_1188 = arith.constant 64 : i32
      %add3A_1189 = arith.addi %mul3A_1187, %add3A_1188 : i32
      %get3A_1190 = arith.index_cast %add3A_1189 : i32 to index
      %get3A_1191 = tpu.vector_load %arg9[%get3A_1190] {strides = array<i32>} : memref<1024xf32, #tpu.memory_space<vmem>>, vector<16xf32>,
      %eq3A_1192 = arith.cmpf oeq, %get3A_1191, %get3A_1191 : vector<16xf32>
      %jit3A_1193 = arith.constant 0.000000e+00 : f32
      %broadcast_in_dim3A_1194 = vector.broadcast %jit3A_1193 : f32 to vector<16xf32>
      %select_n3A_1195 = arith.select %eq3A_1192, %get3A_1191, %broadcast_in_dim3A_1194 : vector<16xi1>, vector<16xf32>
      %add3A_1196 = arith.addf %add3A_1175, %select_n3A_1195 : vector<16xf32>
      %mul3A_1197 = arith.mulf %select_n3A_1195, %select_n3A_1195 : vector<16xf32>
      %add3A_1198 = arith.addf %add3A_1177, %mul3A_1197 : vector<16xf32>
      %jit3A_1199 = arith.constant 1.000000e+00 : f32
      %jit3A_1200 = arith.constant 0.000000e+00 : f32
      %broadcast_in_dim3A_1201 = vector.broadcast %jit3A_1199 : f32 to vector<16xf32>
      %broadcast_in_dim3A_1202 = vector.broadcast %jit3A_1200 : f32 to vector<16xf32>
      %select_n3A_1203 = arith.select %eq3A_1192, %broadcast_in_dim3A_1201, %broadcast_in_dim3A_1202 : vector<16xi1>, vector<16xf32>
      %add3A_1204 = arith.addf %add3A_1183, %select_n3A_1203 : vector<16xf32>
      %mul3A_1205 = arith.constant 8 : i32
      %mul3A_1206 = arith.muli %scan3A_1096, %mul3A_1205 : i32
      %mul3A_1207 = arith.constant 16 : i32
      %mul3A_1208 = arith.muli %mul3A_1206, %mul3A_1207 : i32
      %add3A_1209 = arith.constant 80 : i32
      %add3A_1210 = arith.addi %mul3A_1208, %add3A_1209 : i32
      %get3A_1211 = arith.index_cast %add3A_1210 : i32 to index
      %get3A_1212 = tpu.vector_load %arg9[%get3A_1211] {strides = array<i32>} : memref<1024xf32, #tpu.memory_space<vmem>>, vector<16xf32>,
      %eq3A_1213 = arith.cmpf oeq, %get3A_1212, %get3A_1212 : vector<16xf32>
      %jit3A_1214 = arith.constant 0.000000e+00 : f32
      %broadcast_in_dim3A_1215 = vector.broadcast %jit3A_1214 : f32 to vector<16xf32>
      %select_n3A_1216 = arith.select %eq3A_1213, %get3A_1212, %broadcast_in_dim3A_1215 : vector<16xi1>, vector<16xf32>
      %add3A_1217 = arith.addf %add3A_1196, %select_n3A_1216 : vector<16xf32>
      %mul3A_1218 = arith.mulf %select_n3A_1216, %select_n3A_1216 : vector<16xf32>
      %add3A_1219 = arith.addf %add3A_1198, %mul3A_1218 : vector<16xf32>
      %jit3A_1220 = arith.constant 1.000000e+00 : f32
      %jit3A_1221 = arith.constant 0.000000e+00 : f32
      %broadcast_in_dim3A_1222 = vector.broadcast %jit3A_1220 : f32 to vector<16xf32>
      %broadcast_in_dim3A_1223 = vector.broadcast %jit3A_1221 : f32 to vector<16xf32>
      %select_n3A_1224 = arith.select %eq3A_1213, %broadcast_in_dim3A_1222, %broadcast_in_dim3A_1223 : vector<16xi1>, vector<16xf32>
      %add3A_1225 = arith.addf %add3A_1204, %select_n3A_1224 : vector<16xf32>
      %mul3A_1226 = arith.constant 8 : i32
      %mul3A_1227 = arith.muli %scan3A_1096, %mul3A_1226 : i32
      %mul3A_1228 = arith.constant 16 : i32
      %mul3A_1229 = arith.muli %mul3A_1227, %mul3A_1228 : i32
      %add3A_1230 = arith.constant 96 : i32
      %add3A_1231 = arith.addi %mul3A_1229, %add3A_1230 : i32
      %get3A_1232 = arith.index_cast %add3A_1231 : i32 to index
      %get3A_1233 = tpu.vector_load %arg9[%get3A_1232] {strides = array<i32>} : memref<1024xf32, #tpu.memory_space<vmem>>, vector<16xf32>,
      %eq3A_1234 = arith.cmpf oeq, %get3A_1233, %get3A_1233 : vector<16xf32>
      %jit3A_1235 = arith.constant 0.000000e+00 : f32
      %broadcast_in_dim3A_1236 = vector.broadcast %jit3A_1235 : f32 to vector<16xf32>
      %select_n3A_1237 = arith.select %eq3A_1234, %get3A_1233, %broadcast_in_dim3A_1236 : vector<16xi1>, vector<16xf32>
      %add3A_1238 = arith.addf %add3A_1217, %select_n3A_1237 : vector<16xf32>
      %mul3A_1239 = arith.mulf %select_n3A_1237, %select_n3A_1237 : vector<16xf32>
      %add3A_1240 = arith.addf %add3A_1219, %mul3A_1239 : vector<16xf32>
      %jit3A_1241 = arith.constant 1.000000e+00 : f32
      %jit3A_1242 = arith.constant 0.000000e+00 : f32
      %broadcast_in_dim3A_1243 = vector.broadcast %jit3A_1241 : f32 to vector<16xf32>
      %broadcast_in_dim3A_1244 = vector.broadcast %jit3A_1242 : f32 to vector<16xf32>
      %select_n3A_1245 = arith.select %eq3A_1234, %broadcast_in_dim3A_1243, %broadcast_in_dim3A_1244 : vector<16xi1>, vector<16xf32>
      %add3A_1246 = arith.addf %add3A_1225, %select_n3A_1245 : vector<16xf32>
      %mul3A_1247 = arith.constant 8 : i32
      %mul3A_1248 = arith.muli %scan3A_1096, %mul3A_1247 : i32
      %mul3A_1249 = arith.constant 16 : i32
      %mul3A_1250 = arith.muli %mul3A_1248, %mul3A_1249 : i32
      %add3A_1251 = arith.constant 112 : i32
      %add3A_1252 = arith.addi %mul3A_1250, %add3A_1251 : i32
      %get3A_1253 = arith.index_cast %add3A_1252 : i32 to index
      %get3A_1254 = tpu.vector_load %arg9[%get3A_1253] {strides = array<i32>} : memref<1024xf32, #tpu.memory_space<vmem>>, vector<16xf32>,
      %eq3A_1255 = arith.cmpf oeq, %get3A_1254, %get3A_1254 : vector<16xf32>
      %jit3A_1256 = arith.constant 0.000000e+00 : f32
      %broadcast_in_dim3A_1257 = vector.broadcast %jit3A_1256 : f32 to vector<16xf32>
      %select_n3A_1258 = arith.select %eq3A_1255, %get3A_1254, %broadcast_in_dim3A_1257 : vector<16xi1>, vector<16xf32>
      %add3A_1259 = arith.addf %add3A_1238, %select_n3A_1258 : vector<16xf32>
      %mul3A_1260 = arith.mulf %select_n3A_1258, %select_n3A_1258 : vector<16xf32>
      %add3A_1261 = arith.addf %add3A_1240, %mul3A_1260 : vector<16xf32>
      %jit3A_1262 = arith.constant 1.000000e+00 : f32
      %jit3A_1263 = arith.constant 0.000000e+00 : f32
      %broadcast_in_dim3A_1264 = vector.broadcast %jit3A_1262 : f32 to vector<16xf32>
      %broadcast_in_dim3A_1265 = vector.broadcast %jit3A_1263 : f32 to vector<16xf32>
      %select_n3A_1266 = arith.select %eq3A_1255, %broadcast_in_dim3A_1264, %broadcast_in_dim3A_1265 : vector<16xi1>, vector<16xf32>
      %add3A_1267 = arith.addf %add3A_1246, %select_n3A_1266 : vector<16xf32>
      scf.yield %add3A_1259, %add3A_1261, %add3A_1267 : vector<16xf32>, vector<16xf32>, vector<16xf32>
    }
    %scan3A_351 = arith.constant 8 : i32
    %eq3A = arith.constant 0 : i32
    "tpu.trace_stop"() : () -> ()
    "tpu.trace_start"() <{level = 10 : i32, message = "xchg"}> : () -> ()
    %eq3A_352 = vector.broadcast %eq3A : i32 to vector<16xi32>
    %eq3A_353 = arith.cmpi eq, %iota3A, %eq3A_352 : vector<16xi32>
    %xor3A = arith.constant 1 : i32
    %xor3A_354 = vector.broadcast %xor3A : i32 to vector<16xi32>
    %xor3A_355 = arith.xori %iota3A, %xor3A_354 : vector<16xi32>
    %lt3A = arith.constant 0 : i32
    %lt3A_356 = vector.broadcast %lt3A : i32 to vector<16xi32>
    %lt3A_357 = arith.cmpi slt, %xor3A_355, %lt3A_356 : vector<16xi32>
    %add3A_358 = arith.constant 16 : i32
    %add3A_359 = vector.broadcast %add3A_358 : i32 to vector<16xi32>
    %add3A_360 = arith.addi %xor3A_355, %add3A_359 : vector<16xi32>
    %select_n3A_361 = arith.select %lt3A_357, %add3A_360, %xor3A_355 : vector<16xi1>, vector<16xi32>
    %broadcast_in_dim3A_362 = vector.shape_cast %select_n3A_361 : vector<16xi32> to vector<16x1xi32>
    %gather3A = vector.shape_cast %broadcast_in_dim3A_362 : vector<16x1xi32> to vector<16xi32>
    %gather3A_363 = tpu.dynamic_gather %scan3A_350#0[%gather3A] in [0] : vector<16xf32>, vector<16xi32> -> vector<16xf32>
    %add3A_364 = arith.addf %scan3A_350#0, %gather3A_363 : vector<16xf32>
    %xor3A_365 = arith.constant 2 : i32
    %xor3A_366 = vector.broadcast %xor3A_365 : i32 to vector<16xi32>
    %xor3A_367 = arith.xori %iota3A, %xor3A_366 : vector<16xi32>
    %lt3A_368 = arith.constant 0 : i32
    %lt3A_369 = vector.broadcast %lt3A_368 : i32 to vector<16xi32>
    %lt3A_370 = arith.cmpi slt, %xor3A_367, %lt3A_369 : vector<16xi32>
    %add3A_371 = arith.constant 16 : i32
    %add3A_372 = vector.broadcast %add3A_371 : i32 to vector<16xi32>
    %add3A_373 = arith.addi %xor3A_367, %add3A_372 : vector<16xi32>
    %select_n3A_374 = arith.select %lt3A_370, %add3A_373, %xor3A_367 : vector<16xi1>, vector<16xi32>
    %broadcast_in_dim3A_375 = vector.shape_cast %select_n3A_374 : vector<16xi32> to vector<16x1xi32>
    %gather3A_376 = vector.shape_cast %broadcast_in_dim3A_375 : vector<16x1xi32> to vector<16xi32>
    %gather3A_377 = tpu.dynamic_gather %add3A_364[%gather3A_376] in [0] : vector<16xf32>, vector<16xi32> -> vector<16xf32>
    %add3A_378 = arith.addf %add3A_364, %gather3A_377 : vector<16xf32>
    %xor3A_379 = arith.constant 4 : i32
    %xor3A_380 = vector.broadcast %xor3A_379 : i32 to vector<16xi32>
    %xor3A_381 = arith.xori %iota3A, %xor3A_380 : vector<16xi32>
    %lt3A_382 = arith.constant 0 : i32
    %lt3A_383 = vector.broadcast %lt3A_382 : i32 to vector<16xi32>
    %lt3A_384 = arith.cmpi slt, %xor3A_381, %lt3A_383 : vector<16xi32>
    %add3A_385 = arith.constant 16 : i32
    %add3A_386 = vector.broadcast %add3A_385 : i32 to vector<16xi32>
    %add3A_387 = arith.addi %xor3A_381, %add3A_386 : vector<16xi32>
    %select_n3A_388 = arith.select %lt3A_384, %add3A_387, %xor3A_381 : vector<16xi1>, vector<16xi32>
    %broadcast_in_dim3A_389 = vector.shape_cast %select_n3A_388 : vector<16xi32> to vector<16x1xi32>
    %gather3A_390 = vector.shape_cast %broadcast_in_dim3A_389 : vector<16x1xi32> to vector<16xi32>
    %gather3A_391 = tpu.dynamic_gather %add3A_378[%gather3A_390] in [0] : vector<16xf32>, vector<16xi32> -> vector<16xf32>
    %add3A_392 = arith.addf %add3A_378, %gather3A_391 : vector<16xf32>
    %xor3A_393 = arith.constant 8 : i32
    %xor3A_394 = vector.broadcast %xor3A_393 : i32 to vector<16xi32>
    %xor3A_395 = arith.xori %iota3A, %xor3A_394 : vector<16xi32>
    %lt3A_396 = arith.constant 0 : i32
    %lt3A_397 = vector.broadcast %lt3A_396 : i32 to vector<16xi32>
    %lt3A_398 = arith.cmpi slt, %xor3A_395, %lt3A_397 : vector<16xi32>
    %add3A_399 = arith.constant 16 : i32
    %add3A_400 = vector.broadcast %add3A_399 : i32 to vector<16xi32>
    %add3A_401 = arith.addi %xor3A_395, %add3A_400 : vector<16xi32>
    %select_n3A_402 = arith.select %lt3A_398, %add3A_401, %xor3A_395 : vector<16xi1>, vector<16xi32>
    %broadcast_in_dim3A_403 = vector.shape_cast %select_n3A_402 : vector<16xi32> to vector<16x1xi32>
    %gather3A_404 = vector.shape_cast %broadcast_in_dim3A_403 : vector<16x1xi32> to vector<16xi32>
    %gather3A_405 = tpu.dynamic_gather %add3A_392[%gather3A_404] in [0] : vector<16xf32>, vector<16xi32> -> vector<16xf32>
    %add3A_406 = arith.addf %add3A_392, %gather3A_405 : vector<16xf32>
    %eq3A_407 = arith.constant 1 : i32
    %eq3A_408 = vector.broadcast %eq3A_407 : i32 to vector<16xi32>
    %eq3A_409 = arith.cmpi eq, %iota3A, %eq3A_408 : vector<16xi32>
    %xor3A_410 = arith.constant 1 : i32
    %xor3A_411 = vector.broadcast %xor3A_410 : i32 to vector<16xi32>
    %xor3A_412 = arith.xori %iota3A, %xor3A_411 : vector<16xi32>
    %lt3A_413 = arith.constant 0 : i32
    %lt3A_414 = vector.broadcast %lt3A_413 : i32 to vector<16xi32>
    %lt3A_415 = arith.cmpi slt, %xor3A_412, %lt3A_414 : vector<16xi32>
    %add3A_416 = arith.constant 16 : i32
    %add3A_417 = vector.broadcast %add3A_416 : i32 to vector<16xi32>
    %add3A_418 = arith.addi %xor3A_412, %add3A_417 : vector<16xi32>
    %select_n3A_419 = arith.select %lt3A_415, %add3A_418, %xor3A_412 : vector<16xi1>, vector<16xi32>
    %broadcast_in_dim3A_420 = vector.shape_cast %select_n3A_419 : vector<16xi32> to vector<16x1xi32>
    %gather3A_421 = vector.shape_cast %broadcast_in_dim3A_420 : vector<16x1xi32> to vector<16xi32>
    %gather3A_422 = tpu.dynamic_gather %scan3A_350#1[%gather3A_421] in [0] : vector<16xf32>, vector<16xi32> -> vector<16xf32>
    %add3A_423 = arith.addf %scan3A_350#1, %gather3A_422 : vector<16xf32>
    %xor3A_424 = arith.constant 2 : i32
    %xor3A_425 = vector.broadcast %xor3A_424 : i32 to vector<16xi32>
    %xor3A_426 = arith.xori %iota3A, %xor3A_425 : vector<16xi32>
    %lt3A_427 = arith.constant 0 : i32
    %lt3A_428 = vector.broadcast %lt3A_427 : i32 to vector<16xi32>
    %lt3A_429 = arith.cmpi slt, %xor3A_426, %lt3A_428 : vector<16xi32>
    %add3A_430 = arith.constant 16 : i32
    %add3A_431 = vector.broadcast %add3A_430 : i32 to vector<16xi32>
    %add3A_432 = arith.addi %xor3A_426, %add3A_431 : vector<16xi32>
    %select_n3A_433 = arith.select %lt3A_429, %add3A_432, %xor3A_426 : vector<16xi1>, vector<16xi32>
    %broadcast_in_dim3A_434 = vector.shape_cast %select_n3A_433 : vector<16xi32> to vector<16x1xi32>
    %gather3A_435 = vector.shape_cast %broadcast_in_dim3A_434 : vector<16x1xi32> to vector<16xi32>
    %gather3A_436 = tpu.dynamic_gather %add3A_423[%gather3A_435] in [0] : vector<16xf32>, vector<16xi32> -> vector<16xf32>
    %add3A_437 = arith.addf %add3A_423, %gather3A_436 : vector<16xf32>
    %xor3A_438 = arith.constant 4 : i32
    %xor3A_439 = vector.broadcast %xor3A_438 : i32 to vector<16xi32>
    %xor3A_440 = arith.xori %iota3A, %xor3A_439 : vector<16xi32>
    %lt3A_441 = arith.constant 0 : i32
    %lt3A_442 = vector.broadcast %lt3A_441 : i32 to vector<16xi32>
    %lt3A_443 = arith.cmpi slt, %xor3A_440, %lt3A_442 : vector<16xi32>
    %add3A_444 = arith.constant 16 : i32
    %add3A_445 = vector.broadcast %add3A_444 : i32 to vector<16xi32>
    %add3A_446 = arith.addi %xor3A_440, %add3A_445 : vector<16xi32>
    %select_n3A_447 = arith.select %lt3A_443, %add3A_446, %xor3A_440 : vector<16xi1>, vector<16xi32>
    %broadcast_in_dim3A_448 = vector.shape_cast %select_n3A_447 : vector<16xi32> to vector<16x1xi32>
    %gather3A_449 = vector.shape_cast %broadcast_in_dim3A_448 : vector<16x1xi32> to vector<16xi32>
    %gather3A_450 = tpu.dynamic_gather %add3A_437[%gather3A_449] in [0] : vector<16xf32>, vector<16xi32> -> vector<16xf32>
    %add3A_451 = arith.addf %add3A_437, %gather3A_450 : vector<16xf32>
    %xor3A_452 = arith.constant 8 : i32
    %xor3A_453 = vector.broadcast %xor3A_452 : i32 to vector<16xi32>
    %xor3A_454 = arith.xori %iota3A, %xor3A_453 : vector<16xi32>
    %lt3A_455 = arith.constant 0 : i32
    %lt3A_456 = vector.broadcast %lt3A_455 : i32 to vector<16xi32>
    %lt3A_457 = arith.cmpi slt, %xor3A_454, %lt3A_456 : vector<16xi32>
    %add3A_458 = arith.constant 16 : i32
    %add3A_459 = vector.broadcast %add3A_458 : i32 to vector<16xi32>
    %add3A_460 = arith.addi %xor3A_454, %add3A_459 : vector<16xi32>
    %select_n3A_461 = arith.select %lt3A_457, %add3A_460, %xor3A_454 : vector<16xi1>, vector<16xi32>
    %broadcast_in_dim3A_462 = vector.shape_cast %select_n3A_461 : vector<16xi32> to vector<16x1xi32>
    %gather3A_463 = vector.shape_cast %broadcast_in_dim3A_462 : vector<16x1xi32> to vector<16xi32>
    %gather3A_464 = tpu.dynamic_gather %add3A_451[%gather3A_463] in [0] : vector<16xf32>, vector<16xi32> -> vector<16xf32>
    %add3A_465 = arith.addf %add3A_451, %gather3A_464 : vector<16xf32>
    %xor3A_466 = arith.constant 1 : i32
    %xor3A_467 = vector.broadcast %xor3A_466 : i32 to vector<16xi32>
    %xor3A_468 = arith.xori %iota3A, %xor3A_467 : vector<16xi32>
    %lt3A_469 = arith.constant 0 : i32
    %lt3A_470 = vector.broadcast %lt3A_469 : i32 to vector<16xi32>
    %lt3A_471 = arith.cmpi slt, %xor3A_468, %lt3A_470 : vector<16xi32>
    %add3A_472 = arith.constant 16 : i32
    %add3A_473 = vector.broadcast %add3A_472 : i32 to vector<16xi32>
    %add3A_474 = arith.addi %xor3A_468, %add3A_473 : vector<16xi32>
    %select_n3A_475 = arith.select %lt3A_471, %add3A_474, %xor3A_468 : vector<16xi1>, vector<16xi32>
    %broadcast_in_dim3A_476 = vector.shape_cast %select_n3A_475 : vector<16xi32> to vector<16x1xi32>
    %gather3A_477 = vector.shape_cast %broadcast_in_dim3A_476 : vector<16x1xi32> to vector<16xi32>
    %gather3A_478 = tpu.dynamic_gather %scan3A_350#2[%gather3A_477] in [0] : vector<16xf32>, vector<16xi32> -> vector<16xf32>
    %add3A_479 = arith.addf %scan3A_350#2, %gather3A_478 : vector<16xf32>
    %xor3A_480 = arith.constant 2 : i32
    %xor3A_481 = vector.broadcast %xor3A_480 : i32 to vector<16xi32>
    %xor3A_482 = arith.xori %iota3A, %xor3A_481 : vector<16xi32>
    %lt3A_483 = arith.constant 0 : i32
    %lt3A_484 = vector.broadcast %lt3A_483 : i32 to vector<16xi32>
    %lt3A_485 = arith.cmpi slt, %xor3A_482, %lt3A_484 : vector<16xi32>
    %add3A_486 = arith.constant 16 : i32
    %add3A_487 = vector.broadcast %add3A_486 : i32 to vector<16xi32>
    %add3A_488 = arith.addi %xor3A_482, %add3A_487 : vector<16xi32>
    %select_n3A_489 = arith.select %lt3A_485, %add3A_488, %xor3A_482 : vector<16xi1>, vector<16xi32>
    %broadcast_in_dim3A_490 = vector.shape_cast %select_n3A_489 : vector<16xi32> to vector<16x1xi32>
    %gather3A_491 = vector.shape_cast %broadcast_in_dim3A_490 : vector<16x1xi32> to vector<16xi32>
    %gather3A_492 = tpu.dynamic_gather %add3A_479[%gather3A_491] in [0] : vector<16xf32>, vector<16xi32> -> vector<16xf32>
    %add3A_493 = arith.addf %add3A_479, %gather3A_492 : vector<16xf32>
    %xor3A_494 = arith.constant 4 : i32
    %xor3A_495 = vector.broadcast %xor3A_494 : i32 to vector<16xi32>
    %xor3A_496 = arith.xori %iota3A, %xor3A_495 : vector<16xi32>
    %lt3A_497 = arith.constant 0 : i32
    %lt3A_498 = vector.broadcast %lt3A_497 : i32 to vector<16xi32>
    %lt3A_499 = arith.cmpi slt, %xor3A_496, %lt3A_498 : vector<16xi32>
    %add3A_500 = arith.constant 16 : i32
    %add3A_501 = vector.broadcast %add3A_500 : i32 to vector<16xi32>
    %add3A_502 = arith.addi %xor3A_496, %add3A_501 : vector<16xi32>
    %select_n3A_503 = arith.select %lt3A_499, %add3A_502, %xor3A_496 : vector<16xi1>, vector<16xi32>
    %broadcast_in_dim3A_504 = vector.shape_cast %select_n3A_503 : vector<16xi32> to vector<16x1xi32>
    %gather3A_505 = vector.shape_cast %broadcast_in_dim3A_504 : vector<16x1xi32> to vector<16xi32>
    %gather3A_506 = tpu.dynamic_gather %add3A_493[%gather3A_505] in [0] : vector<16xf32>, vector<16xi32> -> vector<16xf32>
    %add3A_507 = arith.addf %add3A_493, %gather3A_506 : vector<16xf32>
    %xor3A_508 = arith.constant 8 : i32
    %xor3A_509 = vector.broadcast %xor3A_508 : i32 to vector<16xi32>
    %xor3A_510 = arith.xori %iota3A, %xor3A_509 : vector<16xi32>
    %lt3A_511 = arith.constant 0 : i32
    %lt3A_512 = vector.broadcast %lt3A_511 : i32 to vector<16xi32>
    %lt3A_513 = arith.cmpi slt, %xor3A_510, %lt3A_512 : vector<16xi32>
    %add3A_514 = arith.constant 16 : i32
    %add3A_515 = vector.broadcast %add3A_514 : i32 to vector<16xi32>
    %add3A_516 = arith.addi %xor3A_510, %add3A_515 : vector<16xi32>
    %select_n3A_517 = arith.select %lt3A_513, %add3A_516, %xor3A_510 : vector<16xi1>, vector<16xi32>
    %broadcast_in_dim3A_518 = vector.shape_cast %select_n3A_517 : vector<16xi32> to vector<16x1xi32>
    %gather3A_519 = vector.shape_cast %broadcast_in_dim3A_518 : vector<16x1xi32> to vector<16xi32>
    %gather3A_520 = tpu.dynamic_gather %add3A_507[%gather3A_519] in [0] : vector<16xf32>, vector<16xi32> -> vector<16xf32>
    %add3A_521 = arith.addf %add3A_507, %gather3A_520 : vector<16xf32>
    %select_n3A_522 = arith.select %eq3A_409, %add3A_465, %add3A_521 : vector<16xi1>, vector<16xf32>
    %select_n3A_523 = arith.select %eq3A_353, %add3A_406, %select_n3A_522 : vector<16xi1>, vector<16xf32>
    %swap3A_524 = arith.constant 0 : index
    %swap3A_525 = tpu.vector_load %arg19[%swap3A_524] {strides = array<i32>} : memref<16xf32, #tpu.memory_space<vmem>>, vector<16xf32>,
    tpu.vector_store %arg19[%swap3A_524], %select_n3A_523 {strides = array<i32>} : memref<16xf32, #tpu.memory_space<vmem>>, vector<16xf32>,
    %mul3A_526 = arith.constant 16 : i32
    %mul3A_527 = arith.muli %arg1, %mul3A_526 : i32
    "tpu.region"() ({
      %run_scoped3A = tpu.sem_alloc : memref<!tpu.dma_semaphore, #tpu.memory_space<semaphore_mem>>
      %dma_start3A_1096 = tpu.memref_slice %arg21[%mul3A_527] : memref<256xf32, #tpu.memory_space<vmem_shared>> -> memref<16xf32, #tpu.memory_space<vmem_shared>>
      %dma_start3A_1097 = tpu.memref_slice %arg21[%mul3A_527] : memref<256xf32, #tpu.memory_space<vmem_shared>> -> memref<16xf32, #tpu.memory_space<vmem_shared>>
      tpu.enqueue_dma source(%arg19 : memref<16xf32, #tpu.memory_space<vmem>>) target(%dma_start3A_1097 : memref<16xf32, #tpu.memory_space<vmem_shared>>) target_semaphore(%run_scoped3A : memref<!tpu.dma_semaphore, #tpu.memory_space<semaphore_mem>>)
      %dma_wait3A_1098 = tpu.memref_slice %arg21[%mul3A_527] : memref<256xf32, #tpu.memory_space<vmem_shared>> -> memref<16xf32, #tpu.memory_space<vmem_shared>>
      %dma_wait3A_1099 = tpu.memref_slice %arg21[%mul3A_527] : memref<256xf32, #tpu.memory_space<vmem_shared>> -> memref<16xf32, #tpu.memory_space<vmem_shared>>
      tpu.wait_dma2 semaphore(%run_scoped3A : memref<!tpu.dma_semaphore, #tpu.memory_space<semaphore_mem>>) src(%arg19 : memref<16xf32, #tpu.memory_space<vmem>>) dst(%dma_wait3A_1099 : memref<16xf32, #tpu.memory_space<vmem_shared>>)
      tpu.yield
    }) : () -> ()
    %barrier3A = arith.constant 0 : index
    tpu.barrier barrier_id(%barrier3A)
    "tpu.region"() ({
      %run_scoped3A = tpu.sem_alloc : memref<!tpu.dma_semaphore, #tpu.memory_space<semaphore_mem>>
      tpu.enqueue_dma source(%arg21 : memref<256xf32, #tpu.memory_space<vmem_shared>>) target(%arg20 : memref<256xf32, #tpu.memory_space<vmem>>) target_semaphore(%run_scoped3A : memref<!tpu.dma_semaphore, #tpu.memory_space<semaphore_mem>>)
      tpu.wait_dma2 semaphore(%run_scoped3A : memref<!tpu.dma_semaphore, #tpu.memory_space<semaphore_mem>>) src(%arg21 : memref<256xf32, #tpu.memory_space<vmem_shared>>) dst(%arg20 : memref<256xf32, #tpu.memory_space<vmem>>)
      tpu.yield
    }) : () -> ()
    %get3A_528 = arith.constant 0 : index
    %get3A_529 = tpu.vector_load %arg20[%get3A_528] {strides = array<i32>} : memref<256xf32, #tpu.memory_space<vmem>>, vector<16xf32>,
    %get3A_530 = arith.constant 16 : index
    %get3A_531 = tpu.vector_load %arg20[%get3A_530] {strides = array<i32>} : memref<256xf32, #tpu.memory_space<vmem>>, vector<16xf32>,
    %add3A_532 = arith.addf %get3A_529, %get3A_531 : vector<16xf32>
    %get3A_533 = arith.constant 32 : index
    %get3A_534 = tpu.vector_load %arg20[%get3A_533] {strides = array<i32>} : memref<256xf32, #tpu.memory_space<vmem>>, vector<16xf32>,
    %add3A_535 = arith.addf %add3A_532, %get3A_534 : vector<16xf32>
    %get3A_536 = arith.constant 48 : index
    %get3A_537 = tpu.vector_load %arg20[%get3A_536] {strides = array<i32>} : memref<256xf32, #tpu.memory_space<vmem>>, vector<16xf32>,
    %add3A_538 = arith.addf %add3A_535, %get3A_537 : vector<16xf32>
    %get3A_539 = arith.constant 64 : index
    %get3A_540 = tpu.vector_load %arg20[%get3A_539] {strides = array<i32>} : memref<256xf32, #tpu.memory_space<vmem>>, vector<16xf32>,
    %add3A_541 = arith.addf %add3A_538, %get3A_540 : vector<16xf32>
    %get3A_542 = arith.constant 80 : index
    %get3A_543 = tpu.vector_load %arg20[%get3A_542] {strides = array<i32>} : memref<256xf32, #tpu.memory_space<vmem>>, vector<16xf32>,
    %add3A_544 = arith.addf %add3A_541, %get3A_543 : vector<16xf32>
    %get3A_545 = arith.constant 96 : index
    %get3A_546 = tpu.vector_load %arg20[%get3A_545] {strides = array<i32>} : memref<256xf32, #tpu.memory_space<vmem>>, vector<16xf32>,
    %add3A_547 = arith.addf %add3A_544, %get3A_546 : vector<16xf32>
    %get3A_548 = arith.constant 112 : index
    %get3A_549 = tpu.vector_load %arg20[%get3A_548] {strides = array<i32>} : memref<256xf32, #tpu.memory_space<vmem>>, vector<16xf32>,
    %add3A_550 = arith.addf %add3A_547, %get3A_549 : vector<16xf32>
    %get3A_551 = arith.constant 128 : index
    %get3A_552 = tpu.vector_load %arg20[%get3A_551] {strides = array<i32>} : memref<256xf32, #tpu.memory_space<vmem>>, vector<16xf32>,
    %add3A_553 = arith.addf %add3A_550, %get3A_552 : vector<16xf32>
    %get3A_554 = arith.constant 144 : index
    %get3A_555 = tpu.vector_load %arg20[%get3A_554] {strides = array<i32>} : memref<256xf32, #tpu.memory_space<vmem>>, vector<16xf32>,
    %add3A_556 = arith.addf %add3A_553, %get3A_555 : vector<16xf32>
    %get3A_557 = arith.constant 160 : index
    %get3A_558 = tpu.vector_load %arg20[%get3A_557] {strides = array<i32>} : memref<256xf32, #tpu.memory_space<vmem>>, vector<16xf32>,
    %add3A_559 = arith.addf %add3A_556, %get3A_558 : vector<16xf32>
    %get3A_560 = arith.constant 176 : index
    %get3A_561 = tpu.vector_load %arg20[%get3A_560] {strides = array<i32>} : memref<256xf32, #tpu.memory_space<vmem>>, vector<16xf32>,
    %add3A_562 = arith.addf %add3A_559, %get3A_561 : vector<16xf32>
    %get3A_563 = arith.constant 192 : index
    %get3A_564 = tpu.vector_load %arg20[%get3A_563] {strides = array<i32>} : memref<256xf32, #tpu.memory_space<vmem>>, vector<16xf32>,
    %add3A_565 = arith.addf %add3A_562, %get3A_564 : vector<16xf32>
    %get3A_566 = arith.constant 208 : index
    %get3A_567 = tpu.vector_load %arg20[%get3A_566] {strides = array<i32>} : memref<256xf32, #tpu.memory_space<vmem>>, vector<16xf32>,
    %add3A_568 = arith.addf %add3A_565, %get3A_567 : vector<16xf32>
    %get3A_569 = arith.constant 224 : index
    %get3A_570 = tpu.vector_load %arg20[%get3A_569] {strides = array<i32>} : memref<256xf32, #tpu.memory_space<vmem>>, vector<16xf32>,
    %add3A_571 = arith.addf %add3A_568, %get3A_570 : vector<16xf32>
    %get3A_572 = arith.constant 240 : index
    %get3A_573 = tpu.vector_load %arg20[%get3A_572] {strides = array<i32>} : memref<256xf32, #tpu.memory_space<vmem>>, vector<16xf32>,
    %add3A_574 = arith.addf %add3A_571, %get3A_573 : vector<16xf32>
    "tpu.trace_stop"() : () -> ()
    %slice3A_575 = vector.extract_strided_slice %add3A_574 {offsets = [2], sizes = [1], strides = [1]} : vector<16xf32> to vector<1xf32>
    %squeeze3A_576 = vector.extract %slice3A_575[0] : f32 from vector<1xf32>
    %broadcast_in_dim3A_577 = vector.broadcast %squeeze3A_576 : f32 to vector<16xf32>
    %max3A = arith.constant 1.000000e+00 : f32
    %max3A_578 = vector.broadcast %max3A : f32 to vector<16xf32>
    %max3A_579 = arith.maximumf %broadcast_in_dim3A_577, %max3A_578 : vector<16xf32>
    %slice3A_580 = vector.extract_strided_slice %add3A_574 {offsets = [0], sizes = [1], strides = [1]} : vector<16xf32> to vector<1xf32>
    %squeeze3A_581 = vector.extract %slice3A_580[0] : f32 from vector<1xf32>
    %broadcast_in_dim3A_582 = vector.broadcast %squeeze3A_581 : f32 to vector<16xf32>
    %div3A_583 = arith.divf %broadcast_in_dim3A_582, %max3A_579 : vector<16xf32>
    %slice3A_584 = vector.extract_strided_slice %add3A_574 {offsets = [1], sizes = [1], strides = [1]} : vector<16xf32> to vector<1xf32>
    %squeeze3A_585 = vector.extract %slice3A_584[0] : f32 from vector<1xf32>
    %broadcast_in_dim3A_586 = vector.broadcast %squeeze3A_585 : f32 to vector<16xf32>
    %div3A_587 = arith.divf %broadcast_in_dim3A_586, %max3A_579 : vector<16xf32>
    %mul3A_588 = arith.mulf %div3A_583, %div3A_583 : vector<16xf32>
    %sub3A_589 = arith.subf %div3A_587, %mul3A_588 : vector<16xf32>
    %max3A_590 = arith.constant 0.000000e+00 : f32
    %max3A_591 = vector.broadcast %max3A_590 : f32 to vector<16xf32>
    %max3A_592 = arith.maximumf %sub3A_589, %max3A_591 : vector<16xf32>
    %add3A_593 = arith.constant 9.99999974E-6 : f32
    %add3A_594 = vector.broadcast %add3A_593 : f32 to vector<16xf32>
    %add3A_595 = arith.addf %max3A_592, %add3A_594 : vector<16xf32>
    %bitcast_convert_type3A = tpu.bitcast %add3A_595 : vector<16xf32> -> vector<16xi32>
    %shift_right_arithmetic3A = arith.constant 1 : i32
    %shift_right_arithmetic3A_596 = vector.broadcast %shift_right_arithmetic3A : i32 to vector<16xi32>
    %shift_right_arithmetic3A_597 = arith.shrsi %bitcast_convert_type3A, %shift_right_arithmetic3A_596 : vector<16xi32>
    %sub3A_598 = arith.constant 1597463007 : i32
    %sub3A_599 = vector.broadcast %sub3A_598 : i32 to vector<16xi32>
    %sub3A_600 = arith.subi %sub3A_599, %shift_right_arithmetic3A_597 : vector<16xi32>
    %bitcast_convert_type3A_601 = tpu.bitcast %sub3A_600 : vector<16xi32> -> vector<16xf32>
    %mul3A_602 = arith.constant 5.000000e-01 : f32
    %mul3A_603 = vector.broadcast %mul3A_602 : f32 to vector<16xf32>
    %mul3A_604 = arith.mulf %mul3A_603, %add3A_595 : vector<16xf32>
    %mul3A_605 = arith.mulf %mul3A_604, %bitcast_convert_type3A_601 : vector<16xf32>
    %mul3A_606 = arith.mulf %mul3A_605, %bitcast_convert_type3A_601 : vector<16xf32>
    %sub3A_607 = arith.constant 1.500000e+00 : f32
    %sub3A_608 = vector.broadcast %sub3A_607 : f32 to vector<16xf32>
    %sub3A_609 = arith.subf %sub3A_608, %mul3A_606 : vector<16xf32>
    %mul3A_610 = arith.mulf %bitcast_convert_type3A_601, %sub3A_609 : vector<16xf32>
    %mul3A_611 = arith.constant 5.000000e-01 : f32
    %mul3A_612 = vector.broadcast %mul3A_611 : f32 to vector<16xf32>
    %mul3A_613 = arith.mulf %mul3A_612, %add3A_595 : vector<16xf32>
    %mul3A_614 = arith.mulf %mul3A_613, %mul3A_610 : vector<16xf32>
    %mul3A_615 = arith.mulf %mul3A_614, %mul3A_610 : vector<16xf32>
    %sub3A_616 = arith.constant 1.500000e+00 : f32
    %sub3A_617 = vector.broadcast %sub3A_616 : f32 to vector<16xf32>
    %sub3A_618 = arith.subf %sub3A_617, %mul3A_615 : vector<16xf32>
    %mul3A_619 = arith.mulf %mul3A_610, %sub3A_618 : vector<16xf32>
    %mul3A_620 = arith.constant 5.000000e-01 : f32
    %mul3A_621 = vector.broadcast %mul3A_620 : f32 to vector<16xf32>
    %mul3A_622 = arith.mulf %mul3A_621, %add3A_595 : vector<16xf32>
    %mul3A_623 = arith.mulf %mul3A_622, %mul3A_619 : vector<16xf32>
    %mul3A_624 = arith.mulf %mul3A_623, %mul3A_619 : vector<16xf32>
    %sub3A_625 = arith.constant 1.500000e+00 : f32
    %sub3A_626 = vector.broadcast %sub3A_625 : f32 to vector<16xf32>
    %sub3A_627 = arith.subf %sub3A_626, %mul3A_624 : vector<16xf32>
    %mul3A_628 = arith.mulf %mul3A_619, %sub3A_627 : vector<16xf32>
    %mul3A_629 = arith.constant 5.000000e-01 : f32
    %mul3A_630 = vector.broadcast %mul3A_629 : f32 to vector<16xf32>
    %mul3A_631 = arith.mulf %mul3A_630, %add3A_595 : vector<16xf32>
    %mul3A_632 = arith.mulf %mul3A_631, %mul3A_628 : vector<16xf32>
    %mul3A_633 = arith.mulf %mul3A_632, %mul3A_628 : vector<16xf32>
    %sub3A_634 = arith.constant 1.500000e+00 : f32
    %sub3A_635 = vector.broadcast %sub3A_634 : f32 to vector<16xf32>
    %sub3A_636 = arith.subf %sub3A_635, %mul3A_633 : vector<16xf32>
    %mul3A_637 = arith.mulf %mul3A_628, %sub3A_636 : vector<16xf32>
    %get3A_638 = arith.constant 0 : index
    %get3A_639 = tpu.vector_load %arg18[%get3A_638] {strides = array<i32>} : memref<16xf32, #tpu.memory_space<vmem>>, vector<16xf32>,
    %slice3A_640 = vector.extract_strided_slice %get3A_639 {offsets = [0], sizes = [1], strides = [1]} : vector<16xf32> to vector<1xf32>
    %squeeze3A_641 = vector.extract %slice3A_640[0] : f32 from vector<1xf32>
    %broadcast_in_dim3A_642 = vector.broadcast %squeeze3A_641 : f32 to vector<16xf32>
    %mul3A_643 = arith.mulf %mul3A_637, %broadcast_in_dim3A_642 : vector<16xf32>
    %slice3A_644 = vector.extract_strided_slice %get3A_639 {offsets = [8], sizes = [1], strides = [1]} : vector<16xf32> to vector<1xf32>
    %squeeze3A_645 = vector.extract %slice3A_644[0] : f32 from vector<1xf32>
    %broadcast_in_dim3A_646 = vector.broadcast %squeeze3A_645 : f32 to vector<16xf32>
    "tpu.trace_start"() <{level = 10 : i32, message = "poscopy"}> : () -> ()
    %get3A_647 = arith.constant 0 : index
    %get3A_648 = tpu.vector_load %arg12[%get3A_647] {strides = array<i32>} : memref<528xi32, #tpu.memory_space<vmem>>, vector<16xi32>,
    %swap3A_649 = arith.constant 0 : i32
    %swap3A_650 = arith.index_cast %swap3A_649 : i32 to index
    %swap3A_651 = arith.constant 0 : index
    %swap3A_652 = tpu.vector_load %arg16[%swap3A_650, %swap3A_651] {strides = array<i32>} : memref<33x16xi32, #tpu.memory_space<vmem>>, vector<16xi32>,
    tpu.vector_store %arg16[%swap3A_650, %swap3A_651], %get3A_648 {strides = array<i32>} : memref<33x16xi32, #tpu.memory_space<vmem>>, vector<16xi32>,
    %get3A_653 = arith.constant 0 : index
    %get3A_654 = tpu.vector_load %arg13[%get3A_653] {strides = array<i32>} : memref<528xi32, #tpu.memory_space<vmem>>, vector<16xi32>,
    %swap3A_655 = arith.constant 0 : i32
    %swap3A_656 = arith.index_cast %swap3A_655 : i32 to index
    %swap3A_657 = arith.constant 0 : index
    %swap3A_658 = tpu.vector_load %arg17[%swap3A_656, %swap3A_657] {strides = array<i32>} : memref<33x16xi32, #tpu.memory_space<vmem>>, vector<16xi32>,
    tpu.vector_store %arg17[%swap3A_656, %swap3A_657], %get3A_654 {strides = array<i32>} : memref<33x16xi32, #tpu.memory_space<vmem>>, vector<16xi32>,
    %get3A_659 = arith.constant 16 : index
    %get3A_660 = tpu.vector_load %arg12[%get3A_659] {strides = array<i32>} : memref<528xi32, #tpu.memory_space<vmem>>, vector<16xi32>,
    %swap3A_661 = arith.constant 1 : i32
    %swap3A_662 = arith.index_cast %swap3A_661 : i32 to index
    %swap3A_663 = arith.constant 0 : index
    %swap3A_664 = tpu.vector_load %arg16[%swap3A_662, %swap3A_663] {strides = array<i32>} : memref<33x16xi32, #tpu.memory_space<vmem>>, vector<16xi32>,
    tpu.vector_store %arg16[%swap3A_662, %swap3A_663], %get3A_660 {strides = array<i32>} : memref<33x16xi32, #tpu.memory_space<vmem>>, vector<16xi32>,
    %get3A_665 = arith.constant 16 : index
    %get3A_666 = tpu.vector_load %arg13[%get3A_665] {strides = array<i32>} : memref<528xi32, #tpu.memory_space<vmem>>, vector<16xi32>,
    %swap3A_667 = arith.constant 1 : i32
    %swap3A_668 = arith.index_cast %swap3A_667 : i32 to index
    %swap3A_669 = arith.constant 0 : index
    %swap3A_670 = tpu.vector_load %arg17[%swap3A_668, %swap3A_669] {strides = array<i32>} : memref<33x16xi32, #tpu.memory_space<vmem>>, vector<16xi32>,
    tpu.vector_store %arg17[%swap3A_668, %swap3A_669], %get3A_666 {strides = array<i32>} : memref<33x16xi32, #tpu.memory_space<vmem>>, vector<16xi32>,
    %get3A_671 = arith.constant 32 : index
    %get3A_672 = tpu.vector_load %arg12[%get3A_671] {strides = array<i32>} : memref<528xi32, #tpu.memory_space<vmem>>, vector<16xi32>,
    %swap3A_673 = arith.constant 2 : i32
    %swap3A_674 = arith.index_cast %swap3A_673 : i32 to index
    %swap3A_675 = arith.constant 0 : index
    %swap3A_676 = tpu.vector_load %arg16[%swap3A_674, %swap3A_675] {strides = array<i32>} : memref<33x16xi32, #tpu.memory_space<vmem>>, vector<16xi32>,
    tpu.vector_store %arg16[%swap3A_674, %swap3A_675], %get3A_672 {strides = array<i32>} : memref<33x16xi32, #tpu.memory_space<vmem>>, vector<16xi32>,
    %get3A_677 = arith.constant 32 : index
    %get3A_678 = tpu.vector_load %arg13[%get3A_677] {strides = array<i32>} : memref<528xi32, #tpu.memory_space<vmem>>, vector<16xi32>,
    %swap3A_679 = arith.constant 2 : i32
    %swap3A_680 = arith.index_cast %swap3A_679 : i32 to index
    %swap3A_681 = arith.constant 0 : index
    %swap3A_682 = tpu.vector_load %arg17[%swap3A_680, %swap3A_681] {strides = array<i32>} : memref<33x16xi32, #tpu.memory_space<vmem>>, vector<16xi32>,
    tpu.vector_store %arg17[%swap3A_680, %swap3A_681], %get3A_678 {strides = array<i32>} : memref<33x16xi32, #tpu.memory_space<vmem>>, vector<16xi32>,
    %get3A_683 = arith.constant 48 : index
    %get3A_684 = tpu.vector_load %arg12[%get3A_683] {strides = array<i32>} : memref<528xi32, #tpu.memory_space<vmem>>, vector<16xi32>,
    %swap3A_685 = arith.constant 3 : i32
    %swap3A_686 = arith.index_cast %swap3A_685 : i32 to index
    %swap3A_687 = arith.constant 0 : index
    %swap3A_688 = tpu.vector_load %arg16[%swap3A_686, %swap3A_687] {strides = array<i32>} : memref<33x16xi32, #tpu.memory_space<vmem>>, vector<16xi32>,
    tpu.vector_store %arg16[%swap3A_686, %swap3A_687], %get3A_684 {strides = array<i32>} : memref<33x16xi32, #tpu.memory_space<vmem>>, vector<16xi32>,
    %get3A_689 = arith.constant 48 : index
    %get3A_690 = tpu.vector_load %arg13[%get3A_689] {strides = array<i32>} : memref<528xi32, #tpu.memory_space<vmem>>, vector<16xi32>,
    %swap3A_691 = arith.constant 3 : i32
    %swap3A_692 = arith.index_cast %swap3A_691 : i32 to index
    %swap3A_693 = arith.constant 0 : index
    %swap3A_694 = tpu.vector_load %arg17[%swap3A_692, %swap3A_693] {strides = array<i32>} : memref<33x16xi32, #tpu.memory_space<vmem>>, vector<16xi32>,
    tpu.vector_store %arg17[%swap3A_692, %swap3A_693], %get3A_690 {strides = array<i32>} : memref<33x16xi32, #tpu.memory_space<vmem>>, vector<16xi32>,
    %get3A_695 = arith.constant 64 : index
    %get3A_696 = tpu.vector_load %arg12[%get3A_695] {strides = array<i32>} : memref<528xi32, #tpu.memory_space<vmem>>, vector<16xi32>,
    %swap3A_697 = arith.constant 4 : i32
    %swap3A_698 = arith.index_cast %swap3A_697 : i32 to index
    %swap3A_699 = arith.constant 0 : index
    %swap3A_700 = tpu.vector_load %arg16[%swap3A_698, %swap3A_699] {strides = array<i32>} : memref<33x16xi32, #tpu.memory_space<vmem>>, vector<16xi32>,
    tpu.vector_store %arg16[%swap3A_698, %swap3A_699], %get3A_696 {strides = array<i32>} : memref<33x16xi32, #tpu.memory_space<vmem>>, vector<16xi32>,
    %get3A_701 = arith.constant 64 : index
    %get3A_702 = tpu.vector_load %arg13[%get3A_701] {strides = array<i32>} : memref<528xi32, #tpu.memory_space<vmem>>, vector<16xi32>,
    %swap3A_703 = arith.constant 4 : i32
    %swap3A_704 = arith.index_cast %swap3A_703 : i32 to index
    %swap3A_705 = arith.constant 0 : index
    %swap3A_706 = tpu.vector_load %arg17[%swap3A_704, %swap3A_705] {strides = array<i32>} : memref<33x16xi32, #tpu.memory_space<vmem>>, vector<16xi32>,
    tpu.vector_store %arg17[%swap3A_704, %swap3A_705], %get3A_702 {strides = array<i32>} : memref<33x16xi32, #tpu.memory_space<vmem>>, vector<16xi32>,
    %get3A_707 = arith.constant 80 : index
    %get3A_708 = tpu.vector_load %arg12[%get3A_707] {strides = array<i32>} : memref<528xi32, #tpu.memory_space<vmem>>, vector<16xi32>,
    %swap3A_709 = arith.constant 5 : i32
    %swap3A_710 = arith.index_cast %swap3A_709 : i32 to index
    %swap3A_711 = arith.constant 0 : index
    %swap3A_712 = tpu.vector_load %arg16[%swap3A_710, %swap3A_711] {strides = array<i32>} : memref<33x16xi32, #tpu.memory_space<vmem>>, vector<16xi32>,
    tpu.vector_store %arg16[%swap3A_710, %swap3A_711], %get3A_708 {strides = array<i32>} : memref<33x16xi32, #tpu.memory_space<vmem>>, vector<16xi32>,
    %get3A_713 = arith.constant 80 : index
    %get3A_714 = tpu.vector_load %arg13[%get3A_713] {strides = array<i32>} : memref<528xi32, #tpu.memory_space<vmem>>, vector<16xi32>,
    %swap3A_715 = arith.constant 5 : i32
    %swap3A_716 = arith.index_cast %swap3A_715 : i32 to index
    %swap3A_717 = arith.constant 0 : index
    %swap3A_718 = tpu.vector_load %arg17[%swap3A_716, %swap3A_717] {strides = array<i32>} : memref<33x16xi32, #tpu.memory_space<vmem>>, vector<16xi32>,
    tpu.vector_store %arg17[%swap3A_716, %swap3A_717], %get3A_714 {strides = array<i32>} : memref<33x16xi32, #tpu.memory_space<vmem>>, vector<16xi32>,
    %get3A_719 = arith.constant 96 : index
    %get3A_720 = tpu.vector_load %arg12[%get3A_719] {strides = array<i32>} : memref<528xi32, #tpu.memory_space<vmem>>, vector<16xi32>,
    %swap3A_721 = arith.constant 6 : i32
    %swap3A_722 = arith.index_cast %swap3A_721 : i32 to index
    %swap3A_723 = arith.constant 0 : index
    %swap3A_724 = tpu.vector_load %arg16[%swap3A_722, %swap3A_723] {strides = array<i32>} : memref<33x16xi32, #tpu.memory_space<vmem>>, vector<16xi32>,
    tpu.vector_store %arg16[%swap3A_722, %swap3A_723], %get3A_720 {strides = array<i32>} : memref<33x16xi32, #tpu.memory_space<vmem>>, vector<16xi32>,
    %get3A_725 = arith.constant 96 : index
    %get3A_726 = tpu.vector_load %arg13[%get3A_725] {strides = array<i32>} : memref<528xi32, #tpu.memory_space<vmem>>, vector<16xi32>,
    %swap3A_727 = arith.constant 6 : i32
    %swap3A_728 = arith.index_cast %swap3A_727 : i32 to index
    %swap3A_729 = arith.constant 0 : index
    %swap3A_730 = tpu.vector_load %arg17[%swap3A_728, %swap3A_729] {strides = array<i32>} : memref<33x16xi32, #tpu.memory_space<vmem>>, vector<16xi32>,
    tpu.vector_store %arg17[%swap3A_728, %swap3A_729], %get3A_726 {strides = array<i32>} : memref<33x16xi32, #tpu.memory_space<vmem>>, vector<16xi32>,
    %get3A_731 = arith.constant 112 : index
    %get3A_732 = tpu.vector_load %arg12[%get3A_731] {strides = array<i32>} : memref<528xi32, #tpu.memory_space<vmem>>, vector<16xi32>,
    %swap3A_733 = arith.constant 7 : i32
    %swap3A_734 = arith.index_cast %swap3A_733 : i32 to index
    %swap3A_735 = arith.constant 0 : index
    %swap3A_736 = tpu.vector_load %arg16[%swap3A_734, %swap3A_735] {strides = array<i32>} : memref<33x16xi32, #tpu.memory_space<vmem>>, vector<16xi32>,
    tpu.vector_store %arg16[%swap3A_734, %swap3A_735], %get3A_732 {strides = array<i32>} : memref<33x16xi32, #tpu.memory_space<vmem>>, vector<16xi32>,
    %get3A_737 = arith.constant 112 : index
    %get3A_738 = tpu.vector_load %arg13[%get3A_737] {strides = array<i32>} : memref<528xi32, #tpu.memory_space<vmem>>, vector<16xi32>,
    %swap3A_739 = arith.constant 7 : i32
    %swap3A_740 = arith.index_cast %swap3A_739 : i32 to index
    %swap3A_741 = arith.constant 0 : index
    %swap3A_742 = tpu.vector_load %arg17[%swap3A_740, %swap3A_741] {strides = array<i32>} : memref<33x16xi32, #tpu.memory_space<vmem>>, vector<16xi32>,
    tpu.vector_store %arg17[%swap3A_740, %swap3A_741], %get3A_738 {strides = array<i32>} : memref<33x16xi32, #tpu.memory_space<vmem>>, vector<16xi32>,
    %get3A_743 = arith.constant 128 : index
    %get3A_744 = tpu.vector_load %arg12[%get3A_743] {strides = array<i32>} : memref<528xi32, #tpu.memory_space<vmem>>, vector<16xi32>,
    %swap3A_745 = arith.constant 8 : i32
    %swap3A_746 = arith.index_cast %swap3A_745 : i32 to index
    %swap3A_747 = arith.constant 0 : index
    %swap3A_748 = tpu.vector_load %arg16[%swap3A_746, %swap3A_747] {strides = array<i32>} : memref<33x16xi32, #tpu.memory_space<vmem>>, vector<16xi32>,
    tpu.vector_store %arg16[%swap3A_746, %swap3A_747], %get3A_744 {strides = array<i32>} : memref<33x16xi32, #tpu.memory_space<vmem>>, vector<16xi32>,
    %get3A_749 = arith.constant 128 : index
    %get3A_750 = tpu.vector_load %arg13[%get3A_749] {strides = array<i32>} : memref<528xi32, #tpu.memory_space<vmem>>, vector<16xi32>,
    %swap3A_751 = arith.constant 8 : i32
    %swap3A_752 = arith.index_cast %swap3A_751 : i32 to index
    %swap3A_753 = arith.constant 0 : index
    %swap3A_754 = tpu.vector_load %arg17[%swap3A_752, %swap3A_753] {strides = array<i32>} : memref<33x16xi32, #tpu.memory_space<vmem>>, vector<16xi32>,
    tpu.vector_store %arg17[%swap3A_752, %swap3A_753], %get3A_750 {strides = array<i32>} : memref<33x16xi32, #tpu.memory_space<vmem>>, vector<16xi32>,
    %get3A_755 = arith.constant 144 : index
    %get3A_756 = tpu.vector_load %arg12[%get3A_755] {strides = array<i32>} : memref<528xi32, #tpu.memory_space<vmem>>, vector<16xi32>,
    %swap3A_757 = arith.constant 9 : i32
    %swap3A_758 = arith.index_cast %swap3A_757 : i32 to index
    %swap3A_759 = arith.constant 0 : index
    %swap3A_760 = tpu.vector_load %arg16[%swap3A_758, %swap3A_759] {strides = array<i32>} : memref<33x16xi32, #tpu.memory_space<vmem>>, vector<16xi32>,
    tpu.vector_store %arg16[%swap3A_758, %swap3A_759], %get3A_756 {strides = array<i32>} : memref<33x16xi32, #tpu.memory_space<vmem>>, vector<16xi32>,
    %get3A_761 = arith.constant 144 : index
    %get3A_762 = tpu.vector_load %arg13[%get3A_761] {strides = array<i32>} : memref<528xi32, #tpu.memory_space<vmem>>, vector<16xi32>,
    %swap3A_763 = arith.constant 9 : i32
    %swap3A_764 = arith.index_cast %swap3A_763 : i32 to index
    %swap3A_765 = arith.constant 0 : index
    %swap3A_766 = tpu.vector_load %arg17[%swap3A_764, %swap3A_765] {strides = array<i32>} : memref<33x16xi32, #tpu.memory_space<vmem>>, vector<16xi32>,
    tpu.vector_store %arg17[%swap3A_764, %swap3A_765], %get3A_762 {strides = array<i32>} : memref<33x16xi32, #tpu.memory_space<vmem>>, vector<16xi32>,
    %get3A_767 = arith.constant 160 : index
    %get3A_768 = tpu.vector_load %arg12[%get3A_767] {strides = array<i32>} : memref<528xi32, #tpu.memory_space<vmem>>, vector<16xi32>,
    %swap3A_769 = arith.constant 10 : i32
    %swap3A_770 = arith.index_cast %swap3A_769 : i32 to index
    %swap3A_771 = arith.constant 0 : index
    %swap3A_772 = tpu.vector_load %arg16[%swap3A_770, %swap3A_771] {strides = array<i32>} : memref<33x16xi32, #tpu.memory_space<vmem>>, vector<16xi32>,
    tpu.vector_store %arg16[%swap3A_770, %swap3A_771], %get3A_768 {strides = array<i32>} : memref<33x16xi32, #tpu.memory_space<vmem>>, vector<16xi32>,
    %get3A_773 = arith.constant 160 : index
    %get3A_774 = tpu.vector_load %arg13[%get3A_773] {strides = array<i32>} : memref<528xi32, #tpu.memory_space<vmem>>, vector<16xi32>,
    %swap3A_775 = arith.constant 10 : i32
    %swap3A_776 = arith.index_cast %swap3A_775 : i32 to index
    %swap3A_777 = arith.constant 0 : index
    %swap3A_778 = tpu.vector_load %arg17[%swap3A_776, %swap3A_777] {strides = array<i32>} : memref<33x16xi32, #tpu.memory_space<vmem>>, vector<16xi32>,
    tpu.vector_store %arg17[%swap3A_776, %swap3A_777], %get3A_774 {strides = array<i32>} : memref<33x16xi32, #tpu.memory_space<vmem>>, vector<16xi32>,
    %get3A_779 = arith.constant 176 : index
    %get3A_780 = tpu.vector_load %arg12[%get3A_779] {strides = array<i32>} : memref<528xi32, #tpu.memory_space<vmem>>, vector<16xi32>,
    %swap3A_781 = arith.constant 11 : i32
    %swap3A_782 = arith.index_cast %swap3A_781 : i32 to index
    %swap3A_783 = arith.constant 0 : index
    %swap3A_784 = tpu.vector_load %arg16[%swap3A_782, %swap3A_783] {strides = array<i32>} : memref<33x16xi32, #tpu.memory_space<vmem>>, vector<16xi32>,
    tpu.vector_store %arg16[%swap3A_782, %swap3A_783], %get3A_780 {strides = array<i32>} : memref<33x16xi32, #tpu.memory_space<vmem>>, vector<16xi32>,
    %get3A_785 = arith.constant 176 : index
    %get3A_786 = tpu.vector_load %arg13[%get3A_785] {strides = array<i32>} : memref<528xi32, #tpu.memory_space<vmem>>, vector<16xi32>,
    %swap3A_787 = arith.constant 11 : i32
    %swap3A_788 = arith.index_cast %swap3A_787 : i32 to index
    %swap3A_789 = arith.constant 0 : index
    %swap3A_790 = tpu.vector_load %arg17[%swap3A_788, %swap3A_789] {strides = array<i32>} : memref<33x16xi32, #tpu.memory_space<vmem>>, vector<16xi32>,
    tpu.vector_store %arg17[%swap3A_788, %swap3A_789], %get3A_786 {strides = array<i32>} : memref<33x16xi32, #tpu.memory_space<vmem>>, vector<16xi32>,
    %get3A_791 = arith.constant 192 : index
    %get3A_792 = tpu.vector_load %arg12[%get3A_791] {strides = array<i32>} : memref<528xi32, #tpu.memory_space<vmem>>, vector<16xi32>,
    %swap3A_793 = arith.constant 12 : i32
    %swap3A_794 = arith.index_cast %swap3A_793 : i32 to index
    %swap3A_795 = arith.constant 0 : index
    %swap3A_796 = tpu.vector_load %arg16[%swap3A_794, %swap3A_795] {strides = array<i32>} : memref<33x16xi32, #tpu.memory_space<vmem>>, vector<16xi32>,
    tpu.vector_store %arg16[%swap3A_794, %swap3A_795], %get3A_792 {strides = array<i32>} : memref<33x16xi32, #tpu.memory_space<vmem>>, vector<16xi32>,
    %get3A_797 = arith.constant 192 : index
    %get3A_798 = tpu.vector_load %arg13[%get3A_797] {strides = array<i32>} : memref<528xi32, #tpu.memory_space<vmem>>, vector<16xi32>,
    %swap3A_799 = arith.constant 12 : i32
    %swap3A_800 = arith.index_cast %swap3A_799 : i32 to index
    %swap3A_801 = arith.constant 0 : index
    %swap3A_802 = tpu.vector_load %arg17[%swap3A_800, %swap3A_801] {strides = array<i32>} : memref<33x16xi32, #tpu.memory_space<vmem>>, vector<16xi32>,
    tpu.vector_store %arg17[%swap3A_800, %swap3A_801], %get3A_798 {strides = array<i32>} : memref<33x16xi32, #tpu.memory_space<vmem>>, vector<16xi32>,
    %get3A_803 = arith.constant 208 : index
    %get3A_804 = tpu.vector_load %arg12[%get3A_803] {strides = array<i32>} : memref<528xi32, #tpu.memory_space<vmem>>, vector<16xi32>,
    %swap3A_805 = arith.constant 13 : i32
    %swap3A_806 = arith.index_cast %swap3A_805 : i32 to index
    %swap3A_807 = arith.constant 0 : index
    %swap3A_808 = tpu.vector_load %arg16[%swap3A_806, %swap3A_807] {strides = array<i32>} : memref<33x16xi32, #tpu.memory_space<vmem>>, vector<16xi32>,
    tpu.vector_store %arg16[%swap3A_806, %swap3A_807], %get3A_804 {strides = array<i32>} : memref<33x16xi32, #tpu.memory_space<vmem>>, vector<16xi32>,
    %get3A_809 = arith.constant 208 : index
    %get3A_810 = tpu.vector_load %arg13[%get3A_809] {strides = array<i32>} : memref<528xi32, #tpu.memory_space<vmem>>, vector<16xi32>,
    %swap3A_811 = arith.constant 13 : i32
    %swap3A_812 = arith.index_cast %swap3A_811 : i32 to index
    %swap3A_813 = arith.constant 0 : index
    %swap3A_814 = tpu.vector_load %arg17[%swap3A_812, %swap3A_813] {strides = array<i32>} : memref<33x16xi32, #tpu.memory_space<vmem>>, vector<16xi32>,
    tpu.vector_store %arg17[%swap3A_812, %swap3A_813], %get3A_810 {strides = array<i32>} : memref<33x16xi32, #tpu.memory_space<vmem>>, vector<16xi32>,
    %get3A_815 = arith.constant 224 : index
    %get3A_816 = tpu.vector_load %arg12[%get3A_815] {strides = array<i32>} : memref<528xi32, #tpu.memory_space<vmem>>, vector<16xi32>,
    %swap3A_817 = arith.constant 14 : i32
    %swap3A_818 = arith.index_cast %swap3A_817 : i32 to index
    %swap3A_819 = arith.constant 0 : index
    %swap3A_820 = tpu.vector_load %arg16[%swap3A_818, %swap3A_819] {strides = array<i32>} : memref<33x16xi32, #tpu.memory_space<vmem>>, vector<16xi32>,
    tpu.vector_store %arg16[%swap3A_818, %swap3A_819], %get3A_816 {strides = array<i32>} : memref<33x16xi32, #tpu.memory_space<vmem>>, vector<16xi32>,
    %get3A_821 = arith.constant 224 : index
    %get3A_822 = tpu.vector_load %arg13[%get3A_821] {strides = array<i32>} : memref<528xi32, #tpu.memory_space<vmem>>, vector<16xi32>,
    %swap3A_823 = arith.constant 14 : i32
    %swap3A_824 = arith.index_cast %swap3A_823 : i32 to index
    %swap3A_825 = arith.constant 0 : index
    %swap3A_826 = tpu.vector_load %arg17[%swap3A_824, %swap3A_825] {strides = array<i32>} : memref<33x16xi32, #tpu.memory_space<vmem>>, vector<16xi32>,
    tpu.vector_store %arg17[%swap3A_824, %swap3A_825], %get3A_822 {strides = array<i32>} : memref<33x16xi32, #tpu.memory_space<vmem>>, vector<16xi32>,
    %get3A_827 = arith.constant 240 : index
    %get3A_828 = tpu.vector_load %arg12[%get3A_827] {strides = array<i32>} : memref<528xi32, #tpu.memory_space<vmem>>, vector<16xi32>,
    %swap3A_829 = arith.constant 15 : i32
    %swap3A_830 = arith.index_cast %swap3A_829 : i32 to index
    %swap3A_831 = arith.constant 0 : index
    %swap3A_832 = tpu.vector_load %arg16[%swap3A_830, %swap3A_831] {strides = array<i32>} : memref<33x16xi32, #tpu.memory_space<vmem>>, vector<16xi32>,
    tpu.vector_store %arg16[%swap3A_830, %swap3A_831], %get3A_828 {strides = array<i32>} : memref<33x16xi32, #tpu.memory_space<vmem>>, vector<16xi32>,
    %get3A_833 = arith.constant 240 : index
    %get3A_834 = tpu.vector_load %arg13[%get3A_833] {strides = array<i32>} : memref<528xi32, #tpu.memory_space<vmem>>, vector<16xi32>,
    %swap3A_835 = arith.constant 15 : i32
    %swap3A_836 = arith.index_cast %swap3A_835 : i32 to index
    %swap3A_837 = arith.constant 0 : index
    %swap3A_838 = tpu.vector_load %arg17[%swap3A_836, %swap3A_837] {strides = array<i32>} : memref<33x16xi32, #tpu.memory_space<vmem>>, vector<16xi32>,
    tpu.vector_store %arg17[%swap3A_836, %swap3A_837], %get3A_834 {strides = array<i32>} : memref<33x16xi32, #tpu.memory_space<vmem>>, vector<16xi32>,
    %get3A_839 = arith.constant 256 : index
    %get3A_840 = tpu.vector_load %arg12[%get3A_839] {strides = array<i32>} : memref<528xi32, #tpu.memory_space<vmem>>, vector<16xi32>,
    %swap3A_841 = arith.constant 16 : i32
    %swap3A_842 = arith.index_cast %swap3A_841 : i32 to index
    %swap3A_843 = arith.constant 0 : index
    %swap3A_844 = tpu.vector_load %arg16[%swap3A_842, %swap3A_843] {strides = array<i32>} : memref<33x16xi32, #tpu.memory_space<vmem>>, vector<16xi32>,
    tpu.vector_store %arg16[%swap3A_842, %swap3A_843], %get3A_840 {strides = array<i32>} : memref<33x16xi32, #tpu.memory_space<vmem>>, vector<16xi32>,
    %get3A_845 = arith.constant 256 : index
    %get3A_846 = tpu.vector_load %arg13[%get3A_845] {strides = array<i32>} : memref<528xi32, #tpu.memory_space<vmem>>, vector<16xi32>,
    %swap3A_847 = arith.constant 16 : i32
    %swap3A_848 = arith.index_cast %swap3A_847 : i32 to index
    %swap3A_849 = arith.constant 0 : index
    %swap3A_850 = tpu.vector_load %arg17[%swap3A_848, %swap3A_849] {strides = array<i32>} : memref<33x16xi32, #tpu.memory_space<vmem>>, vector<16xi32>,
    tpu.vector_store %arg17[%swap3A_848, %swap3A_849], %get3A_846 {strides = array<i32>} : memref<33x16xi32, #tpu.memory_space<vmem>>, vector<16xi32>,
    %get3A_851 = arith.constant 272 : index
    %get3A_852 = tpu.vector_load %arg12[%get3A_851] {strides = array<i32>} : memref<528xi32, #tpu.memory_space<vmem>>, vector<16xi32>,
    %swap3A_853 = arith.constant 17 : i32
    %swap3A_854 = arith.index_cast %swap3A_853 : i32 to index
    %swap3A_855 = arith.constant 0 : index
    %swap3A_856 = tpu.vector_load %arg16[%swap3A_854, %swap3A_855] {strides = array<i32>} : memref<33x16xi32, #tpu.memory_space<vmem>>, vector<16xi32>,
    tpu.vector_store %arg16[%swap3A_854, %swap3A_855], %get3A_852 {strides = array<i32>} : memref<33x16xi32, #tpu.memory_space<vmem>>, vector<16xi32>,
    %get3A_857 = arith.constant 272 : index
    %get3A_858 = tpu.vector_load %arg13[%get3A_857] {strides = array<i32>} : memref<528xi32, #tpu.memory_space<vmem>>, vector<16xi32>,
    %swap3A_859 = arith.constant 17 : i32
    %swap3A_860 = arith.index_cast %swap3A_859 : i32 to index
    %swap3A_861 = arith.constant 0 : index
    %swap3A_862 = tpu.vector_load %arg17[%swap3A_860, %swap3A_861] {strides = array<i32>} : memref<33x16xi32, #tpu.memory_space<vmem>>, vector<16xi32>,
    tpu.vector_store %arg17[%swap3A_860, %swap3A_861], %get3A_858 {strides = array<i32>} : memref<33x16xi32, #tpu.memory_space<vmem>>, vector<16xi32>,
    %get3A_863 = arith.constant 288 : index
    %get3A_864 = tpu.vector_load %arg12[%get3A_863] {strides = array<i32>} : memref<528xi32, #tpu.memory_space<vmem>>, vector<16xi32>,
    %swap3A_865 = arith.constant 18 : i32
    %swap3A_866 = arith.index_cast %swap3A_865 : i32 to index
    %swap3A_867 = arith.constant 0 : index
    %swap3A_868 = tpu.vector_load %arg16[%swap3A_866, %swap3A_867] {strides = array<i32>} : memref<33x16xi32, #tpu.memory_space<vmem>>, vector<16xi32>,
    tpu.vector_store %arg16[%swap3A_866, %swap3A_867], %get3A_864 {strides = array<i32>} : memref<33x16xi32, #tpu.memory_space<vmem>>, vector<16xi32>,
    %get3A_869 = arith.constant 288 : index
    %get3A_870 = tpu.vector_load %arg13[%get3A_869] {strides = array<i32>} : memref<528xi32, #tpu.memory_space<vmem>>, vector<16xi32>,
    %swap3A_871 = arith.constant 18 : i32
    %swap3A_872 = arith.index_cast %swap3A_871 : i32 to index
    %swap3A_873 = arith.constant 0 : index
    %swap3A_874 = tpu.vector_load %arg17[%swap3A_872, %swap3A_873] {strides = array<i32>} : memref<33x16xi32, #tpu.memory_space<vmem>>, vector<16xi32>,
    tpu.vector_store %arg17[%swap3A_872, %swap3A_873], %get3A_870 {strides = array<i32>} : memref<33x16xi32, #tpu.memory_space<vmem>>, vector<16xi32>,
    %get3A_875 = arith.constant 304 : index
    %get3A_876 = tpu.vector_load %arg12[%get3A_875] {strides = array<i32>} : memref<528xi32, #tpu.memory_space<vmem>>, vector<16xi32>,
    %swap3A_877 = arith.constant 19 : i32
    %swap3A_878 = arith.index_cast %swap3A_877 : i32 to index
    %swap3A_879 = arith.constant 0 : index
    %swap3A_880 = tpu.vector_load %arg16[%swap3A_878, %swap3A_879] {strides = array<i32>} : memref<33x16xi32, #tpu.memory_space<vmem>>, vector<16xi32>,
    tpu.vector_store %arg16[%swap3A_878, %swap3A_879], %get3A_876 {strides = array<i32>} : memref<33x16xi32, #tpu.memory_space<vmem>>, vector<16xi32>,
    %get3A_881 = arith.constant 304 : index
    %get3A_882 = tpu.vector_load %arg13[%get3A_881] {strides = array<i32>} : memref<528xi32, #tpu.memory_space<vmem>>, vector<16xi32>,
    %swap3A_883 = arith.constant 19 : i32
    %swap3A_884 = arith.index_cast %swap3A_883 : i32 to index
    %swap3A_885 = arith.constant 0 : index
    %swap3A_886 = tpu.vector_load %arg17[%swap3A_884, %swap3A_885] {strides = array<i32>} : memref<33x16xi32, #tpu.memory_space<vmem>>, vector<16xi32>,
    tpu.vector_store %arg17[%swap3A_884, %swap3A_885], %get3A_882 {strides = array<i32>} : memref<33x16xi32, #tpu.memory_space<vmem>>, vector<16xi32>,
    %get3A_887 = arith.constant 320 : index
    %get3A_888 = tpu.vector_load %arg12[%get3A_887] {strides = array<i32>} : memref<528xi32, #tpu.memory_space<vmem>>, vector<16xi32>,
    %swap3A_889 = arith.constant 20 : i32
    %swap3A_890 = arith.index_cast %swap3A_889 : i32 to index
    %swap3A_891 = arith.constant 0 : index
    %swap3A_892 = tpu.vector_load %arg16[%swap3A_890, %swap3A_891] {strides = array<i32>} : memref<33x16xi32, #tpu.memory_space<vmem>>, vector<16xi32>,
    tpu.vector_store %arg16[%swap3A_890, %swap3A_891], %get3A_888 {strides = array<i32>} : memref<33x16xi32, #tpu.memory_space<vmem>>, vector<16xi32>,
    %get3A_893 = arith.constant 320 : index
    %get3A_894 = tpu.vector_load %arg13[%get3A_893] {strides = array<i32>} : memref<528xi32, #tpu.memory_space<vmem>>, vector<16xi32>,
    %swap3A_895 = arith.constant 20 : i32
    %swap3A_896 = arith.index_cast %swap3A_895 : i32 to index
    %swap3A_897 = arith.constant 0 : index
    %swap3A_898 = tpu.vector_load %arg17[%swap3A_896, %swap3A_897] {strides = array<i32>} : memref<33x16xi32, #tpu.memory_space<vmem>>, vector<16xi32>,
    tpu.vector_store %arg17[%swap3A_896, %swap3A_897], %get3A_894 {strides = array<i32>} : memref<33x16xi32, #tpu.memory_space<vmem>>, vector<16xi32>,
    %get3A_899 = arith.constant 336 : index
    %get3A_900 = tpu.vector_load %arg12[%get3A_899] {strides = array<i32>} : memref<528xi32, #tpu.memory_space<vmem>>, vector<16xi32>,
    %swap3A_901 = arith.constant 21 : i32
    %swap3A_902 = arith.index_cast %swap3A_901 : i32 to index
    %swap3A_903 = arith.constant 0 : index
    %swap3A_904 = tpu.vector_load %arg16[%swap3A_902, %swap3A_903] {strides = array<i32>} : memref<33x16xi32, #tpu.memory_space<vmem>>, vector<16xi32>,
    tpu.vector_store %arg16[%swap3A_902, %swap3A_903], %get3A_900 {strides = array<i32>} : memref<33x16xi32, #tpu.memory_space<vmem>>, vector<16xi32>,
    %get3A_905 = arith.constant 336 : index
    %get3A_906 = tpu.vector_load %arg13[%get3A_905] {strides = array<i32>} : memref<528xi32, #tpu.memory_space<vmem>>, vector<16xi32>,
    %swap3A_907 = arith.constant 21 : i32
    %swap3A_908 = arith.index_cast %swap3A_907 : i32 to index
    %swap3A_909 = arith.constant 0 : index
    %swap3A_910 = tpu.vector_load %arg17[%swap3A_908, %swap3A_909] {strides = array<i32>} : memref<33x16xi32, #tpu.memory_space<vmem>>, vector<16xi32>,
    tpu.vector_store %arg17[%swap3A_908, %swap3A_909], %get3A_906 {strides = array<i32>} : memref<33x16xi32, #tpu.memory_space<vmem>>, vector<16xi32>,
    %get3A_911 = arith.constant 352 : index
    %get3A_912 = tpu.vector_load %arg12[%get3A_911] {strides = array<i32>} : memref<528xi32, #tpu.memory_space<vmem>>, vector<16xi32>,
    %swap3A_913 = arith.constant 22 : i32
    %swap3A_914 = arith.index_cast %swap3A_913 : i32 to index
    %swap3A_915 = arith.constant 0 : index
    %swap3A_916 = tpu.vector_load %arg16[%swap3A_914, %swap3A_915] {strides = array<i32>} : memref<33x16xi32, #tpu.memory_space<vmem>>, vector<16xi32>,
    tpu.vector_store %arg16[%swap3A_914, %swap3A_915], %get3A_912 {strides = array<i32>} : memref<33x16xi32, #tpu.memory_space<vmem>>, vector<16xi32>,
    %get3A_917 = arith.constant 352 : index
    %get3A_918 = tpu.vector_load %arg13[%get3A_917] {strides = array<i32>} : memref<528xi32, #tpu.memory_space<vmem>>, vector<16xi32>,
    %swap3A_919 = arith.constant 22 : i32
    %swap3A_920 = arith.index_cast %swap3A_919 : i32 to index
    %swap3A_921 = arith.constant 0 : index
    %swap3A_922 = tpu.vector_load %arg17[%swap3A_920, %swap3A_921] {strides = array<i32>} : memref<33x16xi32, #tpu.memory_space<vmem>>, vector<16xi32>,
    tpu.vector_store %arg17[%swap3A_920, %swap3A_921], %get3A_918 {strides = array<i32>} : memref<33x16xi32, #tpu.memory_space<vmem>>, vector<16xi32>,
    %get3A_923 = arith.constant 368 : index
    %get3A_924 = tpu.vector_load %arg12[%get3A_923] {strides = array<i32>} : memref<528xi32, #tpu.memory_space<vmem>>, vector<16xi32>,
    %swap3A_925 = arith.constant 23 : i32
    %swap3A_926 = arith.index_cast %swap3A_925 : i32 to index
    %swap3A_927 = arith.constant 0 : index
    %swap3A_928 = tpu.vector_load %arg16[%swap3A_926, %swap3A_927] {strides = array<i32>} : memref<33x16xi32, #tpu.memory_space<vmem>>, vector<16xi32>,
    tpu.vector_store %arg16[%swap3A_926, %swap3A_927], %get3A_924 {strides = array<i32>} : memref<33x16xi32, #tpu.memory_space<vmem>>, vector<16xi32>,
    %get3A_929 = arith.constant 368 : index
    %get3A_930 = tpu.vector_load %arg13[%get3A_929] {strides = array<i32>} : memref<528xi32, #tpu.memory_space<vmem>>, vector<16xi32>,
    %swap3A_931 = arith.constant 23 : i32
    %swap3A_932 = arith.index_cast %swap3A_931 : i32 to index
    %swap3A_933 = arith.constant 0 : index
    %swap3A_934 = tpu.vector_load %arg17[%swap3A_932, %swap3A_933] {strides = array<i32>} : memref<33x16xi32, #tpu.memory_space<vmem>>, vector<16xi32>,
    tpu.vector_store %arg17[%swap3A_932, %swap3A_933], %get3A_930 {strides = array<i32>} : memref<33x16xi32, #tpu.memory_space<vmem>>, vector<16xi32>,
    %get3A_935 = arith.constant 384 : index
    %get3A_936 = tpu.vector_load %arg12[%get3A_935] {strides = array<i32>} : memref<528xi32, #tpu.memory_space<vmem>>, vector<16xi32>,
    %swap3A_937 = arith.constant 24 : i32
    %swap3A_938 = arith.index_cast %swap3A_937 : i32 to index
    %swap3A_939 = arith.constant 0 : index
    %swap3A_940 = tpu.vector_load %arg16[%swap3A_938, %swap3A_939] {strides = array<i32>} : memref<33x16xi32, #tpu.memory_space<vmem>>, vector<16xi32>,
    tpu.vector_store %arg16[%swap3A_938, %swap3A_939], %get3A_936 {strides = array<i32>} : memref<33x16xi32, #tpu.memory_space<vmem>>, vector<16xi32>,
    %get3A_941 = arith.constant 384 : index
    %get3A_942 = tpu.vector_load %arg13[%get3A_941] {strides = array<i32>} : memref<528xi32, #tpu.memory_space<vmem>>, vector<16xi32>,
    %swap3A_943 = arith.constant 24 : i32
    %swap3A_944 = arith.index_cast %swap3A_943 : i32 to index
    %swap3A_945 = arith.constant 0 : index
    %swap3A_946 = tpu.vector_load %arg17[%swap3A_944, %swap3A_945] {strides = array<i32>} : memref<33x16xi32, #tpu.memory_space<vmem>>, vector<16xi32>,
    tpu.vector_store %arg17[%swap3A_944, %swap3A_945], %get3A_942 {strides = array<i32>} : memref<33x16xi32, #tpu.memory_space<vmem>>, vector<16xi32>,
    %get3A_947 = arith.constant 400 : index
    %get3A_948 = tpu.vector_load %arg12[%get3A_947] {strides = array<i32>} : memref<528xi32, #tpu.memory_space<vmem>>, vector<16xi32>,
    %swap3A_949 = arith.constant 25 : i32
    %swap3A_950 = arith.index_cast %swap3A_949 : i32 to index
    %swap3A_951 = arith.constant 0 : index
    %swap3A_952 = tpu.vector_load %arg16[%swap3A_950, %swap3A_951] {strides = array<i32>} : memref<33x16xi32, #tpu.memory_space<vmem>>, vector<16xi32>,
    tpu.vector_store %arg16[%swap3A_950, %swap3A_951], %get3A_948 {strides = array<i32>} : memref<33x16xi32, #tpu.memory_space<vmem>>, vector<16xi32>,
    %get3A_953 = arith.constant 400 : index
    %get3A_954 = tpu.vector_load %arg13[%get3A_953] {strides = array<i32>} : memref<528xi32, #tpu.memory_space<vmem>>, vector<16xi32>,
    %swap3A_955 = arith.constant 25 : i32
    %swap3A_956 = arith.index_cast %swap3A_955 : i32 to index
    %swap3A_957 = arith.constant 0 : index
    %swap3A_958 = tpu.vector_load %arg17[%swap3A_956, %swap3A_957] {strides = array<i32>} : memref<33x16xi32, #tpu.memory_space<vmem>>, vector<16xi32>,
    tpu.vector_store %arg17[%swap3A_956, %swap3A_957], %get3A_954 {strides = array<i32>} : memref<33x16xi32, #tpu.memory_space<vmem>>, vector<16xi32>,
    %get3A_959 = arith.constant 416 : index
    %get3A_960 = tpu.vector_load %arg12[%get3A_959] {strides = array<i32>} : memref<528xi32, #tpu.memory_space<vmem>>, vector<16xi32>,
    %swap3A_961 = arith.constant 26 : i32
    %swap3A_962 = arith.index_cast %swap3A_961 : i32 to index
    %swap3A_963 = arith.constant 0 : index
    %swap3A_964 = tpu.vector_load %arg16[%swap3A_962, %swap3A_963] {strides = array<i32>} : memref<33x16xi32, #tpu.memory_space<vmem>>, vector<16xi32>,
    tpu.vector_store %arg16[%swap3A_962, %swap3A_963], %get3A_960 {strides = array<i32>} : memref<33x16xi32, #tpu.memory_space<vmem>>, vector<16xi32>,
    %get3A_965 = arith.constant 416 : index
    %get3A_966 = tpu.vector_load %arg13[%get3A_965] {strides = array<i32>} : memref<528xi32, #tpu.memory_space<vmem>>, vector<16xi32>,
    %swap3A_967 = arith.constant 26 : i32
    %swap3A_968 = arith.index_cast %swap3A_967 : i32 to index
    %swap3A_969 = arith.constant 0 : index
    %swap3A_970 = tpu.vector_load %arg17[%swap3A_968, %swap3A_969] {strides = array<i32>} : memref<33x16xi32, #tpu.memory_space<vmem>>, vector<16xi32>,
    tpu.vector_store %arg17[%swap3A_968, %swap3A_969], %get3A_966 {strides = array<i32>} : memref<33x16xi32, #tpu.memory_space<vmem>>, vector<16xi32>,
    %get3A_971 = arith.constant 432 : index
    %get3A_972 = tpu.vector_load %arg12[%get3A_971] {strides = array<i32>} : memref<528xi32, #tpu.memory_space<vmem>>, vector<16xi32>,
    %swap3A_973 = arith.constant 27 : i32
    %swap3A_974 = arith.index_cast %swap3A_973 : i32 to index
    %swap3A_975 = arith.constant 0 : index
    %swap3A_976 = tpu.vector_load %arg16[%swap3A_974, %swap3A_975] {strides = array<i32>} : memref<33x16xi32, #tpu.memory_space<vmem>>, vector<16xi32>,
    tpu.vector_store %arg16[%swap3A_974, %swap3A_975], %get3A_972 {strides = array<i32>} : memref<33x16xi32, #tpu.memory_space<vmem>>, vector<16xi32>,
    %get3A_977 = arith.constant 432 : index
    %get3A_978 = tpu.vector_load %arg13[%get3A_977] {strides = array<i32>} : memref<528xi32, #tpu.memory_space<vmem>>, vector<16xi32>,
    %swap3A_979 = arith.constant 27 : i32
    %swap3A_980 = arith.index_cast %swap3A_979 : i32 to index
    %swap3A_981 = arith.constant 0 : index
    %swap3A_982 = tpu.vector_load %arg17[%swap3A_980, %swap3A_981] {strides = array<i32>} : memref<33x16xi32, #tpu.memory_space<vmem>>, vector<16xi32>,
    tpu.vector_store %arg17[%swap3A_980, %swap3A_981], %get3A_978 {strides = array<i32>} : memref<33x16xi32, #tpu.memory_space<vmem>>, vector<16xi32>,
    %get3A_983 = arith.constant 448 : index
    %get3A_984 = tpu.vector_load %arg12[%get3A_983] {strides = array<i32>} : memref<528xi32, #tpu.memory_space<vmem>>, vector<16xi32>,
    %swap3A_985 = arith.constant 28 : i32
    %swap3A_986 = arith.index_cast %swap3A_985 : i32 to index
    %swap3A_987 = arith.constant 0 : index
    %swap3A_988 = tpu.vector_load %arg16[%swap3A_986, %swap3A_987] {strides = array<i32>} : memref<33x16xi32, #tpu.memory_space<vmem>>, vector<16xi32>,
    tpu.vector_store %arg16[%swap3A_986, %swap3A_987], %get3A_984 {strides = array<i32>} : memref<33x16xi32, #tpu.memory_space<vmem>>, vector<16xi32>,
    %get3A_989 = arith.constant 448 : index
    %get3A_990 = tpu.vector_load %arg13[%get3A_989] {strides = array<i32>} : memref<528xi32, #tpu.memory_space<vmem>>, vector<16xi32>,
    %swap3A_991 = arith.constant 28 : i32
    %swap3A_992 = arith.index_cast %swap3A_991 : i32 to index
    %swap3A_993 = arith.constant 0 : index
    %swap3A_994 = tpu.vector_load %arg17[%swap3A_992, %swap3A_993] {strides = array<i32>} : memref<33x16xi32, #tpu.memory_space<vmem>>, vector<16xi32>,
    tpu.vector_store %arg17[%swap3A_992, %swap3A_993], %get3A_990 {strides = array<i32>} : memref<33x16xi32, #tpu.memory_space<vmem>>, vector<16xi32>,
    %get3A_995 = arith.constant 464 : index
    %get3A_996 = tpu.vector_load %arg12[%get3A_995] {strides = array<i32>} : memref<528xi32, #tpu.memory_space<vmem>>, vector<16xi32>,
    %swap3A_997 = arith.constant 29 : i32
    %swap3A_998 = arith.index_cast %swap3A_997 : i32 to index
    %swap3A_999 = arith.constant 0 : index
    %swap3A_1000 = tpu.vector_load %arg16[%swap3A_998, %swap3A_999] {strides = array<i32>} : memref<33x16xi32, #tpu.memory_space<vmem>>, vector<16xi32>,
    tpu.vector_store %arg16[%swap3A_998, %swap3A_999], %get3A_996 {strides = array<i32>} : memref<33x16xi32, #tpu.memory_space<vmem>>, vector<16xi32>,
    %get3A_1001 = arith.constant 464 : index
    %get3A_1002 = tpu.vector_load %arg13[%get3A_1001] {strides = array<i32>} : memref<528xi32, #tpu.memory_space<vmem>>, vector<16xi32>,
    %swap3A_1003 = arith.constant 29 : i32
    %swap3A_1004 = arith.index_cast %swap3A_1003 : i32 to index
    %swap3A_1005 = arith.constant 0 : index
    %swap3A_1006 = tpu.vector_load %arg17[%swap3A_1004, %swap3A_1005] {strides = array<i32>} : memref<33x16xi32, #tpu.memory_space<vmem>>, vector<16xi32>,
    tpu.vector_store %arg17[%swap3A_1004, %swap3A_1005], %get3A_1002 {strides = array<i32>} : memref<33x16xi32, #tpu.memory_space<vmem>>, vector<16xi32>,
    %get3A_1007 = arith.constant 480 : index
    %get3A_1008 = tpu.vector_load %arg12[%get3A_1007] {strides = array<i32>} : memref<528xi32, #tpu.memory_space<vmem>>, vector<16xi32>,
    %swap3A_1009 = arith.constant 30 : i32
    %swap3A_1010 = arith.index_cast %swap3A_1009 : i32 to index
    %swap3A_1011 = arith.constant 0 : index
    %swap3A_1012 = tpu.vector_load %arg16[%swap3A_1010, %swap3A_1011] {strides = array<i32>} : memref<33x16xi32, #tpu.memory_space<vmem>>, vector<16xi32>,
    tpu.vector_store %arg16[%swap3A_1010, %swap3A_1011], %get3A_1008 {strides = array<i32>} : memref<33x16xi32, #tpu.memory_space<vmem>>, vector<16xi32>,
    %get3A_1013 = arith.constant 480 : index
    %get3A_1014 = tpu.vector_load %arg13[%get3A_1013] {strides = array<i32>} : memref<528xi32, #tpu.memory_space<vmem>>, vector<16xi32>,
    %swap3A_1015 = arith.constant 30 : i32
    %swap3A_1016 = arith.index_cast %swap3A_1015 : i32 to index
    %swap3A_1017 = arith.constant 0 : index
    %swap3A_1018 = tpu.vector_load %arg17[%swap3A_1016, %swap3A_1017] {strides = array<i32>} : memref<33x16xi32, #tpu.memory_space<vmem>>, vector<16xi32>,
    tpu.vector_store %arg17[%swap3A_1016, %swap3A_1017], %get3A_1014 {strides = array<i32>} : memref<33x16xi32, #tpu.memory_space<vmem>>, vector<16xi32>,
    %get3A_1019 = arith.constant 496 : index
    %get3A_1020 = tpu.vector_load %arg12[%get3A_1019] {strides = array<i32>} : memref<528xi32, #tpu.memory_space<vmem>>, vector<16xi32>,
    %swap3A_1021 = arith.constant 31 : i32
    %swap3A_1022 = arith.index_cast %swap3A_1021 : i32 to index
    %swap3A_1023 = arith.constant 0 : index
    %swap3A_1024 = tpu.vector_load %arg16[%swap3A_1022, %swap3A_1023] {strides = array<i32>} : memref<33x16xi32, #tpu.memory_space<vmem>>, vector<16xi32>,
    tpu.vector_store %arg16[%swap3A_1022, %swap3A_1023], %get3A_1020 {strides = array<i32>} : memref<33x16xi32, #tpu.memory_space<vmem>>, vector<16xi32>,
    %get3A_1025 = arith.constant 496 : index
    %get3A_1026 = tpu.vector_load %arg13[%get3A_1025] {strides = array<i32>} : memref<528xi32, #tpu.memory_space<vmem>>, vector<16xi32>,
    %swap3A_1027 = arith.constant 31 : i32
    %swap3A_1028 = arith.index_cast %swap3A_1027 : i32 to index
    %swap3A_1029 = arith.constant 0 : index
    %swap3A_1030 = tpu.vector_load %arg17[%swap3A_1028, %swap3A_1029] {strides = array<i32>} : memref<33x16xi32, #tpu.memory_space<vmem>>, vector<16xi32>,
    tpu.vector_store %arg17[%swap3A_1028, %swap3A_1029], %get3A_1026 {strides = array<i32>} : memref<33x16xi32, #tpu.memory_space<vmem>>, vector<16xi32>,
    %get3A_1031 = arith.constant 512 : index
    %get3A_1032 = tpu.vector_load %arg12[%get3A_1031] {strides = array<i32>} : memref<528xi32, #tpu.memory_space<vmem>>, vector<16xi32>,
    %swap3A_1033 = arith.constant 32 : i32
    %swap3A_1034 = arith.index_cast %swap3A_1033 : i32 to index
    %swap3A_1035 = arith.constant 0 : index
    %swap3A_1036 = tpu.vector_load %arg16[%swap3A_1034, %swap3A_1035] {strides = array<i32>} : memref<33x16xi32, #tpu.memory_space<vmem>>, vector<16xi32>,
    tpu.vector_store %arg16[%swap3A_1034, %swap3A_1035], %get3A_1032 {strides = array<i32>} : memref<33x16xi32, #tpu.memory_space<vmem>>, vector<16xi32>,
    %get3A_1037 = arith.constant 512 : index
    %get3A_1038 = tpu.vector_load %arg13[%get3A_1037] {strides = array<i32>} : memref<528xi32, #tpu.memory_space<vmem>>, vector<16xi32>,
    %swap3A_1039 = arith.constant 32 : i32
    %swap3A_1040 = arith.index_cast %swap3A_1039 : i32 to index
    %swap3A_1041 = arith.constant 0 : index
    %swap3A_1042 = tpu.vector_load %arg17[%swap3A_1040, %swap3A_1041] {strides = array<i32>} : memref<33x16xi32, #tpu.memory_space<vmem>>, vector<16xi32>,
    tpu.vector_store %arg17[%swap3A_1040, %swap3A_1041], %get3A_1038 {strides = array<i32>} : memref<33x16xi32, #tpu.memory_space<vmem>>, vector<16xi32>,
    "tpu.trace_stop"() : () -> ()
    "tpu.trace_start"() <{level = 10 : i32, message = "pfill"}> : () -> ()
    %mul3A_1043 = arith.constant 16 : i32
    %mul3A_1044 = arith.muli %select_n3A_134, %mul3A_1043 : i32
    %sub3A_1045 = arith.constant 544 : i32
    %sub3A_1046 = arith.subi %sub3A_1045, %mul3A_1044 : i32
    %while3A_1047 = arith.constant 0 : i32
    %while3A_1048 = arith.constant 0 : i32
    %while3A_1049 = arith.subi %select_n3A_134, %while3A_1047 : i32
    %while3A_1050 = arith.addi %while3A_1047, %while3A_1049 : i32
    %while3A_1051 = arith.constant 1 : i32
    %while3A_1052 = arith.divsi %while3A_1049, %while3A_1051 : i32
    %while3A_1053 = arith.muli %while3A_1052, %while3A_1051 : i32
    %while3A_1054 = arith.addi %while3A_1047, %while3A_1053 : i32
    %while3A_1055 = arith.constant 1 : i32
    %while3A_1056 = scf.for %while3A_1096 = %while3A_1047 to %while3A_1054 step %while3A_1055 iter_args(%while3A_1097 = %while3A_1048) -> (i32)  : i32 {
      %mul3A_1098 = arith.constant 16 : i32
      %mul3A_1099 = arith.muli %while3A_1096, %mul3A_1098 : i32
      %get3A_1100 = arith.index_cast %mul3A_1099 : i32 to index
      %get3A_1101 = tpu.vector_load %arg14[%get3A_1100] {strides = array<i32>} : memref<528xf32, #tpu.memory_space<vmem>>, vector<16xf32>,
      %sub3A_1102 = arith.subf %get3A_1101, %div3A_583 : vector<16xf32>
      %mul3A_1103 = arith.mulf %sub3A_1102, %mul3A_643 : vector<16xf32>
      %add3A_1104 = arith.addf %mul3A_1103, %broadcast_in_dim3A_646 : vector<16xf32>
      %mul3A_1105 = arith.constant 16 : i32
      %mul3A_1106 = arith.muli %while3A_1096, %mul3A_1105 : i32
      %add3A_1107 = arith.addi %sub3A_1046, %mul3A_1106 : i32
      %slice3A_1108 = vector.extract_strided_slice %add3A_1104 {offsets = [0], sizes = [1], strides = [1]} : vector<16xf32> to vector<1xf32>
      %squeeze3A_1109 = vector.extract %slice3A_1108[0] : f32 from vector<1xf32>
      %broadcast_in_dim3A_1110 = vector.broadcast %squeeze3A_1109 : f32 to vector<16xf32>
      %add3A_1111 = arith.constant 0 : i32
      %add3A_1112 = arith.addi %add3A_1107, %add3A_1111 : i32
      %swap3A_1113 = arith.index_cast %add3A_1112 : i32 to index
      %swap3A_1114 = arith.constant 0 : index
      %swap3A_1115 = tpu.vector_load %arg10[%swap3A_1113, %swap3A_1114] {strides = array<i32>} : memref<544x128xf32, #tpu.memory_space<vmem>>, vector<16xf32>,
      tpu.vector_store %arg10[%swap3A_1113, %swap3A_1114], %broadcast_in_dim3A_1110 {strides = array<i32>} : memref<544x128xf32, #tpu.memory_space<vmem>>, vector<16xf32>,
      %add3A_1116 = arith.constant 0 : i32
      %add3A_1117 = arith.addi %add3A_1107, %add3A_1116 : i32
      %swap3A_1118 = arith.index_cast %add3A_1117 : i32 to index
      %swap3A_1119 = arith.constant 16 : index
      %swap3A_1120 = tpu.vector_load %arg10[%swap3A_1118, %swap3A_1119] {strides = array<i32>} : memref<544x128xf32, #tpu.memory_space<vmem>>, vector<16xf32>,
      tpu.vector_store %arg10[%swap3A_1118, %swap3A_1119], %broadcast_in_dim3A_1110 {strides = array<i32>} : memref<544x128xf32, #tpu.memory_space<vmem>>, vector<16xf32>,
      %add3A_1121 = arith.constant 0 : i32
      %add3A_1122 = arith.addi %add3A_1107, %add3A_1121 : i32
      %swap3A_1123 = arith.index_cast %add3A_1122 : i32 to index
      %swap3A_1124 = arith.constant 32 : index
      %swap3A_1125 = tpu.vector_load %arg10[%swap3A_1123, %swap3A_1124] {strides = array<i32>} : memref<544x128xf32, #tpu.memory_space<vmem>>, vector<16xf32>,
      tpu.vector_store %arg10[%swap3A_1123, %swap3A_1124], %broadcast_in_dim3A_1110 {strides = array<i32>} : memref<544x128xf32, #tpu.memory_space<vmem>>, vector<16xf32>,
      %add3A_1126 = arith.constant 0 : i32
      %add3A_1127 = arith.addi %add3A_1107, %add3A_1126 : i32
      %swap3A_1128 = arith.index_cast %add3A_1127 : i32 to index
      %swap3A_1129 = arith.constant 48 : index
      %swap3A_1130 = tpu.vector_load %arg10[%swap3A_1128, %swap3A_1129] {strides = array<i32>} : memref<544x128xf32, #tpu.memory_space<vmem>>, vector<16xf32>,
      tpu.vector_store %arg10[%swap3A_1128, %swap3A_1129], %broadcast_in_dim3A_1110 {strides = array<i32>} : memref<544x128xf32, #tpu.memory_space<vmem>>, vector<16xf32>,
      %add3A_1131 = arith.constant 0 : i32
      %add3A_1132 = arith.addi %add3A_1107, %add3A_1131 : i32
      %swap3A_1133 = arith.index_cast %add3A_1132 : i32 to index
      %swap3A_1134 = arith.constant 64 : index
      %swap3A_1135 = tpu.vector_load %arg10[%swap3A_1133, %swap3A_1134] {strides = array<i32>} : memref<544x128xf32, #tpu.memory_space<vmem>>, vector<16xf32>,
      tpu.vector_store %arg10[%swap3A_1133, %swap3A_1134], %broadcast_in_dim3A_1110 {strides = array<i32>} : memref<544x128xf32, #tpu.memory_space<vmem>>, vector<16xf32>,
      %add3A_1136 = arith.constant 0 : i32
      %add3A_1137 = arith.addi %add3A_1107, %add3A_1136 : i32
      %swap3A_1138 = arith.index_cast %add3A_1137 : i32 to index
      %swap3A_1139 = arith.constant 80 : index
      %swap3A_1140 = tpu.vector_load %arg10[%swap3A_1138, %swap3A_1139] {strides = array<i32>} : memref<544x128xf32, #tpu.memory_space<vmem>>, vector<16xf32>,
      tpu.vector_store %arg10[%swap3A_1138, %swap3A_1139], %broadcast_in_dim3A_1110 {strides = array<i32>} : memref<544x128xf32, #tpu.memory_space<vmem>>, vector<16xf32>,
      %add3A_1141 = arith.constant 0 : i32
      %add3A_1142 = arith.addi %add3A_1107, %add3A_1141 : i32
      %swap3A_1143 = arith.index_cast %add3A_1142 : i32 to index
      %swap3A_1144 = arith.constant 96 : index
      %swap3A_1145 = tpu.vector_load %arg10[%swap3A_1143, %swap3A_1144] {strides = array<i32>} : memref<544x128xf32, #tpu.memory_space<vmem>>, vector<16xf32>,
      tpu.vector_store %arg10[%swap3A_1143, %swap3A_1144], %broadcast_in_dim3A_1110 {strides = array<i32>} : memref<544x128xf32, #tpu.memory_space<vmem>>, vector<16xf32>,
      %add3A_1146 = arith.constant 0 : i32
      %add3A_1147 = arith.addi %add3A_1107, %add3A_1146 : i32
      %swap3A_1148 = arith.index_cast %add3A_1147 : i32 to index
      %swap3A_1149 = arith.constant 112 : index
      %swap3A_1150 = tpu.vector_load %arg10[%swap3A_1148, %swap3A_1149] {strides = array<i32>} : memref<544x128xf32, #tpu.memory_space<vmem>>, vector<16xf32>,
      tpu.vector_store %arg10[%swap3A_1148, %swap3A_1149], %broadcast_in_dim3A_1110 {strides = array<i32>} : memref<544x128xf32, #tpu.memory_space<vmem>>, vector<16xf32>,
      %slice3A_1151 = vector.extract_strided_slice %add3A_1104 {offsets = [1], sizes = [1], strides = [1]} : vector<16xf32> to vector<1xf32>
      %squeeze3A_1152 = vector.extract %slice3A_1151[0] : f32 from vector<1xf32>
      %broadcast_in_dim3A_1153 = vector.broadcast %squeeze3A_1152 : f32 to vector<16xf32>
      %add3A_1154 = arith.constant 1 : i32
      %add3A_1155 = arith.addi %add3A_1107, %add3A_1154 : i32
      %swap3A_1156 = arith.index_cast %add3A_1155 : i32 to index
      %swap3A_1157 = arith.constant 0 : index
      %swap3A_1158 = tpu.vector_load %arg10[%swap3A_1156, %swap3A_1157] {strides = array<i32>} : memref<544x128xf32, #tpu.memory_space<vmem>>, vector<16xf32>,
      tpu.vector_store %arg10[%swap3A_1156, %swap3A_1157], %broadcast_in_dim3A_1153 {strides = array<i32>} : memref<544x128xf32, #tpu.memory_space<vmem>>, vector<16xf32>,
      %add3A_1159 = arith.constant 1 : i32
      %add3A_1160 = arith.addi %add3A_1107, %add3A_1159 : i32
      %swap3A_1161 = arith.index_cast %add3A_1160 : i32 to index
      %swap3A_1162 = arith.constant 16 : index
      %swap3A_1163 = tpu.vector_load %arg10[%swap3A_1161, %swap3A_1162] {strides = array<i32>} : memref<544x128xf32, #tpu.memory_space<vmem>>, vector<16xf32>,
      tpu.vector_store %arg10[%swap3A_1161, %swap3A_1162], %broadcast_in_dim3A_1153 {strides = array<i32>} : memref<544x128xf32, #tpu.memory_space<vmem>>, vector<16xf32>,
      %add3A_1164 = arith.constant 1 : i32
      %add3A_1165 = arith.addi %add3A_1107, %add3A_1164 : i32
      %swap3A_1166 = arith.index_cast %add3A_1165 : i32 to index
      %swap3A_1167 = arith.constant 32 : index
      %swap3A_1168 = tpu.vector_load %arg10[%swap3A_1166, %swap3A_1167] {strides = array<i32>} : memref<544x128xf32, #tpu.memory_space<vmem>>, vector<16xf32>,
      tpu.vector_store %arg10[%swap3A_1166, %swap3A_1167], %broadcast_in_dim3A_1153 {strides = array<i32>} : memref<544x128xf32, #tpu.memory_space<vmem>>, vector<16xf32>,
      %add3A_1169 = arith.constant 1 : i32
      %add3A_1170 = arith.addi %add3A_1107, %add3A_1169 : i32
      %swap3A_1171 = arith.index_cast %add3A_1170 : i32 to index
      %swap3A_1172 = arith.constant 48 : index
      %swap3A_1173 = tpu.vector_load %arg10[%swap3A_1171, %swap3A_1172] {strides = array<i32>} : memref<544x128xf32, #tpu.memory_space<vmem>>, vector<16xf32>,
      tpu.vector_store %arg10[%swap3A_1171, %swap3A_1172], %broadcast_in_dim3A_1153 {strides = array<i32>} : memref<544x128xf32, #tpu.memory_space<vmem>>, vector<16xf32>,
      %add3A_1174 = arith.constant 1 : i32
      %add3A_1175 = arith.addi %add3A_1107, %add3A_1174 : i32
      %swap3A_1176 = arith.index_cast %add3A_1175 : i32 to index
      %swap3A_1177 = arith.constant 64 : index
      %swap3A_1178 = tpu.vector_load %arg10[%swap3A_1176, %swap3A_1177] {strides = array<i32>} : memref<544x128xf32, #tpu.memory_space<vmem>>, vector<16xf32>,
      tpu.vector_store %arg10[%swap3A_1176, %swap3A_1177], %broadcast_in_dim3A_1153 {strides = array<i32>} : memref<544x128xf32, #tpu.memory_space<vmem>>, vector<16xf32>,
      %add3A_1179 = arith.constant 1 : i32
      %add3A_1180 = arith.addi %add3A_1107, %add3A_1179 : i32
      %swap3A_1181 = arith.index_cast %add3A_1180 : i32 to index
      %swap3A_1182 = arith.constant 80 : index
      %swap3A_1183 = tpu.vector_load %arg10[%swap3A_1181, %swap3A_1182] {strides = array<i32>} : memref<544x128xf32, #tpu.memory_space<vmem>>, vector<16xf32>,
      tpu.vector_store %arg10[%swap3A_1181, %swap3A_1182], %broadcast_in_dim3A_1153 {strides = array<i32>} : memref<544x128xf32, #tpu.memory_space<vmem>>, vector<16xf32>,
      %add3A_1184 = arith.constant 1 : i32
      %add3A_1185 = arith.addi %add3A_1107, %add3A_1184 : i32
      %swap3A_1186 = arith.index_cast %add3A_1185 : i32 to index
      %swap3A_1187 = arith.constant 96 : index
      %swap3A_1188 = tpu.vector_load %arg10[%swap3A_1186, %swap3A_1187] {strides = array<i32>} : memref<544x128xf32, #tpu.memory_space<vmem>>, vector<16xf32>,
      tpu.vector_store %arg10[%swap3A_1186, %swap3A_1187], %broadcast_in_dim3A_1153 {strides = array<i32>} : memref<544x128xf32, #tpu.memory_space<vmem>>, vector<16xf32>,
      %add3A_1189 = arith.constant 1 : i32
      %add3A_1190 = arith.addi %add3A_1107, %add3A_1189 : i32
      %swap3A_1191 = arith.index_cast %add3A_1190 : i32 to index
      %swap3A_1192 = arith.constant 112 : index
      %swap3A_1193 = tpu.vector_load %arg10[%swap3A_1191, %swap3A_1192] {strides = array<i32>} : memref<544x128xf32, #tpu.memory_space<vmem>>, vector<16xf32>,
      tpu.vector_store %arg10[%swap3A_1191, %swap3A_1192], %broadcast_in_dim3A_1153 {strides = array<i32>} : memref<544x128xf32, #tpu.memory_space<vmem>>, vector<16xf32>,
      %slice3A_1194 = vector.extract_strided_slice %add3A_1104 {offsets = [2], sizes = [1], strides = [1]} : vector<16xf32> to vector<1xf32>
      %squeeze3A_1195 = vector.extract %slice3A_1194[0] : f32 from vector<1xf32>
      %broadcast_in_dim3A_1196 = vector.broadcast %squeeze3A_1195 : f32 to vector<16xf32>
      %add3A_1197 = arith.constant 2 : i32
      %add3A_1198 = arith.addi %add3A_1107, %add3A_1197 : i32
      %swap3A_1199 = arith.index_cast %add3A_1198 : i32 to index
      %swap3A_1200 = arith.constant 0 : index
      %swap3A_1201 = tpu.vector_load %arg10[%swap3A_1199, %swap3A_1200] {strides = array<i32>} : memref<544x128xf32, #tpu.memory_space<vmem>>, vector<16xf32>,
      tpu.vector_store %arg10[%swap3A_1199, %swap3A_1200], %broadcast_in_dim3A_1196 {strides = array<i32>} : memref<544x128xf32, #tpu.memory_space<vmem>>, vector<16xf32>,
      %add3A_1202 = arith.constant 2 : i32
      %add3A_1203 = arith.addi %add3A_1107, %add3A_1202 : i32
      %swap3A_1204 = arith.index_cast %add3A_1203 : i32 to index
      %swap3A_1205 = arith.constant 16 : index
      %swap3A_1206 = tpu.vector_load %arg10[%swap3A_1204, %swap3A_1205] {strides = array<i32>} : memref<544x128xf32, #tpu.memory_space<vmem>>, vector<16xf32>,
      tpu.vector_store %arg10[%swap3A_1204, %swap3A_1205], %broadcast_in_dim3A_1196 {strides = array<i32>} : memref<544x128xf32, #tpu.memory_space<vmem>>, vector<16xf32>,
      %add3A_1207 = arith.constant 2 : i32
      %add3A_1208 = arith.addi %add3A_1107, %add3A_1207 : i32
      %swap3A_1209 = arith.index_cast %add3A_1208 : i32 to index
      %swap3A_1210 = arith.constant 32 : index
      %swap3A_1211 = tpu.vector_load %arg10[%swap3A_1209, %swap3A_1210] {strides = array<i32>} : memref<544x128xf32, #tpu.memory_space<vmem>>, vector<16xf32>,
      tpu.vector_store %arg10[%swap3A_1209, %swap3A_1210], %broadcast_in_dim3A_1196 {strides = array<i32>} : memref<544x128xf32, #tpu.memory_space<vmem>>, vector<16xf32>,
      %add3A_1212 = arith.constant 2 : i32
      %add3A_1213 = arith.addi %add3A_1107, %add3A_1212 : i32
      %swap3A_1214 = arith.index_cast %add3A_1213 : i32 to index
      %swap3A_1215 = arith.constant 48 : index
      %swap3A_1216 = tpu.vector_load %arg10[%swap3A_1214, %swap3A_1215] {strides = array<i32>} : memref<544x128xf32, #tpu.memory_space<vmem>>, vector<16xf32>,
      tpu.vector_store %arg10[%swap3A_1214, %swap3A_1215], %broadcast_in_dim3A_1196 {strides = array<i32>} : memref<544x128xf32, #tpu.memory_space<vmem>>, vector<16xf32>,
      %add3A_1217 = arith.constant 2 : i32
      %add3A_1218 = arith.addi %add3A_1107, %add3A_1217 : i32
      %swap3A_1219 = arith.index_cast %add3A_1218 : i32 to index
      %swap3A_1220 = arith.constant 64 : index
      %swap3A_1221 = tpu.vector_load %arg10[%swap3A_1219, %swap3A_1220] {strides = array<i32>} : memref<544x128xf32, #tpu.memory_space<vmem>>, vector<16xf32>,
      tpu.vector_store %arg10[%swap3A_1219, %swap3A_1220], %broadcast_in_dim3A_1196 {strides = array<i32>} : memref<544x128xf32, #tpu.memory_space<vmem>>, vector<16xf32>,
      %add3A_1222 = arith.constant 2 : i32
      %add3A_1223 = arith.addi %add3A_1107, %add3A_1222 : i32
      %swap3A_1224 = arith.index_cast %add3A_1223 : i32 to index
      %swap3A_1225 = arith.constant 80 : index
      %swap3A_1226 = tpu.vector_load %arg10[%swap3A_1224, %swap3A_1225] {strides = array<i32>} : memref<544x128xf32, #tpu.memory_space<vmem>>, vector<16xf32>,
      tpu.vector_store %arg10[%swap3A_1224, %swap3A_1225], %broadcast_in_dim3A_1196 {strides = array<i32>} : memref<544x128xf32, #tpu.memory_space<vmem>>, vector<16xf32>,
      %add3A_1227 = arith.constant 2 : i32
      %add3A_1228 = arith.addi %add3A_1107, %add3A_1227 : i32
      %swap3A_1229 = arith.index_cast %add3A_1228 : i32 to index
      %swap3A_1230 = arith.constant 96 : index
      %swap3A_1231 = tpu.vector_load %arg10[%swap3A_1229, %swap3A_1230] {strides = array<i32>} : memref<544x128xf32, #tpu.memory_space<vmem>>, vector<16xf32>,
      tpu.vector_store %arg10[%swap3A_1229, %swap3A_1230], %broadcast_in_dim3A_1196 {strides = array<i32>} : memref<544x128xf32, #tpu.memory_space<vmem>>, vector<16xf32>,
      %add3A_1232 = arith.constant 2 : i32
      %add3A_1233 = arith.addi %add3A_1107, %add3A_1232 : i32
      %swap3A_1234 = arith.index_cast %add3A_1233 : i32 to index
      %swap3A_1235 = arith.constant 112 : index
      %swap3A_1236 = tpu.vector_load %arg10[%swap3A_1234, %swap3A_1235] {strides = array<i32>} : memref<544x128xf32, #tpu.memory_space<vmem>>, vector<16xf32>,
      tpu.vector_store %arg10[%swap3A_1234, %swap3A_1235], %broadcast_in_dim3A_1196 {strides = array<i32>} : memref<544x128xf32, #tpu.memory_space<vmem>>, vector<16xf32>,
      %slice3A_1237 = vector.extract_strided_slice %add3A_1104 {offsets = [3], sizes = [1], strides = [1]} : vector<16xf32> to vector<1xf32>
      %squeeze3A_1238 = vector.extract %slice3A_1237[0] : f32 from vector<1xf32>
      %broadcast_in_dim3A_1239 = vector.broadcast %squeeze3A_1238 : f32 to vector<16xf32>
      %add3A_1240 = arith.constant 3 : i32
      %add3A_1241 = arith.addi %add3A_1107, %add3A_1240 : i32
      %swap3A_1242 = arith.index_cast %add3A_1241 : i32 to index
      %swap3A_1243 = arith.constant 0 : index
      %swap3A_1244 = tpu.vector_load %arg10[%swap3A_1242, %swap3A_1243] {strides = array<i32>} : memref<544x128xf32, #tpu.memory_space<vmem>>, vector<16xf32>,
      tpu.vector_store %arg10[%swap3A_1242, %swap3A_1243], %broadcast_in_dim3A_1239 {strides = array<i32>} : memref<544x128xf32, #tpu.memory_space<vmem>>, vector<16xf32>,
      %add3A_1245 = arith.constant 3 : i32
      %add3A_1246 = arith.addi %add3A_1107, %add3A_1245 : i32
      %swap3A_1247 = arith.index_cast %add3A_1246 : i32 to index
      %swap3A_1248 = arith.constant 16 : index
      %swap3A_1249 = tpu.vector_load %arg10[%swap3A_1247, %swap3A_1248] {strides = array<i32>} : memref<544x128xf32, #tpu.memory_space<vmem>>, vector<16xf32>,
      tpu.vector_store %arg10[%swap3A_1247, %swap3A_1248], %broadcast_in_dim3A_1239 {strides = array<i32>} : memref<544x128xf32, #tpu.memory_space<vmem>>, vector<16xf32>,
      %add3A_1250 = arith.constant 3 : i32
      %add3A_1251 = arith.addi %add3A_1107, %add3A_1250 : i32
      %swap3A_1252 = arith.index_cast %add3A_1251 : i32 to index
      %swap3A_1253 = arith.constant 32 : index
      %swap3A_1254 = tpu.vector_load %arg10[%swap3A_1252, %swap3A_1253] {strides = array<i32>} : memref<544x128xf32, #tpu.memory_space<vmem>>, vector<16xf32>,
      tpu.vector_store %arg10[%swap3A_1252, %swap3A_1253], %broadcast_in_dim3A_1239 {strides = array<i32>} : memref<544x128xf32, #tpu.memory_space<vmem>>, vector<16xf32>,
      %add3A_1255 = arith.constant 3 : i32
      %add3A_1256 = arith.addi %add3A_1107, %add3A_1255 : i32
      %swap3A_1257 = arith.index_cast %add3A_1256 : i32 to index
      %swap3A_1258 = arith.constant 48 : index
      %swap3A_1259 = tpu.vector_load %arg10[%swap3A_1257, %swap3A_1258] {strides = array<i32>} : memref<544x128xf32, #tpu.memory_space<vmem>>, vector<16xf32>,
      tpu.vector_store %arg10[%swap3A_1257, %swap3A_1258], %broadcast_in_dim3A_1239 {strides = array<i32>} : memref<544x128xf32, #tpu.memory_space<vmem>>, vector<16xf32>,
      %add3A_1260 = arith.constant 3 : i32
      %add3A_1261 = arith.addi %add3A_1107, %add3A_1260 : i32
      %swap3A_1262 = arith.index_cast %add3A_1261 : i32 to index
      %swap3A_1263 = arith.constant 64 : index
      %swap3A_1264 = tpu.vector_load %arg10[%swap3A_1262, %swap3A_1263] {strides = array<i32>} : memref<544x128xf32, #tpu.memory_space<vmem>>, vector<16xf32>,
      tpu.vector_store %arg10[%swap3A_1262, %swap3A_1263], %broadcast_in_dim3A_1239 {strides = array<i32>} : memref<544x128xf32, #tpu.memory_space<vmem>>, vector<16xf32>,
      %add3A_1265 = arith.constant 3 : i32
      %add3A_1266 = arith.addi %add3A_1107, %add3A_1265 : i32
      %swap3A_1267 = arith.index_cast %add3A_1266 : i32 to index
      %swap3A_1268 = arith.constant 80 : index
      %swap3A_1269 = tpu.vector_load %arg10[%swap3A_1267, %swap3A_1268] {strides = array<i32>} : memref<544x128xf32, #tpu.memory_space<vmem>>, vector<16xf32>,
      tpu.vector_store %arg10[%swap3A_1267, %swap3A_1268], %broadcast_in_dim3A_1239 {strides = array<i32>} : memref<544x128xf32, #tpu.memory_space<vmem>>, vector<16xf32>,
      %add3A_1270 = arith.constant 3 : i32
      %add3A_1271 = arith.addi %add3A_1107, %add3A_1270 : i32
      %swap3A_1272 = arith.index_cast %add3A_1271 : i32 to index
      %swap3A_1273 = arith.constant 96 : index
      %swap3A_1274 = tpu.vector_load %arg10[%swap3A_1272, %swap3A_1273] {strides = array<i32>} : memref<544x128xf32, #tpu.memory_space<vmem>>, vector<16xf32>,
      tpu.vector_store %arg10[%swap3A_1272, %swap3A_1273], %broadcast_in_dim3A_1239 {strides = array<i32>} : memref<544x128xf32, #tpu.memory_space<vmem>>, vector<16xf32>,
      %add3A_1275 = arith.constant 3 : i32
      %add3A_1276 = arith.addi %add3A_1107, %add3A_1275 : i32
      %swap3A_1277 = arith.index_cast %add3A_1276 : i32 to index
      %swap3A_1278 = arith.constant 112 : index
      %swap3A_1279 = tpu.vector_load %arg10[%swap3A_1277, %swap3A_1278] {strides = array<i32>} : memref<544x128xf32, #tpu.memory_space<vmem>>, vector<16xf32>,
      tpu.vector_store %arg10[%swap3A_1277, %swap3A_1278], %broadcast_in_dim3A_1239 {strides = array<i32>} : memref<544x128xf32, #tpu.memory_space<vmem>>, vector<16xf32>,
      %slice3A_1280 = vector.extract_strided_slice %add3A_1104 {offsets = [4], sizes = [1], strides = [1]} : vector<16xf32> to vector<1xf32>
      %squeeze3A_1281 = vector.extract %slice3A_1280[0] : f32 from vector<1xf32>
      %broadcast_in_dim3A_1282 = vector.broadcast %squeeze3A_1281 : f32 to vector<16xf32>
      %add3A_1283 = arith.constant 4 : i32
      %add3A_1284 = arith.addi %add3A_1107, %add3A_1283 : i32
      %swap3A_1285 = arith.index_cast %add3A_1284 : i32 to index
      %swap3A_1286 = arith.constant 0 : index
      %swap3A_1287 = tpu.vector_load %arg10[%swap3A_1285, %swap3A_1286] {strides = array<i32>} : memref<544x128xf32, #tpu.memory_space<vmem>>, vector<16xf32>,
      tpu.vector_store %arg10[%swap3A_1285, %swap3A_1286], %broadcast_in_dim3A_1282 {strides = array<i32>} : memref<544x128xf32, #tpu.memory_space<vmem>>, vector<16xf32>,
      %add3A_1288 = arith.constant 4 : i32
      %add3A_1289 = arith.addi %add3A_1107, %add3A_1288 : i32
      %swap3A_1290 = arith.index_cast %add3A_1289 : i32 to index
      %swap3A_1291 = arith.constant 16 : index
      %swap3A_1292 = tpu.vector_load %arg10[%swap3A_1290, %swap3A_1291] {strides = array<i32>} : memref<544x128xf32, #tpu.memory_space<vmem>>, vector<16xf32>,
      tpu.vector_store %arg10[%swap3A_1290, %swap3A_1291], %broadcast_in_dim3A_1282 {strides = array<i32>} : memref<544x128xf32, #tpu.memory_space<vmem>>, vector<16xf32>,
      %add3A_1293 = arith.constant 4 : i32
      %add3A_1294 = arith.addi %add3A_1107, %add3A_1293 : i32
      %swap3A_1295 = arith.index_cast %add3A_1294 : i32 to index
      %swap3A_1296 = arith.constant 32 : index
      %swap3A_1297 = tpu.vector_load %arg10[%swap3A_1295, %swap3A_1296] {strides = array<i32>} : memref<544x128xf32, #tpu.memory_space<vmem>>, vector<16xf32>,
      tpu.vector_store %arg10[%swap3A_1295, %swap3A_1296], %broadcast_in_dim3A_1282 {strides = array<i32>} : memref<544x128xf32, #tpu.memory_space<vmem>>, vector<16xf32>,
      %add3A_1298 = arith.constant 4 : i32
      %add3A_1299 = arith.addi %add3A_1107, %add3A_1298 : i32
      %swap3A_1300 = arith.index_cast %add3A_1299 : i32 to index
      %swap3A_1301 = arith.constant 48 : index
      %swap3A_1302 = tpu.vector_load %arg10[%swap3A_1300, %swap3A_1301] {strides = array<i32>} : memref<544x128xf32, #tpu.memory_space<vmem>>, vector<16xf32>,
      tpu.vector_store %arg10[%swap3A_1300, %swap3A_1301], %broadcast_in_dim3A_1282 {strides = array<i32>} : memref<544x128xf32, #tpu.memory_space<vmem>>, vector<16xf32>,
      %add3A_1303 = arith.constant 4 : i32
      %add3A_1304 = arith.addi %add3A_1107, %add3A_1303 : i32
      %swap3A_1305 = arith.index_cast %add3A_1304 : i32 to index
      %swap3A_1306 = arith.constant 64 : index
      %swap3A_1307 = tpu.vector_load %arg10[%swap3A_1305, %swap3A_1306] {strides = array<i32>} : memref<544x128xf32, #tpu.memory_space<vmem>>, vector<16xf32>,
      tpu.vector_store %arg10[%swap3A_1305, %swap3A_1306], %broadcast_in_dim3A_1282 {strides = array<i32>} : memref<544x128xf32, #tpu.memory_space<vmem>>, vector<16xf32>,
      %add3A_1308 = arith.constant 4 : i32
      %add3A_1309 = arith.addi %add3A_1107, %add3A_1308 : i32
      %swap3A_1310 = arith.index_cast %add3A_1309 : i32 to index
      %swap3A_1311 = arith.constant 80 : index
      %swap3A_1312 = tpu.vector_load %arg10[%swap3A_1310, %swap3A_1311] {strides = array<i32>} : memref<544x128xf32, #tpu.memory_space<vmem>>, vector<16xf32>,
      tpu.vector_store %arg10[%swap3A_1310, %swap3A_1311], %broadcast_in_dim3A_1282 {strides = array<i32>} : memref<544x128xf32, #tpu.memory_space<vmem>>, vector<16xf32>,
      %add3A_1313 = arith.constant 4 : i32
      %add3A_1314 = arith.addi %add3A_1107, %add3A_1313 : i32
      %swap3A_1315 = arith.index_cast %add3A_1314 : i32 to index
      %swap3A_1316 = arith.constant 96 : index
      %swap3A_1317 = tpu.vector_load %arg10[%swap3A_1315, %swap3A_1316] {strides = array<i32>} : memref<544x128xf32, #tpu.memory_space<vmem>>, vector<16xf32>,
      tpu.vector_store %arg10[%swap3A_1315, %swap3A_1316], %broadcast_in_dim3A_1282 {strides = array<i32>} : memref<544x128xf32, #tpu.memory_space<vmem>>, vector<16xf32>,
      %add3A_1318 = arith.constant 4 : i32
      %add3A_1319 = arith.addi %add3A_1107, %add3A_1318 : i32
      %swap3A_1320 = arith.index_cast %add3A_1319 : i32 to index
      %swap3A_1321 = arith.constant 112 : index
      %swap3A_1322 = tpu.vector_load %arg10[%swap3A_1320, %swap3A_1321] {strides = array<i32>} : memref<544x128xf32, #tpu.memory_space<vmem>>, vector<16xf32>,
      tpu.vector_store %arg10[%swap3A_1320, %swap3A_1321], %broadcast_in_dim3A_1282 {strides = array<i32>} : memref<544x128xf32, #tpu.memory_space<vmem>>, vector<16xf32>,
      %slice3A_1323 = vector.extract_strided_slice %add3A_1104 {offsets = [5], sizes = [1], strides = [1]} : vector<16xf32> to vector<1xf32>
      %squeeze3A_1324 = vector.extract %slice3A_1323[0] : f32 from vector<1xf32>
      %broadcast_in_dim3A_1325 = vector.broadcast %squeeze3A_1324 : f32 to vector<16xf32>
      %add3A_1326 = arith.constant 5 : i32
      %add3A_1327 = arith.addi %add3A_1107, %add3A_1326 : i32
      %swap3A_1328 = arith.index_cast %add3A_1327 : i32 to index
      %swap3A_1329 = arith.constant 0 : index
      %swap3A_1330 = tpu.vector_load %arg10[%swap3A_1328, %swap3A_1329] {strides = array<i32>} : memref<544x128xf32, #tpu.memory_space<vmem>>, vector<16xf32>,
      tpu.vector_store %arg10[%swap3A_1328, %swap3A_1329], %broadcast_in_dim3A_1325 {strides = array<i32>} : memref<544x128xf32, #tpu.memory_space<vmem>>, vector<16xf32>,
      %add3A_1331 = arith.constant 5 : i32
      %add3A_1332 = arith.addi %add3A_1107, %add3A_1331 : i32
      %swap3A_1333 = arith.index_cast %add3A_1332 : i32 to index
      %swap3A_1334 = arith.constant 16 : index
      %swap3A_1335 = tpu.vector_load %arg10[%swap3A_1333, %swap3A_1334] {strides = array<i32>} : memref<544x128xf32, #tpu.memory_space<vmem>>, vector<16xf32>,
      tpu.vector_store %arg10[%swap3A_1333, %swap3A_1334], %broadcast_in_dim3A_1325 {strides = array<i32>} : memref<544x128xf32, #tpu.memory_space<vmem>>, vector<16xf32>,
      %add3A_1336 = arith.constant 5 : i32
      %add3A_1337 = arith.addi %add3A_1107, %add3A_1336 : i32
      %swap3A_1338 = arith.index_cast %add3A_1337 : i32 to index
      %swap3A_1339 = arith.constant 32 : index
      %swap3A_1340 = tpu.vector_load %arg10[%swap3A_1338, %swap3A_1339] {strides = array<i32>} : memref<544x128xf32, #tpu.memory_space<vmem>>, vector<16xf32>,
      tpu.vector_store %arg10[%swap3A_1338, %swap3A_1339], %broadcast_in_dim3A_1325 {strides = array<i32>} : memref<544x128xf32, #tpu.memory_space<vmem>>, vector<16xf32>,
      %add3A_1341 = arith.constant 5 : i32
      %add3A_1342 = arith.addi %add3A_1107, %add3A_1341 : i32
      %swap3A_1343 = arith.index_cast %add3A_1342 : i32 to index
      %swap3A_1344 = arith.constant 48 : index
      %swap3A_1345 = tpu.vector_load %arg10[%swap3A_1343, %swap3A_1344] {strides = array<i32>} : memref<544x128xf32, #tpu.memory_space<vmem>>, vector<16xf32>,
      tpu.vector_store %arg10[%swap3A_1343, %swap3A_1344], %broadcast_in_dim3A_1325 {strides = array<i32>} : memref<544x128xf32, #tpu.memory_space<vmem>>, vector<16xf32>,
      %add3A_1346 = arith.constant 5 : i32
      %add3A_1347 = arith.addi %add3A_1107, %add3A_1346 : i32
      %swap3A_1348 = arith.index_cast %add3A_1347 : i32 to index
      %swap3A_1349 = arith.constant 64 : index
      %swap3A_1350 = tpu.vector_load %arg10[%swap3A_1348, %swap3A_1349] {strides = array<i32>} : memref<544x128xf32, #tpu.memory_space<vmem>>, vector<16xf32>,
      tpu.vector_store %arg10[%swap3A_1348, %swap3A_1349], %broadcast_in_dim3A_1325 {strides = array<i32>} : memref<544x128xf32, #tpu.memory_space<vmem>>, vector<16xf32>,
      %add3A_1351 = arith.constant 5 : i32
      %add3A_1352 = arith.addi %add3A_1107, %add3A_1351 : i32
      %swap3A_1353 = arith.index_cast %add3A_1352 : i32 to index
      %swap3A_1354 = arith.constant 80 : index
      %swap3A_1355 = tpu.vector_load %arg10[%swap3A_1353, %swap3A_1354] {strides = array<i32>} : memref<544x128xf32, #tpu.memory_space<vmem>>, vector<16xf32>,
      tpu.vector_store %arg10[%swap3A_1353, %swap3A_1354], %broadcast_in_dim3A_1325 {strides = array<i32>} : memref<544x128xf32, #tpu.memory_space<vmem>>, vector<16xf32>,
      %add3A_1356 = arith.constant 5 : i32
      %add3A_1357 = arith.addi %add3A_1107, %add3A_1356 : i32
      %swap3A_1358 = arith.index_cast %add3A_1357 : i32 to index
      %swap3A_1359 = arith.constant 96 : index
      %swap3A_1360 = tpu.vector_load %arg10[%swap3A_1358, %swap3A_1359] {strides = array<i32>} : memref<544x128xf32, #tpu.memory_space<vmem>>, vector<16xf32>,
      tpu.vector_store %arg10[%swap3A_1358, %swap3A_1359], %broadcast_in_dim3A_1325 {strides = array<i32>} : memref<544x128xf32, #tpu.memory_space<vmem>>, vector<16xf32>,
      %add3A_1361 = arith.constant 5 : i32
      %add3A_1362 = arith.addi %add3A_1107, %add3A_1361 : i32
      %swap3A_1363 = arith.index_cast %add3A_1362 : i32 to index
      %swap3A_1364 = arith.constant 112 : index
      %swap3A_1365 = tpu.vector_load %arg10[%swap3A_1363, %swap3A_1364] {strides = array<i32>} : memref<544x128xf32, #tpu.memory_space<vmem>>, vector<16xf32>,
      tpu.vector_store %arg10[%swap3A_1363, %swap3A_1364], %broadcast_in_dim3A_1325 {strides = array<i32>} : memref<544x128xf32, #tpu.memory_space<vmem>>, vector<16xf32>,
      %slice3A_1366 = vector.extract_strided_slice %add3A_1104 {offsets = [6], sizes = [1], strides = [1]} : vector<16xf32> to vector<1xf32>
      %squeeze3A_1367 = vector.extract %slice3A_1366[0] : f32 from vector<1xf32>
      %broadcast_in_dim3A_1368 = vector.broadcast %squeeze3A_1367 : f32 to vector<16xf32>
      %add3A_1369 = arith.constant 6 : i32
      %add3A_1370 = arith.addi %add3A_1107, %add3A_1369 : i32
      %swap3A_1371 = arith.index_cast %add3A_1370 : i32 to index
      %swap3A_1372 = arith.constant 0 : index
      %swap3A_1373 = tpu.vector_load %arg10[%swap3A_1371, %swap3A_1372] {strides = array<i32>} : memref<544x128xf32, #tpu.memory_space<vmem>>, vector<16xf32>,
      tpu.vector_store %arg10[%swap3A_1371, %swap3A_1372], %broadcast_in_dim3A_1368 {strides = array<i32>} : memref<544x128xf32, #tpu.memory_space<vmem>>, vector<16xf32>,
      %add3A_1374 = arith.constant 6 : i32
      %add3A_1375 = arith.addi %add3A_1107, %add3A_1374 : i32
      %swap3A_1376 = arith.index_cast %add3A_1375 : i32 to index
      %swap3A_1377 = arith.constant 16 : index
      %swap3A_1378 = tpu.vector_load %arg10[%swap3A_1376, %swap3A_1377] {strides = array<i32>} : memref<544x128xf32, #tpu.memory_space<vmem>>, vector<16xf32>,
      tpu.vector_store %arg10[%swap3A_1376, %swap3A_1377], %broadcast_in_dim3A_1368 {strides = array<i32>} : memref<544x128xf32, #tpu.memory_space<vmem>>, vector<16xf32>,
      %add3A_1379 = arith.constant 6 : i32
      %add3A_1380 = arith.addi %add3A_1107, %add3A_1379 : i32
      %swap3A_1381 = arith.index_cast %add3A_1380 : i32 to index
      %swap3A_1382 = arith.constant 32 : index
      %swap3A_1383 = tpu.vector_load %arg10[%swap3A_1381, %swap3A_1382] {strides = array<i32>} : memref<544x128xf32, #tpu.memory_space<vmem>>, vector<16xf32>,
      tpu.vector_store %arg10[%swap3A_1381, %swap3A_1382], %broadcast_in_dim3A_1368 {strides = array<i32>} : memref<544x128xf32, #tpu.memory_space<vmem>>, vector<16xf32>,
      %add3A_1384 = arith.constant 6 : i32
      %add3A_1385 = arith.addi %add3A_1107, %add3A_1384 : i32
      %swap3A_1386 = arith.index_cast %add3A_1385 : i32 to index
      %swap3A_1387 = arith.constant 48 : index
      %swap3A_1388 = tpu.vector_load %arg10[%swap3A_1386, %swap3A_1387] {strides = array<i32>} : memref<544x128xf32, #tpu.memory_space<vmem>>, vector<16xf32>,
      tpu.vector_store %arg10[%swap3A_1386, %swap3A_1387], %broadcast_in_dim3A_1368 {strides = array<i32>} : memref<544x128xf32, #tpu.memory_space<vmem>>, vector<16xf32>,
      %add3A_1389 = arith.constant 6 : i32
      %add3A_1390 = arith.addi %add3A_1107, %add3A_1389 : i32
      %swap3A_1391 = arith.index_cast %add3A_1390 : i32 to index
      %swap3A_1392 = arith.constant 64 : index
      %swap3A_1393 = tpu.vector_load %arg10[%swap3A_1391, %swap3A_1392] {strides = array<i32>} : memref<544x128xf32, #tpu.memory_space<vmem>>, vector<16xf32>,
      tpu.vector_store %arg10[%swap3A_1391, %swap3A_1392], %broadcast_in_dim3A_1368 {strides = array<i32>} : memref<544x128xf32, #tpu.memory_space<vmem>>, vector<16xf32>,
      %add3A_1394 = arith.constant 6 : i32
      %add3A_1395 = arith.addi %add3A_1107, %add3A_1394 : i32
      %swap3A_1396 = arith.index_cast %add3A_1395 : i32 to index
      %swap3A_1397 = arith.constant 80 : index
      %swap3A_1398 = tpu.vector_load %arg10[%swap3A_1396, %swap3A_1397] {strides = array<i32>} : memref<544x128xf32, #tpu.memory_space<vmem>>, vector<16xf32>,
      tpu.vector_store %arg10[%swap3A_1396, %swap3A_1397], %broadcast_in_dim3A_1368 {strides = array<i32>} : memref<544x128xf32, #tpu.memory_space<vmem>>, vector<16xf32>,
      %add3A_1399 = arith.constant 6 : i32
      %add3A_1400 = arith.addi %add3A_1107, %add3A_1399 : i32
      %swap3A_1401 = arith.index_cast %add3A_1400 : i32 to index
      %swap3A_1402 = arith.constant 96 : index
      %swap3A_1403 = tpu.vector_load %arg10[%swap3A_1401, %swap3A_1402] {strides = array<i32>} : memref<544x128xf32, #tpu.memory_space<vmem>>, vector<16xf32>,
      tpu.vector_store %arg10[%swap3A_1401, %swap3A_1402], %broadcast_in_dim3A_1368 {strides = array<i32>} : memref<544x128xf32, #tpu.memory_space<vmem>>, vector<16xf32>,
      %add3A_1404 = arith.constant 6 : i32
      %add3A_1405 = arith.addi %add3A_1107, %add3A_1404 : i32
      %swap3A_1406 = arith.index_cast %add3A_1405 : i32 to index
      %swap3A_1407 = arith.constant 112 : index
      %swap3A_1408 = tpu.vector_load %arg10[%swap3A_1406, %swap3A_1407] {strides = array<i32>} : memref<544x128xf32, #tpu.memory_space<vmem>>, vector<16xf32>,
      tpu.vector_store %arg10[%swap3A_1406, %swap3A_1407], %broadcast_in_dim3A_1368 {strides = array<i32>} : memref<544x128xf32, #tpu.memory_space<vmem>>, vector<16xf32>,
      %slice3A_1409 = vector.extract_strided_slice %add3A_1104 {offsets = [7], sizes = [1], strides = [1]} : vector<16xf32> to vector<1xf32>
      %squeeze3A_1410 = vector.extract %slice3A_1409[0] : f32 from vector<1xf32>
      %broadcast_in_dim3A_1411 = vector.broadcast %squeeze3A_1410 : f32 to vector<16xf32>
      %add3A_1412 = arith.constant 7 : i32
      %add3A_1413 = arith.addi %add3A_1107, %add3A_1412 : i32
      %swap3A_1414 = arith.index_cast %add3A_1413 : i32 to index
      %swap3A_1415 = arith.constant 0 : index
      %swap3A_1416 = tpu.vector_load %arg10[%swap3A_1414, %swap3A_1415] {strides = array<i32>} : memref<544x128xf32, #tpu.memory_space<vmem>>, vector<16xf32>,
      tpu.vector_store %arg10[%swap3A_1414, %swap3A_1415], %broadcast_in_dim3A_1411 {strides = array<i32>} : memref<544x128xf32, #tpu.memory_space<vmem>>, vector<16xf32>,
      %add3A_1417 = arith.constant 7 : i32
      %add3A_1418 = arith.addi %add3A_1107, %add3A_1417 : i32
      %swap3A_1419 = arith.index_cast %add3A_1418 : i32 to index
      %swap3A_1420 = arith.constant 16 : index
      %swap3A_1421 = tpu.vector_load %arg10[%swap3A_1419, %swap3A_1420] {strides = array<i32>} : memref<544x128xf32, #tpu.memory_space<vmem>>, vector<16xf32>,
      tpu.vector_store %arg10[%swap3A_1419, %swap3A_1420], %broadcast_in_dim3A_1411 {strides = array<i32>} : memref<544x128xf32, #tpu.memory_space<vmem>>, vector<16xf32>,
      %add3A_1422 = arith.constant 7 : i32
      %add3A_1423 = arith.addi %add3A_1107, %add3A_1422 : i32
      %swap3A_1424 = arith.index_cast %add3A_1423 : i32 to index
      %swap3A_1425 = arith.constant 32 : index
      %swap3A_1426 = tpu.vector_load %arg10[%swap3A_1424, %swap3A_1425] {strides = array<i32>} : memref<544x128xf32, #tpu.memory_space<vmem>>, vector<16xf32>,
      tpu.vector_store %arg10[%swap3A_1424, %swap3A_1425], %broadcast_in_dim3A_1411 {strides = array<i32>} : memref<544x128xf32, #tpu.memory_space<vmem>>, vector<16xf32>,
      %add3A_1427 = arith.constant 7 : i32
      %add3A_1428 = arith.addi %add3A_1107, %add3A_1427 : i32
      %swap3A_1429 = arith.index_cast %add3A_1428 : i32 to index
      %swap3A_1430 = arith.constant 48 : index
      %swap3A_1431 = tpu.vector_load %arg10[%swap3A_1429, %swap3A_1430] {strides = array<i32>} : memref<544x128xf32, #tpu.memory_space<vmem>>, vector<16xf32>,
      tpu.vector_store %arg10[%swap3A_1429, %swap3A_1430], %broadcast_in_dim3A_1411 {strides = array<i32>} : memref<544x128xf32, #tpu.memory_space<vmem>>, vector<16xf32>,
      %add3A_1432 = arith.constant 7 : i32
      %add3A_1433 = arith.addi %add3A_1107, %add3A_1432 : i32
      %swap3A_1434 = arith.index_cast %add3A_1433 : i32 to index
      %swap3A_1435 = arith.constant 64 : index
      %swap3A_1436 = tpu.vector_load %arg10[%swap3A_1434, %swap3A_1435] {strides = array<i32>} : memref<544x128xf32, #tpu.memory_space<vmem>>, vector<16xf32>,
      tpu.vector_store %arg10[%swap3A_1434, %swap3A_1435], %broadcast_in_dim3A_1411 {strides = array<i32>} : memref<544x128xf32, #tpu.memory_space<vmem>>, vector<16xf32>,
      %add3A_1437 = arith.constant 7 : i32
      %add3A_1438 = arith.addi %add3A_1107, %add3A_1437 : i32
      %swap3A_1439 = arith.index_cast %add3A_1438 : i32 to index
      %swap3A_1440 = arith.constant 80 : index
      %swap3A_1441 = tpu.vector_load %arg10[%swap3A_1439, %swap3A_1440] {strides = array<i32>} : memref<544x128xf32, #tpu.memory_space<vmem>>, vector<16xf32>,
      tpu.vector_store %arg10[%swap3A_1439, %swap3A_1440], %broadcast_in_dim3A_1411 {strides = array<i32>} : memref<544x128xf32, #tpu.memory_space<vmem>>, vector<16xf32>,
      %add3A_1442 = arith.constant 7 : i32
      %add3A_1443 = arith.addi %add3A_1107, %add3A_1442 : i32
      %swap3A_1444 = arith.index_cast %add3A_1443 : i32 to index
      %swap3A_1445 = arith.constant 96 : index
      %swap3A_1446 = tpu.vector_load %arg10[%swap3A_1444, %swap3A_1445] {strides = array<i32>} : memref<544x128xf32, #tpu.memory_space<vmem>>, vector<16xf32>,
      tpu.vector_store %arg10[%swap3A_1444, %swap3A_1445], %broadcast_in_dim3A_1411 {strides = array<i32>} : memref<544x128xf32, #tpu.memory_space<vmem>>, vector<16xf32>,
      %add3A_1447 = arith.constant 7 : i32
      %add3A_1448 = arith.addi %add3A_1107, %add3A_1447 : i32
      %swap3A_1449 = arith.index_cast %add3A_1448 : i32 to index
      %swap3A_1450 = arith.constant 112 : index
      %swap3A_1451 = tpu.vector_load %arg10[%swap3A_1449, %swap3A_1450] {strides = array<i32>} : memref<544x128xf32, #tpu.memory_space<vmem>>, vector<16xf32>,
      tpu.vector_store %arg10[%swap3A_1449, %swap3A_1450], %broadcast_in_dim3A_1411 {strides = array<i32>} : memref<544x128xf32, #tpu.memory_space<vmem>>, vector<16xf32>,
      %slice3A_1452 = vector.extract_strided_slice %add3A_1104 {offsets = [8], sizes = [1], strides = [1]} : vector<16xf32> to vector<1xf32>
      %squeeze3A_1453 = vector.extract %slice3A_1452[0] : f32 from vector<1xf32>
      %broadcast_in_dim3A_1454 = vector.broadcast %squeeze3A_1453 : f32 to vector<16xf32>
      %add3A_1455 = arith.constant 8 : i32
      %add3A_1456 = arith.addi %add3A_1107, %add3A_1455 : i32
      %swap3A_1457 = arith.index_cast %add3A_1456 : i32 to index
      %swap3A_1458 = arith.constant 0 : index
      %swap3A_1459 = tpu.vector_load %arg10[%swap3A_1457, %swap3A_1458] {strides = array<i32>} : memref<544x128xf32, #tpu.memory_space<vmem>>, vector<16xf32>,
      tpu.vector_store %arg10[%swap3A_1457, %swap3A_1458], %broadcast_in_dim3A_1454 {strides = array<i32>} : memref<544x128xf32, #tpu.memory_space<vmem>>, vector<16xf32>,
      %add3A_1460 = arith.constant 8 : i32
      %add3A_1461 = arith.addi %add3A_1107, %add3A_1460 : i32
      %swap3A_1462 = arith.index_cast %add3A_1461 : i32 to index
      %swap3A_1463 = arith.constant 16 : index
      %swap3A_1464 = tpu.vector_load %arg10[%swap3A_1462, %swap3A_1463] {strides = array<i32>} : memref<544x128xf32, #tpu.memory_space<vmem>>, vector<16xf32>,
      tpu.vector_store %arg10[%swap3A_1462, %swap3A_1463], %broadcast_in_dim3A_1454 {strides = array<i32>} : memref<544x128xf32, #tpu.memory_space<vmem>>, vector<16xf32>,
      %add3A_1465 = arith.constant 8 : i32
      %add3A_1466 = arith.addi %add3A_1107, %add3A_1465 : i32
      %swap3A_1467 = arith.index_cast %add3A_1466 : i32 to index
      %swap3A_1468 = arith.constant 32 : index
      %swap3A_1469 = tpu.vector_load %arg10[%swap3A_1467, %swap3A_1468] {strides = array<i32>} : memref<544x128xf32, #tpu.memory_space<vmem>>, vector<16xf32>,
      tpu.vector_store %arg10[%swap3A_1467, %swap3A_1468], %broadcast_in_dim3A_1454 {strides = array<i32>} : memref<544x128xf32, #tpu.memory_space<vmem>>, vector<16xf32>,
      %add3A_1470 = arith.constant 8 : i32
      %add3A_1471 = arith.addi %add3A_1107, %add3A_1470 : i32
      %swap3A_1472 = arith.index_cast %add3A_1471 : i32 to index
      %swap3A_1473 = arith.constant 48 : index
      %swap3A_1474 = tpu.vector_load %arg10[%swap3A_1472, %swap3A_1473] {strides = array<i32>} : memref<544x128xf32, #tpu.memory_space<vmem>>, vector<16xf32>,
      tpu.vector_store %arg10[%swap3A_1472, %swap3A_1473], %broadcast_in_dim3A_1454 {strides = array<i32>} : memref<544x128xf32, #tpu.memory_space<vmem>>, vector<16xf32>,
      %add3A_1475 = arith.constant 8 : i32
      %add3A_1476 = arith.addi %add3A_1107, %add3A_1475 : i32
      %swap3A_1477 = arith.index_cast %add3A_1476 : i32 to index
      %swap3A_1478 = arith.constant 64 : index
      %swap3A_1479 = tpu.vector_load %arg10[%swap3A_1477, %swap3A_1478] {strides = array<i32>} : memref<544x128xf32, #tpu.memory_space<vmem>>, vector<16xf32>,
      tpu.vector_store %arg10[%swap3A_1477, %swap3A_1478], %broadcast_in_dim3A_1454 {strides = array<i32>} : memref<544x128xf32, #tpu.memory_space<vmem>>, vector<16xf32>,
      %add3A_1480 = arith.constant 8 : i32
      %add3A_1481 = arith.addi %add3A_1107, %add3A_1480 : i32
      %swap3A_1482 = arith.index_cast %add3A_1481 : i32 to index
      %swap3A_1483 = arith.constant 80 : index
      %swap3A_1484 = tpu.vector_load %arg10[%swap3A_1482, %swap3A_1483] {strides = array<i32>} : memref<544x128xf32, #tpu.memory_space<vmem>>, vector<16xf32>,
      tpu.vector_store %arg10[%swap3A_1482, %swap3A_1483], %broadcast_in_dim3A_1454 {strides = array<i32>} : memref<544x128xf32, #tpu.memory_space<vmem>>, vector<16xf32>,
      %add3A_1485 = arith.constant 8 : i32
      %add3A_1486 = arith.addi %add3A_1107, %add3A_1485 : i32
      %swap3A_1487 = arith.index_cast %add3A_1486 : i32 to index
      %swap3A_1488 = arith.constant 96 : index
      %swap3A_1489 = tpu.vector_load %arg10[%swap3A_1487, %swap3A_1488] {strides = array<i32>} : memref<544x128xf32, #tpu.memory_space<vmem>>, vector<16xf32>,
      tpu.vector_store %arg10[%swap3A_1487, %swap3A_1488], %broadcast_in_dim3A_1454 {strides = array<i32>} : memref<544x128xf32, #tpu.memory_space<vmem>>, vector<16xf32>,
      %add3A_1490 = arith.constant 8 : i32
      %add3A_1491 = arith.addi %add3A_1107, %add3A_1490 : i32
      %swap3A_1492 = arith.index_cast %add3A_1491 : i32 to index
      %swap3A_1493 = arith.constant 112 : index
      %swap3A_1494 = tpu.vector_load %arg10[%swap3A_1492, %swap3A_1493] {strides = array<i32>} : memref<544x128xf32, #tpu.memory_space<vmem>>, vector<16xf32>,
      tpu.vector_store %arg10[%swap3A_1492, %swap3A_1493], %broadcast_in_dim3A_1454 {strides = array<i32>} : memref<544x128xf32, #tpu.memory_space<vmem>>, vector<16xf32>,
      %slice3A_1495 = vector.extract_strided_slice %add3A_1104 {offsets = [9], sizes = [1], strides = [1]} : vector<16xf32> to vector<1xf32>
      %squeeze3A_1496 = vector.extract %slice3A_1495[0] : f32 from vector<1xf32>
      %broadcast_in_dim3A_1497 = vector.broadcast %squeeze3A_1496 : f32 to vector<16xf32>
      %add3A_1498 = arith.constant 9 : i32
      %add3A_1499 = arith.addi %add3A_1107, %add3A_1498 : i32
      %swap3A_1500 = arith.index_cast %add3A_1499 : i32 to index
      %swap3A_1501 = arith.constant 0 : index
      %swap3A_1502 = tpu.vector_load %arg10[%swap3A_1500, %swap3A_1501] {strides = array<i32>} : memref<544x128xf32, #tpu.memory_space<vmem>>, vector<16xf32>,
      tpu.vector_store %arg10[%swap3A_1500, %swap3A_1501], %broadcast_in_dim3A_1497 {strides = array<i32>} : memref<544x128xf32, #tpu.memory_space<vmem>>, vector<16xf32>,
      %add3A_1503 = arith.constant 9 : i32
      %add3A_1504 = arith.addi %add3A_1107, %add3A_1503 : i32
      %swap3A_1505 = arith.index_cast %add3A_1504 : i32 to index
      %swap3A_1506 = arith.constant 16 : index
      %swap3A_1507 = tpu.vector_load %arg10[%swap3A_1505, %swap3A_1506] {strides = array<i32>} : memref<544x128xf32, #tpu.memory_space<vmem>>, vector<16xf32>,
      tpu.vector_store %arg10[%swap3A_1505, %swap3A_1506], %broadcast_in_dim3A_1497 {strides = array<i32>} : memref<544x128xf32, #tpu.memory_space<vmem>>, vector<16xf32>,
      %add3A_1508 = arith.constant 9 : i32
      %add3A_1509 = arith.addi %add3A_1107, %add3A_1508 : i32
      %swap3A_1510 = arith.index_cast %add3A_1509 : i32 to index
      %swap3A_1511 = arith.constant 32 : index
      %swap3A_1512 = tpu.vector_load %arg10[%swap3A_1510, %swap3A_1511] {strides = array<i32>} : memref<544x128xf32, #tpu.memory_space<vmem>>, vector<16xf32>,
      tpu.vector_store %arg10[%swap3A_1510, %swap3A_1511], %broadcast_in_dim3A_1497 {strides = array<i32>} : memref<544x128xf32, #tpu.memory_space<vmem>>, vector<16xf32>,
      %add3A_1513 = arith.constant 9 : i32
      %add3A_1514 = arith.addi %add3A_1107, %add3A_1513 : i32
      %swap3A_1515 = arith.index_cast %add3A_1514 : i32 to index
      %swap3A_1516 = arith.constant 48 : index
      %swap3A_1517 = tpu.vector_load %arg10[%swap3A_1515, %swap3A_1516] {strides = array<i32>} : memref<544x128xf32, #tpu.memory_space<vmem>>, vector<16xf32>,
      tpu.vector_store %arg10[%swap3A_1515, %swap3A_1516], %broadcast_in_dim3A_1497 {strides = array<i32>} : memref<544x128xf32, #tpu.memory_space<vmem>>, vector<16xf32>,
      %add3A_1518 = arith.constant 9 : i32
      %add3A_1519 = arith.addi %add3A_1107, %add3A_1518 : i32
      %swap3A_1520 = arith.index_cast %add3A_1519 : i32 to index
      %swap3A_1521 = arith.constant 64 : index
      %swap3A_1522 = tpu.vector_load %arg10[%swap3A_1520, %swap3A_1521] {strides = array<i32>} : memref<544x128xf32, #tpu.memory_space<vmem>>, vector<16xf32>,
      tpu.vector_store %arg10[%swap3A_1520, %swap3A_1521], %broadcast_in_dim3A_1497 {strides = array<i32>} : memref<544x128xf32, #tpu.memory_space<vmem>>, vector<16xf32>,
      %add3A_1523 = arith.constant 9 : i32
      %add3A_1524 = arith.addi %add3A_1107, %add3A_1523 : i32
      %swap3A_1525 = arith.index_cast %add3A_1524 : i32 to index
      %swap3A_1526 = arith.constant 80 : index
      %swap3A_1527 = tpu.vector_load %arg10[%swap3A_1525, %swap3A_1526] {strides = array<i32>} : memref<544x128xf32, #tpu.memory_space<vmem>>, vector<16xf32>,
      tpu.vector_store %arg10[%swap3A_1525, %swap3A_1526], %broadcast_in_dim3A_1497 {strides = array<i32>} : memref<544x128xf32, #tpu.memory_space<vmem>>, vector<16xf32>,
      %add3A_1528 = arith.constant 9 : i32
      %add3A_1529 = arith.addi %add3A_1107, %add3A_1528 : i32
      %swap3A_1530 = arith.index_cast %add3A_1529 : i32 to index
      %swap3A_1531 = arith.constant 96 : index
      %swap3A_1532 = tpu.vector_load %arg10[%swap3A_1530, %swap3A_1531] {strides = array<i32>} : memref<544x128xf32, #tpu.memory_space<vmem>>, vector<16xf32>,
      tpu.vector_store %arg10[%swap3A_1530, %swap3A_1531], %broadcast_in_dim3A_1497 {strides = array<i32>} : memref<544x128xf32, #tpu.memory_space<vmem>>, vector<16xf32>,
      %add3A_1533 = arith.constant 9 : i32
      %add3A_1534 = arith.addi %add3A_1107, %add3A_1533 : i32
      %swap3A_1535 = arith.index_cast %add3A_1534 : i32 to index
      %swap3A_1536 = arith.constant 112 : index
      %swap3A_1537 = tpu.vector_load %arg10[%swap3A_1535, %swap3A_1536] {strides = array<i32>} : memref<544x128xf32, #tpu.memory_space<vmem>>, vector<16xf32>,
      tpu.vector_store %arg10[%swap3A_1535, %swap3A_1536], %broadcast_in_dim3A_1497 {strides = array<i32>} : memref<544x128xf32, #tpu.memory_space<vmem>>, vector<16xf32>,
      %slice3A_1538 = vector.extract_strided_slice %add3A_1104 {offsets = [10], sizes = [1], strides = [1]} : vector<16xf32> to vector<1xf32>
      %squeeze3A_1539 = vector.extract %slice3A_1538[0] : f32 from vector<1xf32>
      %broadcast_in_dim3A_1540 = vector.broadcast %squeeze3A_1539 : f32 to vector<16xf32>
      %add3A_1541 = arith.constant 10 : i32
      %add3A_1542 = arith.addi %add3A_1107, %add3A_1541 : i32
      %swap3A_1543 = arith.index_cast %add3A_1542 : i32 to index
      %swap3A_1544 = arith.constant 0 : index
      %swap3A_1545 = tpu.vector_load %arg10[%swap3A_1543, %swap3A_1544] {strides = array<i32>} : memref<544x128xf32, #tpu.memory_space<vmem>>, vector<16xf32>,
      tpu.vector_store %arg10[%swap3A_1543, %swap3A_1544], %broadcast_in_dim3A_1540 {strides = array<i32>} : memref<544x128xf32, #tpu.memory_space<vmem>>, vector<16xf32>,
      %add3A_1546 = arith.constant 10 : i32
      %add3A_1547 = arith.addi %add3A_1107, %add3A_1546 : i32
      %swap3A_1548 = arith.index_cast %add3A_1547 : i32 to index
      %swap3A_1549 = arith.constant 16 : index
      %swap3A_1550 = tpu.vector_load %arg10[%swap3A_1548, %swap3A_1549] {strides = array<i32>} : memref<544x128xf32, #tpu.memory_space<vmem>>, vector<16xf32>,
      tpu.vector_store %arg10[%swap3A_1548, %swap3A_1549], %broadcast_in_dim3A_1540 {strides = array<i32>} : memref<544x128xf32, #tpu.memory_space<vmem>>, vector<16xf32>,
      %add3A_1551 = arith.constant 10 : i32
      %add3A_1552 = arith.addi %add3A_1107, %add3A_1551 : i32
      %swap3A_1553 = arith.index_cast %add3A_1552 : i32 to index
      %swap3A_1554 = arith.constant 32 : index
      %swap3A_1555 = tpu.vector_load %arg10[%swap3A_1553, %swap3A_1554] {strides = array<i32>} : memref<544x128xf32, #tpu.memory_space<vmem>>, vector<16xf32>,
      tpu.vector_store %arg10[%swap3A_1553, %swap3A_1554], %broadcast_in_dim3A_1540 {strides = array<i32>} : memref<544x128xf32, #tpu.memory_space<vmem>>, vector<16xf32>,
      %add3A_1556 = arith.constant 10 : i32
      %add3A_1557 = arith.addi %add3A_1107, %add3A_1556 : i32
      %swap3A_1558 = arith.index_cast %add3A_1557 : i32 to index
      %swap3A_1559 = arith.constant 48 : index
      %swap3A_1560 = tpu.vector_load %arg10[%swap3A_1558, %swap3A_1559] {strides = array<i32>} : memref<544x128xf32, #tpu.memory_space<vmem>>, vector<16xf32>,
      tpu.vector_store %arg10[%swap3A_1558, %swap3A_1559], %broadcast_in_dim3A_1540 {strides = array<i32>} : memref<544x128xf32, #tpu.memory_space<vmem>>, vector<16xf32>,
      %add3A_1561 = arith.constant 10 : i32
      %add3A_1562 = arith.addi %add3A_1107, %add3A_1561 : i32
      %swap3A_1563 = arith.index_cast %add3A_1562 : i32 to index
      %swap3A_1564 = arith.constant 64 : index
      %swap3A_1565 = tpu.vector_load %arg10[%swap3A_1563, %swap3A_1564] {strides = array<i32>} : memref<544x128xf32, #tpu.memory_space<vmem>>, vector<16xf32>,
      tpu.vector_store %arg10[%swap3A_1563, %swap3A_1564], %broadcast_in_dim3A_1540 {strides = array<i32>} : memref<544x128xf32, #tpu.memory_space<vmem>>, vector<16xf32>,
      %add3A_1566 = arith.constant 10 : i32
      %add3A_1567 = arith.addi %add3A_1107, %add3A_1566 : i32
      %swap3A_1568 = arith.index_cast %add3A_1567 : i32 to index
      %swap3A_1569 = arith.constant 80 : index
      %swap3A_1570 = tpu.vector_load %arg10[%swap3A_1568, %swap3A_1569] {strides = array<i32>} : memref<544x128xf32, #tpu.memory_space<vmem>>, vector<16xf32>,
      tpu.vector_store %arg10[%swap3A_1568, %swap3A_1569], %broadcast_in_dim3A_1540 {strides = array<i32>} : memref<544x128xf32, #tpu.memory_space<vmem>>, vector<16xf32>,
      %add3A_1571 = arith.constant 10 : i32
      %add3A_1572 = arith.addi %add3A_1107, %add3A_1571 : i32
      %swap3A_1573 = arith.index_cast %add3A_1572 : i32 to index
      %swap3A_1574 = arith.constant 96 : index
      %swap3A_1575 = tpu.vector_load %arg10[%swap3A_1573, %swap3A_1574] {strides = array<i32>} : memref<544x128xf32, #tpu.memory_space<vmem>>, vector<16xf32>,
      tpu.vector_store %arg10[%swap3A_1573, %swap3A_1574], %broadcast_in_dim3A_1540 {strides = array<i32>} : memref<544x128xf32, #tpu.memory_space<vmem>>, vector<16xf32>,
      %add3A_1576 = arith.constant 10 : i32
      %add3A_1577 = arith.addi %add3A_1107, %add3A_1576 : i32
      %swap3A_1578 = arith.index_cast %add3A_1577 : i32 to index
      %swap3A_1579 = arith.constant 112 : index
      %swap3A_1580 = tpu.vector_load %arg10[%swap3A_1578, %swap3A_1579] {strides = array<i32>} : memref<544x128xf32, #tpu.memory_space<vmem>>, vector<16xf32>,
      tpu.vector_store %arg10[%swap3A_1578, %swap3A_1579], %broadcast_in_dim3A_1540 {strides = array<i32>} : memref<544x128xf32, #tpu.memory_space<vmem>>, vector<16xf32>,
      %slice3A_1581 = vector.extract_strided_slice %add3A_1104 {offsets = [11], sizes = [1], strides = [1]} : vector<16xf32> to vector<1xf32>
      %squeeze3A_1582 = vector.extract %slice3A_1581[0] : f32 from vector<1xf32>
      %broadcast_in_dim3A_1583 = vector.broadcast %squeeze3A_1582 : f32 to vector<16xf32>
      %add3A_1584 = arith.constant 11 : i32
      %add3A_1585 = arith.addi %add3A_1107, %add3A_1584 : i32
      %swap3A_1586 = arith.index_cast %add3A_1585 : i32 to index
      %swap3A_1587 = arith.constant 0 : index
      %swap3A_1588 = tpu.vector_load %arg10[%swap3A_1586, %swap3A_1587] {strides = array<i32>} : memref<544x128xf32, #tpu.memory_space<vmem>>, vector<16xf32>,
      tpu.vector_store %arg10[%swap3A_1586, %swap3A_1587], %broadcast_in_dim3A_1583 {strides = array<i32>} : memref<544x128xf32, #tpu.memory_space<vmem>>, vector<16xf32>,
      %add3A_1589 = arith.constant 11 : i32
      %add3A_1590 = arith.addi %add3A_1107, %add3A_1589 : i32
      %swap3A_1591 = arith.index_cast %add3A_1590 : i32 to index
      %swap3A_1592 = arith.constant 16 : index
      %swap3A_1593 = tpu.vector_load %arg10[%swap3A_1591, %swap3A_1592] {strides = array<i32>} : memref<544x128xf32, #tpu.memory_space<vmem>>, vector<16xf32>,
      tpu.vector_store %arg10[%swap3A_1591, %swap3A_1592], %broadcast_in_dim3A_1583 {strides = array<i32>} : memref<544x128xf32, #tpu.memory_space<vmem>>, vector<16xf32>,
      %add3A_1594 = arith.constant 11 : i32
      %add3A_1595 = arith.addi %add3A_1107, %add3A_1594 : i32
      %swap3A_1596 = arith.index_cast %add3A_1595 : i32 to index
      %swap3A_1597 = arith.constant 32 : index
      %swap3A_1598 = tpu.vector_load %arg10[%swap3A_1596, %swap3A_1597] {strides = array<i32>} : memref<544x128xf32, #tpu.memory_space<vmem>>, vector<16xf32>,
      tpu.vector_store %arg10[%swap3A_1596, %swap3A_1597], %broadcast_in_dim3A_1583 {strides = array<i32>} : memref<544x128xf32, #tpu.memory_space<vmem>>, vector<16xf32>,
      %add3A_1599 = arith.constant 11 : i32
      %add3A_1600 = arith.addi %add3A_1107, %add3A_1599 : i32
      %swap3A_1601 = arith.index_cast %add3A_1600 : i32 to index
      %swap3A_1602 = arith.constant 48 : index
      %swap3A_1603 = tpu.vector_load %arg10[%swap3A_1601, %swap3A_1602] {strides = array<i32>} : memref<544x128xf32, #tpu.memory_space<vmem>>, vector<16xf32>,
      tpu.vector_store %arg10[%swap3A_1601, %swap3A_1602], %broadcast_in_dim3A_1583 {strides = array<i32>} : memref<544x128xf32, #tpu.memory_space<vmem>>, vector<16xf32>,
      %add3A_1604 = arith.constant 11 : i32
      %add3A_1605 = arith.addi %add3A_1107, %add3A_1604 : i32
      %swap3A_1606 = arith.index_cast %add3A_1605 : i32 to index
      %swap3A_1607 = arith.constant 64 : index
      %swap3A_1608 = tpu.vector_load %arg10[%swap3A_1606, %swap3A_1607] {strides = array<i32>} : memref<544x128xf32, #tpu.memory_space<vmem>>, vector<16xf32>,
      tpu.vector_store %arg10[%swap3A_1606, %swap3A_1607], %broadcast_in_dim3A_1583 {strides = array<i32>} : memref<544x128xf32, #tpu.memory_space<vmem>>, vector<16xf32>,
      %add3A_1609 = arith.constant 11 : i32
      %add3A_1610 = arith.addi %add3A_1107, %add3A_1609 : i32
      %swap3A_1611 = arith.index_cast %add3A_1610 : i32 to index
      %swap3A_1612 = arith.constant 80 : index
      %swap3A_1613 = tpu.vector_load %arg10[%swap3A_1611, %swap3A_1612] {strides = array<i32>} : memref<544x128xf32, #tpu.memory_space<vmem>>, vector<16xf32>,
      tpu.vector_store %arg10[%swap3A_1611, %swap3A_1612], %broadcast_in_dim3A_1583 {strides = array<i32>} : memref<544x128xf32, #tpu.memory_space<vmem>>, vector<16xf32>,
      %add3A_1614 = arith.constant 11 : i32
      %add3A_1615 = arith.addi %add3A_1107, %add3A_1614 : i32
      %swap3A_1616 = arith.index_cast %add3A_1615 : i32 to index
      %swap3A_1617 = arith.constant 96 : index
      %swap3A_1618 = tpu.vector_load %arg10[%swap3A_1616, %swap3A_1617] {strides = array<i32>} : memref<544x128xf32, #tpu.memory_space<vmem>>, vector<16xf32>,
      tpu.vector_store %arg10[%swap3A_1616, %swap3A_1617], %broadcast_in_dim3A_1583 {strides = array<i32>} : memref<544x128xf32, #tpu.memory_space<vmem>>, vector<16xf32>,
      %add3A_1619 = arith.constant 11 : i32
      %add3A_1620 = arith.addi %add3A_1107, %add3A_1619 : i32
      %swap3A_1621 = arith.index_cast %add3A_1620 : i32 to index
      %swap3A_1622 = arith.constant 112 : index
      %swap3A_1623 = tpu.vector_load %arg10[%swap3A_1621, %swap3A_1622] {strides = array<i32>} : memref<544x128xf32, #tpu.memory_space<vmem>>, vector<16xf32>,
      tpu.vector_store %arg10[%swap3A_1621, %swap3A_1622], %broadcast_in_dim3A_1583 {strides = array<i32>} : memref<544x128xf32, #tpu.memory_space<vmem>>, vector<16xf32>,
      %slice3A_1624 = vector.extract_strided_slice %add3A_1104 {offsets = [12], sizes = [1], strides = [1]} : vector<16xf32> to vector<1xf32>
      %squeeze3A_1625 = vector.extract %slice3A_1624[0] : f32 from vector<1xf32>
      %broadcast_in_dim3A_1626 = vector.broadcast %squeeze3A_1625 : f32 to vector<16xf32>
      %add3A_1627 = arith.constant 12 : i32
      %add3A_1628 = arith.addi %add3A_1107, %add3A_1627 : i32
      %swap3A_1629 = arith.index_cast %add3A_1628 : i32 to index
      %swap3A_1630 = arith.constant 0 : index
      %swap3A_1631 = tpu.vector_load %arg10[%swap3A_1629, %swap3A_1630] {strides = array<i32>} : memref<544x128xf32, #tpu.memory_space<vmem>>, vector<16xf32>,
      tpu.vector_store %arg10[%swap3A_1629, %swap3A_1630], %broadcast_in_dim3A_1626 {strides = array<i32>} : memref<544x128xf32, #tpu.memory_space<vmem>>, vector<16xf32>,
      %add3A_1632 = arith.constant 12 : i32
      %add3A_1633 = arith.addi %add3A_1107, %add3A_1632 : i32
      %swap3A_1634 = arith.index_cast %add3A_1633 : i32 to index
      %swap3A_1635 = arith.constant 16 : index
      %swap3A_1636 = tpu.vector_load %arg10[%swap3A_1634, %swap3A_1635] {strides = array<i32>} : memref<544x128xf32, #tpu.memory_space<vmem>>, vector<16xf32>,
      tpu.vector_store %arg10[%swap3A_1634, %swap3A_1635], %broadcast_in_dim3A_1626 {strides = array<i32>} : memref<544x128xf32, #tpu.memory_space<vmem>>, vector<16xf32>,
      %add3A_1637 = arith.constant 12 : i32
      %add3A_1638 = arith.addi %add3A_1107, %add3A_1637 : i32
      %swap3A_1639 = arith.index_cast %add3A_1638 : i32 to index
      %swap3A_1640 = arith.constant 32 : index
      %swap3A_1641 = tpu.vector_load %arg10[%swap3A_1639, %swap3A_1640] {strides = array<i32>} : memref<544x128xf32, #tpu.memory_space<vmem>>, vector<16xf32>,
      tpu.vector_store %arg10[%swap3A_1639, %swap3A_1640], %broadcast_in_dim3A_1626 {strides = array<i32>} : memref<544x128xf32, #tpu.memory_space<vmem>>, vector<16xf32>,
      %add3A_1642 = arith.constant 12 : i32
      %add3A_1643 = arith.addi %add3A_1107, %add3A_1642 : i32
      %swap3A_1644 = arith.index_cast %add3A_1643 : i32 to index
      %swap3A_1645 = arith.constant 48 : index
      %swap3A_1646 = tpu.vector_load %arg10[%swap3A_1644, %swap3A_1645] {strides = array<i32>} : memref<544x128xf32, #tpu.memory_space<vmem>>, vector<16xf32>,
      tpu.vector_store %arg10[%swap3A_1644, %swap3A_1645], %broadcast_in_dim3A_1626 {strides = array<i32>} : memref<544x128xf32, #tpu.memory_space<vmem>>, vector<16xf32>,
      %add3A_1647 = arith.constant 12 : i32
      %add3A_1648 = arith.addi %add3A_1107, %add3A_1647 : i32
      %swap3A_1649 = arith.index_cast %add3A_1648 : i32 to index
      %swap3A_1650 = arith.constant 64 : index
      %swap3A_1651 = tpu.vector_load %arg10[%swap3A_1649, %swap3A_1650] {strides = array<i32>} : memref<544x128xf32, #tpu.memory_space<vmem>>, vector<16xf32>,
      tpu.vector_store %arg10[%swap3A_1649, %swap3A_1650], %broadcast_in_dim3A_1626 {strides = array<i32>} : memref<544x128xf32, #tpu.memory_space<vmem>>, vector<16xf32>,
      %add3A_1652 = arith.constant 12 : i32
      %add3A_1653 = arith.addi %add3A_1107, %add3A_1652 : i32
      %swap3A_1654 = arith.index_cast %add3A_1653 : i32 to index
      %swap3A_1655 = arith.constant 80 : index
      %swap3A_1656 = tpu.vector_load %arg10[%swap3A_1654, %swap3A_1655] {strides = array<i32>} : memref<544x128xf32, #tpu.memory_space<vmem>>, vector<16xf32>,
      tpu.vector_store %arg10[%swap3A_1654, %swap3A_1655], %broadcast_in_dim3A_1626 {strides = array<i32>} : memref<544x128xf32, #tpu.memory_space<vmem>>, vector<16xf32>,
      %add3A_1657 = arith.constant 12 : i32
      %add3A_1658 = arith.addi %add3A_1107, %add3A_1657 : i32
      %swap3A_1659 = arith.index_cast %add3A_1658 : i32 to index
      %swap3A_1660 = arith.constant 96 : index
      %swap3A_1661 = tpu.vector_load %arg10[%swap3A_1659, %swap3A_1660] {strides = array<i32>} : memref<544x128xf32, #tpu.memory_space<vmem>>, vector<16xf32>,
      tpu.vector_store %arg10[%swap3A_1659, %swap3A_1660], %broadcast_in_dim3A_1626 {strides = array<i32>} : memref<544x128xf32, #tpu.memory_space<vmem>>, vector<16xf32>,
      %add3A_1662 = arith.constant 12 : i32
      %add3A_1663 = arith.addi %add3A_1107, %add3A_1662 : i32
      %swap3A_1664 = arith.index_cast %add3A_1663 : i32 to index
      %swap3A_1665 = arith.constant 112 : index
      %swap3A_1666 = tpu.vector_load %arg10[%swap3A_1664, %swap3A_1665] {strides = array<i32>} : memref<544x128xf32, #tpu.memory_space<vmem>>, vector<16xf32>,
      tpu.vector_store %arg10[%swap3A_1664, %swap3A_1665], %broadcast_in_dim3A_1626 {strides = array<i32>} : memref<544x128xf32, #tpu.memory_space<vmem>>, vector<16xf32>,
      %slice3A_1667 = vector.extract_strided_slice %add3A_1104 {offsets = [13], sizes = [1], strides = [1]} : vector<16xf32> to vector<1xf32>
      %squeeze3A_1668 = vector.extract %slice3A_1667[0] : f32 from vector<1xf32>
      %broadcast_in_dim3A_1669 = vector.broadcast %squeeze3A_1668 : f32 to vector<16xf32>
      %add3A_1670 = arith.constant 13 : i32
      %add3A_1671 = arith.addi %add3A_1107, %add3A_1670 : i32
      %swap3A_1672 = arith.index_cast %add3A_1671 : i32 to index
      %swap3A_1673 = arith.constant 0 : index
      %swap3A_1674 = tpu.vector_load %arg10[%swap3A_1672, %swap3A_1673] {strides = array<i32>} : memref<544x128xf32, #tpu.memory_space<vmem>>, vector<16xf32>,
      tpu.vector_store %arg10[%swap3A_1672, %swap3A_1673], %broadcast_in_dim3A_1669 {strides = array<i32>} : memref<544x128xf32, #tpu.memory_space<vmem>>, vector<16xf32>,
      %add3A_1675 = arith.constant 13 : i32
      %add3A_1676 = arith.addi %add3A_1107, %add3A_1675 : i32
      %swap3A_1677 = arith.index_cast %add3A_1676 : i32 to index
      %swap3A_1678 = arith.constant 16 : index
      %swap3A_1679 = tpu.vector_load %arg10[%swap3A_1677, %swap3A_1678] {strides = array<i32>} : memref<544x128xf32, #tpu.memory_space<vmem>>, vector<16xf32>,
      tpu.vector_store %arg10[%swap3A_1677, %swap3A_1678], %broadcast_in_dim3A_1669 {strides = array<i32>} : memref<544x128xf32, #tpu.memory_space<vmem>>, vector<16xf32>,
      %add3A_1680 = arith.constant 13 : i32
      %add3A_1681 = arith.addi %add3A_1107, %add3A_1680 : i32
      %swap3A_1682 = arith.index_cast %add3A_1681 : i32 to index
      %swap3A_1683 = arith.constant 32 : index
      %swap3A_1684 = tpu.vector_load %arg10[%swap3A_1682, %swap3A_1683] {strides = array<i32>} : memref<544x128xf32, #tpu.memory_space<vmem>>, vector<16xf32>,
      tpu.vector_store %arg10[%swap3A_1682, %swap3A_1683], %broadcast_in_dim3A_1669 {strides = array<i32>} : memref<544x128xf32, #tpu.memory_space<vmem>>, vector<16xf32>,
      %add3A_1685 = arith.constant 13 : i32
      %add3A_1686 = arith.addi %add3A_1107, %add3A_1685 : i32
      %swap3A_1687 = arith.index_cast %add3A_1686 : i32 to index
      %swap3A_1688 = arith.constant 48 : index
      %swap3A_1689 = tpu.vector_load %arg10[%swap3A_1687, %swap3A_1688] {strides = array<i32>} : memref<544x128xf32, #tpu.memory_space<vmem>>, vector<16xf32>,
      tpu.vector_store %arg10[%swap3A_1687, %swap3A_1688], %broadcast_in_dim3A_1669 {strides = array<i32>} : memref<544x128xf32, #tpu.memory_space<vmem>>, vector<16xf32>,
      %add3A_1690 = arith.constant 13 : i32
      %add3A_1691 = arith.addi %add3A_1107, %add3A_1690 : i32
      %swap3A_1692 = arith.index_cast %add3A_1691 : i32 to index
      %swap3A_1693 = arith.constant 64 : index
      %swap3A_1694 = tpu.vector_load %arg10[%swap3A_1692, %swap3A_1693] {strides = array<i32>} : memref<544x128xf32, #tpu.memory_space<vmem>>, vector<16xf32>,
      tpu.vector_store %arg10[%swap3A_1692, %swap3A_1693], %broadcast_in_dim3A_1669 {strides = array<i32>} : memref<544x128xf32, #tpu.memory_space<vmem>>, vector<16xf32>,
      %add3A_1695 = arith.constant 13 : i32
      %add3A_1696 = arith.addi %add3A_1107, %add3A_1695 : i32
      %swap3A_1697 = arith.index_cast %add3A_1696 : i32 to index
      %swap3A_1698 = arith.constant 80 : index
      %swap3A_1699 = tpu.vector_load %arg10[%swap3A_1697, %swap3A_1698] {strides = array<i32>} : memref<544x128xf32, #tpu.memory_space<vmem>>, vector<16xf32>,
      tpu.vector_store %arg10[%swap3A_1697, %swap3A_1698], %broadcast_in_dim3A_1669 {strides = array<i32>} : memref<544x128xf32, #tpu.memory_space<vmem>>, vector<16xf32>,
      %add3A_1700 = arith.constant 13 : i32
      %add3A_1701 = arith.addi %add3A_1107, %add3A_1700 : i32
      %swap3A_1702 = arith.index_cast %add3A_1701 : i32 to index
      %swap3A_1703 = arith.constant 96 : index
      %swap3A_1704 = tpu.vector_load %arg10[%swap3A_1702, %swap3A_1703] {strides = array<i32>} : memref<544x128xf32, #tpu.memory_space<vmem>>, vector<16xf32>,
      tpu.vector_store %arg10[%swap3A_1702, %swap3A_1703], %broadcast_in_dim3A_1669 {strides = array<i32>} : memref<544x128xf32, #tpu.memory_space<vmem>>, vector<16xf32>,
      %add3A_1705 = arith.constant 13 : i32
      %add3A_1706 = arith.addi %add3A_1107, %add3A_1705 : i32
      %swap3A_1707 = arith.index_cast %add3A_1706 : i32 to index
      %swap3A_1708 = arith.constant 112 : index
      %swap3A_1709 = tpu.vector_load %arg10[%swap3A_1707, %swap3A_1708] {strides = array<i32>} : memref<544x128xf32, #tpu.memory_space<vmem>>, vector<16xf32>,
      tpu.vector_store %arg10[%swap3A_1707, %swap3A_1708], %broadcast_in_dim3A_1669 {strides = array<i32>} : memref<544x128xf32, #tpu.memory_space<vmem>>, vector<16xf32>,
      %slice3A_1710 = vector.extract_strided_slice %add3A_1104 {offsets = [14], sizes = [1], strides = [1]} : vector<16xf32> to vector<1xf32>
      %squeeze3A_1711 = vector.extract %slice3A_1710[0] : f32 from vector<1xf32>
      %broadcast_in_dim3A_1712 = vector.broadcast %squeeze3A_1711 : f32 to vector<16xf32>
      %add3A_1713 = arith.constant 14 : i32
      %add3A_1714 = arith.addi %add3A_1107, %add3A_1713 : i32
      %swap3A_1715 = arith.index_cast %add3A_1714 : i32 to index
      %swap3A_1716 = arith.constant 0 : index
      %swap3A_1717 = tpu.vector_load %arg10[%swap3A_1715, %swap3A_1716] {strides = array<i32>} : memref<544x128xf32, #tpu.memory_space<vmem>>, vector<16xf32>,
      tpu.vector_store %arg10[%swap3A_1715, %swap3A_1716], %broadcast_in_dim3A_1712 {strides = array<i32>} : memref<544x128xf32, #tpu.memory_space<vmem>>, vector<16xf32>,
      %add3A_1718 = arith.constant 14 : i32
      %add3A_1719 = arith.addi %add3A_1107, %add3A_1718 : i32
      %swap3A_1720 = arith.index_cast %add3A_1719 : i32 to index
      %swap3A_1721 = arith.constant 16 : index
      %swap3A_1722 = tpu.vector_load %arg10[%swap3A_1720, %swap3A_1721] {strides = array<i32>} : memref<544x128xf32, #tpu.memory_space<vmem>>, vector<16xf32>,
      tpu.vector_store %arg10[%swap3A_1720, %swap3A_1721], %broadcast_in_dim3A_1712 {strides = array<i32>} : memref<544x128xf32, #tpu.memory_space<vmem>>, vector<16xf32>,
      %add3A_1723 = arith.constant 14 : i32
      %add3A_1724 = arith.addi %add3A_1107, %add3A_1723 : i32
      %swap3A_1725 = arith.index_cast %add3A_1724 : i32 to index
      %swap3A_1726 = arith.constant 32 : index
      %swap3A_1727 = tpu.vector_load %arg10[%swap3A_1725, %swap3A_1726] {strides = array<i32>} : memref<544x128xf32, #tpu.memory_space<vmem>>, vector<16xf32>,
      tpu.vector_store %arg10[%swap3A_1725, %swap3A_1726], %broadcast_in_dim3A_1712 {strides = array<i32>} : memref<544x128xf32, #tpu.memory_space<vmem>>, vector<16xf32>,
      %add3A_1728 = arith.constant 14 : i32
      %add3A_1729 = arith.addi %add3A_1107, %add3A_1728 : i32
      %swap3A_1730 = arith.index_cast %add3A_1729 : i32 to index
      %swap3A_1731 = arith.constant 48 : index
      %swap3A_1732 = tpu.vector_load %arg10[%swap3A_1730, %swap3A_1731] {strides = array<i32>} : memref<544x128xf32, #tpu.memory_space<vmem>>, vector<16xf32>,
      tpu.vector_store %arg10[%swap3A_1730, %swap3A_1731], %broadcast_in_dim3A_1712 {strides = array<i32>} : memref<544x128xf32, #tpu.memory_space<vmem>>, vector<16xf32>,
      %add3A_1733 = arith.constant 14 : i32
      %add3A_1734 = arith.addi %add3A_1107, %add3A_1733 : i32
      %swap3A_1735 = arith.index_cast %add3A_1734 : i32 to index
      %swap3A_1736 = arith.constant 64 : index
      %swap3A_1737 = tpu.vector_load %arg10[%swap3A_1735, %swap3A_1736] {strides = array<i32>} : memref<544x128xf32, #tpu.memory_space<vmem>>, vector<16xf32>,
      tpu.vector_store %arg10[%swap3A_1735, %swap3A_1736], %broadcast_in_dim3A_1712 {strides = array<i32>} : memref<544x128xf32, #tpu.memory_space<vmem>>, vector<16xf32>,
      %add3A_1738 = arith.constant 14 : i32
      %add3A_1739 = arith.addi %add3A_1107, %add3A_1738 : i32
      %swap3A_1740 = arith.index_cast %add3A_1739 : i32 to index
      %swap3A_1741 = arith.constant 80 : index
      %swap3A_1742 = tpu.vector_load %arg10[%swap3A_1740, %swap3A_1741] {strides = array<i32>} : memref<544x128xf32, #tpu.memory_space<vmem>>, vector<16xf32>,
      tpu.vector_store %arg10[%swap3A_1740, %swap3A_1741], %broadcast_in_dim3A_1712 {strides = array<i32>} : memref<544x128xf32, #tpu.memory_space<vmem>>, vector<16xf32>,
      %add3A_1743 = arith.constant 14 : i32
      %add3A_1744 = arith.addi %add3A_1107, %add3A_1743 : i32
      %swap3A_1745 = arith.index_cast %add3A_1744 : i32 to index
      %swap3A_1746 = arith.constant 96 : index
      %swap3A_1747 = tpu.vector_load %arg10[%swap3A_1745, %swap3A_1746] {strides = array<i32>} : memref<544x128xf32, #tpu.memory_space<vmem>>, vector<16xf32>,
      tpu.vector_store %arg10[%swap3A_1745, %swap3A_1746], %broadcast_in_dim3A_1712 {strides = array<i32>} : memref<544x128xf32, #tpu.memory_space<vmem>>, vector<16xf32>,
      %add3A_1748 = arith.constant 14 : i32
      %add3A_1749 = arith.addi %add3A_1107, %add3A_1748 : i32
      %swap3A_1750 = arith.index_cast %add3A_1749 : i32 to index
      %swap3A_1751 = arith.constant 112 : index
      %swap3A_1752 = tpu.vector_load %arg10[%swap3A_1750, %swap3A_1751] {strides = array<i32>} : memref<544x128xf32, #tpu.memory_space<vmem>>, vector<16xf32>,
      tpu.vector_store %arg10[%swap3A_1750, %swap3A_1751], %broadcast_in_dim3A_1712 {strides = array<i32>} : memref<544x128xf32, #tpu.memory_space<vmem>>, vector<16xf32>,
      %slice3A_1753 = vector.extract_strided_slice %add3A_1104 {offsets = [15], sizes = [1], strides = [1]} : vector<16xf32> to vector<1xf32>
      %squeeze3A_1754 = vector.extract %slice3A_1753[0] : f32 from vector<1xf32>
      %broadcast_in_dim3A_1755 = vector.broadcast %squeeze3A_1754 : f32 to vector<16xf32>
      %add3A_1756 = arith.constant 15 : i32
      %add3A_1757 = arith.addi %add3A_1107, %add3A_1756 : i32
      %swap3A_1758 = arith.index_cast %add3A_1757 : i32 to index
      %swap3A_1759 = arith.constant 0 : index
      %swap3A_1760 = tpu.vector_load %arg10[%swap3A_1758, %swap3A_1759] {strides = array<i32>} : memref<544x128xf32, #tpu.memory_space<vmem>>, vector<16xf32>,
      tpu.vector_store %arg10[%swap3A_1758, %swap3A_1759], %broadcast_in_dim3A_1755 {strides = array<i32>} : memref<544x128xf32, #tpu.memory_space<vmem>>, vector<16xf32>,
      %add3A_1761 = arith.constant 15 : i32
      %add3A_1762 = arith.addi %add3A_1107, %add3A_1761 : i32
      %swap3A_1763 = arith.index_cast %add3A_1762 : i32 to index
      %swap3A_1764 = arith.constant 16 : index
      %swap3A_1765 = tpu.vector_load %arg10[%swap3A_1763, %swap3A_1764] {strides = array<i32>} : memref<544x128xf32, #tpu.memory_space<vmem>>, vector<16xf32>,
      tpu.vector_store %arg10[%swap3A_1763, %swap3A_1764], %broadcast_in_dim3A_1755 {strides = array<i32>} : memref<544x128xf32, #tpu.memory_space<vmem>>, vector<16xf32>,
      %add3A_1766 = arith.constant 15 : i32
      %add3A_1767 = arith.addi %add3A_1107, %add3A_1766 : i32
      %swap3A_1768 = arith.index_cast %add3A_1767 : i32 to index
      %swap3A_1769 = arith.constant 32 : index
      %swap3A_1770 = tpu.vector_load %arg10[%swap3A_1768, %swap3A_1769] {strides = array<i32>} : memref<544x128xf32, #tpu.memory_space<vmem>>, vector<16xf32>,
      tpu.vector_store %arg10[%swap3A_1768, %swap3A_1769], %broadcast_in_dim3A_1755 {strides = array<i32>} : memref<544x128xf32, #tpu.memory_space<vmem>>, vector<16xf32>,
      %add3A_1771 = arith.constant 15 : i32
      %add3A_1772 = arith.addi %add3A_1107, %add3A_1771 : i32
      %swap3A_1773 = arith.index_cast %add3A_1772 : i32 to index
      %swap3A_1774 = arith.constant 48 : index
      %swap3A_1775 = tpu.vector_load %arg10[%swap3A_1773, %swap3A_1774] {strides = array<i32>} : memref<544x128xf32, #tpu.memory_space<vmem>>, vector<16xf32>,
      tpu.vector_store %arg10[%swap3A_1773, %swap3A_1774], %broadcast_in_dim3A_1755 {strides = array<i32>} : memref<544x128xf32, #tpu.memory_space<vmem>>, vector<16xf32>,
      %add3A_1776 = arith.constant 15 : i32
      %add3A_1777 = arith.addi %add3A_1107, %add3A_1776 : i32
      %swap3A_1778 = arith.index_cast %add3A_1777 : i32 to index
      %swap3A_1779 = arith.constant 64 : index
      %swap3A_1780 = tpu.vector_load %arg10[%swap3A_1778, %swap3A_1779] {strides = array<i32>} : memref<544x128xf32, #tpu.memory_space<vmem>>, vector<16xf32>,
      tpu.vector_store %arg10[%swap3A_1778, %swap3A_1779], %broadcast_in_dim3A_1755 {strides = array<i32>} : memref<544x128xf32, #tpu.memory_space<vmem>>, vector<16xf32>,
      %add3A_1781 = arith.constant 15 : i32
      %add3A_1782 = arith.addi %add3A_1107, %add3A_1781 : i32
      %swap3A_1783 = arith.index_cast %add3A_1782 : i32 to index
      %swap3A_1784 = arith.constant 80 : index
      %swap3A_1785 = tpu.vector_load %arg10[%swap3A_1783, %swap3A_1784] {strides = array<i32>} : memref<544x128xf32, #tpu.memory_space<vmem>>, vector<16xf32>,
      tpu.vector_store %arg10[%swap3A_1783, %swap3A_1784], %broadcast_in_dim3A_1755 {strides = array<i32>} : memref<544x128xf32, #tpu.memory_space<vmem>>, vector<16xf32>,
      %add3A_1786 = arith.constant 15 : i32
      %add3A_1787 = arith.addi %add3A_1107, %add3A_1786 : i32
      %swap3A_1788 = arith.index_cast %add3A_1787 : i32 to index
      %swap3A_1789 = arith.constant 96 : index
      %swap3A_1790 = tpu.vector_load %arg10[%swap3A_1788, %swap3A_1789] {strides = array<i32>} : memref<544x128xf32, #tpu.memory_space<vmem>>, vector<16xf32>,
      tpu.vector_store %arg10[%swap3A_1788, %swap3A_1789], %broadcast_in_dim3A_1755 {strides = array<i32>} : memref<544x128xf32, #tpu.memory_space<vmem>>, vector<16xf32>,
      %add3A_1791 = arith.constant 15 : i32
      %add3A_1792 = arith.addi %add3A_1107, %add3A_1791 : i32
      %swap3A_1793 = arith.index_cast %add3A_1792 : i32 to index
      %swap3A_1794 = arith.constant 112 : index
      %swap3A_1795 = tpu.vector_load %arg10[%swap3A_1793, %swap3A_1794] {strides = array<i32>} : memref<544x128xf32, #tpu.memory_space<vmem>>, vector<16xf32>,
      tpu.vector_store %arg10[%swap3A_1793, %swap3A_1794], %broadcast_in_dim3A_1755 {strides = array<i32>} : memref<544x128xf32, #tpu.memory_space<vmem>>, vector<16xf32>,
      %dma_start3A_1796 = arith.constant 0 : i32
      %dma_start3A_1797 = tpu.memref_slice %arg10[%add3A_1107, %dma_start3A_1796] : memref<544x128xf32, #tpu.memory_space<vmem>> -> memref<16x128xf32, #tpu.memory_space<vmem>>
      %dma_start3A_1798 = arith.constant 0 : i32
      %dma_start3A_1799 = tpu.memref_slice %arg17[%while3A_1096, %dma_start3A_1798] : memref<33x16xi32, #tpu.memory_space<vmem>> -> memref<1x16xi32, #tpu.memory_space<vmem>>
      %dma_start3A_1800 = tpu.memref_squeeze %dma_start3A_1799 : memref<1x16xi32, #tpu.memory_space<vmem>> -> memref<16xi32, #tpu.memory_space<vmem>>
      %dma_start3A_1801 = arith.constant 0 : i32
      %dma_start3A_1802 = arith.constant 0 : i32
      %dma_start3A_1803 = tpu.memref_slice %arg7[%dma_start3A_1801, %dma_start3A_1802] : memref<16384x128xf32, #tpu.memory_space<hbm>> -> memref<16384x128xf32, #tpu.memory_space<hbm>>
      tpu.enqueue_indirect_dma source(%dma_start3A_1797 : memref<16x128xf32, #tpu.memory_space<vmem>>) target(%dma_start3A_1803 : memref<16384x128xf32, #tpu.memory_space<hbm>>) offsets(%dma_start3A_1800 : memref<16xi32, #tpu.memory_space<vmem>>) semaphore(%arg23 : memref<!tpu.dma_semaphore, #tpu.memory_space<semaphore_mem>>)
      %while3A_1804 = arith.constant 0 : i32
      scf.yield %while3A_1804 : i32
    }
    %while3A_1057 = arith.constant 1 : i32
    %while3A_1058 = scf.for %while3A_1096 = %while3A_1054 to %while3A_1050 step %while3A_1057 iter_args(%while3A_1097 = %while3A_1056) -> (i32)  : i32 {
      %mul3A_1098 = arith.constant 16 : i32
      %mul3A_1099 = arith.muli %while3A_1096, %mul3A_1098 : i32
      %get3A_1100 = arith.index_cast %mul3A_1099 : i32 to index
      %get3A_1101 = tpu.vector_load %arg14[%get3A_1100] {strides = array<i32>} : memref<528xf32, #tpu.memory_space<vmem>>, vector<16xf32>,
      %sub3A_1102 = arith.subf %get3A_1101, %div3A_583 : vector<16xf32>
      %mul3A_1103 = arith.mulf %sub3A_1102, %mul3A_643 : vector<16xf32>
      %add3A_1104 = arith.addf %mul3A_1103, %broadcast_in_dim3A_646 : vector<16xf32>
      %mul3A_1105 = arith.constant 16 : i32
      %mul3A_1106 = arith.muli %while3A_1096, %mul3A_1105 : i32
      %add3A_1107 = arith.addi %sub3A_1046, %mul3A_1106 : i32
      %slice3A_1108 = vector.extract_strided_slice %add3A_1104 {offsets = [0], sizes = [1], strides = [1]} : vector<16xf32> to vector<1xf32>
      %squeeze3A_1109 = vector.extract %slice3A_1108[0] : f32 from vector<1xf32>
      %broadcast_in_dim3A_1110 = vector.broadcast %squeeze3A_1109 : f32 to vector<16xf32>
      %add3A_1111 = arith.constant 0 : i32
      %add3A_1112 = arith.addi %add3A_1107, %add3A_1111 : i32
      %swap3A_1113 = arith.index_cast %add3A_1112 : i32 to index
      %swap3A_1114 = arith.constant 0 : index
      %swap3A_1115 = tpu.vector_load %arg10[%swap3A_1113, %swap3A_1114] {strides = array<i32>} : memref<544x128xf32, #tpu.memory_space<vmem>>, vector<16xf32>,
      tpu.vector_store %arg10[%swap3A_1113, %swap3A_1114], %broadcast_in_dim3A_1110 {strides = array<i32>} : memref<544x128xf32, #tpu.memory_space<vmem>>, vector<16xf32>,
      %add3A_1116 = arith.constant 0 : i32
      %add3A_1117 = arith.addi %add3A_1107, %add3A_1116 : i32
      %swap3A_1118 = arith.index_cast %add3A_1117 : i32 to index
      %swap3A_1119 = arith.constant 16 : index
      %swap3A_1120 = tpu.vector_load %arg10[%swap3A_1118, %swap3A_1119] {strides = array<i32>} : memref<544x128xf32, #tpu.memory_space<vmem>>, vector<16xf32>,
      tpu.vector_store %arg10[%swap3A_1118, %swap3A_1119], %broadcast_in_dim3A_1110 {strides = array<i32>} : memref<544x128xf32, #tpu.memory_space<vmem>>, vector<16xf32>,
      %add3A_1121 = arith.constant 0 : i32
      %add3A_1122 = arith.addi %add3A_1107, %add3A_1121 : i32
      %swap3A_1123 = arith.index_cast %add3A_1122 : i32 to index
      %swap3A_1124 = arith.constant 32 : index
      %swap3A_1125 = tpu.vector_load %arg10[%swap3A_1123, %swap3A_1124] {strides = array<i32>} : memref<544x128xf32, #tpu.memory_space<vmem>>, vector<16xf32>,
      tpu.vector_store %arg10[%swap3A_1123, %swap3A_1124], %broadcast_in_dim3A_1110 {strides = array<i32>} : memref<544x128xf32, #tpu.memory_space<vmem>>, vector<16xf32>,
      %add3A_1126 = arith.constant 0 : i32
      %add3A_1127 = arith.addi %add3A_1107, %add3A_1126 : i32
      %swap3A_1128 = arith.index_cast %add3A_1127 : i32 to index
      %swap3A_1129 = arith.constant 48 : index
      %swap3A_1130 = tpu.vector_load %arg10[%swap3A_1128, %swap3A_1129] {strides = array<i32>} : memref<544x128xf32, #tpu.memory_space<vmem>>, vector<16xf32>,
      tpu.vector_store %arg10[%swap3A_1128, %swap3A_1129], %broadcast_in_dim3A_1110 {strides = array<i32>} : memref<544x128xf32, #tpu.memory_space<vmem>>, vector<16xf32>,
      %add3A_1131 = arith.constant 0 : i32
      %add3A_1132 = arith.addi %add3A_1107, %add3A_1131 : i32
      %swap3A_1133 = arith.index_cast %add3A_1132 : i32 to index
      %swap3A_1134 = arith.constant 64 : index
      %swap3A_1135 = tpu.vector_load %arg10[%swap3A_1133, %swap3A_1134] {strides = array<i32>} : memref<544x128xf32, #tpu.memory_space<vmem>>, vector<16xf32>,
      tpu.vector_store %arg10[%swap3A_1133, %swap3A_1134], %broadcast_in_dim3A_1110 {strides = array<i32>} : memref<544x128xf32, #tpu.memory_space<vmem>>, vector<16xf32>,
      %add3A_1136 = arith.constant 0 : i32
      %add3A_1137 = arith.addi %add3A_1107, %add3A_1136 : i32
      %swap3A_1138 = arith.index_cast %add3A_1137 : i32 to index
      %swap3A_1139 = arith.constant 80 : index
      %swap3A_1140 = tpu.vector_load %arg10[%swap3A_1138, %swap3A_1139] {strides = array<i32>} : memref<544x128xf32, #tpu.memory_space<vmem>>, vector<16xf32>,
      tpu.vector_store %arg10[%swap3A_1138, %swap3A_1139], %broadcast_in_dim3A_1110 {strides = array<i32>} : memref<544x128xf32, #tpu.memory_space<vmem>>, vector<16xf32>,
      %add3A_1141 = arith.constant 0 : i32
      %add3A_1142 = arith.addi %add3A_1107, %add3A_1141 : i32
      %swap3A_1143 = arith.index_cast %add3A_1142 : i32 to index
      %swap3A_1144 = arith.constant 96 : index
      %swap3A_1145 = tpu.vector_load %arg10[%swap3A_1143, %swap3A_1144] {strides = array<i32>} : memref<544x128xf32, #tpu.memory_space<vmem>>, vector<16xf32>,
      tpu.vector_store %arg10[%swap3A_1143, %swap3A_1144], %broadcast_in_dim3A_1110 {strides = array<i32>} : memref<544x128xf32, #tpu.memory_space<vmem>>, vector<16xf32>,
      %add3A_1146 = arith.constant 0 : i32
      %add3A_1147 = arith.addi %add3A_1107, %add3A_1146 : i32
      %swap3A_1148 = arith.index_cast %add3A_1147 : i32 to index
      %swap3A_1149 = arith.constant 112 : index
      %swap3A_1150 = tpu.vector_load %arg10[%swap3A_1148, %swap3A_1149] {strides = array<i32>} : memref<544x128xf32, #tpu.memory_space<vmem>>, vector<16xf32>,
      tpu.vector_store %arg10[%swap3A_1148, %swap3A_1149], %broadcast_in_dim3A_1110 {strides = array<i32>} : memref<544x128xf32, #tpu.memory_space<vmem>>, vector<16xf32>,
      %slice3A_1151 = vector.extract_strided_slice %add3A_1104 {offsets = [1], sizes = [1], strides = [1]} : vector<16xf32> to vector<1xf32>
      %squeeze3A_1152 = vector.extract %slice3A_1151[0] : f32 from vector<1xf32>
      %broadcast_in_dim3A_1153 = vector.broadcast %squeeze3A_1152 : f32 to vector<16xf32>
      %add3A_1154 = arith.constant 1 : i32
      %add3A_1155 = arith.addi %add3A_1107, %add3A_1154 : i32
      %swap3A_1156 = arith.index_cast %add3A_1155 : i32 to index
      %swap3A_1157 = arith.constant 0 : index
      %swap3A_1158 = tpu.vector_load %arg10[%swap3A_1156, %swap3A_1157] {strides = array<i32>} : memref<544x128xf32, #tpu.memory_space<vmem>>, vector<16xf32>,
      tpu.vector_store %arg10[%swap3A_1156, %swap3A_1157], %broadcast_in_dim3A_1153 {strides = array<i32>} : memref<544x128xf32, #tpu.memory_space<vmem>>, vector<16xf32>,
      %add3A_1159 = arith.constant 1 : i32
      %add3A_1160 = arith.addi %add3A_1107, %add3A_1159 : i32
      %swap3A_1161 = arith.index_cast %add3A_1160 : i32 to index
      %swap3A_1162 = arith.constant 16 : index
      %swap3A_1163 = tpu.vector_load %arg10[%swap3A_1161, %swap3A_1162] {strides = array<i32>} : memref<544x128xf32, #tpu.memory_space<vmem>>, vector<16xf32>,
      tpu.vector_store %arg10[%swap3A_1161, %swap3A_1162], %broadcast_in_dim3A_1153 {strides = array<i32>} : memref<544x128xf32, #tpu.memory_space<vmem>>, vector<16xf32>,
      %add3A_1164 = arith.constant 1 : i32
      %add3A_1165 = arith.addi %add3A_1107, %add3A_1164 : i32
      %swap3A_1166 = arith.index_cast %add3A_1165 : i32 to index
      %swap3A_1167 = arith.constant 32 : index
      %swap3A_1168 = tpu.vector_load %arg10[%swap3A_1166, %swap3A_1167] {strides = array<i32>} : memref<544x128xf32, #tpu.memory_space<vmem>>, vector<16xf32>,
      tpu.vector_store %arg10[%swap3A_1166, %swap3A_1167], %broadcast_in_dim3A_1153 {strides = array<i32>} : memref<544x128xf32, #tpu.memory_space<vmem>>, vector<16xf32>,
      %add3A_1169 = arith.constant 1 : i32
      %add3A_1170 = arith.addi %add3A_1107, %add3A_1169 : i32
      %swap3A_1171 = arith.index_cast %add3A_1170 : i32 to index
      %swap3A_1172 = arith.constant 48 : index
      %swap3A_1173 = tpu.vector_load %arg10[%swap3A_1171, %swap3A_1172] {strides = array<i32>} : memref<544x128xf32, #tpu.memory_space<vmem>>, vector<16xf32>,
      tpu.vector_store %arg10[%swap3A_1171, %swap3A_1172], %broadcast_in_dim3A_1153 {strides = array<i32>} : memref<544x128xf32, #tpu.memory_space<vmem>>, vector<16xf32>,
      %add3A_1174 = arith.constant 1 : i32
      %add3A_1175 = arith.addi %add3A_1107, %add3A_1174 : i32
      %swap3A_1176 = arith.index_cast %add3A_1175 : i32 to index
      %swap3A_1177 = arith.constant 64 : index
      %swap3A_1178 = tpu.vector_load %arg10[%swap3A_1176, %swap3A_1177] {strides = array<i32>} : memref<544x128xf32, #tpu.memory_space<vmem>>, vector<16xf32>,
      tpu.vector_store %arg10[%swap3A_1176, %swap3A_1177], %broadcast_in_dim3A_1153 {strides = array<i32>} : memref<544x128xf32, #tpu.memory_space<vmem>>, vector<16xf32>,
      %add3A_1179 = arith.constant 1 : i32
      %add3A_1180 = arith.addi %add3A_1107, %add3A_1179 : i32
      %swap3A_1181 = arith.index_cast %add3A_1180 : i32 to index
      %swap3A_1182 = arith.constant 80 : index
      %swap3A_1183 = tpu.vector_load %arg10[%swap3A_1181, %swap3A_1182] {strides = array<i32>} : memref<544x128xf32, #tpu.memory_space<vmem>>, vector<16xf32>,
      tpu.vector_store %arg10[%swap3A_1181, %swap3A_1182], %broadcast_in_dim3A_1153 {strides = array<i32>} : memref<544x128xf32, #tpu.memory_space<vmem>>, vector<16xf32>,
      %add3A_1184 = arith.constant 1 : i32
      %add3A_1185 = arith.addi %add3A_1107, %add3A_1184 : i32
      %swap3A_1186 = arith.index_cast %add3A_1185 : i32 to index
      %swap3A_1187 = arith.constant 96 : index
      %swap3A_1188 = tpu.vector_load %arg10[%swap3A_1186, %swap3A_1187] {strides = array<i32>} : memref<544x128xf32, #tpu.memory_space<vmem>>, vector<16xf32>,
      tpu.vector_store %arg10[%swap3A_1186, %swap3A_1187], %broadcast_in_dim3A_1153 {strides = array<i32>} : memref<544x128xf32, #tpu.memory_space<vmem>>, vector<16xf32>,
      %add3A_1189 = arith.constant 1 : i32
      %add3A_1190 = arith.addi %add3A_1107, %add3A_1189 : i32
      %swap3A_1191 = arith.index_cast %add3A_1190 : i32 to index
      %swap3A_1192 = arith.constant 112 : index
      %swap3A_1193 = tpu.vector_load %arg10[%swap3A_1191, %swap3A_1192] {strides = array<i32>} : memref<544x128xf32, #tpu.memory_space<vmem>>, vector<16xf32>,
      tpu.vector_store %arg10[%swap3A_1191, %swap3A_1192], %broadcast_in_dim3A_1153 {strides = array<i32>} : memref<544x128xf32, #tpu.memory_space<vmem>>, vector<16xf32>,
      %slice3A_1194 = vector.extract_strided_slice %add3A_1104 {offsets = [2], sizes = [1], strides = [1]} : vector<16xf32> to vector<1xf32>
      %squeeze3A_1195 = vector.extract %slice3A_1194[0] : f32 from vector<1xf32>
      %broadcast_in_dim3A_1196 = vector.broadcast %squeeze3A_1195 : f32 to vector<16xf32>
      %add3A_1197 = arith.constant 2 : i32
      %add3A_1198 = arith.addi %add3A_1107, %add3A_1197 : i32
      %swap3A_1199 = arith.index_cast %add3A_1198 : i32 to index
      %swap3A_1200 = arith.constant 0 : index
      %swap3A_1201 = tpu.vector_load %arg10[%swap3A_1199, %swap3A_1200] {strides = array<i32>} : memref<544x128xf32, #tpu.memory_space<vmem>>, vector<16xf32>,
      tpu.vector_store %arg10[%swap3A_1199, %swap3A_1200], %broadcast_in_dim3A_1196 {strides = array<i32>} : memref<544x128xf32, #tpu.memory_space<vmem>>, vector<16xf32>,
      %add3A_1202 = arith.constant 2 : i32
      %add3A_1203 = arith.addi %add3A_1107, %add3A_1202 : i32
      %swap3A_1204 = arith.index_cast %add3A_1203 : i32 to index
      %swap3A_1205 = arith.constant 16 : index
      %swap3A_1206 = tpu.vector_load %arg10[%swap3A_1204, %swap3A_1205] {strides = array<i32>} : memref<544x128xf32, #tpu.memory_space<vmem>>, vector<16xf32>,
      tpu.vector_store %arg10[%swap3A_1204, %swap3A_1205], %broadcast_in_dim3A_1196 {strides = array<i32>} : memref<544x128xf32, #tpu.memory_space<vmem>>, vector<16xf32>,
      %add3A_1207 = arith.constant 2 : i32
      %add3A_1208 = arith.addi %add3A_1107, %add3A_1207 : i32
      %swap3A_1209 = arith.index_cast %add3A_1208 : i32 to index
      %swap3A_1210 = arith.constant 32 : index
      %swap3A_1211 = tpu.vector_load %arg10[%swap3A_1209, %swap3A_1210] {strides = array<i32>} : memref<544x128xf32, #tpu.memory_space<vmem>>, vector<16xf32>,
      tpu.vector_store %arg10[%swap3A_1209, %swap3A_1210], %broadcast_in_dim3A_1196 {strides = array<i32>} : memref<544x128xf32, #tpu.memory_space<vmem>>, vector<16xf32>,
      %add3A_1212 = arith.constant 2 : i32
      %add3A_1213 = arith.addi %add3A_1107, %add3A_1212 : i32
      %swap3A_1214 = arith.index_cast %add3A_1213 : i32 to index
      %swap3A_1215 = arith.constant 48 : index
      %swap3A_1216 = tpu.vector_load %arg10[%swap3A_1214, %swap3A_1215] {strides = array<i32>} : memref<544x128xf32, #tpu.memory_space<vmem>>, vector<16xf32>,
      tpu.vector_store %arg10[%swap3A_1214, %swap3A_1215], %broadcast_in_dim3A_1196 {strides = array<i32>} : memref<544x128xf32, #tpu.memory_space<vmem>>, vector<16xf32>,
      %add3A_1217 = arith.constant 2 : i32
      %add3A_1218 = arith.addi %add3A_1107, %add3A_1217 : i32
      %swap3A_1219 = arith.index_cast %add3A_1218 : i32 to index
      %swap3A_1220 = arith.constant 64 : index
      %swap3A_1221 = tpu.vector_load %arg10[%swap3A_1219, %swap3A_1220] {strides = array<i32>} : memref<544x128xf32, #tpu.memory_space<vmem>>, vector<16xf32>,
      tpu.vector_store %arg10[%swap3A_1219, %swap3A_1220], %broadcast_in_dim3A_1196 {strides = array<i32>} : memref<544x128xf32, #tpu.memory_space<vmem>>, vector<16xf32>,
      %add3A_1222 = arith.constant 2 : i32
      %add3A_1223 = arith.addi %add3A_1107, %add3A_1222 : i32
      %swap3A_1224 = arith.index_cast %add3A_1223 : i32 to index
      %swap3A_1225 = arith.constant 80 : index
      %swap3A_1226 = tpu.vector_load %arg10[%swap3A_1224, %swap3A_1225] {strides = array<i32>} : memref<544x128xf32, #tpu.memory_space<vmem>>, vector<16xf32>,
      tpu.vector_store %arg10[%swap3A_1224, %swap3A_1225], %broadcast_in_dim3A_1196 {strides = array<i32>} : memref<544x128xf32, #tpu.memory_space<vmem>>, vector<16xf32>,
      %add3A_1227 = arith.constant 2 : i32
      %add3A_1228 = arith.addi %add3A_1107, %add3A_1227 : i32
      %swap3A_1229 = arith.index_cast %add3A_1228 : i32 to index
      %swap3A_1230 = arith.constant 96 : index
      %swap3A_1231 = tpu.vector_load %arg10[%swap3A_1229, %swap3A_1230] {strides = array<i32>} : memref<544x128xf32, #tpu.memory_space<vmem>>, vector<16xf32>,
      tpu.vector_store %arg10[%swap3A_1229, %swap3A_1230], %broadcast_in_dim3A_1196 {strides = array<i32>} : memref<544x128xf32, #tpu.memory_space<vmem>>, vector<16xf32>,
      %add3A_1232 = arith.constant 2 : i32
      %add3A_1233 = arith.addi %add3A_1107, %add3A_1232 : i32
      %swap3A_1234 = arith.index_cast %add3A_1233 : i32 to index
      %swap3A_1235 = arith.constant 112 : index
      %swap3A_1236 = tpu.vector_load %arg10[%swap3A_1234, %swap3A_1235] {strides = array<i32>} : memref<544x128xf32, #tpu.memory_space<vmem>>, vector<16xf32>,
      tpu.vector_store %arg10[%swap3A_1234, %swap3A_1235], %broadcast_in_dim3A_1196 {strides = array<i32>} : memref<544x128xf32, #tpu.memory_space<vmem>>, vector<16xf32>,
      %slice3A_1237 = vector.extract_strided_slice %add3A_1104 {offsets = [3], sizes = [1], strides = [1]} : vector<16xf32> to vector<1xf32>
      %squeeze3A_1238 = vector.extract %slice3A_1237[0] : f32 from vector<1xf32>
      %broadcast_in_dim3A_1239 = vector.broadcast %squeeze3A_1238 : f32 to vector<16xf32>
      %add3A_1240 = arith.constant 3 : i32
      %add3A_1241 = arith.addi %add3A_1107, %add3A_1240 : i32
      %swap3A_1242 = arith.index_cast %add3A_1241 : i32 to index
      %swap3A_1243 = arith.constant 0 : index
      %swap3A_1244 = tpu.vector_load %arg10[%swap3A_1242, %swap3A_1243] {strides = array<i32>} : memref<544x128xf32, #tpu.memory_space<vmem>>, vector<16xf32>,
      tpu.vector_store %arg10[%swap3A_1242, %swap3A_1243], %broadcast_in_dim3A_1239 {strides = array<i32>} : memref<544x128xf32, #tpu.memory_space<vmem>>, vector<16xf32>,
      %add3A_1245 = arith.constant 3 : i32
      %add3A_1246 = arith.addi %add3A_1107, %add3A_1245 : i32
      %swap3A_1247 = arith.index_cast %add3A_1246 : i32 to index
      %swap3A_1248 = arith.constant 16 : index
      %swap3A_1249 = tpu.vector_load %arg10[%swap3A_1247, %swap3A_1248] {strides = array<i32>} : memref<544x128xf32, #tpu.memory_space<vmem>>, vector<16xf32>,
      tpu.vector_store %arg10[%swap3A_1247, %swap3A_1248], %broadcast_in_dim3A_1239 {strides = array<i32>} : memref<544x128xf32, #tpu.memory_space<vmem>>, vector<16xf32>,
      %add3A_1250 = arith.constant 3 : i32
      %add3A_1251 = arith.addi %add3A_1107, %add3A_1250 : i32
      %swap3A_1252 = arith.index_cast %add3A_1251 : i32 to index
      %swap3A_1253 = arith.constant 32 : index
      %swap3A_1254 = tpu.vector_load %arg10[%swap3A_1252, %swap3A_1253] {strides = array<i32>} : memref<544x128xf32, #tpu.memory_space<vmem>>, vector<16xf32>,
      tpu.vector_store %arg10[%swap3A_1252, %swap3A_1253], %broadcast_in_dim3A_1239 {strides = array<i32>} : memref<544x128xf32, #tpu.memory_space<vmem>>, vector<16xf32>,
      %add3A_1255 = arith.constant 3 : i32
      %add3A_1256 = arith.addi %add3A_1107, %add3A_1255 : i32
      %swap3A_1257 = arith.index_cast %add3A_1256 : i32 to index
      %swap3A_1258 = arith.constant 48 : index
      %swap3A_1259 = tpu.vector_load %arg10[%swap3A_1257, %swap3A_1258] {strides = array<i32>} : memref<544x128xf32, #tpu.memory_space<vmem>>, vector<16xf32>,
      tpu.vector_store %arg10[%swap3A_1257, %swap3A_1258], %broadcast_in_dim3A_1239 {strides = array<i32>} : memref<544x128xf32, #tpu.memory_space<vmem>>, vector<16xf32>,
      %add3A_1260 = arith.constant 3 : i32
      %add3A_1261 = arith.addi %add3A_1107, %add3A_1260 : i32
      %swap3A_1262 = arith.index_cast %add3A_1261 : i32 to index
      %swap3A_1263 = arith.constant 64 : index
      %swap3A_1264 = tpu.vector_load %arg10[%swap3A_1262, %swap3A_1263] {strides = array<i32>} : memref<544x128xf32, #tpu.memory_space<vmem>>, vector<16xf32>,
      tpu.vector_store %arg10[%swap3A_1262, %swap3A_1263], %broadcast_in_dim3A_1239 {strides = array<i32>} : memref<544x128xf32, #tpu.memory_space<vmem>>, vector<16xf32>,
      %add3A_1265 = arith.constant 3 : i32
      %add3A_1266 = arith.addi %add3A_1107, %add3A_1265 : i32
      %swap3A_1267 = arith.index_cast %add3A_1266 : i32 to index
      %swap3A_1268 = arith.constant 80 : index
      %swap3A_1269 = tpu.vector_load %arg10[%swap3A_1267, %swap3A_1268] {strides = array<i32>} : memref<544x128xf32, #tpu.memory_space<vmem>>, vector<16xf32>,
      tpu.vector_store %arg10[%swap3A_1267, %swap3A_1268], %broadcast_in_dim3A_1239 {strides = array<i32>} : memref<544x128xf32, #tpu.memory_space<vmem>>, vector<16xf32>,
      %add3A_1270 = arith.constant 3 : i32
      %add3A_1271 = arith.addi %add3A_1107, %add3A_1270 : i32
      %swap3A_1272 = arith.index_cast %add3A_1271 : i32 to index
      %swap3A_1273 = arith.constant 96 : index
      %swap3A_1274 = tpu.vector_load %arg10[%swap3A_1272, %swap3A_1273] {strides = array<i32>} : memref<544x128xf32, #tpu.memory_space<vmem>>, vector<16xf32>,
      tpu.vector_store %arg10[%swap3A_1272, %swap3A_1273], %broadcast_in_dim3A_1239 {strides = array<i32>} : memref<544x128xf32, #tpu.memory_space<vmem>>, vector<16xf32>,
      %add3A_1275 = arith.constant 3 : i32
      %add3A_1276 = arith.addi %add3A_1107, %add3A_1275 : i32
      %swap3A_1277 = arith.index_cast %add3A_1276 : i32 to index
      %swap3A_1278 = arith.constant 112 : index
      %swap3A_1279 = tpu.vector_load %arg10[%swap3A_1277, %swap3A_1278] {strides = array<i32>} : memref<544x128xf32, #tpu.memory_space<vmem>>, vector<16xf32>,
      tpu.vector_store %arg10[%swap3A_1277, %swap3A_1278], %broadcast_in_dim3A_1239 {strides = array<i32>} : memref<544x128xf32, #tpu.memory_space<vmem>>, vector<16xf32>,
      %slice3A_1280 = vector.extract_strided_slice %add3A_1104 {offsets = [4], sizes = [1], strides = [1]} : vector<16xf32> to vector<1xf32>
      %squeeze3A_1281 = vector.extract %slice3A_1280[0] : f32 from vector<1xf32>
      %broadcast_in_dim3A_1282 = vector.broadcast %squeeze3A_1281 : f32 to vector<16xf32>
      %add3A_1283 = arith.constant 4 : i32
      %add3A_1284 = arith.addi %add3A_1107, %add3A_1283 : i32
      %swap3A_1285 = arith.index_cast %add3A_1284 : i32 to index
      %swap3A_1286 = arith.constant 0 : index
      %swap3A_1287 = tpu.vector_load %arg10[%swap3A_1285, %swap3A_1286] {strides = array<i32>} : memref<544x128xf32, #tpu.memory_space<vmem>>, vector<16xf32>,
      tpu.vector_store %arg10[%swap3A_1285, %swap3A_1286], %broadcast_in_dim3A_1282 {strides = array<i32>} : memref<544x128xf32, #tpu.memory_space<vmem>>, vector<16xf32>,
      %add3A_1288 = arith.constant 4 : i32
      %add3A_1289 = arith.addi %add3A_1107, %add3A_1288 : i32
      %swap3A_1290 = arith.index_cast %add3A_1289 : i32 to index
      %swap3A_1291 = arith.constant 16 : index
      %swap3A_1292 = tpu.vector_load %arg10[%swap3A_1290, %swap3A_1291] {strides = array<i32>} : memref<544x128xf32, #tpu.memory_space<vmem>>, vector<16xf32>,
      tpu.vector_store %arg10[%swap3A_1290, %swap3A_1291], %broadcast_in_dim3A_1282 {strides = array<i32>} : memref<544x128xf32, #tpu.memory_space<vmem>>, vector<16xf32>,
      %add3A_1293 = arith.constant 4 : i32
      %add3A_1294 = arith.addi %add3A_1107, %add3A_1293 : i32
      %swap3A_1295 = arith.index_cast %add3A_1294 : i32 to index
      %swap3A_1296 = arith.constant 32 : index
      %swap3A_1297 = tpu.vector_load %arg10[%swap3A_1295, %swap3A_1296] {strides = array<i32>} : memref<544x128xf32, #tpu.memory_space<vmem>>, vector<16xf32>,
      tpu.vector_store %arg10[%swap3A_1295, %swap3A_1296], %broadcast_in_dim3A_1282 {strides = array<i32>} : memref<544x128xf32, #tpu.memory_space<vmem>>, vector<16xf32>,
      %add3A_1298 = arith.constant 4 : i32
      %add3A_1299 = arith.addi %add3A_1107, %add3A_1298 : i32
      %swap3A_1300 = arith.index_cast %add3A_1299 : i32 to index
      %swap3A_1301 = arith.constant 48 : index
      %swap3A_1302 = tpu.vector_load %arg10[%swap3A_1300, %swap3A_1301] {strides = array<i32>} : memref<544x128xf32, #tpu.memory_space<vmem>>, vector<16xf32>,
      tpu.vector_store %arg10[%swap3A_1300, %swap3A_1301], %broadcast_in_dim3A_1282 {strides = array<i32>} : memref<544x128xf32, #tpu.memory_space<vmem>>, vector<16xf32>,
      %add3A_1303 = arith.constant 4 : i32
      %add3A_1304 = arith.addi %add3A_1107, %add3A_1303 : i32
      %swap3A_1305 = arith.index_cast %add3A_1304 : i32 to index
      %swap3A_1306 = arith.constant 64 : index
      %swap3A_1307 = tpu.vector_load %arg10[%swap3A_1305, %swap3A_1306] {strides = array<i32>} : memref<544x128xf32, #tpu.memory_space<vmem>>, vector<16xf32>,
      tpu.vector_store %arg10[%swap3A_1305, %swap3A_1306], %broadcast_in_dim3A_1282 {strides = array<i32>} : memref<544x128xf32, #tpu.memory_space<vmem>>, vector<16xf32>,
      %add3A_1308 = arith.constant 4 : i32
      %add3A_1309 = arith.addi %add3A_1107, %add3A_1308 : i32
      %swap3A_1310 = arith.index_cast %add3A_1309 : i32 to index
      %swap3A_1311 = arith.constant 80 : index
      %swap3A_1312 = tpu.vector_load %arg10[%swap3A_1310, %swap3A_1311] {strides = array<i32>} : memref<544x128xf32, #tpu.memory_space<vmem>>, vector<16xf32>,
      tpu.vector_store %arg10[%swap3A_1310, %swap3A_1311], %broadcast_in_dim3A_1282 {strides = array<i32>} : memref<544x128xf32, #tpu.memory_space<vmem>>, vector<16xf32>,
      %add3A_1313 = arith.constant 4 : i32
      %add3A_1314 = arith.addi %add3A_1107, %add3A_1313 : i32
      %swap3A_1315 = arith.index_cast %add3A_1314 : i32 to index
      %swap3A_1316 = arith.constant 96 : index
      %swap3A_1317 = tpu.vector_load %arg10[%swap3A_1315, %swap3A_1316] {strides = array<i32>} : memref<544x128xf32, #tpu.memory_space<vmem>>, vector<16xf32>,
      tpu.vector_store %arg10[%swap3A_1315, %swap3A_1316], %broadcast_in_dim3A_1282 {strides = array<i32>} : memref<544x128xf32, #tpu.memory_space<vmem>>, vector<16xf32>,
      %add3A_1318 = arith.constant 4 : i32
      %add3A_1319 = arith.addi %add3A_1107, %add3A_1318 : i32
      %swap3A_1320 = arith.index_cast %add3A_1319 : i32 to index
      %swap3A_1321 = arith.constant 112 : index
      %swap3A_1322 = tpu.vector_load %arg10[%swap3A_1320, %swap3A_1321] {strides = array<i32>} : memref<544x128xf32, #tpu.memory_space<vmem>>, vector<16xf32>,
      tpu.vector_store %arg10[%swap3A_1320, %swap3A_1321], %broadcast_in_dim3A_1282 {strides = array<i32>} : memref<544x128xf32, #tpu.memory_space<vmem>>, vector<16xf32>,
      %slice3A_1323 = vector.extract_strided_slice %add3A_1104 {offsets = [5], sizes = [1], strides = [1]} : vector<16xf32> to vector<1xf32>
      %squeeze3A_1324 = vector.extract %slice3A_1323[0] : f32 from vector<1xf32>
      %broadcast_in_dim3A_1325 = vector.broadcast %squeeze3A_1324 : f32 to vector<16xf32>
      %add3A_1326 = arith.constant 5 : i32
      %add3A_1327 = arith.addi %add3A_1107, %add3A_1326 : i32
      %swap3A_1328 = arith.index_cast %add3A_1327 : i32 to index
      %swap3A_1329 = arith.constant 0 : index
      %swap3A_1330 = tpu.vector_load %arg10[%swap3A_1328, %swap3A_1329] {strides = array<i32>} : memref<544x128xf32, #tpu.memory_space<vmem>>, vector<16xf32>,
      tpu.vector_store %arg10[%swap3A_1328, %swap3A_1329], %broadcast_in_dim3A_1325 {strides = array<i32>} : memref<544x128xf32, #tpu.memory_space<vmem>>, vector<16xf32>,
      %add3A_1331 = arith.constant 5 : i32
      %add3A_1332 = arith.addi %add3A_1107, %add3A_1331 : i32
      %swap3A_1333 = arith.index_cast %add3A_1332 : i32 to index
      %swap3A_1334 = arith.constant 16 : index
      %swap3A_1335 = tpu.vector_load %arg10[%swap3A_1333, %swap3A_1334] {strides = array<i32>} : memref<544x128xf32, #tpu.memory_space<vmem>>, vector<16xf32>,
      tpu.vector_store %arg10[%swap3A_1333, %swap3A_1334], %broadcast_in_dim3A_1325 {strides = array<i32>} : memref<544x128xf32, #tpu.memory_space<vmem>>, vector<16xf32>,
      %add3A_1336 = arith.constant 5 : i32
      %add3A_1337 = arith.addi %add3A_1107, %add3A_1336 : i32
      %swap3A_1338 = arith.index_cast %add3A_1337 : i32 to index
      %swap3A_1339 = arith.constant 32 : index
      %swap3A_1340 = tpu.vector_load %arg10[%swap3A_1338, %swap3A_1339] {strides = array<i32>} : memref<544x128xf32, #tpu.memory_space<vmem>>, vector<16xf32>,
      tpu.vector_store %arg10[%swap3A_1338, %swap3A_1339], %broadcast_in_dim3A_1325 {strides = array<i32>} : memref<544x128xf32, #tpu.memory_space<vmem>>, vector<16xf32>,
      %add3A_1341 = arith.constant 5 : i32
      %add3A_1342 = arith.addi %add3A_1107, %add3A_1341 : i32
      %swap3A_1343 = arith.index_cast %add3A_1342 : i32 to index
      %swap3A_1344 = arith.constant 48 : index
      %swap3A_1345 = tpu.vector_load %arg10[%swap3A_1343, %swap3A_1344] {strides = array<i32>} : memref<544x128xf32, #tpu.memory_space<vmem>>, vector<16xf32>,
      tpu.vector_store %arg10[%swap3A_1343, %swap3A_1344], %broadcast_in_dim3A_1325 {strides = array<i32>} : memref<544x128xf32, #tpu.memory_space<vmem>>, vector<16xf32>,
      %add3A_1346 = arith.constant 5 : i32
      %add3A_1347 = arith.addi %add3A_1107, %add3A_1346 : i32
      %swap3A_1348 = arith.index_cast %add3A_1347 : i32 to index
      %swap3A_1349 = arith.constant 64 : index
      %swap3A_1350 = tpu.vector_load %arg10[%swap3A_1348, %swap3A_1349] {strides = array<i32>} : memref<544x128xf32, #tpu.memory_space<vmem>>, vector<16xf32>,
      tpu.vector_store %arg10[%swap3A_1348, %swap3A_1349], %broadcast_in_dim3A_1325 {strides = array<i32>} : memref<544x128xf32, #tpu.memory_space<vmem>>, vector<16xf32>,
      %add3A_1351 = arith.constant 5 : i32
      %add3A_1352 = arith.addi %add3A_1107, %add3A_1351 : i32
      %swap3A_1353 = arith.index_cast %add3A_1352 : i32 to index
      %swap3A_1354 = arith.constant 80 : index
      %swap3A_1355 = tpu.vector_load %arg10[%swap3A_1353, %swap3A_1354] {strides = array<i32>} : memref<544x128xf32, #tpu.memory_space<vmem>>, vector<16xf32>,
      tpu.vector_store %arg10[%swap3A_1353, %swap3A_1354], %broadcast_in_dim3A_1325 {strides = array<i32>} : memref<544x128xf32, #tpu.memory_space<vmem>>, vector<16xf32>,
      %add3A_1356 = arith.constant 5 : i32
      %add3A_1357 = arith.addi %add3A_1107, %add3A_1356 : i32
      %swap3A_1358 = arith.index_cast %add3A_1357 : i32 to index
      %swap3A_1359 = arith.constant 96 : index
      %swap3A_1360 = tpu.vector_load %arg10[%swap3A_1358, %swap3A_1359] {strides = array<i32>} : memref<544x128xf32, #tpu.memory_space<vmem>>, vector<16xf32>,
      tpu.vector_store %arg10[%swap3A_1358, %swap3A_1359], %broadcast_in_dim3A_1325 {strides = array<i32>} : memref<544x128xf32, #tpu.memory_space<vmem>>, vector<16xf32>,
      %add3A_1361 = arith.constant 5 : i32
      %add3A_1362 = arith.addi %add3A_1107, %add3A_1361 : i32
      %swap3A_1363 = arith.index_cast %add3A_1362 : i32 to index
      %swap3A_1364 = arith.constant 112 : index
      %swap3A_1365 = tpu.vector_load %arg10[%swap3A_1363, %swap3A_1364] {strides = array<i32>} : memref<544x128xf32, #tpu.memory_space<vmem>>, vector<16xf32>,
      tpu.vector_store %arg10[%swap3A_1363, %swap3A_1364], %broadcast_in_dim3A_1325 {strides = array<i32>} : memref<544x128xf32, #tpu.memory_space<vmem>>, vector<16xf32>,
      %slice3A_1366 = vector.extract_strided_slice %add3A_1104 {offsets = [6], sizes = [1], strides = [1]} : vector<16xf32> to vector<1xf32>
      %squeeze3A_1367 = vector.extract %slice3A_1366[0] : f32 from vector<1xf32>
      %broadcast_in_dim3A_1368 = vector.broadcast %squeeze3A_1367 : f32 to vector<16xf32>
      %add3A_1369 = arith.constant 6 : i32
      %add3A_1370 = arith.addi %add3A_1107, %add3A_1369 : i32
      %swap3A_1371 = arith.index_cast %add3A_1370 : i32 to index
      %swap3A_1372 = arith.constant 0 : index
      %swap3A_1373 = tpu.vector_load %arg10[%swap3A_1371, %swap3A_1372] {strides = array<i32>} : memref<544x128xf32, #tpu.memory_space<vmem>>, vector<16xf32>,
      tpu.vector_store %arg10[%swap3A_1371, %swap3A_1372], %broadcast_in_dim3A_1368 {strides = array<i32>} : memref<544x128xf32, #tpu.memory_space<vmem>>, vector<16xf32>,
      %add3A_1374 = arith.constant 6 : i32
      %add3A_1375 = arith.addi %add3A_1107, %add3A_1374 : i32
      %swap3A_1376 = arith.index_cast %add3A_1375 : i32 to index
      %swap3A_1377 = arith.constant 16 : index
      %swap3A_1378 = tpu.vector_load %arg10[%swap3A_1376, %swap3A_1377] {strides = array<i32>} : memref<544x128xf32, #tpu.memory_space<vmem>>, vector<16xf32>,
      tpu.vector_store %arg10[%swap3A_1376, %swap3A_1377], %broadcast_in_dim3A_1368 {strides = array<i32>} : memref<544x128xf32, #tpu.memory_space<vmem>>, vector<16xf32>,
      %add3A_1379 = arith.constant 6 : i32
      %add3A_1380 = arith.addi %add3A_1107, %add3A_1379 : i32
      %swap3A_1381 = arith.index_cast %add3A_1380 : i32 to index
      %swap3A_1382 = arith.constant 32 : index
      %swap3A_1383 = tpu.vector_load %arg10[%swap3A_1381, %swap3A_1382] {strides = array<i32>} : memref<544x128xf32, #tpu.memory_space<vmem>>, vector<16xf32>,
      tpu.vector_store %arg10[%swap3A_1381, %swap3A_1382], %broadcast_in_dim3A_1368 {strides = array<i32>} : memref<544x128xf32, #tpu.memory_space<vmem>>, vector<16xf32>,
      %add3A_1384 = arith.constant 6 : i32
      %add3A_1385 = arith.addi %add3A_1107, %add3A_1384 : i32
      %swap3A_1386 = arith.index_cast %add3A_1385 : i32 to index
      %swap3A_1387 = arith.constant 48 : index
      %swap3A_1388 = tpu.vector_load %arg10[%swap3A_1386, %swap3A_1387] {strides = array<i32>} : memref<544x128xf32, #tpu.memory_space<vmem>>, vector<16xf32>,
      tpu.vector_store %arg10[%swap3A_1386, %swap3A_1387], %broadcast_in_dim3A_1368 {strides = array<i32>} : memref<544x128xf32, #tpu.memory_space<vmem>>, vector<16xf32>,
      %add3A_1389 = arith.constant 6 : i32
      %add3A_1390 = arith.addi %add3A_1107, %add3A_1389 : i32
      %swap3A_1391 = arith.index_cast %add3A_1390 : i32 to index
      %swap3A_1392 = arith.constant 64 : index
      %swap3A_1393 = tpu.vector_load %arg10[%swap3A_1391, %swap3A_1392] {strides = array<i32>} : memref<544x128xf32, #tpu.memory_space<vmem>>, vector<16xf32>,
      tpu.vector_store %arg10[%swap3A_1391, %swap3A_1392], %broadcast_in_dim3A_1368 {strides = array<i32>} : memref<544x128xf32, #tpu.memory_space<vmem>>, vector<16xf32>,
      %add3A_1394 = arith.constant 6 : i32
      %add3A_1395 = arith.addi %add3A_1107, %add3A_1394 : i32
      %swap3A_1396 = arith.index_cast %add3A_1395 : i32 to index
      %swap3A_1397 = arith.constant 80 : index
      %swap3A_1398 = tpu.vector_load %arg10[%swap3A_1396, %swap3A_1397] {strides = array<i32>} : memref<544x128xf32, #tpu.memory_space<vmem>>, vector<16xf32>,
      tpu.vector_store %arg10[%swap3A_1396, %swap3A_1397], %broadcast_in_dim3A_1368 {strides = array<i32>} : memref<544x128xf32, #tpu.memory_space<vmem>>, vector<16xf32>,
      %add3A_1399 = arith.constant 6 : i32
      %add3A_1400 = arith.addi %add3A_1107, %add3A_1399 : i32
      %swap3A_1401 = arith.index_cast %add3A_1400 : i32 to index
      %swap3A_1402 = arith.constant 96 : index
      %swap3A_1403 = tpu.vector_load %arg10[%swap3A_1401, %swap3A_1402] {strides = array<i32>} : memref<544x128xf32, #tpu.memory_space<vmem>>, vector<16xf32>,
      tpu.vector_store %arg10[%swap3A_1401, %swap3A_1402], %broadcast_in_dim3A_1368 {strides = array<i32>} : memref<544x128xf32, #tpu.memory_space<vmem>>, vector<16xf32>,
      %add3A_1404 = arith.constant 6 : i32
      %add3A_1405 = arith.addi %add3A_1107, %add3A_1404 : i32
      %swap3A_1406 = arith.index_cast %add3A_1405 : i32 to index
      %swap3A_1407 = arith.constant 112 : index
      %swap3A_1408 = tpu.vector_load %arg10[%swap3A_1406, %swap3A_1407] {strides = array<i32>} : memref<544x128xf32, #tpu.memory_space<vmem>>, vector<16xf32>,
      tpu.vector_store %arg10[%swap3A_1406, %swap3A_1407], %broadcast_in_dim3A_1368 {strides = array<i32>} : memref<544x128xf32, #tpu.memory_space<vmem>>, vector<16xf32>,
      %slice3A_1409 = vector.extract_strided_slice %add3A_1104 {offsets = [7], sizes = [1], strides = [1]} : vector<16xf32> to vector<1xf32>
      %squeeze3A_1410 = vector.extract %slice3A_1409[0] : f32 from vector<1xf32>
      %broadcast_in_dim3A_1411 = vector.broadcast %squeeze3A_1410 : f32 to vector<16xf32>
      %add3A_1412 = arith.constant 7 : i32
      %add3A_1413 = arith.addi %add3A_1107, %add3A_1412 : i32
      %swap3A_1414 = arith.index_cast %add3A_1413 : i32 to index
      %swap3A_1415 = arith.constant 0 : index
      %swap3A_1416 = tpu.vector_load %arg10[%swap3A_1414, %swap3A_1415] {strides = array<i32>} : memref<544x128xf32, #tpu.memory_space<vmem>>, vector<16xf32>,
      tpu.vector_store %arg10[%swap3A_1414, %swap3A_1415], %broadcast_in_dim3A_1411 {strides = array<i32>} : memref<544x128xf32, #tpu.memory_space<vmem>>, vector<16xf32>,
      %add3A_1417 = arith.constant 7 : i32
      %add3A_1418 = arith.addi %add3A_1107, %add3A_1417 : i32
      %swap3A_1419 = arith.index_cast %add3A_1418 : i32 to index
      %swap3A_1420 = arith.constant 16 : index
      %swap3A_1421 = tpu.vector_load %arg10[%swap3A_1419, %swap3A_1420] {strides = array<i32>} : memref<544x128xf32, #tpu.memory_space<vmem>>, vector<16xf32>,
      tpu.vector_store %arg10[%swap3A_1419, %swap3A_1420], %broadcast_in_dim3A_1411 {strides = array<i32>} : memref<544x128xf32, #tpu.memory_space<vmem>>, vector<16xf32>,
      %add3A_1422 = arith.constant 7 : i32
      %add3A_1423 = arith.addi %add3A_1107, %add3A_1422 : i32
      %swap3A_1424 = arith.index_cast %add3A_1423 : i32 to index
      %swap3A_1425 = arith.constant 32 : index
      %swap3A_1426 = tpu.vector_load %arg10[%swap3A_1424, %swap3A_1425] {strides = array<i32>} : memref<544x128xf32, #tpu.memory_space<vmem>>, vector<16xf32>,
      tpu.vector_store %arg10[%swap3A_1424, %swap3A_1425], %broadcast_in_dim3A_1411 {strides = array<i32>} : memref<544x128xf32, #tpu.memory_space<vmem>>, vector<16xf32>,
      %add3A_1427 = arith.constant 7 : i32
      %add3A_1428 = arith.addi %add3A_1107, %add3A_1427 : i32
      %swap3A_1429 = arith.index_cast %add3A_1428 : i32 to index
      %swap3A_1430 = arith.constant 48 : index
      %swap3A_1431 = tpu.vector_load %arg10[%swap3A_1429, %swap3A_1430] {strides = array<i32>} : memref<544x128xf32, #tpu.memory_space<vmem>>, vector<16xf32>,
      tpu.vector_store %arg10[%swap3A_1429, %swap3A_1430], %broadcast_in_dim3A_1411 {strides = array<i32>} : memref<544x128xf32, #tpu.memory_space<vmem>>, vector<16xf32>,
      %add3A_1432 = arith.constant 7 : i32
      %add3A_1433 = arith.addi %add3A_1107, %add3A_1432 : i32
      %swap3A_1434 = arith.index_cast %add3A_1433 : i32 to index
      %swap3A_1435 = arith.constant 64 : index
      %swap3A_1436 = tpu.vector_load %arg10[%swap3A_1434, %swap3A_1435] {strides = array<i32>} : memref<544x128xf32, #tpu.memory_space<vmem>>, vector<16xf32>,
      tpu.vector_store %arg10[%swap3A_1434, %swap3A_1435], %broadcast_in_dim3A_1411 {strides = array<i32>} : memref<544x128xf32, #tpu.memory_space<vmem>>, vector<16xf32>,
      %add3A_1437 = arith.constant 7 : i32
      %add3A_1438 = arith.addi %add3A_1107, %add3A_1437 : i32
      %swap3A_1439 = arith.index_cast %add3A_1438 : i32 to index
      %swap3A_1440 = arith.constant 80 : index
      %swap3A_1441 = tpu.vector_load %arg10[%swap3A_1439, %swap3A_1440] {strides = array<i32>} : memref<544x128xf32, #tpu.memory_space<vmem>>, vector<16xf32>,
      tpu.vector_store %arg10[%swap3A_1439, %swap3A_1440], %broadcast_in_dim3A_1411 {strides = array<i32>} : memref<544x128xf32, #tpu.memory_space<vmem>>, vector<16xf32>,
      %add3A_1442 = arith.constant 7 : i32
      %add3A_1443 = arith.addi %add3A_1107, %add3A_1442 : i32
      %swap3A_1444 = arith.index_cast %add3A_1443 : i32 to index
      %swap3A_1445 = arith.constant 96 : index
      %swap3A_1446 = tpu.vector_load %arg10[%swap3A_1444, %swap3A_1445] {strides = array<i32>} : memref<544x128xf32, #tpu.memory_space<vmem>>, vector<16xf32>,
      tpu.vector_store %arg10[%swap3A_1444, %swap3A_1445], %broadcast_in_dim3A_1411 {strides = array<i32>} : memref<544x128xf32, #tpu.memory_space<vmem>>, vector<16xf32>,
      %add3A_1447 = arith.constant 7 : i32
      %add3A_1448 = arith.addi %add3A_1107, %add3A_1447 : i32
      %swap3A_1449 = arith.index_cast %add3A_1448 : i32 to index
      %swap3A_1450 = arith.constant 112 : index
      %swap3A_1451 = tpu.vector_load %arg10[%swap3A_1449, %swap3A_1450] {strides = array<i32>} : memref<544x128xf32, #tpu.memory_space<vmem>>, vector<16xf32>,
      tpu.vector_store %arg10[%swap3A_1449, %swap3A_1450], %broadcast_in_dim3A_1411 {strides = array<i32>} : memref<544x128xf32, #tpu.memory_space<vmem>>, vector<16xf32>,
      %slice3A_1452 = vector.extract_strided_slice %add3A_1104 {offsets = [8], sizes = [1], strides = [1]} : vector<16xf32> to vector<1xf32>
      %squeeze3A_1453 = vector.extract %slice3A_1452[0] : f32 from vector<1xf32>
      %broadcast_in_dim3A_1454 = vector.broadcast %squeeze3A_1453 : f32 to vector<16xf32>
      %add3A_1455 = arith.constant 8 : i32
      %add3A_1456 = arith.addi %add3A_1107, %add3A_1455 : i32
      %swap3A_1457 = arith.index_cast %add3A_1456 : i32 to index
      %swap3A_1458 = arith.constant 0 : index
      %swap3A_1459 = tpu.vector_load %arg10[%swap3A_1457, %swap3A_1458] {strides = array<i32>} : memref<544x128xf32, #tpu.memory_space<vmem>>, vector<16xf32>,
      tpu.vector_store %arg10[%swap3A_1457, %swap3A_1458], %broadcast_in_dim3A_1454 {strides = array<i32>} : memref<544x128xf32, #tpu.memory_space<vmem>>, vector<16xf32>,
      %add3A_1460 = arith.constant 8 : i32
      %add3A_1461 = arith.addi %add3A_1107, %add3A_1460 : i32
      %swap3A_1462 = arith.index_cast %add3A_1461 : i32 to index
      %swap3A_1463 = arith.constant 16 : index
      %swap3A_1464 = tpu.vector_load %arg10[%swap3A_1462, %swap3A_1463] {strides = array<i32>} : memref<544x128xf32, #tpu.memory_space<vmem>>, vector<16xf32>,
      tpu.vector_store %arg10[%swap3A_1462, %swap3A_1463], %broadcast_in_dim3A_1454 {strides = array<i32>} : memref<544x128xf32, #tpu.memory_space<vmem>>, vector<16xf32>,
      %add3A_1465 = arith.constant 8 : i32
      %add3A_1466 = arith.addi %add3A_1107, %add3A_1465 : i32
      %swap3A_1467 = arith.index_cast %add3A_1466 : i32 to index
      %swap3A_1468 = arith.constant 32 : index
      %swap3A_1469 = tpu.vector_load %arg10[%swap3A_1467, %swap3A_1468] {strides = array<i32>} : memref<544x128xf32, #tpu.memory_space<vmem>>, vector<16xf32>,
      tpu.vector_store %arg10[%swap3A_1467, %swap3A_1468], %broadcast_in_dim3A_1454 {strides = array<i32>} : memref<544x128xf32, #tpu.memory_space<vmem>>, vector<16xf32>,
      %add3A_1470 = arith.constant 8 : i32
      %add3A_1471 = arith.addi %add3A_1107, %add3A_1470 : i32
      %swap3A_1472 = arith.index_cast %add3A_1471 : i32 to index
      %swap3A_1473 = arith.constant 48 : index
      %swap3A_1474 = tpu.vector_load %arg10[%swap3A_1472, %swap3A_1473] {strides = array<i32>} : memref<544x128xf32, #tpu.memory_space<vmem>>, vector<16xf32>,
      tpu.vector_store %arg10[%swap3A_1472, %swap3A_1473], %broadcast_in_dim3A_1454 {strides = array<i32>} : memref<544x128xf32, #tpu.memory_space<vmem>>, vector<16xf32>,
      %add3A_1475 = arith.constant 8 : i32
      %add3A_1476 = arith.addi %add3A_1107, %add3A_1475 : i32
      %swap3A_1477 = arith.index_cast %add3A_1476 : i32 to index
      %swap3A_1478 = arith.constant 64 : index
      %swap3A_1479 = tpu.vector_load %arg10[%swap3A_1477, %swap3A_1478] {strides = array<i32>} : memref<544x128xf32, #tpu.memory_space<vmem>>, vector<16xf32>,
      tpu.vector_store %arg10[%swap3A_1477, %swap3A_1478], %broadcast_in_dim3A_1454 {strides = array<i32>} : memref<544x128xf32, #tpu.memory_space<vmem>>, vector<16xf32>,
      %add3A_1480 = arith.constant 8 : i32
      %add3A_1481 = arith.addi %add3A_1107, %add3A_1480 : i32
      %swap3A_1482 = arith.index_cast %add3A_1481 : i32 to index
      %swap3A_1483 = arith.constant 80 : index
      %swap3A_1484 = tpu.vector_load %arg10[%swap3A_1482, %swap3A_1483] {strides = array<i32>} : memref<544x128xf32, #tpu.memory_space<vmem>>, vector<16xf32>,
      tpu.vector_store %arg10[%swap3A_1482, %swap3A_1483], %broadcast_in_dim3A_1454 {strides = array<i32>} : memref<544x128xf32, #tpu.memory_space<vmem>>, vector<16xf32>,
      %add3A_1485 = arith.constant 8 : i32
      %add3A_1486 = arith.addi %add3A_1107, %add3A_1485 : i32
      %swap3A_1487 = arith.index_cast %add3A_1486 : i32 to index
      %swap3A_1488 = arith.constant 96 : index
      %swap3A_1489 = tpu.vector_load %arg10[%swap3A_1487, %swap3A_1488] {strides = array<i32>} : memref<544x128xf32, #tpu.memory_space<vmem>>, vector<16xf32>,
      tpu.vector_store %arg10[%swap3A_1487, %swap3A_1488], %broadcast_in_dim3A_1454 {strides = array<i32>} : memref<544x128xf32, #tpu.memory_space<vmem>>, vector<16xf32>,
      %add3A_1490 = arith.constant 8 : i32
      %add3A_1491 = arith.addi %add3A_1107, %add3A_1490 : i32
      %swap3A_1492 = arith.index_cast %add3A_1491 : i32 to index
      %swap3A_1493 = arith.constant 112 : index
      %swap3A_1494 = tpu.vector_load %arg10[%swap3A_1492, %swap3A_1493] {strides = array<i32>} : memref<544x128xf32, #tpu.memory_space<vmem>>, vector<16xf32>,
      tpu.vector_store %arg10[%swap3A_1492, %swap3A_1493], %broadcast_in_dim3A_1454 {strides = array<i32>} : memref<544x128xf32, #tpu.memory_space<vmem>>, vector<16xf32>,
      %slice3A_1495 = vector.extract_strided_slice %add3A_1104 {offsets = [9], sizes = [1], strides = [1]} : vector<16xf32> to vector<1xf32>
      %squeeze3A_1496 = vector.extract %slice3A_1495[0] : f32 from vector<1xf32>
      %broadcast_in_dim3A_1497 = vector.broadcast %squeeze3A_1496 : f32 to vector<16xf32>
      %add3A_1498 = arith.constant 9 : i32
      %add3A_1499 = arith.addi %add3A_1107, %add3A_1498 : i32
      %swap3A_1500 = arith.index_cast %add3A_1499 : i32 to index
      %swap3A_1501 = arith.constant 0 : index
      %swap3A_1502 = tpu.vector_load %arg10[%swap3A_1500, %swap3A_1501] {strides = array<i32>} : memref<544x128xf32, #tpu.memory_space<vmem>>, vector<16xf32>,
      tpu.vector_store %arg10[%swap3A_1500, %swap3A_1501], %broadcast_in_dim3A_1497 {strides = array<i32>} : memref<544x128xf32, #tpu.memory_space<vmem>>, vector<16xf32>,
      %add3A_1503 = arith.constant 9 : i32
      %add3A_1504 = arith.addi %add3A_1107, %add3A_1503 : i32
      %swap3A_1505 = arith.index_cast %add3A_1504 : i32 to index
      %swap3A_1506 = arith.constant 16 : index
      %swap3A_1507 = tpu.vector_load %arg10[%swap3A_1505, %swap3A_1506] {strides = array<i32>} : memref<544x128xf32, #tpu.memory_space<vmem>>, vector<16xf32>,
      tpu.vector_store %arg10[%swap3A_1505, %swap3A_1506], %broadcast_in_dim3A_1497 {strides = array<i32>} : memref<544x128xf32, #tpu.memory_space<vmem>>, vector<16xf32>,
      %add3A_1508 = arith.constant 9 : i32
      %add3A_1509 = arith.addi %add3A_1107, %add3A_1508 : i32
      %swap3A_1510 = arith.index_cast %add3A_1509 : i32 to index
      %swap3A_1511 = arith.constant 32 : index
      %swap3A_1512 = tpu.vector_load %arg10[%swap3A_1510, %swap3A_1511] {strides = array<i32>} : memref<544x128xf32, #tpu.memory_space<vmem>>, vector<16xf32>,
      tpu.vector_store %arg10[%swap3A_1510, %swap3A_1511], %broadcast_in_dim3A_1497 {strides = array<i32>} : memref<544x128xf32, #tpu.memory_space<vmem>>, vector<16xf32>,
      %add3A_1513 = arith.constant 9 : i32
      %add3A_1514 = arith.addi %add3A_1107, %add3A_1513 : i32
      %swap3A_1515 = arith.index_cast %add3A_1514 : i32 to index
      %swap3A_1516 = arith.constant 48 : index
      %swap3A_1517 = tpu.vector_load %arg10[%swap3A_1515, %swap3A_1516] {strides = array<i32>} : memref<544x128xf32, #tpu.memory_space<vmem>>, vector<16xf32>,
      tpu.vector_store %arg10[%swap3A_1515, %swap3A_1516], %broadcast_in_dim3A_1497 {strides = array<i32>} : memref<544x128xf32, #tpu.memory_space<vmem>>, vector<16xf32>,
      %add3A_1518 = arith.constant 9 : i32
      %add3A_1519 = arith.addi %add3A_1107, %add3A_1518 : i32
      %swap3A_1520 = arith.index_cast %add3A_1519 : i32 to index
      %swap3A_1521 = arith.constant 64 : index
      %swap3A_1522 = tpu.vector_load %arg10[%swap3A_1520, %swap3A_1521] {strides = array<i32>} : memref<544x128xf32, #tpu.memory_space<vmem>>, vector<16xf32>,
      tpu.vector_store %arg10[%swap3A_1520, %swap3A_1521], %broadcast_in_dim3A_1497 {strides = array<i32>} : memref<544x128xf32, #tpu.memory_space<vmem>>, vector<16xf32>,
      %add3A_1523 = arith.constant 9 : i32
      %add3A_1524 = arith.addi %add3A_1107, %add3A_1523 : i32
      %swap3A_1525 = arith.index_cast %add3A_1524 : i32 to index
      %swap3A_1526 = arith.constant 80 : index
      %swap3A_1527 = tpu.vector_load %arg10[%swap3A_1525, %swap3A_1526] {strides = array<i32>} : memref<544x128xf32, #tpu.memory_space<vmem>>, vector<16xf32>,
      tpu.vector_store %arg10[%swap3A_1525, %swap3A_1526], %broadcast_in_dim3A_1497 {strides = array<i32>} : memref<544x128xf32, #tpu.memory_space<vmem>>, vector<16xf32>,
      %add3A_1528 = arith.constant 9 : i32
      %add3A_1529 = arith.addi %add3A_1107, %add3A_1528 : i32
      %swap3A_1530 = arith.index_cast %add3A_1529 : i32 to index
      %swap3A_1531 = arith.constant 96 : index
      %swap3A_1532 = tpu.vector_load %arg10[%swap3A_1530, %swap3A_1531] {strides = array<i32>} : memref<544x128xf32, #tpu.memory_space<vmem>>, vector<16xf32>,
      tpu.vector_store %arg10[%swap3A_1530, %swap3A_1531], %broadcast_in_dim3A_1497 {strides = array<i32>} : memref<544x128xf32, #tpu.memory_space<vmem>>, vector<16xf32>,
      %add3A_1533 = arith.constant 9 : i32
      %add3A_1534 = arith.addi %add3A_1107, %add3A_1533 : i32
      %swap3A_1535 = arith.index_cast %add3A_1534 : i32 to index
      %swap3A_1536 = arith.constant 112 : index
      %swap3A_1537 = tpu.vector_load %arg10[%swap3A_1535, %swap3A_1536] {strides = array<i32>} : memref<544x128xf32, #tpu.memory_space<vmem>>, vector<16xf32>,
      tpu.vector_store %arg10[%swap3A_1535, %swap3A_1536], %broadcast_in_dim3A_1497 {strides = array<i32>} : memref<544x128xf32, #tpu.memory_space<vmem>>, vector<16xf32>,
      %slice3A_1538 = vector.extract_strided_slice %add3A_1104 {offsets = [10], sizes = [1], strides = [1]} : vector<16xf32> to vector<1xf32>
      %squeeze3A_1539 = vector.extract %slice3A_1538[0] : f32 from vector<1xf32>
      %broadcast_in_dim3A_1540 = vector.broadcast %squeeze3A_1539 : f32 to vector<16xf32>
      %add3A_1541 = arith.constant 10 : i32
      %add3A_1542 = arith.addi %add3A_1107, %add3A_1541 : i32
      %swap3A_1543 = arith.index_cast %add3A_1542 : i32 to index
      %swap3A_1544 = arith.constant 0 : index
      %swap3A_1545 = tpu.vector_load %arg10[%swap3A_1543, %swap3A_1544] {strides = array<i32>} : memref<544x128xf32, #tpu.memory_space<vmem>>, vector<16xf32>,
      tpu.vector_store %arg10[%swap3A_1543, %swap3A_1544], %broadcast_in_dim3A_1540 {strides = array<i32>} : memref<544x128xf32, #tpu.memory_space<vmem>>, vector<16xf32>,
      %add3A_1546 = arith.constant 10 : i32
      %add3A_1547 = arith.addi %add3A_1107, %add3A_1546 : i32
      %swap3A_1548 = arith.index_cast %add3A_1547 : i32 to index
      %swap3A_1549 = arith.constant 16 : index
      %swap3A_1550 = tpu.vector_load %arg10[%swap3A_1548, %swap3A_1549] {strides = array<i32>} : memref<544x128xf32, #tpu.memory_space<vmem>>, vector<16xf32>,
      tpu.vector_store %arg10[%swap3A_1548, %swap3A_1549], %broadcast_in_dim3A_1540 {strides = array<i32>} : memref<544x128xf32, #tpu.memory_space<vmem>>, vector<16xf32>,
      %add3A_1551 = arith.constant 10 : i32
      %add3A_1552 = arith.addi %add3A_1107, %add3A_1551 : i32
      %swap3A_1553 = arith.index_cast %add3A_1552 : i32 to index
      %swap3A_1554 = arith.constant 32 : index
      %swap3A_1555 = tpu.vector_load %arg10[%swap3A_1553, %swap3A_1554] {strides = array<i32>} : memref<544x128xf32, #tpu.memory_space<vmem>>, vector<16xf32>,
      tpu.vector_store %arg10[%swap3A_1553, %swap3A_1554], %broadcast_in_dim3A_1540 {strides = array<i32>} : memref<544x128xf32, #tpu.memory_space<vmem>>, vector<16xf32>,
      %add3A_1556 = arith.constant 10 : i32
      %add3A_1557 = arith.addi %add3A_1107, %add3A_1556 : i32
      %swap3A_1558 = arith.index_cast %add3A_1557 : i32 to index
      %swap3A_1559 = arith.constant 48 : index
      %swap3A_1560 = tpu.vector_load %arg10[%swap3A_1558, %swap3A_1559] {strides = array<i32>} : memref<544x128xf32, #tpu.memory_space<vmem>>, vector<16xf32>,
      tpu.vector_store %arg10[%swap3A_1558, %swap3A_1559], %broadcast_in_dim3A_1540 {strides = array<i32>} : memref<544x128xf32, #tpu.memory_space<vmem>>, vector<16xf32>,
      %add3A_1561 = arith.constant 10 : i32
      %add3A_1562 = arith.addi %add3A_1107, %add3A_1561 : i32
      %swap3A_1563 = arith.index_cast %add3A_1562 : i32 to index
      %swap3A_1564 = arith.constant 64 : index
      %swap3A_1565 = tpu.vector_load %arg10[%swap3A_1563, %swap3A_1564] {strides = array<i32>} : memref<544x128xf32, #tpu.memory_space<vmem>>, vector<16xf32>,
      tpu.vector_store %arg10[%swap3A_1563, %swap3A_1564], %broadcast_in_dim3A_1540 {strides = array<i32>} : memref<544x128xf32, #tpu.memory_space<vmem>>, vector<16xf32>,
      %add3A_1566 = arith.constant 10 : i32
      %add3A_1567 = arith.addi %add3A_1107, %add3A_1566 : i32
      %swap3A_1568 = arith.index_cast %add3A_1567 : i32 to index
      %swap3A_1569 = arith.constant 80 : index
      %swap3A_1570 = tpu.vector_load %arg10[%swap3A_1568, %swap3A_1569] {strides = array<i32>} : memref<544x128xf32, #tpu.memory_space<vmem>>, vector<16xf32>,
      tpu.vector_store %arg10[%swap3A_1568, %swap3A_1569], %broadcast_in_dim3A_1540 {strides = array<i32>} : memref<544x128xf32, #tpu.memory_space<vmem>>, vector<16xf32>,
      %add3A_1571 = arith.constant 10 : i32
      %add3A_1572 = arith.addi %add3A_1107, %add3A_1571 : i32
      %swap3A_1573 = arith.index_cast %add3A_1572 : i32 to index
      %swap3A_1574 = arith.constant 96 : index
      %swap3A_1575 = tpu.vector_load %arg10[%swap3A_1573, %swap3A_1574] {strides = array<i32>} : memref<544x128xf32, #tpu.memory_space<vmem>>, vector<16xf32>,
      tpu.vector_store %arg10[%swap3A_1573, %swap3A_1574], %broadcast_in_dim3A_1540 {strides = array<i32>} : memref<544x128xf32, #tpu.memory_space<vmem>>, vector<16xf32>,
      %add3A_1576 = arith.constant 10 : i32
      %add3A_1577 = arith.addi %add3A_1107, %add3A_1576 : i32
      %swap3A_1578 = arith.index_cast %add3A_1577 : i32 to index
      %swap3A_1579 = arith.constant 112 : index
      %swap3A_1580 = tpu.vector_load %arg10[%swap3A_1578, %swap3A_1579] {strides = array<i32>} : memref<544x128xf32, #tpu.memory_space<vmem>>, vector<16xf32>,
      tpu.vector_store %arg10[%swap3A_1578, %swap3A_1579], %broadcast_in_dim3A_1540 {strides = array<i32>} : memref<544x128xf32, #tpu.memory_space<vmem>>, vector<16xf32>,
      %slice3A_1581 = vector.extract_strided_slice %add3A_1104 {offsets = [11], sizes = [1], strides = [1]} : vector<16xf32> to vector<1xf32>
      %squeeze3A_1582 = vector.extract %slice3A_1581[0] : f32 from vector<1xf32>
      %broadcast_in_dim3A_1583 = vector.broadcast %squeeze3A_1582 : f32 to vector<16xf32>
      %add3A_1584 = arith.constant 11 : i32
      %add3A_1585 = arith.addi %add3A_1107, %add3A_1584 : i32
      %swap3A_1586 = arith.index_cast %add3A_1585 : i32 to index
      %swap3A_1587 = arith.constant 0 : index
      %swap3A_1588 = tpu.vector_load %arg10[%swap3A_1586, %swap3A_1587] {strides = array<i32>} : memref<544x128xf32, #tpu.memory_space<vmem>>, vector<16xf32>,
      tpu.vector_store %arg10[%swap3A_1586, %swap3A_1587], %broadcast_in_dim3A_1583 {strides = array<i32>} : memref<544x128xf32, #tpu.memory_space<vmem>>, vector<16xf32>,
      %add3A_1589 = arith.constant 11 : i32
      %add3A_1590 = arith.addi %add3A_1107, %add3A_1589 : i32
      %swap3A_1591 = arith.index_cast %add3A_1590 : i32 to index
      %swap3A_1592 = arith.constant 16 : index
      %swap3A_1593 = tpu.vector_load %arg10[%swap3A_1591, %swap3A_1592] {strides = array<i32>} : memref<544x128xf32, #tpu.memory_space<vmem>>, vector<16xf32>,
      tpu.vector_store %arg10[%swap3A_1591, %swap3A_1592], %broadcast_in_dim3A_1583 {strides = array<i32>} : memref<544x128xf32, #tpu.memory_space<vmem>>, vector<16xf32>,
      %add3A_1594 = arith.constant 11 : i32
      %add3A_1595 = arith.addi %add3A_1107, %add3A_1594 : i32
      %swap3A_1596 = arith.index_cast %add3A_1595 : i32 to index
      %swap3A_1597 = arith.constant 32 : index
      %swap3A_1598 = tpu.vector_load %arg10[%swap3A_1596, %swap3A_1597] {strides = array<i32>} : memref<544x128xf32, #tpu.memory_space<vmem>>, vector<16xf32>,
      tpu.vector_store %arg10[%swap3A_1596, %swap3A_1597], %broadcast_in_dim3A_1583 {strides = array<i32>} : memref<544x128xf32, #tpu.memory_space<vmem>>, vector<16xf32>,
      %add3A_1599 = arith.constant 11 : i32
      %add3A_1600 = arith.addi %add3A_1107, %add3A_1599 : i32
      %swap3A_1601 = arith.index_cast %add3A_1600 : i32 to index
      %swap3A_1602 = arith.constant 48 : index
      %swap3A_1603 = tpu.vector_load %arg10[%swap3A_1601, %swap3A_1602] {strides = array<i32>} : memref<544x128xf32, #tpu.memory_space<vmem>>, vector<16xf32>,
      tpu.vector_store %arg10[%swap3A_1601, %swap3A_1602], %broadcast_in_dim3A_1583 {strides = array<i32>} : memref<544x128xf32, #tpu.memory_space<vmem>>, vector<16xf32>,
      %add3A_1604 = arith.constant 11 : i32
      %add3A_1605 = arith.addi %add3A_1107, %add3A_1604 : i32
      %swap3A_1606 = arith.index_cast %add3A_1605 : i32 to index
      %swap3A_1607 = arith.constant 64 : index
      %swap3A_1608 = tpu.vector_load %arg10[%swap3A_1606, %swap3A_1607] {strides = array<i32>} : memref<544x128xf32, #tpu.memory_space<vmem>>, vector<16xf32>,
      tpu.vector_store %arg10[%swap3A_1606, %swap3A_1607], %broadcast_in_dim3A_1583 {strides = array<i32>} : memref<544x128xf32, #tpu.memory_space<vmem>>, vector<16xf32>,
      %add3A_1609 = arith.constant 11 : i32
      %add3A_1610 = arith.addi %add3A_1107, %add3A_1609 : i32
      %swap3A_1611 = arith.index_cast %add3A_1610 : i32 to index
      %swap3A_1612 = arith.constant 80 : index
      %swap3A_1613 = tpu.vector_load %arg10[%swap3A_1611, %swap3A_1612] {strides = array<i32>} : memref<544x128xf32, #tpu.memory_space<vmem>>, vector<16xf32>,
      tpu.vector_store %arg10[%swap3A_1611, %swap3A_1612], %broadcast_in_dim3A_1583 {strides = array<i32>} : memref<544x128xf32, #tpu.memory_space<vmem>>, vector<16xf32>,
      %add3A_1614 = arith.constant 11 : i32
      %add3A_1615 = arith.addi %add3A_1107, %add3A_1614 : i32
      %swap3A_1616 = arith.index_cast %add3A_1615 : i32 to index
      %swap3A_1617 = arith.constant 96 : index
      %swap3A_1618 = tpu.vector_load %arg10[%swap3A_1616, %swap3A_1617] {strides = array<i32>} : memref<544x128xf32, #tpu.memory_space<vmem>>, vector<16xf32>,
      tpu.vector_store %arg10[%swap3A_1616, %swap3A_1617], %broadcast_in_dim3A_1583 {strides = array<i32>} : memref<544x128xf32, #tpu.memory_space<vmem>>, vector<16xf32>,
      %add3A_1619 = arith.constant 11 : i32
      %add3A_1620 = arith.addi %add3A_1107, %add3A_1619 : i32
      %swap3A_1621 = arith.index_cast %add3A_1620 : i32 to index
      %swap3A_1622 = arith.constant 112 : index
      %swap3A_1623 = tpu.vector_load %arg10[%swap3A_1621, %swap3A_1622] {strides = array<i32>} : memref<544x128xf32, #tpu.memory_space<vmem>>, vector<16xf32>,
      tpu.vector_store %arg10[%swap3A_1621, %swap3A_1622], %broadcast_in_dim3A_1583 {strides = array<i32>} : memref<544x128xf32, #tpu.memory_space<vmem>>, vector<16xf32>,
      %slice3A_1624 = vector.extract_strided_slice %add3A_1104 {offsets = [12], sizes = [1], strides = [1]} : vector<16xf32> to vector<1xf32>
      %squeeze3A_1625 = vector.extract %slice3A_1624[0] : f32 from vector<1xf32>
      %broadcast_in_dim3A_1626 = vector.broadcast %squeeze3A_1625 : f32 to vector<16xf32>
      %add3A_1627 = arith.constant 12 : i32
      %add3A_1628 = arith.addi %add3A_1107, %add3A_1627 : i32
      %swap3A_1629 = arith.index_cast %add3A_1628 : i32 to index
      %swap3A_1630 = arith.constant 0 : index
      %swap3A_1631 = tpu.vector_load %arg10[%swap3A_1629, %swap3A_1630] {strides = array<i32>} : memref<544x128xf32, #tpu.memory_space<vmem>>, vector<16xf32>,
      tpu.vector_store %arg10[%swap3A_1629, %swap3A_1630], %broadcast_in_dim3A_1626 {strides = array<i32>} : memref<544x128xf32, #tpu.memory_space<vmem>>, vector<16xf32>,
      %add3A_1632 = arith.constant 12 : i32
      %add3A_1633 = arith.addi %add3A_1107, %add3A_1632 : i32
      %swap3A_1634 = arith.index_cast %add3A_1633 : i32 to index
      %swap3A_1635 = arith.constant 16 : index
      %swap3A_1636 = tpu.vector_load %arg10[%swap3A_1634, %swap3A_1635] {strides = array<i32>} : memref<544x128xf32, #tpu.memory_space<vmem>>, vector<16xf32>,
      tpu.vector_store %arg10[%swap3A_1634, %swap3A_1635], %broadcast_in_dim3A_1626 {strides = array<i32>} : memref<544x128xf32, #tpu.memory_space<vmem>>, vector<16xf32>,
      %add3A_1637 = arith.constant 12 : i32
      %add3A_1638 = arith.addi %add3A_1107, %add3A_1637 : i32
      %swap3A_1639 = arith.index_cast %add3A_1638 : i32 to index
      %swap3A_1640 = arith.constant 32 : index
      %swap3A_1641 = tpu.vector_load %arg10[%swap3A_1639, %swap3A_1640] {strides = array<i32>} : memref<544x128xf32, #tpu.memory_space<vmem>>, vector<16xf32>,
      tpu.vector_store %arg10[%swap3A_1639, %swap3A_1640], %broadcast_in_dim3A_1626 {strides = array<i32>} : memref<544x128xf32, #tpu.memory_space<vmem>>, vector<16xf32>,
      %add3A_1642 = arith.constant 12 : i32
      %add3A_1643 = arith.addi %add3A_1107, %add3A_1642 : i32
      %swap3A_1644 = arith.index_cast %add3A_1643 : i32 to index
      %swap3A_1645 = arith.constant 48 : index
      %swap3A_1646 = tpu.vector_load %arg10[%swap3A_1644, %swap3A_1645] {strides = array<i32>} : memref<544x128xf32, #tpu.memory_space<vmem>>, vector<16xf32>,
      tpu.vector_store %arg10[%swap3A_1644, %swap3A_1645], %broadcast_in_dim3A_1626 {strides = array<i32>} : memref<544x128xf32, #tpu.memory_space<vmem>>, vector<16xf32>,
      %add3A_1647 = arith.constant 12 : i32
      %add3A_1648 = arith.addi %add3A_1107, %add3A_1647 : i32
      %swap3A_1649 = arith.index_cast %add3A_1648 : i32 to index
      %swap3A_1650 = arith.constant 64 : index
      %swap3A_1651 = tpu.vector_load %arg10[%swap3A_1649, %swap3A_1650] {strides = array<i32>} : memref<544x128xf32, #tpu.memory_space<vmem>>, vector<16xf32>,
      tpu.vector_store %arg10[%swap3A_1649, %swap3A_1650], %broadcast_in_dim3A_1626 {strides = array<i32>} : memref<544x128xf32, #tpu.memory_space<vmem>>, vector<16xf32>,
      %add3A_1652 = arith.constant 12 : i32
      %add3A_1653 = arith.addi %add3A_1107, %add3A_1652 : i32
      %swap3A_1654 = arith.index_cast %add3A_1653 : i32 to index
      %swap3A_1655 = arith.constant 80 : index
      %swap3A_1656 = tpu.vector_load %arg10[%swap3A_1654, %swap3A_1655] {strides = array<i32>} : memref<544x128xf32, #tpu.memory_space<vmem>>, vector<16xf32>,
      tpu.vector_store %arg10[%swap3A_1654, %swap3A_1655], %broadcast_in_dim3A_1626 {strides = array<i32>} : memref<544x128xf32, #tpu.memory_space<vmem>>, vector<16xf32>,
      %add3A_1657 = arith.constant 12 : i32
      %add3A_1658 = arith.addi %add3A_1107, %add3A_1657 : i32
      %swap3A_1659 = arith.index_cast %add3A_1658 : i32 to index
      %swap3A_1660 = arith.constant 96 : index
      %swap3A_1661 = tpu.vector_load %arg10[%swap3A_1659, %swap3A_1660] {strides = array<i32>} : memref<544x128xf32, #tpu.memory_space<vmem>>, vector<16xf32>,
      tpu.vector_store %arg10[%swap3A_1659, %swap3A_1660], %broadcast_in_dim3A_1626 {strides = array<i32>} : memref<544x128xf32, #tpu.memory_space<vmem>>, vector<16xf32>,
      %add3A_1662 = arith.constant 12 : i32
      %add3A_1663 = arith.addi %add3A_1107, %add3A_1662 : i32
      %swap3A_1664 = arith.index_cast %add3A_1663 : i32 to index
      %swap3A_1665 = arith.constant 112 : index
      %swap3A_1666 = tpu.vector_load %arg10[%swap3A_1664, %swap3A_1665] {strides = array<i32>} : memref<544x128xf32, #tpu.memory_space<vmem>>, vector<16xf32>,
      tpu.vector_store %arg10[%swap3A_1664, %swap3A_1665], %broadcast_in_dim3A_1626 {strides = array<i32>} : memref<544x128xf32, #tpu.memory_space<vmem>>, vector<16xf32>,
      %slice3A_1667 = vector.extract_strided_slice %add3A_1104 {offsets = [13], sizes = [1], strides = [1]} : vector<16xf32> to vector<1xf32>
      %squeeze3A_1668 = vector.extract %slice3A_1667[0] : f32 from vector<1xf32>
      %broadcast_in_dim3A_1669 = vector.broadcast %squeeze3A_1668 : f32 to vector<16xf32>
      %add3A_1670 = arith.constant 13 : i32
      %add3A_1671 = arith.addi %add3A_1107, %add3A_1670 : i32
      %swap3A_1672 = arith.index_cast %add3A_1671 : i32 to index
      %swap3A_1673 = arith.constant 0 : index
      %swap3A_1674 = tpu.vector_load %arg10[%swap3A_1672, %swap3A_1673] {strides = array<i32>} : memref<544x128xf32, #tpu.memory_space<vmem>>, vector<16xf32>,
      tpu.vector_store %arg10[%swap3A_1672, %swap3A_1673], %broadcast_in_dim3A_1669 {strides = array<i32>} : memref<544x128xf32, #tpu.memory_space<vmem>>, vector<16xf32>,
      %add3A_1675 = arith.constant 13 : i32
      %add3A_1676 = arith.addi %add3A_1107, %add3A_1675 : i32
      %swap3A_1677 = arith.index_cast %add3A_1676 : i32 to index
      %swap3A_1678 = arith.constant 16 : index
      %swap3A_1679 = tpu.vector_load %arg10[%swap3A_1677, %swap3A_1678] {strides = array<i32>} : memref<544x128xf32, #tpu.memory_space<vmem>>, vector<16xf32>,
      tpu.vector_store %arg10[%swap3A_1677, %swap3A_1678], %broadcast_in_dim3A_1669 {strides = array<i32>} : memref<544x128xf32, #tpu.memory_space<vmem>>, vector<16xf32>,
      %add3A_1680 = arith.constant 13 : i32
      %add3A_1681 = arith.addi %add3A_1107, %add3A_1680 : i32
      %swap3A_1682 = arith.index_cast %add3A_1681 : i32 to index
      %swap3A_1683 = arith.constant 32 : index
      %swap3A_1684 = tpu.vector_load %arg10[%swap3A_1682, %swap3A_1683] {strides = array<i32>} : memref<544x128xf32, #tpu.memory_space<vmem>>, vector<16xf32>,
      tpu.vector_store %arg10[%swap3A_1682, %swap3A_1683], %broadcast_in_dim3A_1669 {strides = array<i32>} : memref<544x128xf32, #tpu.memory_space<vmem>>, vector<16xf32>,
      %add3A_1685 = arith.constant 13 : i32
      %add3A_1686 = arith.addi %add3A_1107, %add3A_1685 : i32
      %swap3A_1687 = arith.index_cast %add3A_1686 : i32 to index
      %swap3A_1688 = arith.constant 48 : index
      %swap3A_1689 = tpu.vector_load %arg10[%swap3A_1687, %swap3A_1688] {strides = array<i32>} : memref<544x128xf32, #tpu.memory_space<vmem>>, vector<16xf32>,
      tpu.vector_store %arg10[%swap3A_1687, %swap3A_1688], %broadcast_in_dim3A_1669 {strides = array<i32>} : memref<544x128xf32, #tpu.memory_space<vmem>>, vector<16xf32>,
      %add3A_1690 = arith.constant 13 : i32
      %add3A_1691 = arith.addi %add3A_1107, %add3A_1690 : i32
      %swap3A_1692 = arith.index_cast %add3A_1691 : i32 to index
      %swap3A_1693 = arith.constant 64 : index
      %swap3A_1694 = tpu.vector_load %arg10[%swap3A_1692, %swap3A_1693] {strides = array<i32>} : memref<544x128xf32, #tpu.memory_space<vmem>>, vector<16xf32>,
      tpu.vector_store %arg10[%swap3A_1692, %swap3A_1693], %broadcast_in_dim3A_1669 {strides = array<i32>} : memref<544x128xf32, #tpu.memory_space<vmem>>, vector<16xf32>,
      %add3A_1695 = arith.constant 13 : i32
      %add3A_1696 = arith.addi %add3A_1107, %add3A_1695 : i32
      %swap3A_1697 = arith.index_cast %add3A_1696 : i32 to index
      %swap3A_1698 = arith.constant 80 : index
      %swap3A_1699 = tpu.vector_load %arg10[%swap3A_1697, %swap3A_1698] {strides = array<i32>} : memref<544x128xf32, #tpu.memory_space<vmem>>, vector<16xf32>,
      tpu.vector_store %arg10[%swap3A_1697, %swap3A_1698], %broadcast_in_dim3A_1669 {strides = array<i32>} : memref<544x128xf32, #tpu.memory_space<vmem>>, vector<16xf32>,
      %add3A_1700 = arith.constant 13 : i32
      %add3A_1701 = arith.addi %add3A_1107, %add3A_1700 : i32
      %swap3A_1702 = arith.index_cast %add3A_1701 : i32 to index
      %swap3A_1703 = arith.constant 96 : index
      %swap3A_1704 = tpu.vector_load %arg10[%swap3A_1702, %swap3A_1703] {strides = array<i32>} : memref<544x128xf32, #tpu.memory_space<vmem>>, vector<16xf32>,
      tpu.vector_store %arg10[%swap3A_1702, %swap3A_1703], %broadcast_in_dim3A_1669 {strides = array<i32>} : memref<544x128xf32, #tpu.memory_space<vmem>>, vector<16xf32>,
      %add3A_1705 = arith.constant 13 : i32
      %add3A_1706 = arith.addi %add3A_1107, %add3A_1705 : i32
      %swap3A_1707 = arith.index_cast %add3A_1706 : i32 to index
      %swap3A_1708 = arith.constant 112 : index
      %swap3A_1709 = tpu.vector_load %arg10[%swap3A_1707, %swap3A_1708] {strides = array<i32>} : memref<544x128xf32, #tpu.memory_space<vmem>>, vector<16xf32>,
      tpu.vector_store %arg10[%swap3A_1707, %swap3A_1708], %broadcast_in_dim3A_1669 {strides = array<i32>} : memref<544x128xf32, #tpu.memory_space<vmem>>, vector<16xf32>,
      %slice3A_1710 = vector.extract_strided_slice %add3A_1104 {offsets = [14], sizes = [1], strides = [1]} : vector<16xf32> to vector<1xf32>
      %squeeze3A_1711 = vector.extract %slice3A_1710[0] : f32 from vector<1xf32>
      %broadcast_in_dim3A_1712 = vector.broadcast %squeeze3A_1711 : f32 to vector<16xf32>
      %add3A_1713 = arith.constant 14 : i32
      %add3A_1714 = arith.addi %add3A_1107, %add3A_1713 : i32
      %swap3A_1715 = arith.index_cast %add3A_1714 : i32 to index
      %swap3A_1716 = arith.constant 0 : index
      %swap3A_1717 = tpu.vector_load %arg10[%swap3A_1715, %swap3A_1716] {strides = array<i32>} : memref<544x128xf32, #tpu.memory_space<vmem>>, vector<16xf32>,
      tpu.vector_store %arg10[%swap3A_1715, %swap3A_1716], %broadcast_in_dim3A_1712 {strides = array<i32>} : memref<544x128xf32, #tpu.memory_space<vmem>>, vector<16xf32>,
      %add3A_1718 = arith.constant 14 : i32
      %add3A_1719 = arith.addi %add3A_1107, %add3A_1718 : i32
      %swap3A_1720 = arith.index_cast %add3A_1719 : i32 to index
      %swap3A_1721 = arith.constant 16 : index
      %swap3A_1722 = tpu.vector_load %arg10[%swap3A_1720, %swap3A_1721] {strides = array<i32>} : memref<544x128xf32, #tpu.memory_space<vmem>>, vector<16xf32>,
      tpu.vector_store %arg10[%swap3A_1720, %swap3A_1721], %broadcast_in_dim3A_1712 {strides = array<i32>} : memref<544x128xf32, #tpu.memory_space<vmem>>, vector<16xf32>,
      %add3A_1723 = arith.constant 14 : i32
      %add3A_1724 = arith.addi %add3A_1107, %add3A_1723 : i32
      %swap3A_1725 = arith.index_cast %add3A_1724 : i32 to index
      %swap3A_1726 = arith.constant 32 : index
      %swap3A_1727 = tpu.vector_load %arg10[%swap3A_1725, %swap3A_1726] {strides = array<i32>} : memref<544x128xf32, #tpu.memory_space<vmem>>, vector<16xf32>,
      tpu.vector_store %arg10[%swap3A_1725, %swap3A_1726], %broadcast_in_dim3A_1712 {strides = array<i32>} : memref<544x128xf32, #tpu.memory_space<vmem>>, vector<16xf32>,
      %add3A_1728 = arith.constant 14 : i32
      %add3A_1729 = arith.addi %add3A_1107, %add3A_1728 : i32
      %swap3A_1730 = arith.index_cast %add3A_1729 : i32 to index
      %swap3A_1731 = arith.constant 48 : index
      %swap3A_1732 = tpu.vector_load %arg10[%swap3A_1730, %swap3A_1731] {strides = array<i32>} : memref<544x128xf32, #tpu.memory_space<vmem>>, vector<16xf32>,
      tpu.vector_store %arg10[%swap3A_1730, %swap3A_1731], %broadcast_in_dim3A_1712 {strides = array<i32>} : memref<544x128xf32, #tpu.memory_space<vmem>>, vector<16xf32>,
      %add3A_1733 = arith.constant 14 : i32
      %add3A_1734 = arith.addi %add3A_1107, %add3A_1733 : i32
      %swap3A_1735 = arith.index_cast %add3A_1734 : i32 to index
      %swap3A_1736 = arith.constant 64 : index
      %swap3A_1737 = tpu.vector_load %arg10[%swap3A_1735, %swap3A_1736] {strides = array<i32>} : memref<544x128xf32, #tpu.memory_space<vmem>>, vector<16xf32>,
      tpu.vector_store %arg10[%swap3A_1735, %swap3A_1736], %broadcast_in_dim3A_1712 {strides = array<i32>} : memref<544x128xf32, #tpu.memory_space<vmem>>, vector<16xf32>,
      %add3A_1738 = arith.constant 14 : i32
      %add3A_1739 = arith.addi %add3A_1107, %add3A_1738 : i32
      %swap3A_1740 = arith.index_cast %add3A_1739 : i32 to index
      %swap3A_1741 = arith.constant 80 : index
      %swap3A_1742 = tpu.vector_load %arg10[%swap3A_1740, %swap3A_1741] {strides = array<i32>} : memref<544x128xf32, #tpu.memory_space<vmem>>, vector<16xf32>,
      tpu.vector_store %arg10[%swap3A_1740, %swap3A_1741], %broadcast_in_dim3A_1712 {strides = array<i32>} : memref<544x128xf32, #tpu.memory_space<vmem>>, vector<16xf32>,
      %add3A_1743 = arith.constant 14 : i32
      %add3A_1744 = arith.addi %add3A_1107, %add3A_1743 : i32
      %swap3A_1745 = arith.index_cast %add3A_1744 : i32 to index
      %swap3A_1746 = arith.constant 96 : index
      %swap3A_1747 = tpu.vector_load %arg10[%swap3A_1745, %swap3A_1746] {strides = array<i32>} : memref<544x128xf32, #tpu.memory_space<vmem>>, vector<16xf32>,
      tpu.vector_store %arg10[%swap3A_1745, %swap3A_1746], %broadcast_in_dim3A_1712 {strides = array<i32>} : memref<544x128xf32, #tpu.memory_space<vmem>>, vector<16xf32>,
      %add3A_1748 = arith.constant 14 : i32
      %add3A_1749 = arith.addi %add3A_1107, %add3A_1748 : i32
      %swap3A_1750 = arith.index_cast %add3A_1749 : i32 to index
      %swap3A_1751 = arith.constant 112 : index
      %swap3A_1752 = tpu.vector_load %arg10[%swap3A_1750, %swap3A_1751] {strides = array<i32>} : memref<544x128xf32, #tpu.memory_space<vmem>>, vector<16xf32>,
      tpu.vector_store %arg10[%swap3A_1750, %swap3A_1751], %broadcast_in_dim3A_1712 {strides = array<i32>} : memref<544x128xf32, #tpu.memory_space<vmem>>, vector<16xf32>,
      %slice3A_1753 = vector.extract_strided_slice %add3A_1104 {offsets = [15], sizes = [1], strides = [1]} : vector<16xf32> to vector<1xf32>
      %squeeze3A_1754 = vector.extract %slice3A_1753[0] : f32 from vector<1xf32>
      %broadcast_in_dim3A_1755 = vector.broadcast %squeeze3A_1754 : f32 to vector<16xf32>
      %add3A_1756 = arith.constant 15 : i32
      %add3A_1757 = arith.addi %add3A_1107, %add3A_1756 : i32
      %swap3A_1758 = arith.index_cast %add3A_1757 : i32 to index
      %swap3A_1759 = arith.constant 0 : index
      %swap3A_1760 = tpu.vector_load %arg10[%swap3A_1758, %swap3A_1759] {strides = array<i32>} : memref<544x128xf32, #tpu.memory_space<vmem>>, vector<16xf32>,
      tpu.vector_store %arg10[%swap3A_1758, %swap3A_1759], %broadcast_in_dim3A_1755 {strides = array<i32>} : memref<544x128xf32, #tpu.memory_space<vmem>>, vector<16xf32>,
      %add3A_1761 = arith.constant 15 : i32
      %add3A_1762 = arith.addi %add3A_1107, %add3A_1761 : i32
      %swap3A_1763 = arith.index_cast %add3A_1762 : i32 to index
      %swap3A_1764 = arith.constant 16 : index
      %swap3A_1765 = tpu.vector_load %arg10[%swap3A_1763, %swap3A_1764] {strides = array<i32>} : memref<544x128xf32, #tpu.memory_space<vmem>>, vector<16xf32>,
      tpu.vector_store %arg10[%swap3A_1763, %swap3A_1764], %broadcast_in_dim3A_1755 {strides = array<i32>} : memref<544x128xf32, #tpu.memory_space<vmem>>, vector<16xf32>,
      %add3A_1766 = arith.constant 15 : i32
      %add3A_1767 = arith.addi %add3A_1107, %add3A_1766 : i32
      %swap3A_1768 = arith.index_cast %add3A_1767 : i32 to index
      %swap3A_1769 = arith.constant 32 : index
      %swap3A_1770 = tpu.vector_load %arg10[%swap3A_1768, %swap3A_1769] {strides = array<i32>} : memref<544x128xf32, #tpu.memory_space<vmem>>, vector<16xf32>,
      tpu.vector_store %arg10[%swap3A_1768, %swap3A_1769], %broadcast_in_dim3A_1755 {strides = array<i32>} : memref<544x128xf32, #tpu.memory_space<vmem>>, vector<16xf32>,
      %add3A_1771 = arith.constant 15 : i32
      %add3A_1772 = arith.addi %add3A_1107, %add3A_1771 : i32
      %swap3A_1773 = arith.index_cast %add3A_1772 : i32 to index
      %swap3A_1774 = arith.constant 48 : index
      %swap3A_1775 = tpu.vector_load %arg10[%swap3A_1773, %swap3A_1774] {strides = array<i32>} : memref<544x128xf32, #tpu.memory_space<vmem>>, vector<16xf32>,
      tpu.vector_store %arg10[%swap3A_1773, %swap3A_1774], %broadcast_in_dim3A_1755 {strides = array<i32>} : memref<544x128xf32, #tpu.memory_space<vmem>>, vector<16xf32>,
      %add3A_1776 = arith.constant 15 : i32
      %add3A_1777 = arith.addi %add3A_1107, %add3A_1776 : i32
      %swap3A_1778 = arith.index_cast %add3A_1777 : i32 to index
      %swap3A_1779 = arith.constant 64 : index
      %swap3A_1780 = tpu.vector_load %arg10[%swap3A_1778, %swap3A_1779] {strides = array<i32>} : memref<544x128xf32, #tpu.memory_space<vmem>>, vector<16xf32>,
      tpu.vector_store %arg10[%swap3A_1778, %swap3A_1779], %broadcast_in_dim3A_1755 {strides = array<i32>} : memref<544x128xf32, #tpu.memory_space<vmem>>, vector<16xf32>,
      %add3A_1781 = arith.constant 15 : i32
      %add3A_1782 = arith.addi %add3A_1107, %add3A_1781 : i32
      %swap3A_1783 = arith.index_cast %add3A_1782 : i32 to index
      %swap3A_1784 = arith.constant 80 : index
      %swap3A_1785 = tpu.vector_load %arg10[%swap3A_1783, %swap3A_1784] {strides = array<i32>} : memref<544x128xf32, #tpu.memory_space<vmem>>, vector<16xf32>,
      tpu.vector_store %arg10[%swap3A_1783, %swap3A_1784], %broadcast_in_dim3A_1755 {strides = array<i32>} : memref<544x128xf32, #tpu.memory_space<vmem>>, vector<16xf32>,
      %add3A_1786 = arith.constant 15 : i32
      %add3A_1787 = arith.addi %add3A_1107, %add3A_1786 : i32
      %swap3A_1788 = arith.index_cast %add3A_1787 : i32 to index
      %swap3A_1789 = arith.constant 96 : index
      %swap3A_1790 = tpu.vector_load %arg10[%swap3A_1788, %swap3A_1789] {strides = array<i32>} : memref<544x128xf32, #tpu.memory_space<vmem>>, vector<16xf32>,
      tpu.vector_store %arg10[%swap3A_1788, %swap3A_1789], %broadcast_in_dim3A_1755 {strides = array<i32>} : memref<544x128xf32, #tpu.memory_space<vmem>>, vector<16xf32>,
      %add3A_1791 = arith.constant 15 : i32
      %add3A_1792 = arith.addi %add3A_1107, %add3A_1791 : i32
      %swap3A_1793 = arith.index_cast %add3A_1792 : i32 to index
      %swap3A_1794 = arith.constant 112 : index
      %swap3A_1795 = tpu.vector_load %arg10[%swap3A_1793, %swap3A_1794] {strides = array<i32>} : memref<544x128xf32, #tpu.memory_space<vmem>>, vector<16xf32>,
      tpu.vector_store %arg10[%swap3A_1793, %swap3A_1794], %broadcast_in_dim3A_1755 {strides = array<i32>} : memref<544x128xf32, #tpu.memory_space<vmem>>, vector<16xf32>,
      %dma_start3A_1796 = arith.constant 0 : i32
      %dma_start3A_1797 = tpu.memref_slice %arg10[%add3A_1107, %dma_start3A_1796] : memref<544x128xf32, #tpu.memory_space<vmem>> -> memref<16x128xf32, #tpu.memory_space<vmem>>
      %dma_start3A_1798 = arith.constant 0 : i32
      %dma_start3A_1799 = tpu.memref_slice %arg17[%while3A_1096, %dma_start3A_1798] : memref<33x16xi32, #tpu.memory_space<vmem>> -> memref<1x16xi32, #tpu.memory_space<vmem>>
      %dma_start3A_1800 = tpu.memref_squeeze %dma_start3A_1799 : memref<1x16xi32, #tpu.memory_space<vmem>> -> memref<16xi32, #tpu.memory_space<vmem>>
      %dma_start3A_1801 = arith.constant 0 : i32
      %dma_start3A_1802 = arith.constant 0 : i32
      %dma_start3A_1803 = tpu.memref_slice %arg7[%dma_start3A_1801, %dma_start3A_1802] : memref<16384x128xf32, #tpu.memory_space<hbm>> -> memref<16384x128xf32, #tpu.memory_space<hbm>>
      tpu.enqueue_indirect_dma source(%dma_start3A_1797 : memref<16x128xf32, #tpu.memory_space<vmem>>) target(%dma_start3A_1803 : memref<16384x128xf32, #tpu.memory_space<hbm>>) offsets(%dma_start3A_1800 : memref<16xi32, #tpu.memory_space<vmem>>) semaphore(%arg23 : memref<!tpu.dma_semaphore, #tpu.memory_space<semaphore_mem>>)
      %while3A_1804 = arith.constant 0 : i32
      scf.yield %while3A_1804 : i32
    }
    %while3A_1059 = arith.constant 0 : i32
    %while3A_1060 = arith.constant 0 : i32
    "tpu.trace_stop"() : () -> ()
    "tpu.trace_start"() <{level = 10 : i32, message = "ascat"}> : () -> ()
    %while3A_1061 = arith.subi %select_n3A, %while3A_1059 : i32
    %while3A_1062 = arith.addi %while3A_1059, %while3A_1061 : i32
    %while3A_1063 = arith.constant 1 : i32
    %while3A_1064 = arith.divsi %while3A_1061, %while3A_1063 : i32
    %while3A_1065 = arith.muli %while3A_1064, %while3A_1063 : i32
    %while3A_1066 = arith.addi %while3A_1059, %while3A_1065 : i32
    %while3A_1067 = arith.constant 1 : i32
    %while3A_1068 = scf.for %while3A_1096 = %while3A_1059 to %while3A_1066 step %while3A_1067 iter_args(%while3A_1097 = %while3A_1060) -> (i32)  : i32 {
      %mul3A_1098 = arith.constant 16 : i32
      %mul3A_1099 = arith.muli %while3A_1096, %mul3A_1098 : i32
      %dma_wait3A_1100 = arith.constant 0 : i32
      %dma_wait3A_1101 = tpu.memref_slice %arg10[%mul3A_1099, %dma_wait3A_1100] : memref<544x128xf32, #tpu.memory_space<vmem>> -> memref<16x128xf32, #tpu.memory_space<vmem>>
      %dma_wait3A_1102 = arith.constant 0 : i32
      %dma_wait3A_1103 = tpu.memref_slice %arg15[%while3A_1096, %dma_wait3A_1102] : memref<33x16xi32, #tpu.memory_space<vmem>> -> memref<1x16xi32, #tpu.memory_space<vmem>>
      %dma_wait3A_1104 = tpu.memref_squeeze %dma_wait3A_1103 : memref<1x16xi32, #tpu.memory_space<vmem>> -> memref<16xi32, #tpu.memory_space<vmem>>
      %dma_wait3A_1105 = arith.constant 0 : i32
      %dma_wait3A_1106 = arith.constant 0 : i32
      %dma_wait3A_1107 = tpu.memref_slice %arg4[%dma_wait3A_1105, %dma_wait3A_1106] : memref<100000x128xf32, #tpu.memory_space<hbm>> -> memref<100000x128xf32, #tpu.memory_space<hbm>>
      tpu.wait_indirect_dma semaphore(%arg22 : memref<!tpu.dma_semaphore, #tpu.memory_space<semaphore_mem>>) src(%dma_wait3A_1107 : memref<100000x128xf32, #tpu.memory_space<hbm>>) dst(%dma_wait3A_1101 : memref<16x128xf32, #tpu.memory_space<vmem>>)
      %while3A_1108 = arith.constant 0 : i32
      scf.yield %while3A_1108 : i32
    }
    %while3A_1069 = arith.constant 1 : i32
    %while3A_1070 = scf.for %while3A_1096 = %while3A_1066 to %while3A_1062 step %while3A_1069 iter_args(%while3A_1097 = %while3A_1068) -> (i32)  : i32 {
      %mul3A_1098 = arith.constant 16 : i32
      %mul3A_1099 = arith.muli %while3A_1096, %mul3A_1098 : i32
      %dma_wait3A_1100 = arith.constant 0 : i32
      %dma_wait3A_1101 = tpu.memref_slice %arg10[%mul3A_1099, %dma_wait3A_1100] : memref<544x128xf32, #tpu.memory_space<vmem>> -> memref<16x128xf32, #tpu.memory_space<vmem>>
      %dma_wait3A_1102 = arith.constant 0 : i32
      %dma_wait3A_1103 = tpu.memref_slice %arg15[%while3A_1096, %dma_wait3A_1102] : memref<33x16xi32, #tpu.memory_space<vmem>> -> memref<1x16xi32, #tpu.memory_space<vmem>>
      %dma_wait3A_1104 = tpu.memref_squeeze %dma_wait3A_1103 : memref<1x16xi32, #tpu.memory_space<vmem>> -> memref<16xi32, #tpu.memory_space<vmem>>
      %dma_wait3A_1105 = arith.constant 0 : i32
      %dma_wait3A_1106 = arith.constant 0 : i32
      %dma_wait3A_1107 = tpu.memref_slice %arg4[%dma_wait3A_1105, %dma_wait3A_1106] : memref<100000x128xf32, #tpu.memory_space<hbm>> -> memref<100000x128xf32, #tpu.memory_space<hbm>>
      tpu.wait_indirect_dma semaphore(%arg22 : memref<!tpu.dma_semaphore, #tpu.memory_space<semaphore_mem>>) src(%dma_wait3A_1107 : memref<100000x128xf32, #tpu.memory_space<hbm>>) dst(%dma_wait3A_1101 : memref<16x128xf32, #tpu.memory_space<vmem>>)
      %while3A_1108 = arith.constant 0 : i32
      scf.yield %while3A_1108 : i32
    }
    %while3A_1071 = arith.constant 0 : i32
    %while3A_1072 = arith.constant 0 : i32
    %while3A_1073 = arith.subi %select_n3A, %while3A_1071 : i32
    %while3A_1074 = arith.addi %while3A_1071, %while3A_1073 : i32
    %while3A_1075 = arith.constant 1 : i32
    %while3A_1076 = arith.divsi %while3A_1073, %while3A_1075 : i32
    %while3A_1077 = arith.muli %while3A_1076, %while3A_1075 : i32
    %while3A_1078 = arith.addi %while3A_1071, %while3A_1077 : i32
    %while3A_1079 = arith.constant 1 : i32
    %while3A_1080 = scf.for %while3A_1096 = %while3A_1071 to %while3A_1078 step %while3A_1079 iter_args(%while3A_1097 = %while3A_1072) -> (i32)  : i32 {
      %mul3A_1098 = arith.constant 16 : i32
      %mul3A_1099 = arith.muli %while3A_1096, %mul3A_1098 : i32
      %dma_start3A_1100 = arith.constant 0 : i32
      %dma_start3A_1101 = tpu.memref_slice %arg10[%mul3A_1099, %dma_start3A_1100] : memref<544x128xf32, #tpu.memory_space<vmem>> -> memref<16x128xf32, #tpu.memory_space<vmem>>
      %dma_start3A_1102 = arith.constant 0 : i32
      %dma_start3A_1103 = tpu.memref_slice %arg16[%while3A_1096, %dma_start3A_1102] : memref<33x16xi32, #tpu.memory_space<vmem>> -> memref<1x16xi32, #tpu.memory_space<vmem>>
      %dma_start3A_1104 = tpu.memref_squeeze %dma_start3A_1103 : memref<1x16xi32, #tpu.memory_space<vmem>> -> memref<16xi32, #tpu.memory_space<vmem>>
      %dma_start3A_1105 = arith.constant 0 : i32
      %dma_start3A_1106 = arith.constant 0 : i32
      %dma_start3A_1107 = tpu.memref_slice %arg7[%dma_start3A_1105, %dma_start3A_1106] : memref<16384x128xf32, #tpu.memory_space<hbm>> -> memref<16384x128xf32, #tpu.memory_space<hbm>>
      tpu.enqueue_indirect_dma source(%dma_start3A_1101 : memref<16x128xf32, #tpu.memory_space<vmem>>) target(%dma_start3A_1107 : memref<16384x128xf32, #tpu.memory_space<hbm>>) offsets(%dma_start3A_1104 : memref<16xi32, #tpu.memory_space<vmem>>) semaphore(%arg23 : memref<!tpu.dma_semaphore, #tpu.memory_space<semaphore_mem>>)
      %while3A_1108 = arith.constant 0 : i32
      scf.yield %while3A_1108 : i32
    }
    %while3A_1081 = arith.constant 1 : i32
    %while3A_1082 = scf.for %while3A_1096 = %while3A_1078 to %while3A_1074 step %while3A_1081 iter_args(%while3A_1097 = %while3A_1080) -> (i32)  : i32 {
      %mul3A_1098 = arith.constant 16 : i32
      %mul3A_1099 = arith.muli %while3A_1096, %mul3A_1098 : i32
      %dma_start3A_1100 = arith.constant 0 : i32
      %dma_start3A_1101 = tpu.memref_slice %arg10[%mul3A_1099, %dma_start3A_1100] : memref<544x128xf32, #tpu.memory_space<vmem>> -> memref<16x128xf32, #tpu.memory_space<vmem>>
      %dma_start3A_1102 = arith.constant 0 : i32
      %dma_start3A_1103 = tpu.memref_slice %arg16[%while3A_1096, %dma_start3A_1102] : memref<33x16xi32, #tpu.memory_space<vmem>> -> memref<1x16xi32, #tpu.memory_space<vmem>>
      %dma_start3A_1104 = tpu.memref_squeeze %dma_start3A_1103 : memref<1x16xi32, #tpu.memory_space<vmem>> -> memref<16xi32, #tpu.memory_space<vmem>>
      %dma_start3A_1105 = arith.constant 0 : i32
      %dma_start3A_1106 = arith.constant 0 : i32
      %dma_start3A_1107 = tpu.memref_slice %arg7[%dma_start3A_1105, %dma_start3A_1106] : memref<16384x128xf32, #tpu.memory_space<hbm>> -> memref<16384x128xf32, #tpu.memory_space<hbm>>
      tpu.enqueue_indirect_dma source(%dma_start3A_1101 : memref<16x128xf32, #tpu.memory_space<vmem>>) target(%dma_start3A_1107 : memref<16384x128xf32, #tpu.memory_space<hbm>>) offsets(%dma_start3A_1104 : memref<16xi32, #tpu.memory_space<vmem>>) semaphore(%arg23 : memref<!tpu.dma_semaphore, #tpu.memory_space<semaphore_mem>>)
      %while3A_1108 = arith.constant 0 : i32
      scf.yield %while3A_1108 : i32
    }
    "tpu.trace_stop"() : () -> ()
    "tpu.trace_start"() <{level = 10 : i32, message = "odrain"}> : () -> ()
    %add3A_1083 = arith.addi %select_n3A, %select_n3A_134 : i32
    %while3A_1084 = arith.constant 0 : i32
    %while3A_1085 = arith.constant 0 : i32
    %while3A_1086 = arith.subi %add3A_1083, %while3A_1084 : i32
    %while3A_1087 = arith.addi %while3A_1084, %while3A_1086 : i32
    %while3A_1088 = arith.constant 1 : i32
    %while3A_1089 = arith.divsi %while3A_1086, %while3A_1088 : i32
    %while3A_1090 = arith.muli %while3A_1089, %while3A_1088 : i32
    %while3A_1091 = arith.addi %while3A_1084, %while3A_1090 : i32
    %while3A_1092 = arith.constant 1 : i32
    %while3A_1093 = scf.for %while3A_1096 = %while3A_1084 to %while3A_1091 step %while3A_1092 iter_args(%while3A_1097 = %while3A_1085) -> (i32)  : i32 {
      %dma_wait3A_1098 = arith.constant 0 : i32
      %dma_wait3A_1099 = arith.constant 0 : i32
      %dma_wait3A_1100 = arith.constant 0 : i32
      %dma_wait3A_1101 = tpu.memref_slice %arg10[%dma_wait3A_1099, %dma_wait3A_1100] : memref<544x128xf32, #tpu.memory_space<vmem>> -> memref<16x128xf32, #tpu.memory_space<vmem>>
      %dma_wait3A_1102 = arith.constant 0 : i32
      %dma_wait3A_1103 = tpu.memref_slice %arg16[%dma_wait3A_1098, %dma_wait3A_1102] : memref<33x16xi32, #tpu.memory_space<vmem>> -> memref<1x16xi32, #tpu.memory_space<vmem>>
      %dma_wait3A_1104 = tpu.memref_squeeze %dma_wait3A_1103 : memref<1x16xi32, #tpu.memory_space<vmem>> -> memref<16xi32, #tpu.memory_space<vmem>>
      %dma_wait3A_1105 = arith.constant 0 : i32
      %dma_wait3A_1106 = arith.constant 0 : i32
      %dma_wait3A_1107 = tpu.memref_slice %arg7[%dma_wait3A_1105, %dma_wait3A_1106] : memref<16384x128xf32, #tpu.memory_space<hbm>> -> memref<16384x128xf32, #tpu.memory_space<hbm>>
      tpu.wait_indirect_dma semaphore(%arg23 : memref<!tpu.dma_semaphore, #tpu.memory_space<semaphore_mem>>) src(%dma_wait3A_1101 : memref<16x128xf32, #tpu.memory_space<vmem>>) dst(%dma_wait3A_1107 : memref<16384x128xf32, #tpu.memory_space<hbm>>)
      %while3A_1108 = arith.constant 0 : i32
      scf.yield %while3A_1108 : i32
    }
    %while3A_1094 = arith.constant 1 : i32
    %while3A_1095 = scf.for %while3A_1096 = %while3A_1091 to %while3A_1087 step %while3A_1094 iter_args(%while3A_1097 = %while3A_1093) -> (i32)  : i32 {
      %dma_wait3A_1098 = arith.constant 0 : i32
      %dma_wait3A_1099 = arith.constant 0 : i32
      %dma_wait3A_1100 = arith.constant 0 : i32
      %dma_wait3A_1101 = tpu.memref_slice %arg10[%dma_wait3A_1099, %dma_wait3A_1100] : memref<544x128xf32, #tpu.memory_space<vmem>> -> memref<16x128xf32, #tpu.memory_space<vmem>>
      %dma_wait3A_1102 = arith.constant 0 : i32
      %dma_wait3A_1103 = tpu.memref_slice %arg16[%dma_wait3A_1098, %dma_wait3A_1102] : memref<33x16xi32, #tpu.memory_space<vmem>> -> memref<1x16xi32, #tpu.memory_space<vmem>>
      %dma_wait3A_1104 = tpu.memref_squeeze %dma_wait3A_1103 : memref<1x16xi32, #tpu.memory_space<vmem>> -> memref<16xi32, #tpu.memory_space<vmem>>
      %dma_wait3A_1105 = arith.constant 0 : i32
      %dma_wait3A_1106 = arith.constant 0 : i32
      %dma_wait3A_1107 = tpu.memref_slice %arg7[%dma_wait3A_1105, %dma_wait3A_1106] : memref<16384x128xf32, #tpu.memory_space<hbm>> -> memref<16384x128xf32, #tpu.memory_space<hbm>>
      tpu.wait_indirect_dma semaphore(%arg23 : memref<!tpu.dma_semaphore, #tpu.memory_space<semaphore_mem>>) src(%dma_wait3A_1101 : memref<16x128xf32, #tpu.memory_space<vmem>>) dst(%dma_wait3A_1107 : memref<16384x128xf32, #tpu.memory_space<hbm>>)
      %while3A_1108 = arith.constant 0 : i32
      scf.yield %while3A_1108 : i32
    }
    "tpu.trace_stop"() : () -> ()
    return
  }
}

</mosaic_0001>

<sc_bundles>
// kernel: _run.3.cloned.1.call-start
scs
__scs_entry_jumppad:
0x0: {  	(pc) =	sbr.rel $0x88, $3  }
0x1: {  	(tag) =	ssettag $0x0;
	lr =	simm.s32 $0x1  }
0x2: {  	[smem:$0x3F9C] =	sst lr;
	_ =	strace $0xD0000000  }
0x3: {  	_ = 	snop  }
0x4: {  	_ = 	snop  }
0x5: {  	_ = 	snop  }
0x6: {  	_ = 	snop  }
0x7: {  	_ = 	snop  }
__scs_overlays_trampoline_lowered:
0x8: {  	[smem:$0x3FAB] =	sst s0  }
0x9: {  	[smem:$0x3FAC] =	sst s1  }
0xa: {  	[smem:$0x3FAD] =	sst s2  }
0xb: {  	[smem:$0x3FAE] =	sst s3  }
0xc: {  	[smem:$0x3FAF] =	sst s4  }
0xd: {  	[smem:$0x3FB0] =	sst s5  }
0xe: {  	[smem:$0x3FB1] =	sst s6  }
0xf: {  	[smem:$0x3FB2] =	sst s7  }
0x10: {  	[smem:$0x3FB3] =	sst s8  }
0x11: {  	[smem:$0x3FB4] =	sst s9;
	s0 =	simm.s32 @!p0 $0x0  }
0x12: {  	s1 =	sld [smem:$0x3F9A];
	s0 =	simm.s32 @p0 $0x1  }
0x13: {  	[smem:$0x3FB5] =	sst s0;
	s0 =	simm.s32 @!p1 $0x0  }
0x14: {  	s2 =	sld [smem:$0x3F99];
	s0 =	simm.s32 @p1 $0x1  }
0x15: {  	[smem:$0x3FB6] =	sst s0;
	s0 =	simm.s32 @!p2 $0x0  }
0x16: {  	s3 =	sld [smem:$0x3FDB];
	s0 =	simm.s32 @p2 $0x1  }
0x17: {  	s4 =	simm.s32 $0x1BF5;
	[smem:$0x3FB8] =	sst s0  }
0x18: {  	s0 =	sld [smem:$0x3F9B];
	_ =	swait.ge [sflag:s4], $0x0  }
0x19: {  	s7 =	sld [smem:$0x3F9C]  }
0x1a: {  	s8 =	sadd.s32 $0xFFFFE003, lr  }
0x1b: {  	s9 =	sadd.s32 $0xFFFFFEF7, lr;
	s5 =	simm.s32 $0xFFFFFFFF;
	p2 =	slt.u32 s8, $0xFFFFF086  }
0x1c: {  	p1 =	slt.u32 s9, $0xF7A;
	s5 =	simm.s32 @!p2 $0x0  }
0x1d: {  	s5 =	simm.s32 @p1 $0x1;
	p0 =	seq.s32 s7, s2  }
0x1e: {  	s7 =	smul.u32 @!p0 $0xF7A, s2;
	p2 =	seq.s32 @!p0 s5, $0x0  }
0x1f: {  	s9 =	smul.u32 $0xF7A, s1;
	s8 =	simm.s32 @!p0 $0x1BF5;
	p2 =	por !p2, p0  }
0x20: {  	[sflag:s8] =	ssyncset.s32 @!p0 $0xFFFFF086;
	s6 =	sadd.s32 @!p0 s3, s7;
	s7 =	simm.s32 @!p0 $0x108  }
0x21: {  	s3 =	sadd.s32 s3, s9;
	s6 =	sadd.s32 @!p0 $0x88, s6;
	s7 =	simm.s32 @p2 $0x1082  }
0x22: {  	[simem:s7], [sflag:s8] =	dma.local @!p0 [hbm:s6], $0xF7A  }
0x23: {  	s9 =	sor.u32 $0xD0000000, s2;
	s6 =	simm.s32 $0x108;
	_ =	swait.ge @!p0 [sflag:s8], $0x0  }
0x24: {  	s3 =	sadd.s32 $0x88, s3;
	s6 =	simm.s32 @!p1 $0x1082;
	[sflag:s4] =	ssyncset.s32 $0xFFFFF086  }
0x25: {  	[simem:s6], [sflag:s4] =	dma.local [hbm:s3], $0xF7A  }
0x26: {  	[smem:$0x3F9C] =	sst s1;
	(tag) =	ssettag s2;
	_ =	strace s9  }
0x27: {  	s1 =	sld [smem:$0x3FAC]  }
0x28: {  	s2 =	sld [smem:$0x3FAD]  }
0x29: {  	s4 =	sld [smem:$0x3FAF]  }
0x2a: {  	p0 =	seq.s32 s5, $0x0;
	s5 =	sld [smem:$0x3FB0]  }
0x2b: {  	s6 =	sld [smem:$0x3FB1]  }
0x2c: {  	s7 =	sld [smem:$0x3FB2]  }
0x2d: {  	s3 =	simm.s32 $0x108;
	s8 =	sld [smem:$0x3FB3]  }
0x2e: {  	s3 =	simm.s32 @!p0 $0x1082;
	s9 =	sld [smem:$0x3FB4]  }
0x2f: {  	lr =	sadd.s32 s0, s3;
	s0 =	sld [smem:$0x3FAB]  }
0x30: {  	s3 =	sld [smem:$0x3FAE]  }
0x31: {  	[smem:$0x3FB7] =	sst s10  }
0x32: {  	s10 =	sld [smem:$0x3FB5];
	_ =	sdelay $0x3  }
0x33: {  	p0 =	seq.s32 s10, $0x1;
	s10 =	sld [smem:$0x3FB7];
	_ =	sdelay $0x3  }
0x34: {  	[smem:$0x3FB7] =	sst s10  }
0x35: {  	s10 =	sld [smem:$0x3FB6];
	_ =	sdelay $0x3  }
0x36: {  	p1 =	seq.s32 s10, $0x1;
	s10 =	sld [smem:$0x3FB7];
	_ =	sdelay $0x3  }
0x37: {  	[smem:$0x3FB7] =	sst s10  }
0x38: {  	s10 =	sld [smem:$0x3FB8]  }
0x39: {  	_ = 	snop;
	(pc) =	sbr.ind lr, $3  }
0x3a: {  	_ = 	snop  }
0x3b: {  	_ = 	snop  }
0x3c: {  	p2 =	seq.s32 s10, $0x1;
	s10 =	sld [smem:$0x3FB7]  }
0x3d: {  	_ =	shalt  }
0x3e: {  	_ =	shalt  }
0x3f: {  	_ =	shalt  }
0x40: {  	_ =	shalt  }
0x41: {  	_ =	shalt  }
0x42: {  	_ =	shalt  }
0x43: {  	_ =	shalt  }
0x44: {  	_ =	shalt  }
0x45: {  	_ =	shalt  }
0x46: {  	_ =	shalt  }
0x47: {  	_ =	shalt  }
0x48: {  	_ =	shalt  }
0x49: {  	_ =	shalt  }
0x4a: {  	_ =	shalt  }
0x4b: {  	_ =	shalt  }
0x4c: {  	_ =	shalt  }
0x4d: {  	_ =	shalt  }
0x4e: {  	_ =	shalt  }
0x4f: {  	_ =	shalt  }
0x50: {  	_ =	shalt  }
0x51: {  	_ =	shalt  }
0x52: {  	_ =	shalt  }
0x53: {  	_ =	shalt  }
0x54: {  	_ =	shalt  }
0x55: {  	_ =	shalt  }
0x56: {  	_ =	shalt  }
0x57: {  	_ =	shalt  }
0x58: {  	_ =	shalt  }
0x59: {  	_ =	shalt  }
0x5a: {  	_ =	shalt  }
0x5b: {  	_ =	shalt  }
0x5c: {  	_ =	shalt  }
0x5d: {  	_ =	shalt  }
0x5e: {  	_ =	shalt  }
0x5f: {  	_ =	shalt  }
0x60: {  	_ =	shalt  }
0x61: {  	_ =	shalt  }
0x62: {  	_ =	shalt  }
0x63: {  	_ =	shalt  }
0x64: {  	_ =	shalt  }
0x65: {  	_ =	shalt  }
0x66: {  	_ =	shalt  }
0x67: {  	_ =	shalt  }
0x68: {  	_ =	shalt  }
0x69: {  	_ =	shalt  }
0x6a: {  	_ =	shalt  }
0x6b: {  	_ =	shalt  }
0x6c: {  	_ =	shalt  }
0x6d: {  	_ =	shalt  }
0x6e: {  	_ =	shalt  }
0x6f: {  	_ =	shalt  }
0x70: {  	_ =	shalt  }
0x71: {  	_ =	shalt  }
0x72: {  	_ =	shalt  }
0x73: {  	_ =	shalt  }
0x74: {  	_ =	shalt  }
0x75: {  	_ =	shalt  }
0x76: {  	_ =	shalt  }
0x77: {  	_ =	shalt  }
0x78: {  	_ =	shalt  }
0x79: {  	_ =	shalt  }
0x7a: {  	_ =	shalt  }
0x7b: {  	_ =	shalt  }
0x7c: {  	_ =	shalt  }
0x7d: {  	_ =	shalt  }
0x7e: {  	_ =	shalt  }
0x7f: {  	_ =	shalt  }
0x80: {  	_ =	shalt  }
0x81: {  	_ =	shalt  }
0x82: {  	_ =	shalt  }
0x83: {  	_ =	shalt  }
0x84: {  	_ =	shalt  }
0x85: {  	_ =	shalt  }
0x86: {  	_ =	shalt  }
0x87: {  	_ =	shalt  }
.Lfunc_end0:
.L_simem_size_0:
called_computation_lowered:
.L_overlay_start_0:
0x88: {  	s2 =	sld [smem:$0x3FD9]  }
0x89: {  	s3 =	sld [smem:$0x3FFE];
	_ =	sdelay $0x1  }
0x8a: {  	s1 =	srdreg.scid  }
0x8b: {  	s0 =	sand.u32 $0x1, s1  }
0x8c: {  	s18 =	sshll.u32 s0, $0xA;
	s2 =	sadd.s32 s3, s2  }
0x8d: {  	s2 =	sadd.s32 s2, s18  }
0x8e: {  	[smem:$0x3FC3] =	sst s2  }
0x8f: {  	_ = 	snop  }
0x90: {  	s2 =	sld [smem:$0x3FC9]  }
0x91: {  	s19 =	sld [smem:$0x3FC8]  }
0x92: {  	s4 =	sld [smem:$0x3FC7]  }
0x93: {  	s5 =	sld [smem:$0x3FC6]  }
0x94: {  	s6 =	sld [smem:$0x3FC5]  }
0x95: {  	s7 =	sld [smem:$0x3FD0];
	(tm) =	ssettm $0x1  }
0x96: {  	s8 =	sld [smem:$0x3FFB];
	_ =	sdelay $0x3  }
0x97: {  	_ =	strace s8  }
0x98: {  	s8 =	sld [smem:$0x3FFC];
	_ =	sdelay $0x3  }
0x99: {  	_ =	strace s8  }
0x9a: {  	s8 =	sld [smem:$0x3FFD];
	_ =	sdelay $0x3  }
0x9b: {  	_ =	strace s8  }
0x9c: {  	_ =	strace $0x8FFFFFFF  }
0x9d: {  	s20 =	sld [smem:$0x3FDB];
	_ =	sdelay $0x1  }
0x9e: {  	s9 =	simm.s32 $_scs_section_size  }
0x9f: {  	s10 =	simm.s32 $_size__tile_overlayer_lowered;
	s11 =	simm.s32 $_tile_overlayer_lowered  }
0xa0: {  	s23 =	simm.s32 $0x1BFF;
	s22 =	sshll.u32 s11, $0x1;
	s8 =	sadd.s32 s9, s20  }
0xa1: {  	s12 =	simm.s32 $0x0;
	s21 =	sshll.u32 s10, $0x1;
	s10 =	sadd.s32 s22, s8  }
0xa2: {  	[timem:s12], [sflag:s23] =	dma.local [hbm:s10], s21  }
0xa3: {  	_ =	swait.ge [sflag:s23], s21  }
0xa4: {  	s9 =	ssub.s32 $0x0, s21;
	[sflag:s23] =	ssyncset.done $0x0  }
0xa5: {  	[sflag:s23] =	ssyncadd.s32 s9;
	_ =	sdelay $0x1  }
0xa6: {  	s24 =	simm.s32 $0x1B8B  }
0xa7: {  	_ =	swait.ge [sflag:s24], $0x1  }
0xa8: {  	[sflag:s24] =	ssyncset.done $0x0  }
0xa9: {  	s25 =	simm.s32 $0x1B8E;
	[sflag:s24] =	ssyncadd.s32 $0xFFFFFFFF  }
0xaa: {  	s26 =	simm.s32 $execute0_lowered;
	[smem:$0x3FD2] =	sst s25  }
0xab: {  	s9 =	sshll.u32 s26, $0x1;
	_ =	strace $0x80000046;
	[dreg:$0x1] =	wrdreg $0xFFFFFFFF  }
0xac: {  	s28 =	simm.s32 $_size_execute0_lowered;
	s8 =	sadd.s32 s8, s9;
	[dreg:$0x0] =	wrdreg $0x0  }
0xad: {  	s9 =	sshll.u32 s28, $0x1;
	[dreg:$0x2] =	wrdreg s8  }
0xae: {  	[dreg:$0x3] =	wrdreg s9  }
0xaf: {  	[dreg:$0x4] =	wrdreg $0xC0  }
0xb0: {  	_ =	task [dreg:s12], $0x5FFFF  }
0xb1: {  	[dreg:$0x1] =	wrdreg $0xFFFFFFFF  }
0xb2: {  	[dreg:$0x0] =	wrdreg $0x60  }
0xb3: {  	[dreg:$0x2] =	wrdreg s2  }
0xb4: {  	[dreg:$0x3] =	wrdreg s19  }
0xb5: {  	[dreg:$0x4] =	wrdreg s4  }
0xb6: {  	[dreg:$0x5] =	wrdreg s5  }
0xb7: {  	[dreg:$0x6] =	wrdreg s6  }
0xb8: {  	[dreg:$0x7] =	wrdreg s7  }
0xb9: {  	[dreg:$0x8] =	wrdreg $0x15E000  }
0xba: {  	[dreg:$0x9] =	wrdreg $0x9  }
0xbb: {  	_ =	task.clear_ibuf [dreg:s12], $0xAFFFF;
	_ =	strace $0x90000046  }
0xbc: {  	s29 =	simm.s32 $0x9;
	_ =	strace $0x80000051  }
0xbd: {  	_ =	swait.ge [sflag:s29], $0x1  }
0xbe: {  	[sflag:s29] =	ssyncadd.s32 $0xFFFFFFFF  }
0xbf: {  	_ =	strace $0x90000051  }
0xc0: {  	_ =	sfence  }
0xc1: {  	s30 =	sld [smem:$0x0];
	_ =	sdelay $0x2  }
0xc2: {  	s31 =	sshll.u32 s1, $0xD;
	s1 =	sshrl.u32 s1, $0x2  }
0xc3: {  	s3 =	sand.u32 $0x4000, s31;
	s1 =	sadd.s32 s1, s30  }
0xc4: {  	s0 =	sor.u32 s3, s0;
	s1 =	sshll.u32 s1, $0x11  }
0xc5: {  	s0 =	sor.u32 s1, s0  }
0xc6: {  	s0 =	sadd.s32 $0x8F2B, s0  }
0xc7: {  	[sflag:s0] =	ssyncadd.remote.s32 $0x1  }
0xc8: {  	_ =	sfence.sel $0xFFFF  }
0xc9: {  	[dreg:$0x0] =	wrdreg $0xFFFFFFFF;
	(pc) =	sbr.abs _section_cstart, $3  }
0xca: {  	[dreg:$0x1] =	wrdreg $0xFFFFFFFF  }
0xcb: {  	_ =	task.clear_ibuf [dreg:s12], $0x2FFFF;
	_ =	strace $0x9FFFFFFF  }
0xcc: {  	(tm) =	ssettm $0x7FFFFFFF  }
0xcd: {  	_ =	shalt  }
tec
execute0_lowered:
.L_overlay_start_1:
0x0: {  	(tag) =	ssettag $0x1  }
0x1: {  	v0 =	vimm.s32 $0xEDCBA987;
	v1 =	vimm.s32 $0x65432100  }
0x2: {  	vm0 =	vmmov $0xffff;
	v3 =	vimm.s32 $0x54321000;
	v4 =	vimm.s32 $0xDCBA9876  }
0x3: {  	v5 =	vimm.s32 $0xBA987654;
	v6 =	vimm.s32 $0xE40000;
	v7 =	vimm.s32 $0x32100000  }
0x4: {  	v8 =	vimm.s32 $0x7060504;
	vm1 =	vcmask $0x3F30;
	v0 =	vunpack.c.l.s4.s8 v0  }
0x5: {  	v9 =	vimm.s32 $0x54761032;
	v11 =	vimm.s32 $0x32107654;
	v1 =	vunpack.c.l.s4.s8 v1  }
0x6: {  	v4 =	vunpack.c.l.s4.s8 v4;
	v5 =	vunpack.c.l.s4.s8 v5;
	v2 =	vunpack.c.0.s8.s32 v0  }
0x7: {  	v6 =	vunpack.c.l.s2.s4 v6;
	v3 =	vunpack.c.l.s4.s8 v3;
	v1 =	vunpack.c.0.s8.s32 v1  }
0x8: {  	v7 =	vunpack.c.l.s4.s8 v7;
	v4 =	vunpack.c.0.s8.s32 v4;
	v2 =	vand.u32 $0xF, v2  }
0x9: {  	s1 =	rddreg [dreg:$0x0];
	v1 =	vcombine.low v1, v2;
	v2 =	vunpack.c.0.s8.s32 v5;
	v5 =	vunpack.c.l.s4.s8 v6  }
0xa: {  	s2 =	rddreg [dreg:$0x1];
	vm2 =	vmmov $0xf;
	v3 =	vunpack.c.0.s8.s32 v3;
	v4 =	vand.u32 $0xF, v4  }
0xb: {  	s0 =	rddreg [dreg:$0x2];
	v6 =	vunpack.c.0.s8.s32 v7;
	v7 =	vand.u32 $0xF, v2;
	v5 =	vunpack.c.0.s8.s32 v5  }
0xc: {  	s3 =	rddreg [dreg:$0x5];
	v2 =	vcombine.low v3, v4;
	v4 =	vunpack.c.0.s8.s32 v8;
	v8 =	vimm.s32 $0xDCFE98BA  }
0xd: {  	s12 =	rddreg [dreg:$0x6];
	v3 =	vcombine.low v6, v7;
	v6 =	vimm.s32 $0xEFCDAB89;
	v7 =	vimm.s32 $0x67452301  }
0xe: {  	s4 =	srdreg.scid;
	s13 =	stileid.u32;
	s7 =	simm.s32 $0x0;
	v5 =	vand.u32 $0x3, v5;
	v6 =	vunpack.c.l.s4.s8 v6;
	v7 =	vunpack.c.l.s4.s8 v7  }
0xf: {  	s16 =	simm.s32 $0x15C08;
	s17 =	simm.s32 $0x4;
	s18 =	simm.s32 $0x3;
	v8 =	vunpack.c.l.s4.s8 v8;
	v4 =	vsel vm1, v4, v5;
	v5 =	vunpack.c.l.s4.s8 v9  }
0x10: {  	vm3 =	vmmov $0xff;
	s19 =	simm.s32 $0x11600;
	s20 =	simm.s32 $0x11880;
	s21 =	simm.s32 $0x11D80;
	v6 =	vunpack.c.0.s8.s32 v6;
	v7 =	vunpack.c.0.s8.s32 v7  }
0x11: {  	s22 =	simm.s32 $0x11B00;
	s23 =	simm.s32 $0x1;
	s24 =	simm.s32 $0x10;
	v8 =	vunpack.c.0.s8.s32 v8;
	v9 =	vimm.s32 $0xBA98FEDC;
	v10 =	vunpack.c.0.s8.s32 v5  }
0x12: {  	vm4 =	vcmask $0x3F08;
	s28 =	simm.s32 $0x15D00;
	s29 =	simm.s32 $0x2;
	s30 =	simm.s32 $0x0;
	v9 =	vunpack.c.l.s4.s8 v9;
	v7 =	vcombine.low v7, v6  }
0x13: {  	s4 =	sand.u32 $0x1, s4;
	s5 =	sshll.u32 s13, $0xA;
	[smem:$0x7FF] =	sst s7;
	v6 =	vunpack.c.l.s4.s8 v11;
	v8 =	vcombine.low v10, v8;
	v10 =	vimm.s32 $0xFEDCBA98  }
0x14: {  	vm5 =	vmmov $0x1;
	s26 =	sshll.u32 s13, $0x7;
	s31 =	sshll.u32 s13, $0x4;
	s15 =	smov.u32 s12;
	v11 =	vimm.s32 $0x76543210;
	v10 =	vunpack.c.l.s4.s8 v10  }
.Ltmp0:
0x15: {  	s6 =	sshll.u32 s4, $0x9;
	s4 =	ssub.s32 $0x2, s4;
	v9 =	vunpack.c.0.s8.s32 v9;
	v11 =	vunpack.c.l.s4.s8 v11;
	v6 =	vunpack.c.0.s8.s32 v6;
	(pc) =	sbr.rel .LBB2_1-.Ltmp0, $4  }
0x16: {  	_ =	strace $0x80000047;
	s10 =	sadd.s32 s2, s26;
	s12 =	sadd.s32 s31, s12;
	v0 =	vlaneseq.u32;
	vm1 =	vmmov $0x3;
	v10 =	vunpack.c.0.s8.s32 v10  }
0x17: {  	s26 =	simm.s32 $0x5;
	s8 =	sor.u32 s6, s5;
	s25 =	sshrl.u32 s4, $0x1;
	v5 =	vimm.s32 $0x0;
	v11 =	vunpack.c.0.s8.s32 v11;
	v9 =	vcombine.low v6, v9  }
0x18: {  	s11 =	sadd.s32 $0x200, s6;
	s9 =	sshrl.u32 s8, $0x3;
	s4 =	ssub.s32 s4, s25;
	v7 =	vand.u32 $0xF, v7;
	v8 =	vand.u32 $0xF, v8;
	v10 =	vand.u32 $0xF, v10  }
0x19: {  	s25 =	simm.s32 $0x15C80;
	s9 =	sadd.s32 s1, s9;
	s13 =	smax.u32 s4, $0x1;
	v6 =	vimm.f32 $0.0e+00;
	v9 =	vand.u32 $0xF, v9;
	v10 =	vcombine.low v10, v11  }
.LBB2_18:
0x1a: {  	[sflag:s29] =	ssyncadd.s32 $0xFFFFF800  }
.LBB2_19:
0x1b: {  	s30 =	sadd.s32 $0x1, s30  }
0x1c: {  	p0 =	sne.s32 s30, s13  }
.Ltmp1:
0x1d: {  	_ = 	snop;
	(pc) =	sbr.rel @!p0 .LBB2_20-.Ltmp1, $2  }
0x1e: {  	_ =	sdelay $0x2  }
0x1f: {  	_ =	strace $0x90000050  }
.LBB2_1:
0x20: {  	_ =	strace $0x80000048  }
0x21: {  	[tilespmem:s7], [sflag:$0x3] =	stream.linear.gather [hbm4b:s9+s7], $0x200, $0x200038;
	[tilespmem:$0x15E10] =	vst v63  }
0x22: {  	s1 =	simm.s32 $0x200  }
0x23: {  	[tilespmem:s1], [sflag:$0x4] =	stream.linear.gather [hbm4b:s10+s7], $0x400, $0x200038;
	[tilespmem:$0x15E10] =	vst v63  }
0x24: {  	s2 =	simm.s32 $0x15C00;
	s6 =	rddreg [dreg:$0x3]  }
0x25: {  	[tilespmem:s2], [sflag:$0x4] =	stream.linear.gather [hbm4b:s6+s7], $0x1, $0x200038;
	[tilespmem:$0x15E10] =	vst v63  }
0x26: {  	s14 =	rddreg [dreg:$0x4]  }
0x27: {  	[tilespmem:s16], [sflag:$0x4] =	stream.linear.gather [hbm4b:s14+s7], $0x1, $0x200038;
	[tilespmem:$0x15E10] =	vst v63  }
0x28: {  	_ =	swait.ge [sflag:s17], $0x400  }
0x29: {  	[sflag:s17] =	ssyncset.done $0x0  }
0x2a: {  	[sflag:s17] =	ssyncadd.s32 $0xFFFFFC00  }
0x2b: {  	_ =	swait.ge [sflag:s17], $0x1  }
0x2c: {  	[sflag:s17] =	ssyncset.done $0x0  }
0x2d: {  	[sflag:s17] =	ssyncadd.s32 $0xFFFFFFFF  }
0x2e: {  	_ =	swait.ge [sflag:s17], $0x1  }
0x2f: {  	[sflag:s17] =	ssyncset.done $0x0  }
0x30: {  	[sflag:s17] =	ssyncadd.s32 $0xFFFFFFFF  }
0x31: {  	_ =	strace $0x90000048  }
0x32: {  	_ =	strace $0x80000049  }
0x33: {  	s2 =	sand.u32 $0x180, s7;
	_ =	swait.ge [sflag:s18], $0x200  }
0x34: {  	s4 =	sand.u32 $0x70, s7;
	s1 =	sadd.s32 s2, s11;
	[sflag:s18] =	ssyncset.done $0x0  }
0x35: {  	s1 =	sadd.s32 s4, s1;
	[sflag:s18] =	ssyncadd.s32 $0xFFFFFE00  }
0x36: {  	v11 =	vld [tilespmem:s1+$0x0];
	_ =	sdelay $0x4  }
0x37: {  	vm7 =	vne.f32 v11, v11  }
0x38: {  	v12 =	vsel vm7, $0x1, v5  }
0x39: {  	v13 =	vperm.xlane v12, v1  }
0x3a: {  	vm6 =	veq.s32 v0, $0x0  }
0x3b: {  	v13 =	vsel vm6, $0x0, v13  }
0x3c: {  	v13 =	vadd.s32 v12, v13  }
0x3d: {  	v14 =	vperm.xlane v13, v2;
	_ =	sdelay $0x1  }
0x3e: {  	v14 =	vsel vm1, $0x0, v14  }
0x3f: {  	v13 =	vadd.s32 v14, v13  }
0x40: {  	v14 =	vperm.xlane v13, v3;
	_ =	sdelay $0x1  }
0x41: {  	v14 =	vsel vm2, $0x0, v14  }
0x42: {  	v13 =	vadd.s32 v14, v13  }
0x43: {  	v14 =	vperm.xlane v13, v4;
	_ =	sdelay $0x1  }
0x44: {  	v14 =	vsel vm3, $0x0, v14  }
0x45: {  	v13 =	vadd.s32 v14, v13  }
0x46: {  	v14 =	vsub.s32 v13, v12;
	(v2sf) =	vpush v13, $0xF  }
0x47: {  	v15 =	vld [tilespmem:s7+$0x0];
	vm8 =	veq.f32 v11, v11;
	v12 =	vadd.s32 s7, v12;
	v14 =	vadd.s32 s7, v14  }
0x48: {  	vm8 =	vmand vm8, vm0;
	v12 =	vsub.s32 v12, v13  }
0x49: {  	v12 =	vadd.s32 v0, v12;
	_ =	sdelay $0x1  }
0x4a: {  	s5 =	sadd.s32 $0x0, s8  }
0x4b: {  	s1 =	simm.s32 $0x10;
	v13 =	vor.u32 s5, v0;
	[tilespmem:v14+s19+$0x0] =	vst.idx.msk vm7, v15  }
0x4c: {  	s6 =	sand.u32 $0x180, s1;
	[tilespmem:v14+s20+$0x0] =	vst.idx.msk vm7, v13  }
0x4d: {  	s4 =	sand.u32 $0x70, s1;
	s2 =	sadd.s32 s6, s11;
	[tilespmem:v12+s21+$0x0] =	vst.idx.msk vm8, v11  }
0x4e: {  	s2 =	sadd.s32 s4, s2;
	[tilespmem:v12+s22+$0x0] =	vst.idx.msk vm8, v13  }
0x4f: {  	v11 =	vld [tilespmem:s2+$0x0];
	_ =	sdelay $0x4  }
0x50: {  	s31 =	simm.s32 $0x20;
	vm7 =	vne.f32 v11, v11;
	s14 =	spop (v2sf)  }
0x51: {  	s4 =	simm.s32 $0x0;
	vm8 =	veq.f32 v11, v11;
	v12 =	vsel vm7, $0x1, v5;
	s2 =	sadd.s32 $0x0, s14;
	s5 =	ssub.s32 $0x0, s14  }
.LBB2_2:
0x52: {  	s5 =	sadd.s32 $0x10, s5  }
0x53: {  	v13 =	vperm.xlane v12, v1;
	s4 =	sadd.s32 $0x10, s4;
	s14 =	smov.u32 s31;
	s6 =	sadd.s32 $0x10, s31  }
0x54: {  	p0 =	sne.s32 s31, $0x1F0  }
0x55: {  	v13 =	vsel vm6, $0x0, v13  }
0x56: {  	v13 =	vadd.s32 v12, v13  }
0x57: {  	v14 =	vperm.xlane v13, v2;
	_ =	sdelay $0x1  }
0x58: {  	v14 =	vsel vm1, $0x0, v14  }
0x59: {  	v13 =	vadd.s32 v14, v13  }
0x5a: {  	v14 =	vperm.xlane v13, v3;
	_ =	sdelay $0x1  }
0x5b: {  	v14 =	vsel vm2, $0x0, v14  }
0x5c: {  	v13 =	vadd.s32 v14, v13  }
0x5d: {  	v14 =	vperm.xlane v13, v4;
	_ =	sdelay $0x1  }
0x5e: {  	v14 =	vsel vm3, $0x0, v14  }
0x5f: {  	v13 =	vadd.s32 v14, v13;
	v14 =	vadd.s32 s5, v12  }
0x60: {  	v12 =	vsub.s32 v13, v12;
	v14 =	vsub.s32 v14, v13;
	(v2sf) =	vpush v13, $0xF  }
0x61: {  	v13 =	vld [tilespmem:s4+$0x0];
	v12 =	vadd.s32 s2, v12  }
0x62: {  	vm8 =	vmand vm8, vm0  }
0x63: {  	v14 =	vadd.s32 v0, v14;
	_ =	sdelay $0x1  }
0x64: {  	s31 =	sadd.s32 s1, s8;
	s1 =	smov.u32 s14  }
0x65: {  	v15 =	vor.u32 s31, v0;
	[tilespmem:v12+s19+$0x0] =	vst.idx.msk vm7, v13  }
0x66: {  	s14 =	sand.u32 $0x180, s1;
	[tilespmem:v12+s20+$0x0] =	vst.idx.msk vm7, v15  }
0x67: {  	s31 =	sand.u32 $0x70, s1;
	s14 =	sadd.s32 s14, s11;
	[tilespmem:v14+s21+$0x0] =	vst.idx.msk vm8, v11  }
0x68: {  	s14 =	sadd.s32 s31, s14;
	[tilespmem:v14+s22+$0x0] =	vst.idx.msk vm8, v15  }
0x69: {  	v11 =	vld [tilespmem:s14+$0x0];
	_ =	sdelay $0x1  }
.Ltmp2:
0x6a: {  	(pc) =	sbr.rel @p0 .LBB2_2-.Ltmp2, $3  }
0x6b: {  	_ =	sdelay $0x1  }
0x6c: {  	vm8 =	veq.f32 v11, v11;
	vm7 =	vne.f32 v11, v11;
	s14 =	spop (v2sf)  }
0x6d: {  	s31 =	smov.u32 s6;
	v12 =	vsel vm7, $0x1, v5;
	s2 =	sadd.s32 s2, s14;
	s5 =	ssub.s32 s5, s14  }
0x6e: {  	v13 =	vperm.xlane v12, v1  }
0x6f: {  	vm6 =	veq.s32 v0, $0x0  }
0x70: {  	v13 =	vsel vm6, $0x0, v13  }
0x71: {  	v13 =	vadd.s32 v12, v13  }
0x72: {  	v14 =	vperm.xlane v13, v2;
	_ =	sdelay $0x1  }
0x73: {  	v14 =	vsel vm1, $0x0, v14  }
0x74: {  	v13 =	vadd.s32 v14, v13  }
0x75: {  	v14 =	vperm.xlane v13, v3;
	_ =	sdelay $0x1  }
0x76: {  	v14 =	vsel vm2, $0x0, v14  }
0x77: {  	v13 =	vadd.s32 v14, v13  }
0x78: {  	v14 =	vperm.xlane v13, v4;
	_ =	sdelay $0x1  }
0x79: {  	v14 =	vsel vm3, $0x0, v14  }
0x7a: {  	v13 =	vadd.s32 v14, v13  }
0x7b: {  	(v2sf) =	vpush v13, $0xF;
	_ =	sdelay $0x1  }
0x7c: {  	s5 =	sadd.s32 $0x10, s5;
	s4 =	sadd.s32 $0x10, s4;
	v14 =	vsub.s32 v13, v12  }
0x7d: {  	v40 =	vadd.s32 s5, v12;
	v15 =	vld [tilespmem:s4+$0x0];
	v14 =	vadd.s32 s2, v14  }
0x7e: {  	vm6 =	vmand vm8, vm0;
	v12 =	vsub.s32 v40, v13  }
0x7f: {  	v12 =	vadd.s32 v0, v12;
	_ =	sdelay $0x1  }
0x80: {  	s1 =	sadd.s32 s1, s8  }
0x81: {  	v41 =	vor.u32 s1, v0;
	[tilespmem:v14+s19+$0x0] =	vst.idx.msk vm7, v15  }
0x82: {  	[tilespmem:v14+s20+$0x0] =	vst.idx.msk vm7, v41  }
0x83: {  	[tilespmem:v12+s21+$0x0] =	vst.idx.msk vm6, v11  }
0x84: {  	[tilespmem:v12+s22+$0x0] =	vst.idx.msk vm6, v41  }
0x85: {  	v11 =	vld.msk [tilespmem:$0x11600 ss:$0x0], $0xffff  }
0x86: {  	v12 =	vld.msk [tilespmem:$0x11880 ss:$0x0], $0xffff  }
0x87: {  	v13 =	vld.msk [tilespmem:$0x11D80 ss:$0x0], $0xffff  }
0x88: {  	v14 =	vld.msk [tilespmem:$0x11B00 ss:$0x0], $0xffff;
	s14 =	spop (v2sf)  }
0x89: {  	s4 =	sadd.s32 s2, s14  }
0x8a: {  	s1 =	ssub.s32 s5, s14;
	[tilespmem:s4+$0x11600] =	vst v11  }
0x8b: {  	s1 =	sadd.s32 $0x10, s1;
	[tilespmem:s4+$0x11880] =	vst v12  }
0x8c: {  	[tilespmem:s1+$0x11D80] =	vst v13  }
0x8d: {  	[tilespmem:s1+$0x11B00] =	vst v14  }
0x8e: {  	v11 =	vld [tilespmem:$0x11600]  }
0x8f: {  	v12 =	vld [tilespmem:$0x11610]  }
0x90: {  	v13 =	vld [tilespmem:$0x11620]  }
0x91: {  	v14 =	vld [tilespmem:$0x11630]  }
0x92: {  	v15 =	vld [tilespmem:$0x11640]  }
0x93: {  	v42 =	vld [tilespmem:$0x11660];
	[tilespmem:$0x12000] =	vst v11  }
0x94: {  	v43 =	vld [tilespmem:$0x11670];
	[tilespmem:$0x12080] =	vst v12  }
0x95: {  	v11 =	vld [tilespmem:$0x11650];
	[tilespmem:$0x12100] =	vst v13  }
0x96: {  	v44 =	vld [tilespmem:$0x11680];
	[tilespmem:$0x12180] =	vst v14  }
0x97: {  	v45 =	vld [tilespmem:$0x11690];
	[tilespmem:$0x12200] =	vst v15  }
0x98: {  	v46 =	vld [tilespmem:$0x116B0];
	[tilespmem:$0x12300] =	vst v42  }
0x99: {  	v47 =	vld [tilespmem:$0x116C0];
	[tilespmem:$0x12380] =	vst v43  }
0x9a: {  	[tilespmem:$0x12280] =	vst v11;
	v11 =	vld [tilespmem:$0x116A0]  }
0x9b: {  	v48 =	vld [tilespmem:$0x116D0];
	[tilespmem:$0x12400] =	vst v44  }
0x9c: {  	v49 =	vld [tilespmem:$0x116E0];
	[tilespmem:$0x12480] =	vst v45  }
0x9d: {  	v50 =	vld [tilespmem:$0x11700];
	[tilespmem:$0x12580] =	vst v46  }
0x9e: {  	v51 =	vld [tilespmem:$0x11710];
	[tilespmem:$0x12600] =	vst v47  }
0x9f: {  	[tilespmem:$0x12500] =	vst v11;
	v11 =	vld [tilespmem:$0x116F0]  }
0xa0: {  	v52 =	vld [tilespmem:$0x11720];
	[tilespmem:$0x12680] =	vst v48  }
0xa1: {  	v53 =	vld [tilespmem:$0x11730];
	[tilespmem:$0x12700] =	vst v49  }
0xa2: {  	v54 =	vld [tilespmem:$0x11750];
	[tilespmem:$0x12800] =	vst v50  }
0xa3: {  	v55 =	vld [tilespmem:$0x11760];
	[tilespmem:$0x12880] =	vst v51  }
0xa4: {  	[tilespmem:$0x12780] =	vst v11;
	v11 =	vld [tilespmem:$0x11740]  }
0xa5: {  	v56 =	vld [tilespmem:$0x11770];
	[tilespmem:$0x12900] =	vst v52  }
0xa6: {  	v57 =	vld [tilespmem:$0x11780];
	[tilespmem:$0x12980] =	vst v53  }
0xa7: {  	v58 =	vld [tilespmem:$0x117A0];
	[tilespmem:$0x12A80] =	vst v54  }
0xa8: {  	v59 =	vld [tilespmem:$0x117B0];
	[tilespmem:$0x12B00] =	vst v55  }
0xa9: {  	s2 =	sadd.s32 $0xF, s4;
	[tilespmem:$0x12A00] =	vst v11;
	v11 =	vld [tilespmem:$0x11790]  }
0xaa: {  	s5 =	sand.u32 $0xF, s2;
	v60 =	vld [tilespmem:$0x117C0];
	[tilespmem:$0x12B80] =	vst v56  }
0xab: {  	s6 =	sshra.s32 s2, $0x1F;
	p0 =	slt.s32 s2, $0x1;
	v61 =	vld [tilespmem:$0x117D0];
	p1 =	sne.s32 s5, $0x0;
	[tilespmem:$0x12C00] =	vst v57  }
0xac: {  	v62 =	vld [tilespmem:$0x117F0];
	s14 =	sshrl.u32 s6, $0x1C;
	p0 =	por !p0, !p1;
	[tilespmem:$0x12D00] =	vst v58  }
0xad: {  	s4 =	simm.s32 $0x1;
	v63 =	vld [tilespmem:$0x11800];
	s2 =	sadd.s32 s14, s2;
	p0 =	por !p0, !p0;
	[tilespmem:$0x12D80] =	vst v59  }
0xae: {  	s2 =	sshra.s32 s2, $0x4;
	s4 =	simm.s32 @!p0 $0x0;
	[tilespmem:$0x12C80] =	vst v11;
	v11 =	vld [tilespmem:$0x117E0]  }
0xaf: {  	s31 =	ssub.s32 s2, s4;
	[tilespmem:$0x12E00] =	vst v60  }
0xb0: {  	[tilespmem:$0x12E80] =	vst v61;
	p0 =	slt.s32 s31, $0x1  }
.Ltmp3:
0xb1: {  	[tilespmem:$0x12F80] =	vst v62;
	(pc) =	sbr.rel @p0 .LBB2_6-.Ltmp3, $4  }
0xb2: {  	[tilespmem:$0x13000] =	vst v63  }
0xb3: {  	[tilespmem:$0x12F00] =	vst v11  }
0xb4: {  	_ =	strace $0x90000049  }
0xb5: {  	_ =	strace $0x8000004A  }
0xb6: {  	p1 =	sne.s32 s31, $0x1  }
.Ltmp4:
0xb7: {  	_ = 	snop;
	(pc) =	sbr.rel @!p1 .LBB2_6-.Ltmp4, $3  }
0xb8: {  	_ =	sdelay $0x1  }
0xb9: {  	s2 =	simm.s32 $0x12000;
	s4 =	simm.s32 $0x600;
	s5 =	sadd.s32 $0xFFFFFFFF, s31  }
0xba: {  	[tilespmem:s4], [sflag:$0x1] =	stream.indirect.gather [hbm4b:s0+s24], $0x80, s2, s24, $0x2000b8;
	[tilespmem:$0x15E10] =	vst v63  }
.LBB2_5:
0xbb: {  	p1 =	sne.s32 s5, $0x1  }
.Ltmp5:
0xbc: {  	_ = 	snop;
	(pc) =	sbr.rel @p1 .LBB2_5-.Ltmp5, $4  }
0xbd: {  	_ = 	snop  }
0xbe: {  	s2 =	sadd.s32 $0x80, s2;
	s4 =	sadd.s32 $0x800, s4  }
0xbf: {  	s5 =	sadd.s32 $0xFFFFFFFF, s5  }
0xc0: {  	[tilespmem:s4], [sflag:$0x1] =	stream.indirect.gather [hbm4b:s0+s24], $0x80, s2, s24, $0x2000b8;
	[tilespmem:$0x15E10] =	vst v63  }
.LBB2_6:
0xc1: {  	_ =	strace $0x9000004A  }
0xc2: {  	s2 =	simm.s32 $0x0;
	_ =	strace $0x8000004B  }
0xc3: {  	v16 =	vld [tilespmem:s2+$0x260]  }
0xc4: {  	v14 =	vld [tilespmem:s2+$0x250]  }
0xc5: {  	v12 =	vld [tilespmem:s2+$0x240]  }
0xc6: {  	v11 =	vld [tilespmem:s2+$0x230]  }
0xc7: {  	v13 =	vld [tilespmem:s2+$0x220]  }
0xc8: {  	v15 =	vld [tilespmem:s2+$0x210]  }
0xc9: {  	v17 =	vld [tilespmem:s2+$0x200];
	_ =	sdelay $0x2  }
0xca: {  	v19 =	vimm.f32 $0.0e+00;
	vm7 =	veq.f32 v14, v14  }
0xcb: {  	vm9 =	veq.f32 v16, v16;
	vm10 =	veq.f32 v13, v13;
	vm11 =	veq.f32 v11, v11  }
0xcc: {  	vm12 =	veq.f32 v12, v12;
	vm8 =	veq.f32 v17, v17;
	vm13 =	veq.f32 v15, v15  }
0xcd: {  	vm14 =	vmand vm8, vm0;
	vm8 =	vmand vm7, vm0;
	vm7 =	vmand vm9, vm0  }
0xce: {  	vm11 =	vmand vm11, vm0;
	vm9 =	vmand vm12, vm0;
	v17 =	vnsel vm14, $0x0, v17  }
0xcf: {  	vm12 =	vmand vm13, vm0;
	vm10 =	vmand vm10, vm0;
	v20 =	vmul.f32 v17, v17  }
0xd0: {  	v21 =	vsel vm14, $0x3F800000, v6;
	v15 =	vnsel vm12, $0x0, v15;
	v17 =	vadd.f32 v17, v19  }
0xd1: {  	v20 =	vadd.f32 v20, v19;
	v19 =	vadd.f32 v21, v19;
	v21 =	vmul.f32 v15, v15  }
0xd2: {  	v13 =	vnsel vm10, $0x0, v13;
	v15 =	vadd.f32 v15, v17;
	v17 =	vsel vm12, $0x3F800000, v6  }
0xd3: {  	v20 =	vadd.f32 v21, v20;
	v17 =	vadd.f32 v17, v19;
	v19 =	vmul.f32 v13, v13  }
0xd4: {  	v13 =	vadd.f32 v13, v15;
	v15 =	vsel vm10, $0x3F800000, v6;
	v21 =	vnsel vm11, $0x0, v11  }
0xd5: {  	v18 =	vld [tilespmem:s2+$0x270];
	v19 =	vadd.f32 v19, v20;
	v15 =	vadd.f32 v15, v17;
	v17 =	vmul.f32 v21, v21  }
0xd6: {  	s2 =	simm.s32 $0x80;
	v20 =	vadd.f32 v21, v13;
	v13 =	vsel vm11, $0x3F800000, v6;
	v21 =	vnsel vm9, $0x0, v12  }
0xd7: {  	s1 =	sadd.s32 $0xF, s1;
	v11 =	vld [tilespmem:s2+$0x270];
	v17 =	vadd.f32 v17, v19;
	v15 =	vadd.f32 v13, v15;
	v19 =	vmul.f32 v21, v21  }
0xd8: {  	s4 =	sand.u32 $0xF, s1;
	v12 =	vld [tilespmem:s2+$0x260];
	v20 =	vadd.f32 v21, v20;
	v21 =	vsel vm9, $0x3F800000, v6  }
0xd9: {  	s14 =	sshra.s32 s1, $0x1F;
	p2 =	slt.s32 s1, $0x1;
	p1 =	sne.s32 s4, $0x0;
	v22 =	vnsel vm8, $0x0, v14;
	v14 =	vld [tilespmem:s2+$0x240];
	v17 =	vadd.f32 v19, v17;
	v19 =	vadd.f32 v21, v15  }
0xda: {  	s4 =	sshrl.u32 s14, $0x1C;
	p1 =	por !p2, !p1;
	vm6 =	veq.f32 v18, v18;
	v24 =	vnsel vm7, $0x0, v16;
	v16 =	vld [tilespmem:s2+$0x220];
	v21 =	vmul.f32 v22, v22  }
0xdb: {  	s1 =	sadd.s32 s4, s1;
	s4 =	simm.s32 $0x1;
	p1 =	por !p1, !p1;
	vm6 =	vmand vm6, vm0;
	v13 =	vld [tilespmem:s2+$0x250];
	v23 =	vadd.f32 v22, v20;
	v20 =	vsel vm8, $0x3F800000, v6  }
0xdc: {  	s1 =	sshra.s32 s1, $0x4;
	s4 =	simm.s32 @!p1 $0x0;
	v15 =	vld [tilespmem:s2+$0x230];
	v22 =	vmul.f32 v24, v24;
	v21 =	vadd.f32 v21, v17;
	v20 =	vadd.f32 v20, v19  }
0xdd: {  	s5 =	ssub.s32 s1, s4;
	s1 =	simm.s32 $0x400;
	v25 =	vsel vm7, $0x3F800000, v6;
	v17 =	vld [tilespmem:s2+$0x210];
	v23 =	vadd.f32 v24, v23;
	v24 =	vnsel vm6, $0x0, v18;
	v18 =	vmovc v11;
	v19 =	vmovc v12  }
.LBB2_7:
0xde: {  	p1 =	sne.s32 s1, $0xE00;
	v26 =	vld [tilespmem:s2+$0x200];
	v21 =	vadd.f32 v22, v21;
	v20 =	vadd.f32 v25, v20;
	v22 =	vmul.f32 v24, v24  }
0xdf: {  	v23 =	vadd.f32 v24, v23;
	v24 =	vsel vm6, $0x3F800000, v6  }
0xe0: {  	v21 =	vadd.f32 v22, v21;
	v20 =	vadd.f32 v24, v20  }
0xe1: {  	vm7 =	veq.f32 v13, v13;
	vm9 =	veq.f32 v12, v19;
	vm6 =	veq.f32 v11, v18  }
0xe2: {  	vm12 =	veq.f32 v14, v14;
	vm10 =	veq.f32 v15, v15;
	vm11 =	veq.f32 v16, v16  }
0xe3: {  	vm6 =	vmand vm6, vm0;
	vm13 =	veq.f32 v17, v17;
	vm8 =	veq.f32 v26, v26  }
0xe4: {  	vm14 =	vmand vm8, vm0;
	vm8 =	vmand vm7, vm0;
	vm7 =	vmand vm9, vm0  }
0xe5: {  	vm10 =	vmand vm10, vm0;
	vm9 =	vmand vm12, vm0;
	v18 =	vnsel vm14, $0x0, v26  }
0xe6: {  	vm11 =	vmand vm11, vm0;
	vm12 =	vmand vm13, vm0;
	v19 =	vmul.f32 v18, v18  }
0xe7: {  	v22 =	vsel vm14, $0x3F800000, v6;
	v17 =	vnsel vm12, $0x0, v17;
	v18 =	vadd.f32 v18, v23  }
0xe8: {  	v20 =	vadd.f32 v22, v20;
	v19 =	vadd.f32 v19, v21;
	v21 =	vmul.f32 v17, v17  }
0xe9: {  	v16 =	vnsel vm11, $0x0, v16;
	v17 =	vadd.f32 v17, v18;
	v18 =	vsel vm12, $0x3F800000, v6  }
0xea: {  	v18 =	vadd.f32 v18, v20;
	v20 =	vmul.f32 v16, v16;
	v19 =	vadd.f32 v21, v19  }
0xeb: {  	v15 =	vnsel vm10, $0x0, v15;
	v16 =	vadd.f32 v16, v17;
	v17 =	vsel vm11, $0x3F800000, v6  }
0xec: {  	s2 =	sshra.s32 s1, $0x2;
	v21 =	vmul.f32 v15, v15;
	v17 =	vadd.f32 v17, v18;
	v20 =	vadd.f32 v20, v19  }
0xed: {  	v14 =	vnsel vm9, $0x0, v14;
	v15 =	vadd.f32 v15, v16;
	v16 =	vsel vm10, $0x3F800000, v6;
	v18 =	vld [tilespmem:s2+$0x270]  }
0xee: {  	v16 =	vadd.f32 v16, v17;
	v17 =	vmul.f32 v14, v14;
	v19 =	vld [tilespmem:s2+$0x260];
	v20 =	vadd.f32 v21, v20  }
.Ltmp6:
0xef: {  	v22 =	vnsel vm8, $0x0, v13;
	v21 =	vadd.f32 v14, v15;
	v15 =	vsel vm9, $0x3F800000, v6;
	v13 =	vld [tilespmem:s2+$0x250];
	(pc) =	sbr.rel @p1 .LBB2_7-.Ltmp6, $4  }
0xf0: {  	v23 =	vmul.f32 v22, v22;
	v14 =	vld [tilespmem:s2+$0x240];
	v17 =	vadd.f32 v17, v20;
	v20 =	vadd.f32 v15, v16  }
0xf1: {  	v26 =	vnsel vm7, $0x0, v12;
	v24 =	vadd.f32 v22, v21;
	v22 =	vsel vm8, $0x3F800000, v6;
	v15 =	vld [tilespmem:s2+$0x230]  }
0xf2: {  	v16 =	vld [tilespmem:s2+$0x220];
	v21 =	vadd.f32 v23, v17;
	v20 =	vadd.f32 v22, v20;
	v22 =	vmul.f32 v26, v26  }
0xf3: {  	s1 =	sadd.s32 $0x200, s1;
	v25 =	vsel vm7, $0x3F800000, v6;
	v23 =	vadd.f32 v26, v24;
	v24 =	vnsel vm6, $0x0, v11;
	v11 =	vmovc v18;
	v17 =	vld [tilespmem:s2+$0x210];
	v12 =	vmovc v19  }
0xf4: {  	v26 =	vld [tilespmem:s2+$0x200]  }
0xf5: {  	v21 =	vadd.f32 v22, v21;
	v50 =	vmul.f32 v24, v24;
	v20 =	vadd.f32 v25, v20  }
0xf6: {  	v51 =	vsel vm6, $0x3F800000, v6;
	vm7 =	veq.f32 v13, v13;
	vm9 =	veq.f32 v12, v19  }
0xf7: {  	vm6 =	veq.f32 v11, v18;
	v23 =	vadd.f32 v24, v23;
	vm12 =	veq.f32 v14, v14  }
0xf8: {  	vm6 =	vmand vm6, vm0;
	v21 =	vadd.f32 v50, v21;
	v20 =	vadd.f32 v51, v20  }
0xf9: {  	vm11 =	veq.f32 v15, v15;
	vm10 =	veq.f32 v16, v16;
	vm8 =	veq.f32 v26, v26  }
0xfa: {  	vm13 =	veq.f32 v17, v17;
	vm14 =	vmand vm8, vm0;
	vm8 =	vmand vm7, vm0  }
0xfb: {  	vm7 =	vmand vm9, vm0;
	vm9 =	vmand vm11, vm0;
	v52 =	vnsel vm14, $0x0, v26  }
0xfc: {  	vm11 =	vmand vm12, vm0;
	vm12 =	vmand vm13, vm0;
	v53 =	vmul.f32 v52, v52  }
0xfd: {  	vm10 =	vmand vm10, vm0;
	v54 =	vsel vm14, $0x3F800000, v6;
	v55 =	vnsel vm12, $0x0, v17  }
0xfe: {  	v20 =	vadd.f32 v54, v20;
	v56 =	vmul.f32 v55, v55;
	v19 =	vadd.f32 v53, v21  }
0xff: {  	v58 =	vnsel vm10, $0x0, v16;
	v57 =	vsel vm12, $0x3F800000, v6;
	v18 =	vadd.f32 v52, v23  }
0x100: {  	v59 =	vmul.f32 v58, v58;
	v20 =	vadd.f32 v57, v20;
	v19 =	vadd.f32 v56, v19  }
0x101: {  	v60 =	vsel vm10, $0x3F800000, v6;
	v15 =	vnsel vm9, $0x0, v15;
	v17 =	vadd.f32 v55, v18  }
0x102: {  	v61 =	vmul.f32 v15, v15;
	v18 =	vadd.f32 v60, v20;
	v19 =	vadd.f32 v59, v19  }
0x103: {  	v62 =	vsel vm9, $0x3F800000, v6;
	v14 =	vnsel vm11, $0x0, v14;
	v16 =	vadd.f32 v58, v17  }
0x104: {  	v63 =	vmul.f32 v14, v14;
	v17 =	vadd.f32 v62, v18;
	v19 =	vadd.f32 v61, v19  }
0x105: {  	v13 =	vnsel vm8, $0x0, v13;
	v21 =	vsel vm11, $0x3F800000, v6;
	v15 =	vadd.f32 v15, v16  }
0x106: {  	v22 =	vmul.f32 v13, v13;
	v16 =	vadd.f32 v21, v17;
	v18 =	vadd.f32 v63, v19  }
0x107: {  	v12 =	vnsel vm7, $0x0, v12;
	v14 =	vadd.f32 v14, v15;
	v15 =	vsel vm8, $0x3F800000, v6  }
0x108: {  	v23 =	vmul.f32 v12, v12;
	v15 =	vadd.f32 v15, v16;
	v17 =	vadd.f32 v22, v18  }
0x109: {  	v11 =	vnsel vm6, $0x0, v11;
	v13 =	vadd.f32 v13, v14;
	v14 =	vsel vm7, $0x3F800000, v6  }
0x10a: {  	v14 =	vadd.f32 v14, v15;
	v15 =	vmul.f32 v11, v11;
	v16 =	vadd.f32 v23, v17  }
0x10b: {  	v12 =	vadd.f32 v12, v13;
	v13 =	vsel vm6, $0x3F800000, v6  }
0x10c: {  	v13 =	vadd.f32 v13, v14;
	v15 =	vadd.f32 v15, v16  }
0x10d: {  	v11 =	vadd.f32 v11, v12  }
0x10e: {  	v14 =	vperm.xlane v13, v7;
	v12 =	vperm.xlane v15, v7  }
0x10f: {  	v24 =	vperm.xlane v11, v7  }
0x110: {  	v13 =	vadd.f32 v14, v13;
	v12 =	vadd.f32 v12, v15  }
0x111: {  	v11 =	vadd.f32 v24, v11  }
0x112: {  	v15 =	vperm.xlane v13, v8;
	v14 =	vperm.xlane v12, v8  }
0x113: {  	v16 =	vperm.xlane v11, v8  }
0x114: {  	v13 =	vadd.f32 v15, v13;
	v12 =	vadd.f32 v14, v12  }
0x115: {  	v11 =	vadd.f32 v16, v11  }
0x116: {  	v15 =	vperm.xlane v13, v9;
	v14 =	vperm.xlane v12, v9  }
0x117: {  	v16 =	vperm.xlane v11, v9  }
0x118: {  	v13 =	vadd.f32 v15, v13;
	v12 =	vadd.f32 v14, v12  }
0x119: {  	v11 =	vadd.f32 v16, v11  }
0x11a: {  	v15 =	vperm.xlane v13, v10;
	v14 =	vperm.xlane v12, v10  }
0x11b: {  	v16 =	vperm.xlane v11, v10  }
0x11c: {  	v13 =	vadd.f32 v15, v13;
	v12 =	vadd.f32 v14, v12  }
0x11d: {  	v11 =	vadd.f32 v16, v11  }
0x11e: {  	v12 =	vsel vm4, v13, v12  }
0x11f: {  	_ =	strace $0x9000004B;
	v11 =	vsel vm5, v11, v12  }
0x120: {  	_ =	strace $0x8000004C;
	[tilespmem:$0x15C80] =	vst v11  }
0x121: {  	[spmem:s12] =	stream.linear.scatter [tilespmem:s25], [sflag:$0x5], $0x10, $0x200038;
	[tilespmem:$0x15E10] =	vst v63  }
0x122: {  	_ =	swait.ge [sflag:s26], $0x10  }
0x123: {  	[sflag:s26] =	ssyncset.done $0x0  }
0x124: {  	[sflag:s26] =	ssyncadd.s32 $0xFFFFFFF0  }
0x125: {  	[bflag:$0x0] =	sbarrier.arrive $0xFFFF  }
0x126: {  	[tilespmem:s28], [sflag:$0x5] =	stream.linear.gather [spmem:s15], $0x100, $0x200038;
	[tilespmem:$0x15E10] =	vst v63  }
0x127: {  	_ =	swait.ge [sflag:s26], $0x100  }
0x128: {  	[sflag:s26] =	ssyncset.done $0x0  }
0x129: {  	[sflag:s26] =	ssyncadd.s32 $0xFFFFFF00  }
0x12a: {  	v11 =	vld [tilespmem:$0x15D00]  }
0x12b: {  	v12 =	vld [tilespmem:$0x15D10];
	_ =	sdelay $0x1  }
0x12c: {  	v13 =	vld [tilespmem:$0x15D20];
	_ =	sdelay $0x1  }
0x12d: {  	v14 =	vld [tilespmem:$0x15D30]  }
0x12e: {  	v11 =	vadd.f32 v12, v11  }
0x12f: {  	v12 =	vld [tilespmem:$0x15D40]  }
0x130: {  	v11 =	vadd.f32 v13, v11  }
0x131: {  	v13 =	vld [tilespmem:$0x15D50]  }
0x132: {  	v11 =	vadd.f32 v14, v11  }
0x133: {  	v14 =	vld [tilespmem:$0x15D60]  }
0x134: {  	v11 =	vadd.f32 v12, v11  }
0x135: {  	v12 =	vld [tilespmem:$0x15D70]  }
0x136: {  	v11 =	vadd.f32 v13, v11  }
0x137: {  	v13 =	vld [tilespmem:$0x15D80]  }
0x138: {  	v11 =	vadd.f32 v14, v11  }
0x139: {  	v14 =	vld [tilespmem:$0x15D90]  }
0x13a: {  	v11 =	vadd.f32 v12, v11  }
0x13b: {  	v12 =	vld [tilespmem:$0x15DA0]  }
0x13c: {  	v11 =	vadd.f32 v13, v11  }
0x13d: {  	v13 =	vld [tilespmem:$0x15DB0]  }
0x13e: {  	v11 =	vadd.f32 v14, v11  }
0x13f: {  	v14 =	vld [tilespmem:$0x15DC0]  }
0x140: {  	v11 =	vadd.f32 v12, v11  }
0x141: {  	v12 =	vld [tilespmem:$0x15DD0]  }
0x142: {  	v11 =	vadd.f32 v13, v11  }
0x143: {  	v13 =	vld [tilespmem:$0x15DE0]  }
0x144: {  	v11 =	vadd.f32 v14, v11  }
0x145: {  	v14 =	vld [tilespmem:$0x15DF0]  }
0x146: {  	v11 =	vadd.f32 v12, v11;
	_ =	sdelay $0x1  }
0x147: {  	v11 =	vadd.f32 v13, v11;
	_ =	sdelay $0x1  }
0x148: {  	v13 =	vadd.f32 v14, v11;
	_ =	sdelay $0x1  }
0x149: {  	v11 =	vmax.f32 v13, $1.000000000e+00  }
0x14a: {  	v11 =	vbroadcast v11, $0x2  }
0x14b: {  	_ =	strace $0x9000004C  }
0x14c: {  	(erf) = vrcp.f32 v11;
	_ =	sdelay $0x8  }
0x14d: {  	v14 =	vpop (erf)  }
0x14e: {  	v12 =	vld [tilespmem:$0x15C00];
	_ =	strace $0x8000004D  }
0x14f: {  	v11 =	vld [tilespmem:$0x11880]  }
0x150: {  	v15 =	vld [tilespmem:$0x11B00]  }
0x151: {  	v25 =	vld [tilespmem:$0x11890]  }
0x152: {  	v26 =	vld [tilespmem:$0x11B10]  }
0x153: {  	v27 =	vld [tilespmem:$0x118A0]  }
0x154: {  	[tilespmem:$0x13400] =	vst v11;
	v11 =	vld [tilespmem:$0x11B20]  }
0x155: {  	v28 =	vld [tilespmem:$0x11B30];
	[tilespmem:$0x14800] =	vst v15  }
0x156: {  	v29 =	vld [tilespmem:$0x118C0];
	[tilespmem:$0x13480] =	vst v25  }
0x157: {  	v30 =	vld [tilespmem:$0x11B40];
	[tilespmem:$0x14880] =	vst v26  }
0x158: {  	v15 =	vld [tilespmem:$0x118B0];
	[tilespmem:$0x13500] =	vst v27  }
0x159: {  	[tilespmem:$0x14900] =	vst v11;
	v11 =	vld [tilespmem:$0x118D0]  }
0x15a: {  	v31 =	vld [tilespmem:$0x118E0];
	[tilespmem:$0x14980] =	vst v28  }
0x15b: {  	v32 =	vld [tilespmem:$0x11B60];
	[tilespmem:$0x13600] =	vst v29  }
0x15c: {  	v33 =	vld [tilespmem:$0x118F0];
	[tilespmem:$0x14A00] =	vst v30  }
0x15d: {  	[tilespmem:$0x13580] =	vst v15;
	v15 =	vld [tilespmem:$0x11B50]  }
0x15e: {  	[tilespmem:$0x13680] =	vst v11;
	v11 =	vld [tilespmem:$0x11B70]  }
0x15f: {  	v34 =	vld [tilespmem:$0x11B80];
	[tilespmem:$0x13700] =	vst v31  }
0x160: {  	v35 =	vld [tilespmem:$0x11910];
	[tilespmem:$0x14B00] =	vst v32  }
0x161: {  	v36 =	vld [tilespmem:$0x11B90];
	[tilespmem:$0x13780] =	vst v33  }
0x162: {  	[tilespmem:$0x14A80] =	vst v15;
	v15 =	vld [tilespmem:$0x11900]  }
0x163: {  	[tilespmem:$0x14B80] =	vst v11;
	v11 =	vld [tilespmem:$0x11920]  }
0x164: {  	v37 =	vld [tilespmem:$0x11930];
	[tilespmem:$0x14C00] =	vst v34  }
0x165: {  	v38 =	vld [tilespmem:$0x11BB0];
	[tilespmem:$0x13880] =	vst v35  }
0x166: {  	v39 =	vld [tilespmem:$0x11940];
	[tilespmem:$0x14C80] =	vst v36  }
0x167: {  	[tilespmem:$0x13800] =	vst v15;
	v15 =	vld [tilespmem:$0x11BA0]  }
0x168: {  	[tilespmem:$0x13900] =	vst v11;
	v11 =	vld [tilespmem:$0x11BC0]  }
0x169: {  	v40 =	vld [tilespmem:$0x11BD0];
	[tilespmem:$0x13980] =	vst v37  }
0x16a: {  	v41 =	vld [tilespmem:$0x11960];
	[tilespmem:$0x14D80] =	vst v38  }
0x16b: {  	v42 =	vld [tilespmem:$0x11BE0];
	[tilespmem:$0x13A00] =	vst v39  }
0x16c: {  	[tilespmem:$0x14D00] =	vst v15;
	v15 =	vld [tilespmem:$0x11950]  }
0x16d: {  	[tilespmem:$0x14E00] =	vst v11;
	v11 =	vld [tilespmem:$0x11970]  }
0x16e: {  	v43 =	vld [tilespmem:$0x11980];
	[tilespmem:$0x14E80] =	vst v40  }
0x16f: {  	v44 =	vld [tilespmem:$0x11C00];
	[tilespmem:$0x13B00] =	vst v41  }
0x170: {  	v45 =	vld [tilespmem:$0x11990];
	[tilespmem:$0x14F00] =	vst v42  }
0x171: {  	[tilespmem:$0x13A80] =	vst v15;
	v15 =	vld [tilespmem:$0x11BF0]  }
0x172: {  	[tilespmem:$0x13B80] =	vst v11;
	v11 =	vld [tilespmem:$0x11C10]  }
0x173: {  	v46 =	vld [tilespmem:$0x11C20];
	[tilespmem:$0x13C00] =	vst v43  }
0x174: {  	v47 =	vld [tilespmem:$0x119B0];
	[tilespmem:$0x15000] =	vst v44  }
0x175: {  	v48 =	vld [tilespmem:$0x11C30];
	[tilespmem:$0x13C80] =	vst v45  }
0x176: {  	[tilespmem:$0x14F80] =	vst v15;
	v15 =	vld [tilespmem:$0x119A0]  }
0x177: {  	[tilespmem:$0x15080] =	vst v11;
	v11 =	vld [tilespmem:$0x119C0]  }
0x178: {  	v49 =	vld [tilespmem:$0x119D0];
	[tilespmem:$0x15100] =	vst v46  }
0x179: {  	v50 =	vld [tilespmem:$0x11C50];
	[tilespmem:$0x13D80] =	vst v47  }
0x17a: {  	v51 =	vld [tilespmem:$0x119E0];
	[tilespmem:$0x15180] =	vst v48  }
0x17b: {  	[tilespmem:$0x13D00] =	vst v15;
	v15 =	vld [tilespmem:$0x11C40]  }
0x17c: {  	[tilespmem:$0x13E00] =	vst v11;
	v11 =	vld [tilespmem:$0x11C60]  }
0x17d: {  	v52 =	vld [tilespmem:$0x11C70];
	[tilespmem:$0x13E80] =	vst v49  }
0x17e: {  	v53 =	vld [tilespmem:$0x11A00];
	[tilespmem:$0x15280] =	vst v50  }
0x17f: {  	v54 =	vld [tilespmem:$0x11C80];
	[tilespmem:$0x13F00] =	vst v51  }
0x180: {  	[tilespmem:$0x15200] =	vst v15;
	v15 =	vld [tilespmem:$0x119F0]  }
0x181: {  	[tilespmem:$0x15300] =	vst v11;
	v11 =	vld [tilespmem:$0x11A10]  }
0x182: {  	v55 =	vld [tilespmem:$0x11A20];
	[tilespmem:$0x15380] =	vst v52  }
0x183: {  	v56 =	vld [tilespmem:$0x11CA0];
	[tilespmem:$0x14000] =	vst v53  }
0x184: {  	v57 =	vld [tilespmem:$0x11A30];
	[tilespmem:$0x15400] =	vst v54  }
0x185: {  	[tilespmem:$0x13F80] =	vst v15;
	v15 =	vld [tilespmem:$0x11C90]  }
0x186: {  	[tilespmem:$0x14080] =	vst v11;
	v11 =	vld [tilespmem:$0x11CB0]  }
0x187: {  	v58 =	vld [tilespmem:$0x11CC0];
	[tilespmem:$0x14100] =	vst v55  }
0x188: {  	v59 =	vld [tilespmem:$0x11A50];
	[tilespmem:$0x15500] =	vst v56  }
0x189: {  	v60 =	vld [tilespmem:$0x11CD0];
	[tilespmem:$0x14180] =	vst v57  }
0x18a: {  	[tilespmem:$0x15480] =	vst v15;
	v15 =	vld [tilespmem:$0x11A40]  }
0x18b: {  	[tilespmem:$0x15580] =	vst v11;
	v11 =	vld [tilespmem:$0x11A60]  }
0x18c: {  	v61 =	vld [tilespmem:$0x11A70];
	[tilespmem:$0x15600] =	vst v58  }
0x18d: {  	v62 =	vld [tilespmem:$0x11CF0];
	[tilespmem:$0x14280] =	vst v59  }
0x18e: {  	v63 =	vld [tilespmem:$0x11A80];
	[tilespmem:$0x15680] =	vst v60  }
0x18f: {  	[tilespmem:$0x14200] =	vst v15;
	v15 =	vld [tilespmem:$0x11CE0]  }
0x190: {  	[tilespmem:$0x14300] =	vst v11;
	v11 =	vld [tilespmem:$0x11D00]  }
0x191: {  	[tilespmem:$0x14380] =	vst v61  }
0x192: {  	p1 =	slt.s32 s5, $0x1;
	[tilespmem:$0x15780] =	vst v62  }
.Ltmp7:
0x193: {  	[tilespmem:$0x14400] =	vst v63;
	(pc) =	sbr.rel @p1 .LBB2_11-.Ltmp7, $4  }
0x194: {  	[tilespmem:$0x15700] =	vst v15  }
0x195: {  	[tilespmem:$0x15800] =	vst v11  }
0x196: {  	_ =	strace $0x9000004D  }
0x197: {  	_ =	strace $0x8000004E  }
0x198: {  	v11 =	vbroadcast v13, $0x0;
	_ =	sdelay $0x1  }
0x199: {  	v13 =	vbroadcast v13, $0x1;
	v11 =	vmul.f32 v14, v11;
	_ =	sdelay $0x1  }
0x19a: {  	v13 =	vmul.f32 v14, v13;
	v14 =	vmul.f32 v11, v11;
	_ =	sdelay $0x1  }
0x19b: {  	v13 =	vsub.f32 v13, v14;
	_ =	sdelay $0x1  }
0x19c: {  	v13 =	vmax.f32 v13, $0.0e+00  }
0x19d: {  	v13 =	vadd.f32 $9.999999740e-06, v13;
	_ =	sdelay $0x1  }
0x19e: {  	v14 =	vshra.s32 v13, $0x1;
	v13 =	vmul.f32 $5.000000000e-01, v13  }
0x19f: {  	v14 =	vsub.s32 $0x5F3759DF, v14  }
0x1a0: {  	v15 =	vmul.f32 v14, v13;
	_ =	sdelay $0x1  }
0x1a1: {  	v15 =	vmul.f32 v14, v15;
	_ =	sdelay $0x1  }
0x1a2: {  	v15 =	vsub.f32 $1.500000000e+00, v15;
	_ =	sdelay $0x1  }
0x1a3: {  	v14 =	vmul.f32 v14, v15;
	_ =	sdelay $0x1  }
0x1a4: {  	v15 =	vmul.f32 v14, v13;
	_ =	sdelay $0x1  }
0x1a5: {  	v15 =	vmul.f32 v15, v14;
	_ =	sdelay $0x1  }
0x1a6: {  	v15 =	vsub.f32 $1.500000000e+00, v15;
	_ =	sdelay $0x1  }
0x1a7: {  	v14 =	vmul.f32 v15, v14;
	_ =	sdelay $0x1  }
0x1a8: {  	v15 =	vmul.f32 v14, v13;
	_ =	sdelay $0x1  }
0x1a9: {  	v15 =	vmul.f32 v15, v14;
	_ =	sdelay $0x1  }
0x1aa: {  	v15 =	vsub.f32 $1.500000000e+00, v15;
	_ =	sdelay $0x1  }
0x1ab: {  	v14 =	vmul.f32 v15, v14;
	_ =	sdelay $0x1  }
0x1ac: {  	v13 =	vmul.f32 v14, v13;
	_ =	sdelay $0x1  }
0x1ad: {  	v13 =	vmul.f32 v13, v14;
	_ =	sdelay $0x1  }
0x1ae: {  	v13 =	vsub.f32 $1.500000000e+00, v13  }
0x1af: {  	s1 =	sshll.u32 s5, $0xD  }
0x1b0: {  	s1 =	ssub.s32 $0x0, s1;
	v13 =	vmul.f32 v13, v14;
	v14 =	vbroadcast v12, $0x0  }
0x1b1: {  	s2 =	simm.s32 $0x11D80;
	s1 =	sshra.s32 s1, $0x2  }
0x1b2: {  	s4 =	smov.u32 s5;
	s6 =	sadd.s32 $0x11600, s1;
	s1 =	simm.s32 $0x14800;
	v12 =	vbroadcast v12, $0x8;
	v13 =	vmul.f32 v13, v14  }
.LBB2_10:
0x1b3: {  	v14 =	vld [tilespmem:s2+$0x0];
	_ =	sdelay $0x4  }
0x1b4: {  	v14 =	vsub.f32 v14, v11;
	_ =	sdelay $0x1  }
0x1b5: {  	v14 =	vmul.f32 v14, v13;
	_ =	sdelay $0x1  }
0x1b6: {  	v14 =	vadd.f32 v14, v12;
	_ =	sdelay $0x1  }
0x1b7: {  	v15 =	vbroadcast v14, $0x0;
	_ =	sdelay $0x1  }
0x1b8: {  	[tilespmem:s6+$0x0] =	vst v15  }
0x1b9: {  	[tilespmem:s6+$0x10] =	vst v15  }
0x1ba: {  	[tilespmem:s6+$0x20] =	vst v15  }
0x1bb: {  	[tilespmem:s6+$0x30] =	vst v15  }
0x1bc: {  	[tilespmem:s6+$0x40] =	vst v15  }
0x1bd: {  	[tilespmem:s6+$0x50] =	vst v15  }
0x1be: {  	v16 =	vbroadcast v14, $0x1;
	[tilespmem:s6+$0x60] =	vst v15  }
0x1bf: {  	[tilespmem:s6+$0x70] =	vst v15  }
0x1c0: {  	[tilespmem:s6+$0x80] =	vst v16  }
0x1c1: {  	[tilespmem:s6+$0x90] =	vst v16  }
0x1c2: {  	[tilespmem:s6+$0xA0] =	vst v16  }
0x1c3: {  	[tilespmem:s6+$0xB0] =	vst v16  }
0x1c4: {  	[tilespmem:s6+$0xC0] =	vst v16  }
0x1c5: {  	[tilespmem:s6+$0xD0] =	vst v16  }
0x1c6: {  	v58 =	vbroadcast v14, $0x3;
	[tilespmem:s6+$0xE0] =	vst v16  }
0x1c7: {  	[tilespmem:s6+$0xF0] =	vst v16  }
0x1c8: {  	[tilespmem:s6+$0x180] =	vst v58  }
0x1c9: {  	[tilespmem:s6+$0x190] =	vst v58  }
0x1ca: {  	[tilespmem:s6+$0x1A0] =	vst v58  }
0x1cb: {  	[tilespmem:s6+$0x1B0] =	vst v58  }
0x1cc: {  	[tilespmem:s6+$0x1C0] =	vst v58  }
0x1cd: {  	[tilespmem:s6+$0x1D0] =	vst v58  }
0x1ce: {  	v59 =	vbroadcast v14, $0x5;
	[tilespmem:s6+$0x1E0] =	vst v58  }
0x1cf: {  	[tilespmem:s6+$0x1F0] =	vst v58  }
0x1d0: {  	[tilespmem:s6+$0x280] =	vst v59  }
0x1d1: {  	[tilespmem:s6+$0x290] =	vst v59  }
0x1d2: {  	[tilespmem:s6+$0x2A0] =	vst v59  }
0x1d3: {  	[tilespmem:s6+$0x2B0] =	vst v59  }
0x1d4: {  	[tilespmem:s6+$0x2C0] =	vst v59  }
0x1d5: {  	[tilespmem:s6+$0x2D0] =	vst v59  }
0x1d6: {  	v60 =	vbroadcast v14, $0x7;
	[tilespmem:s6+$0x2E0] =	vst v59  }
0x1d7: {  	[tilespmem:s6+$0x2F0] =	vst v59  }
0x1d8: {  	[tilespmem:s6+$0x380] =	vst v60  }
0x1d9: {  	[tilespmem:s6+$0x390] =	vst v60  }
0x1da: {  	[tilespmem:s6+$0x3A0] =	vst v60  }
0x1db: {  	[tilespmem:s6+$0x3B0] =	vst v60  }
0x1dc: {  	[tilespmem:s6+$0x3C0] =	vst v60  }
0x1dd: {  	[tilespmem:s6+$0x3D0] =	vst v60  }
0x1de: {  	v61 =	vbroadcast v14, $0x9;
	[tilespmem:s6+$0x3E0] =	vst v60  }
0x1df: {  	[tilespmem:s6+$0x3F0] =	vst v60  }
0x1e0: {  	[tilespmem:s6+$0x480] =	vst v61  }
0x1e1: {  	[tilespmem:s6+$0x490] =	vst v61  }
0x1e2: {  	[tilespmem:s6+$0x4A0] =	vst v61  }
0x1e3: {  	[tilespmem:s6+$0x4B0] =	vst v61  }
0x1e4: {  	[tilespmem:s6+$0x4C0] =	vst v61  }
0x1e5: {  	[tilespmem:s6+$0x4D0] =	vst v61  }
0x1e6: {  	v62 =	vbroadcast v14, $0xB;
	[tilespmem:s6+$0x4E0] =	vst v61  }
0x1e7: {  	[tilespmem:s6+$0x4F0] =	vst v61  }
0x1e8: {  	[tilespmem:s6+$0x580] =	vst v62  }
0x1e9: {  	[tilespmem:s6+$0x590] =	vst v62  }
0x1ea: {  	[tilespmem:s6+$0x5A0] =	vst v62  }
0x1eb: {  	[tilespmem:s6+$0x5B0] =	vst v62  }
0x1ec: {  	[tilespmem:s6+$0x5C0] =	vst v62  }
0x1ed: {  	[tilespmem:s6+$0x5D0] =	vst v62  }
0x1ee: {  	v63 =	vbroadcast v14, $0xD;
	[tilespmem:s6+$0x5E0] =	vst v62  }
0x1ef: {  	[tilespmem:s6+$0x5F0] =	vst v62  }
0x1f0: {  	v15 =	vbroadcast v14, $0x2;
	[tilespmem:s6+$0x680] =	vst v63  }
0x1f1: {  	[tilespmem:s6+$0x690] =	vst v63  }
0x1f2: {  	[tilespmem:s6+$0x100] =	vst v15  }
0x1f3: {  	[tilespmem:s6+$0x110] =	vst v15  }
0x1f4: {  	[tilespmem:s6+$0x120] =	vst v15  }
0x1f5: {  	[tilespmem:s6+$0x130] =	vst v15  }
0x1f6: {  	[tilespmem:s6+$0x140] =	vst v15  }
0x1f7: {  	[tilespmem:s6+$0x150] =	vst v15  }
0x1f8: {  	[tilespmem:s6+$0x160] =	vst v15  }
0x1f9: {  	[tilespmem:s6+$0x170] =	vst v15;
	v15 =	vbroadcast v14, $0x4  }
0x1fa: {  	[tilespmem:s6+$0x6A0] =	vst v63  }
0x1fb: {  	[tilespmem:s6+$0x200] =	vst v15  }
0x1fc: {  	[tilespmem:s6+$0x210] =	vst v15  }
0x1fd: {  	[tilespmem:s6+$0x220] =	vst v15  }
0x1fe: {  	[tilespmem:s6+$0x230] =	vst v15  }
0x1ff: {  	[tilespmem:s6+$0x240] =	vst v15  }
0x200: {  	[tilespmem:s6+$0x250] =	vst v15  }
0x201: {  	[tilespmem:s6+$0x260] =	vst v15  }
0x202: {  	[tilespmem:s6+$0x270] =	vst v15;
	v15 =	vbroadcast v14, $0x6  }
0x203: {  	[tilespmem:s6+$0x6B0] =	vst v63  }
0x204: {  	[tilespmem:s6+$0x300] =	vst v15  }
0x205: {  	[tilespmem:s6+$0x310] =	vst v15  }
0x206: {  	[tilespmem:s6+$0x320] =	vst v15  }
0x207: {  	[tilespmem:s6+$0x330] =	vst v15  }
0x208: {  	[tilespmem:s6+$0x340] =	vst v15  }
0x209: {  	[tilespmem:s6+$0x350] =	vst v15  }
0x20a: {  	[tilespmem:s6+$0x360] =	vst v15  }
0x20b: {  	[tilespmem:s6+$0x370] =	vst v15;
	v15 =	vbroadcast v14, $0x8  }
0x20c: {  	[tilespmem:s6+$0x6C0] =	vst v63  }
0x20d: {  	[tilespmem:s6+$0x400] =	vst v15  }
0x20e: {  	[tilespmem:s6+$0x410] =	vst v15  }
0x20f: {  	[tilespmem:s6+$0x420] =	vst v15  }
0x210: {  	[tilespmem:s6+$0x430] =	vst v15  }
0x211: {  	[tilespmem:s6+$0x440] =	vst v15  }
0x212: {  	[tilespmem:s6+$0x450] =	vst v15  }
0x213: {  	[tilespmem:s6+$0x460] =	vst v15  }
0x214: {  	[tilespmem:s6+$0x470] =	vst v15;
	v15 =	vbroadcast v14, $0xA  }
0x215: {  	[tilespmem:s6+$0x6D0] =	vst v63  }
0x216: {  	[tilespmem:s6+$0x500] =	vst v15  }
0x217: {  	[tilespmem:s6+$0x510] =	vst v15  }
0x218: {  	[tilespmem:s6+$0x520] =	vst v15  }
0x219: {  	[tilespmem:s6+$0x530] =	vst v15  }
0x21a: {  	[tilespmem:s6+$0x540] =	vst v15  }
0x21b: {  	[tilespmem:s6+$0x550] =	vst v15  }
0x21c: {  	[tilespmem:s6+$0x560] =	vst v15  }
0x21d: {  	[tilespmem:s6+$0x570] =	vst v15;
	v15 =	vbroadcast v14, $0xC  }
0x21e: {  	[tilespmem:s6+$0x6E0] =	vst v63  }
0x21f: {  	[tilespmem:s6+$0x600] =	vst v15  }
0x220: {  	[tilespmem:s6+$0x610] =	vst v15  }
0x221: {  	[tilespmem:s6+$0x620] =	vst v15  }
0x222: {  	[tilespmem:s6+$0x630] =	vst v15  }
0x223: {  	[tilespmem:s6+$0x640] =	vst v15  }
0x224: {  	[tilespmem:s6+$0x650] =	vst v15  }
0x225: {  	[tilespmem:s6+$0x660] =	vst v15  }
0x226: {  	[tilespmem:s6+$0x670] =	vst v15;
	v15 =	vbroadcast v14, $0xE  }
0x227: {  	[tilespmem:s6+$0x6F0] =	vst v63  }
0x228: {  	[tilespmem:s6+$0x700] =	vst v15  }
0x229: {  	[tilespmem:s6+$0x710] =	vst v15  }
0x22a: {  	[tilespmem:s6+$0x720] =	vst v15  }
0x22b: {  	[tilespmem:s6+$0x730] =	vst v15  }
0x22c: {  	[tilespmem:s6+$0x740] =	vst v15  }
0x22d: {  	[tilespmem:s6+$0x750] =	vst v15  }
0x22e: {  	v14 =	vbroadcast v14, $0xF;
	[tilespmem:s6+$0x760] =	vst v15  }
0x22f: {  	[tilespmem:s6+$0x770] =	vst v15  }
0x230: {  	[tilespmem:s6+$0x780] =	vst v14  }
0x231: {  	[tilespmem:s6+$0x790] =	vst v14  }
0x232: {  	[tilespmem:s6+$0x7A0] =	vst v14  }
0x233: {  	[tilespmem:s6+$0x7B0] =	vst v14  }
0x234: {  	p1 =	sne.s32 s4, $0x1;
	[tilespmem:s6+$0x7C0] =	vst v14  }
.Ltmp8:
0x235: {  	[tilespmem:s6+$0x7D0] =	vst v14;
	(pc) =	sbr.rel @p1 .LBB2_10-.Ltmp8, $4  }
0x236: {  	[tilespmem:s6+$0x7E0] =	vst v14  }
0x237: {  	s2 =	sadd.s32 $0x10, s2;
	[tilespmem:s6+$0x7F0] =	vst v14  }
0x238: {  	[hbm4b:s3+s24] =	stream.indirect.scatter [tilespmem:s6], [sflag:$0x2], $0x80, s1, s24, $0x2000b8;
	[tilespmem:$0x15E10] =	vst v63  }
0x239: {  	s4 =	sadd.s32 $0xFFFFFFFF, s4;
	s1 =	sadd.s32 $0x80, s1;
	s6 =	sadd.s32 $0x800, s6  }
.LBB2_11:
.Ltmp9:
0x23a: {  	(pc) =	sbr.rel @p0 .LBB2_15-.Ltmp9, $3  }
0x23b: {  	_ =	sdelay $0x1  }
0x23c: {  	_ =	strace $0x9000004E  }
0x23d: {  	s1 =	smov.u32 s31;
	_ =	strace $0x8000004F  }
.LBB2_12:
0x23e: {  	p0 =	sne.s32 s1, $0x1  }
.Ltmp10:
0x23f: {  	_ = 	snop;
	(pc) =	sbr.rel @p0 .LBB2_12-.Ltmp10, $4  }
0x240: {  	_ = 	snop  }
0x241: {  	_ =	swait.ge [sflag:s23], $0x800  }
0x242: {  	[sflag:s23] =	ssyncset.done $0x0  }
0x243: {  	s1 =	sadd.s32 $0xFFFFFFFF, s1;
	[sflag:s23] =	ssyncadd.s32 $0xFFFFF800  }
0x244: {  	p0 =	sne.s32 s31, $0x1  }
.Ltmp11:
0x245: {  	_ = 	snop;
	(pc) =	sbr.rel @!p0 .LBB2_15-.Ltmp11, $3  }
0x246: {  	_ =	sdelay $0x1  }
0x247: {  	s1 =	simm.s32 $0x13400;
	s2 =	simm.s32 $0x600;
	s4 =	sadd.s32 $0xFFFFFFFF, s31  }
0x248: {  	[hbm4b:s3+s24] =	stream.indirect.scatter [tilespmem:s2], [sflag:$0x2], $0x80, s1, s24, $0x2000b8;
	[tilespmem:$0x15E10] =	vst v63  }
.LBB2_14:
0x249: {  	p0 =	sne.s32 s4, $0x1  }
.Ltmp12:
0x24a: {  	_ = 	snop;
	(pc) =	sbr.rel @p0 .LBB2_14-.Ltmp12, $4  }
0x24b: {  	_ = 	snop  }
0x24c: {  	s1 =	sadd.s32 $0x80, s1;
	s2 =	sadd.s32 $0x800, s2  }
0x24d: {  	s4 =	sadd.s32 $0xFFFFFFFF, s4  }
0x24e: {  	[hbm4b:s3+s24] =	stream.indirect.scatter [tilespmem:s2], [sflag:$0x2], $0x80, s1, s24, $0x2000b8;
	[tilespmem:$0x15E10] =	vst v63  }
.LBB2_15:
0x24f: {  	s1 =	sadd.s32 s31, s5  }
0x250: {  	p0 =	slt.s32 s1, $0x1  }
.Ltmp13:
0x251: {  	_ = 	snop;
	(pc) =	sbr.rel @p0 .LBB2_19-.Ltmp13, $3  }
0x252: {  	_ =	sdelay $0x1  }
0x253: {  	_ =	strace $0x9000004F  }
0x254: {  	_ =	strace $0x80000050  }
0x255: {  	p0 =	sne.s32 s1, $0x1  }
.Ltmp14:
0x256: {  	_ = 	snop;
	(pc) =	sbr.rel @!p0 .LBB2_18-.Ltmp14, $3  }
0x257: {  	_ =	sdelay $0x1  }
0x258: {  	_ =	swait.ge [sflag:s29], $0x800  }
0x259: {  	s1 =	sadd.s32 $0xFFFFFFFF, s1;
	[sflag:s29] =	ssyncset.done $0x0  }
.LBB2_17:
0x25a: {  	p0 =	sne.s32 s1, $0x1;
	s1 =	sadd.s32 $0xFFFFFFFF, s1;
	[sflag:s29] =	ssyncadd.s32 $0xFFFFF800  }
.Ltmp15:
0x25b: {  	(pc) =	sbr.rel @p0 .LBB2_17-.Ltmp15, $3  }
0x25c: {  	_ =	sdelay $0x1  }
0x25d: {  	_ =	swait.ge [sflag:s29], $0x800  }
0x25e: {  	[sflag:s29] =	ssyncset.done $0x0  }
.Ltmp16:
0x25f: {  	_ = 	snop;
	(pc) =	sbr.rel .LBB2_18-.Ltmp16, $1  }
0x260: {  	_ =	sdelay $0x3  }
.LBB2_20:
0x261: {  	_ =	sfence.sel $0x180000  }
0x262: {  	[bflag:$0x0] =	sbarrier.arrive $0xFFFF  }
0x263: {  	_ =	strace $0x90000047  }
0x264: {  	s0 =	stileid.u32;
	[bflag:$0x2] =	sbarrier.arrive $0xFFFF  }
0x265: {  	p0 =	sne.s32 s0, $0x0;
	s0 =	rddreg [dreg:$0x7]  }
0x266: {  	s0 =	sadd.s32 @!p0 $0x100000, s0  }
0x267: {  	[sflag:s0] =	ssyncadd.tile.s32 @!p0 $0x1;
	_ =	shalt  }
.Lfunc_end2:
_tile_overlayer_lowered:
.L_overlay_start_2:
0x268: {  	(tag) =	ssettag $0x2  }
0x269: {  	s0 =	rddreg [dreg:$0x0];
	s2 =	stileid.u32  }
0x26a: {  	s1 =	rddreg [dreg:$0x1];
	p0 =	sne.s32 s2, $0x0  }
0x26b: {  	s3 =	rddreg [dreg:$0x2];
	[bflag:$0x3] =	sbarrier.arrive $0xFFFF;
	s2 =	simm.s32 @!p0 $0x1C05  }
0x26c: {  	[timem:s3], [sflag:s2] =	dma.local @!p0 [hbm:s0], s1  }
0x26d: {  	s0 =	simm.s32 @!p0 $0x5  }
0x26e: {  	_ =	swait.ge @!p0 [sflag:s0], s1  }
0x26f: {  	s1 =	ssub.s32 @!p0 $0x0, s1;
	[sflag:s0] =	ssyncset.done @!p0 $0x0  }
0x270: {  	[sflag:s0] =	ssyncadd.s32 @!p0 s1  }
0x271: {  	[bflag:$0x3] =	sbarrier.arrive $0xFFFF  }
0x272: {  	_ =	shalt  }

</sc_bundles>
